<compile_context>
chip_gen: v7x
topology: tpu7x:2x2x1
jax: 0.10.2.dev20260603
libtpu: 0.0.44.dev20260713+nightly
codegen_flags: <defaults>
</compile_context>

<pallas_src>
import functools

import jax
import jax.numpy as jnp
from jax import lax
from jax.experimental import pallas as pl
from jax.experimental.pallas import tpu as pltpu
from jax.experimental.pallas import tpu_sc as plsc

N = 10000
E = 320000
D = 128
NP = 10240
NC = 2
NS = 16
NW = NC * NS
KE = 128
CE = 80
EP = NW * CE * KE
WC = 16
TPT = NP // NS
RB = 1024
GRID = NP // RB

_mesh = plsc.VectorSubcoreMesh(core_axis_name="c", subcore_axis_name="s")


@functools.partial(
    pl.kernel,
    out_type=jax.ShapeDtypeStruct((NC, NP), jnp.float32),
    mesh=_mesh,
    scratch_types=[
        pltpu.VMEM((CE, KE), jnp.int32),
        pltpu.VMEM((KE,), jnp.float32),
        pltpu.VMEM_SHARED((NP,), jnp.float32),
    ],
)
def _sc_degree(dst_hbm, ones_hbm, z1_hbm, deg_hbm, dstv, onesv, acc):
    cid = lax.axis_index("c")
    sid = lax.axis_index("s")
    wid = cid * NS + sid
    pltpu.sync_copy(dst_hbm.at[wid], dstv)
    pltpu.sync_copy(ones_hbm, onesv)
    pltpu.sync_copy(z1_hbm, acc.at[pl.ds(sid * TPT, TPT)])
    plsc.subcore_barrier()

    @pl.loop(0, CE)
    def _(c):
        pltpu.sync_copy(onesv, acc.at[dstv.at[c]], add=True)

    plsc.subcore_barrier()
    pltpu.sync_copy(acc.at[pl.ds(sid * TPT, TPT)],
                    deg_hbm.at[cid, pl.ds(sid * TPT, TPT)])


DH = D // NC


@functools.partial(
    pl.kernel,
    out_type=jax.ShapeDtypeStruct((NC, NP, DH), jnp.float32),
    mesh=_mesh,
    scratch_types=[
        pltpu.VMEM((WC, KE), jnp.int32),
        pltpu.VMEM((WC, KE), jnp.int32),
        pltpu.VMEM((KE, DH), jnp.float32),
        pltpu.VMEM((KE, DH), jnp.float32),
        pltpu.VMEM_SHARED((NP, DH), jnp.float32),
        pltpu.VMEM_SHARED((NP, DH), jnp.float32),
        pltpu.SemaphoreType.DMA,
        pltpu.SemaphoreType.DMA,
    ],
    compiler_params=pltpu.CompilerParams(use_tc_tiling_on_sc=False),
)
def _sc_agg_rows(g01_hbm, src_hbm, dst_hbm, z2_hbm, out_hbm,
                 srcw, dstw, b0, b1, gs, acc, s0, s1):
    cid = lax.axis_index("c")
    sid = lax.axis_index("s")
    RING = 2
    bufs = (b0, b1)
    sems = (s0, s1)
    pltpu.sync_copy(g01_hbm.at[cid, pl.ds(sid * TPT, TPT)],
                    gs.at[pl.ds(sid * TPT, TPT)])
    pltpu.sync_copy(z2_hbm, acc.at[pl.ds(sid * TPT, TPT)])
    plsc.subcore_barrier()

    def start(ci, slot):
        pltpu.async_copy(gs.at[srcw.at[ci]], bufs[slot], sems[slot])

    def finish(ci, slot):
        pltpu.make_async_copy(gs.at[srcw.at[0]], bufs[slot], sems[slot]).wait()
        pltpu.sync_copy(bufs[slot], acc.at[dstw.at[ci]], add=True)

    for si in (sid, NS + sid):
        for w in range(CE // WC):
            pltpu.sync_copy(src_hbm.at[si, pl.ds(w * WC, WC)], srcw)
            pltpu.sync_copy(dst_hbm.at[si, pl.ds(w * WC, WC)], dstw)
            for j in range(RING - 1):
                start(j, j)

            @pl.loop(0, WC - RING, step=RING)
            def _(c):
                for j in range(RING):
                    start(c + j + RING - 1, (j + RING - 1) % RING)
                    finish(c + j, j)

            start(WC - 1, (WC - 1) % RING)
            for j in range(RING):
                finish(WC - RING + j, j)

    plsc.subcore_barrier()
    pltpu.sync_copy(acc.at[pl.ds(sid * TPT, TPT)],
                    out_hbm.at[cid, pl.ds(sid * TPT, TPT)])


@functools.partial(
    pl.kernel,
    out_type=jax.ShapeDtypeStruct((NP,), jnp.float32),
    mesh=_mesh,
    scratch_types=[
        pltpu.VMEM((CE, KE), jnp.int32),
        pltpu.VMEM((CE, KE), jnp.int32),
        pltpu.VMEM((KE,), jnp.float32),
        pltpu.VMEM((KE,), jnp.float32),
        pltpu.VMEM((TPT,), jnp.float32),
        pltpu.VMEM((TPT,), jnp.float32),
        pltpu.VMEM((TPT,), jnp.float32),
        pltpu.VMEM((TPT,), jnp.float32),
        pltpu.VMEM((16,), jnp.float32),
        pltpu.VMEM_SHARED((NP,), jnp.float32),
        pltpu.VMEM_SHARED((NP,), jnp.float32),
        pltpu.SemaphoreType.DMA,
        pltpu.SemaphoreType.DMA,
    ],
)
def _sc_agg_scalar(u_hbm, dis_hbm, src_hbm, dst_hbm, z1_hbm, b2_hbm, out_hbm,
                   srcv, dstv, vals_a, vals_b, accv, disv, uv, outv, b2v,
                   acc, u_s, sem_a, sem_b):
    cid = lax.axis_index("c")
    sid = lax.axis_index("s")
    base = sid * TPT
    pltpu.sync_copy(b2_hbm, b2v)
    pltpu.sync_copy(z1_hbm, acc.at[pl.ds(base, TPT)])
    pltpu.sync_copy(u_hbm.at[pl.ds(base, TPT)], uv)
    pltpu.sync_copy(uv, u_s.at[pl.ds(base, TPT)])
    plsc.subcore_barrier()

    for si in (sid, NS + sid):
        pltpu.sync_copy(src_hbm.at[si], srcv)
        pltpu.sync_copy(dst_hbm.at[si], dstv)
        pltpu.async_copy(u_s.at[srcv.at[0]], vals_a, sem_a)

        @pl.loop(0, CE - 2, step=2)
        def _(c):
            pltpu.async_copy(u_s.at[srcv.at[c + 1]], vals_b, sem_b)
            pltpu.make_async_copy(u_s.at[srcv.at[0]], vals_a, sem_a).wait()
            pltpu.sync_copy(vals_a, acc.at[dstv.at[c]], add=True)
            pltpu.async_copy(u_s.at[srcv.at[c + 2]], vals_a, sem_a)
            pltpu.make_async_copy(u_s.at[srcv.at[0]], vals_b, sem_b).wait()
            pltpu.sync_copy(vals_b, acc.at[dstv.at[c + 1]], add=True)

        pltpu.async_copy(u_s.at[srcv.at[CE - 1]], vals_b, sem_b)
        pltpu.make_async_copy(u_s.at[srcv.at[0]], vals_a, sem_a).wait()
        pltpu.sync_copy(vals_a, acc.at[dstv.at[CE - 2]], add=True)
        pltpu.make_async_copy(u_s.at[srcv.at[0]], vals_b, sem_b).wait()
        pltpu.sync_copy(vals_b, acc.at[dstv.at[CE - 1]], add=True)

    plsc.subcore_barrier()
    pltpu.sync_copy(acc.at[pl.ds(base, TPT)], accv)
    pltpu.sync_copy(dis_hbm.at[pl.ds(base, TPT)], disv)
    b2 = b2v[...]

    @pl.loop(0, TPT // 16)
    def _(i):
        a = accv[pl.ds(i * 16, 16)]
        uu = uv[pl.ds(i * 16, 16)]
        dd = disv[pl.ds(i * 16, 16)]
        outv[pl.ds(i * 16, 16)] = dd * (a + uu) + b2

    @pl.when(cid == 0)
    def _():
        pltpu.sync_copy(outv, out_hbm.at[pl.ds(base, TPT)])


def _tc_mm1(x, w1, degp):
    def body(xr, wr, dr, gr, disr):
        h = jnp.dot(xr[...], wr[...], preferred_element_type=jnp.float32)
        dis = lax.rsqrt(dr[0] + dr[1] + 1.0)
        disr[...] = dis
        gr[0] = h[:, :DH] * dis
        gr[1] = h[:, DH:] * dis

    return pl.pallas_call(
        body,
        grid=(GRID,),
        in_specs=[
            pl.BlockSpec((RB, D), lambda i: (i, 0)),
            pl.BlockSpec((D, D), lambda i: (0, 0)),
            pl.BlockSpec((NC, RB, 1), lambda i: (0, i, 0)),
        ],
        out_specs=[
            pl.BlockSpec((NC, RB, DH), lambda i: (0, i, 0)),
            pl.BlockSpec((RB, 1), lambda i: (i, 0)),
        ],
        out_shape=[
            jax.ShapeDtypeStruct((NC, NP, DH), jnp.float32),
            jax.ShapeDtypeStruct((NP, 1), jnp.float32),
        ],
    )(x, w1, degp)


def _tc_mm2(p, g01, dis, b1, w2):
    def body(pr, gr, disr, br, wr, ur):
        t = jnp.zeros((RB, 1), jnp.float32)
        for c in range(NC):
            s = (pr[c] + gr[c]) * disr[...] + br[c]
            h1 = jnp.maximum(s, 0.0)
            t = t + jnp.dot(h1, wr[c], preferred_element_type=jnp.float32)
        ur[...] = t * disr[...]

    return pl.pallas_call(
        body,
        grid=(GRID,),
        in_specs=[
            pl.BlockSpec((NC, RB, DH), lambda i: (0, i, 0)),
            pl.BlockSpec((NC, RB, DH), lambda i: (0, i, 0)),
            pl.BlockSpec((RB, 1), lambda i: (i, 0)),
            pl.BlockSpec((NC, DH), lambda i: (0, 0)),
            pl.BlockSpec((NC, DH, 1), lambda i: (0, 0, 0)),
        ],
        out_specs=pl.BlockSpec((RB, 1), lambda i: (i, 0)),
        out_shape=jax.ShapeDtypeStruct((NP, 1), jnp.float32),
    )(p, g01, dis, b1, w2)


@jax.jit
def kernel(x, edge_index, W1, b1, W2, b2):
    pad = jnp.zeros((EP - E,), jnp.int32)
    src = jnp.concatenate([edge_index[0], pad]).reshape(NW, CE, KE)
    dst = jnp.concatenate([edge_index[1], pad + N]).reshape(NW, CE, KE)
    xp = jnp.pad(x, ((0, NP - N), (0, 0)))
    ones_k = jnp.ones((KE,), jnp.float32)
    z1 = jnp.zeros((TPT,), jnp.float32)
    z2 = jnp.zeros((TPT, DH), jnp.float32)

    degp = _sc_degree(dst, ones_k, z1)
    g01, dis = _tc_mm1(xp, W1, degp.reshape(NC, NP, 1))
    p = _sc_agg_rows(g01, src, dst, z2)
    u = _tc_mm2(p, g01, dis, b1.reshape(NC, DH), W2.reshape(NC, DH, 1))
    b2v = jnp.broadcast_to(b2, (16,))
    out = _sc_agg_scalar(u.reshape(NP), dis.reshape(NP), src, dst, z1, b2v)
    return out[:N]

# --- scband reference (transcript-rebuilt; emitter-appended) ---
"""Pipeline reference for scband-gnnmodel-44324062494874 (READ-ONLY COPY).

The authoritative reference and input builder live on the scoring server;
editing this copy changes nothing except your own understanding.
"""

import jax, jax.numpy as jnp
import numpy as np

N = 10000
E = 320000
D = 128
H = 128


def setup_inputs(seed: int = 0) -> dict:
    key = jax.random.key(seed)
    k1, k2, k3, k4 = jax.random.split(key, 4)
    x = jax.random.normal(k1, (N, D), dtype=jnp.float32)
    edge_index = jax.random.randint(k2, (2, E), 0, N, dtype=jnp.int32)
    # GCNConv learned parameters (glorot-style init, zero bias like PyG defaults)
    W1 = jax.random.normal(k3, (D, H), dtype=jnp.float32) * (1.0 / np.sqrt(D))
    b1 = jnp.zeros((H,), dtype=jnp.float32)
    W2 = jax.random.normal(k4, (H, 1), dtype=jnp.float32) * (1.0 / np.sqrt(H))
    b2 = jnp.zeros((1,), dtype=jnp.float32)
    return {"x": x, "edge_index": edge_index, "W1": W1, "b1": b1, "W2": W2, "b2": b2}


def _gcn_conv(x, W, b, src, dst, n):
    # PyG GCNConv: x' = D^{-1/2} (A + I) D^{-1/2} X W + b
    h = x @ W
    deg = jnp.zeros((n,), dtype=h.dtype).at[dst].add(1.0)
    deg_inv_sqrt = jnp.where(deg > 0, jax.lax.rsqrt(jnp.maximum(deg, 1e-12)), 0.0)
    norm = deg_inv_sqrt[src] * deg_inv_sqrt[dst]
    msgs = h[src] * norm[:, None]
    out = jnp.zeros((n, h.shape[1]), dtype=h.dtype).at[dst].add(msgs)
    return out + b


def reference(x, edge_index, W1, b1, W2, b2):
    n = x.shape[0]
    loops = jnp.arange(n, dtype=edge_index.dtype)
    src = jnp.concatenate([edge_index[0], loops])
    dst = jnp.concatenate([edge_index[1], loops])
    h = _gcn_conv(x, W1, b1, src, dst, n)
    h = jax.nn.relu(h)
    out = _gcn_conv(h, W2, b2, src, dst, n)
    return out.squeeze()

if __name__ == "__main__":
    import jax
    _d = setup_inputs()
    print(jax.jit(kernel)(*tuple(_d.values())))

</pallas_src>

<mosaic_0001>
#map = affine_map<(d0, d1) -> (0, 0, 0)>
#map1 = affine_map<(d0, d1) -> (0, 0)>
module attributes {stable_mosaic.version = 14 : i64} {
  func.func @_sc_agg_rows(%arg0: i32, %arg1: i32, %arg2: memref<2x10240x64xf32, #tpu.memory_space<hbm>>, %arg3: memref<32x80x128xi32, #tpu.memory_space<hbm>>, %arg4: memref<32x80x128xi32, #tpu.memory_space<hbm>>, %arg5: memref<640x64xf32, #tpu.memory_space<hbm>>, %arg6: memref<2x10240x64xf32, #tpu.memory_space<hbm>>, %arg7: memref<16x128xi32, #tpu.memory_space<vmem>>, %arg8: memref<16x128xi32, #tpu.memory_space<vmem>>, %arg9: memref<128x64xf32, #tpu.memory_space<vmem>>, %arg10: memref<128x64xf32, #tpu.memory_space<vmem>>, %arg11: memref<10240x64xf32, #tpu.memory_space<vmem_shared>>, %arg12: memref<10240x64xf32, #tpu.memory_space<vmem_shared>>, %arg13: memref<!tpu.dma_semaphore, #tpu.memory_space<semaphore_mem>>, %arg14: memref<!tpu.dma_semaphore, #tpu.memory_space<semaphore_mem>>) attributes {dimension_semantics = [#tpu.dimension_semantics<core_parallel>, #tpu.dimension_semantics<subcore_parallel>], iteration_bounds = array<i64: 2, 16>, scalar_prefetch = 0 : i64, scratch_operands = 8 : i64, tpu.core_type = #tpu.core_type<sc_vector_subcore>, window_params = [{transform_indices = #map}, {transform_indices = #map}, {transform_indices = #map}, {transform_indices = #map1}, {transform_indices = #map}]} {
    %mul3A = arith.constant 640 : i32
    %mul3A_0 = arith.muli %arg1, %mul3A : i32
    %mul3A_1 = arith.constant 640 : i32
    %mul3A_2 = arith.muli %arg1, %mul3A_1 : i32
    "tpu.region"() ({
      %run_scoped3A_357 = tpu.sem_alloc : memref<!tpu.dma_semaphore, #tpu.memory_space<semaphore_mem>>
      %dma_start3A_358 = arith.constant 0 : i32
      %dma_start3A_359 = tpu.memref_slice %arg11[%mul3A_2, %dma_start3A_358] : memref<10240x64xf32, #tpu.memory_space<vmem_shared>> -> memref<640x64xf32, #tpu.memory_space<vmem_shared>>
      %dma_start3A_360 = arith.constant 0 : i32
      %dma_start3A_361 = tpu.memref_slice %arg2[%arg0, %mul3A_0, %dma_start3A_360] : memref<2x10240x64xf32, #tpu.memory_space<hbm>> -> memref<1x640x64xf32, #tpu.memory_space<hbm>>
      %dma_start3A_362 = tpu.memref_squeeze %dma_start3A_361 : memref<1x640x64xf32, #tpu.memory_space<hbm>> -> memref<640x64xf32, #tpu.memory_space<hbm>>
      tpu.enqueue_dma source(%dma_start3A_362 : memref<640x64xf32, #tpu.memory_space<hbm>>) target(%dma_start3A_359 : memref<640x64xf32, #tpu.memory_space<vmem_shared>>) target_semaphore(%run_scoped3A_357 : memref<!tpu.dma_semaphore, #tpu.memory_space<semaphore_mem>>)
      %dma_wait3A_363 = arith.constant 0 : i32
      %dma_wait3A_364 = tpu.memref_slice %arg11[%mul3A_2, %dma_wait3A_363] : memref<10240x64xf32, #tpu.memory_space<vmem_shared>> -> memref<640x64xf32, #tpu.memory_space<vmem_shared>>
      %dma_wait3A_365 = arith.constant 0 : i32
      %dma_wait3A_366 = tpu.memref_slice %arg2[%arg0, %mul3A_0, %dma_wait3A_365] : memref<2x10240x64xf32, #tpu.memory_space<hbm>> -> memref<1x640x64xf32, #tpu.memory_space<hbm>>
      %dma_wait3A_367 = tpu.memref_squeeze %dma_wait3A_366 : memref<1x640x64xf32, #tpu.memory_space<hbm>> -> memref<640x64xf32, #tpu.memory_space<hbm>>
      tpu.wait_dma2 semaphore(%run_scoped3A_357 : memref<!tpu.dma_semaphore, #tpu.memory_space<semaphore_mem>>) src(%dma_wait3A_367 : memref<640x64xf32, #tpu.memory_space<hbm>>) dst(%dma_wait3A_364 : memref<640x64xf32, #tpu.memory_space<vmem_shared>>)
      tpu.yield
    }) : () -> ()
    %mul3A_3 = arith.constant 640 : i32
    %mul3A_4 = arith.muli %arg1, %mul3A_3 : i32
    "tpu.region"() ({
      %run_scoped3A_357 = tpu.sem_alloc : memref<!tpu.dma_semaphore, #tpu.memory_space<semaphore_mem>>
      %dma_start3A_358 = arith.constant 0 : i32
      %dma_start3A_359 = tpu.memref_slice %arg12[%mul3A_4, %dma_start3A_358] : memref<10240x64xf32, #tpu.memory_space<vmem_shared>> -> memref<640x64xf32, #tpu.memory_space<vmem_shared>>
      tpu.enqueue_dma source(%arg5 : memref<640x64xf32, #tpu.memory_space<hbm>>) target(%dma_start3A_359 : memref<640x64xf32, #tpu.memory_space<vmem_shared>>) target_semaphore(%run_scoped3A_357 : memref<!tpu.dma_semaphore, #tpu.memory_space<semaphore_mem>>)
      %dma_wait3A_360 = arith.constant 0 : i32
      %dma_wait3A_361 = tpu.memref_slice %arg12[%mul3A_4, %dma_wait3A_360] : memref<10240x64xf32, #tpu.memory_space<vmem_shared>> -> memref<640x64xf32, #tpu.memory_space<vmem_shared>>
      tpu.wait_dma2 semaphore(%run_scoped3A_357 : memref<!tpu.dma_semaphore, #tpu.memory_space<semaphore_mem>>) src(%arg5 : memref<640x64xf32, #tpu.memory_space<hbm>>) dst(%dma_wait3A_361 : memref<640x64xf32, #tpu.memory_space<vmem_shared>>)
      tpu.yield
    }) : () -> ()
    %barrier3A = arith.constant 0 : index
    tpu.barrier barrier_id(%barrier3A)
    %add3A = arith.constant 16 : i32
    %add3A_5 = arith.addi %add3A, %arg1 : i32
    "tpu.region"() ({
      %run_scoped3A_357 = tpu.sem_alloc : memref<!tpu.dma_semaphore, #tpu.memory_space<semaphore_mem>>
      %dma_start3A_358 = arith.constant 0 : i32
      %dma_start3A_359 = arith.constant 0 : i32
      %dma_start3A_360 = tpu.memref_slice %arg3[%arg1, %dma_start3A_358, %dma_start3A_359] : memref<32x80x128xi32, #tpu.memory_space<hbm>> -> memref<1x16x128xi32, #tpu.memory_space<hbm>>
      %dma_start3A_361 = tpu.memref_squeeze %dma_start3A_360 : memref<1x16x128xi32, #tpu.memory_space<hbm>> -> memref<16x128xi32, #tpu.memory_space<hbm>>
      %dma_start3A_362 = arith.constant 0 : i32
      %dma_start3A_363 = arith.constant 0 : i32
      %dma_start3A_364 = tpu.memref_slice %arg3[%arg1, %dma_start3A_362, %dma_start3A_363] : memref<32x80x128xi32, #tpu.memory_space<hbm>> -> memref<1x16x128xi32, #tpu.memory_space<hbm>>
      %dma_start3A_365 = tpu.memref_squeeze %dma_start3A_364 : memref<1x16x128xi32, #tpu.memory_space<hbm>> -> memref<16x128xi32, #tpu.memory_space<hbm>>
      tpu.enqueue_dma source(%dma_start3A_365 : memref<16x128xi32, #tpu.memory_space<hbm>>) target(%arg7 : memref<16x128xi32, #tpu.memory_space<vmem>>) target_semaphore(%run_scoped3A_357 : memref<!tpu.dma_semaphore, #tpu.memory_space<semaphore_mem>>)
      %dma_wait3A_366 = arith.constant 0 : i32
      %dma_wait3A_367 = arith.constant 0 : i32
      %dma_wait3A_368 = tpu.memref_slice %arg3[%arg1, %dma_wait3A_366, %dma_wait3A_367] : memref<32x80x128xi32, #tpu.memory_space<hbm>> -> memref<1x16x128xi32, #tpu.memory_space<hbm>>
      %dma_wait3A_369 = tpu.memref_squeeze %dma_wait3A_368 : memref<1x16x128xi32, #tpu.memory_space<hbm>> -> memref<16x128xi32, #tpu.memory_space<hbm>>
      %dma_wait3A_370 = arith.constant 0 : i32
      %dma_wait3A_371 = arith.constant 0 : i32
      %dma_wait3A_372 = tpu.memref_slice %arg3[%arg1, %dma_wait3A_370, %dma_wait3A_371] : memref<32x80x128xi32, #tpu.memory_space<hbm>> -> memref<1x16x128xi32, #tpu.memory_space<hbm>>
      %dma_wait3A_373 = tpu.memref_squeeze %dma_wait3A_372 : memref<1x16x128xi32, #tpu.memory_space<hbm>> -> memref<16x128xi32, #tpu.memory_space<hbm>>
      tpu.wait_dma2 semaphore(%run_scoped3A_357 : memref<!tpu.dma_semaphore, #tpu.memory_space<semaphore_mem>>) src(%dma_wait3A_373 : memref<16x128xi32, #tpu.memory_space<hbm>>) dst(%arg7 : memref<16x128xi32, #tpu.memory_space<vmem>>)
      tpu.yield
    }) : () -> ()
    "tpu.region"() ({
      %run_scoped3A_357 = tpu.sem_alloc : memref<!tpu.dma_semaphore, #tpu.memory_space<semaphore_mem>>
      %dma_start3A_358 = arith.constant 0 : i32
      %dma_start3A_359 = arith.constant 0 : i32
      %dma_start3A_360 = tpu.memref_slice %arg4[%arg1, %dma_start3A_358, %dma_start3A_359] : memref<32x80x128xi32, #tpu.memory_space<hbm>> -> memref<1x16x128xi32, #tpu.memory_space<hbm>>
      %dma_start3A_361 = tpu.memref_squeeze %dma_start3A_360 : memref<1x16x128xi32, #tpu.memory_space<hbm>> -> memref<16x128xi32, #tpu.memory_space<hbm>>
      %dma_start3A_362 = arith.constant 0 : i32
      %dma_start3A_363 = arith.constant 0 : i32
      %dma_start3A_364 = tpu.memref_slice %arg4[%arg1, %dma_start3A_362, %dma_start3A_363] : memref<32x80x128xi32, #tpu.memory_space<hbm>> -> memref<1x16x128xi32, #tpu.memory_space<hbm>>
      %dma_start3A_365 = tpu.memref_squeeze %dma_start3A_364 : memref<1x16x128xi32, #tpu.memory_space<hbm>> -> memref<16x128xi32, #tpu.memory_space<hbm>>
      tpu.enqueue_dma source(%dma_start3A_365 : memref<16x128xi32, #tpu.memory_space<hbm>>) target(%arg8 : memref<16x128xi32, #tpu.memory_space<vmem>>) target_semaphore(%run_scoped3A_357 : memref<!tpu.dma_semaphore, #tpu.memory_space<semaphore_mem>>)
      %dma_wait3A_366 = arith.constant 0 : i32
      %dma_wait3A_367 = arith.constant 0 : i32
      %dma_wait3A_368 = tpu.memref_slice %arg4[%arg1, %dma_wait3A_366, %dma_wait3A_367] : memref<32x80x128xi32, #tpu.memory_space<hbm>> -> memref<1x16x128xi32, #tpu.memory_space<hbm>>
      %dma_wait3A_369 = tpu.memref_squeeze %dma_wait3A_368 : memref<1x16x128xi32, #tpu.memory_space<hbm>> -> memref<16x128xi32, #tpu.memory_space<hbm>>
      %dma_wait3A_370 = arith.constant 0 : i32
      %dma_wait3A_371 = arith.constant 0 : i32
      %dma_wait3A_372 = tpu.memref_slice %arg4[%arg1, %dma_wait3A_370, %dma_wait3A_371] : memref<32x80x128xi32, #tpu.memory_space<hbm>> -> memref<1x16x128xi32, #tpu.memory_space<hbm>>
      %dma_wait3A_373 = tpu.memref_squeeze %dma_wait3A_372 : memref<1x16x128xi32, #tpu.memory_space<hbm>> -> memref<16x128xi32, #tpu.memory_space<hbm>>
      tpu.wait_dma2 semaphore(%run_scoped3A_357 : memref<!tpu.dma_semaphore, #tpu.memory_space<semaphore_mem>>) src(%dma_wait3A_373 : memref<16x128xi32, #tpu.memory_space<hbm>>) dst(%arg8 : memref<16x128xi32, #tpu.memory_space<vmem>>)
      tpu.yield
    }) : () -> ()
    %dma_start3A = arith.constant 0 : i32
    %dma_start3A_6 = arith.constant 0 : i32
    %dma_start3A_7 = tpu.memref_slice %arg7[%dma_start3A, %dma_start3A_6] : memref<16x128xi32, #tpu.memory_space<vmem>> -> memref<1x128xi32, #tpu.memory_space<vmem>>
    %dma_start3A_8 = tpu.memref_squeeze %dma_start3A_7 : memref<1x128xi32, #tpu.memory_space<vmem>> -> memref<128xi32, #tpu.memory_space<vmem>>
    %dma_start3A_9 = arith.constant 0 : i32
    %dma_start3A_10 = arith.constant 0 : i32
    %dma_start3A_11 = tpu.memref_slice %arg11[%dma_start3A_9, %dma_start3A_10] : memref<10240x64xf32, #tpu.memory_space<vmem_shared>> -> memref<10240x64xf32, #tpu.memory_space<vmem_shared>>
    tpu.enqueue_indirect_dma source(%dma_start3A_11 : memref<10240x64xf32, #tpu.memory_space<vmem_shared>>) target(%arg9 : memref<128x64xf32, #tpu.memory_space<vmem>>) offsets(%dma_start3A_8 : memref<128xi32, #tpu.memory_space<vmem>>) semaphore(%arg13 : memref<!tpu.dma_semaphore, #tpu.memory_space<semaphore_mem>>)
    %scan3A = arith.constant 0 : i32
    %scan3A_12 = arith.constant 7 : i32
    %scan3A_13 = arith.addi %scan3A, %scan3A_12 : i32
    %scan3A_14 = arith.constant 1 : i32
    scf.for %scan3A_357 = %scan3A to %scan3A_13 step %scan3A_14  : i32 {
      %mul3A_358 = arith.constant 2 : i32
      %mul3A_359 = arith.muli %scan3A_357, %mul3A_358 : i32
      %add3A_360 = arith.constant 0 : i32
      %add3A_361 = arith.addi %add3A_360, %mul3A_359 : i32
      %add3A_362 = arith.constant 0 : i32
      %add3A_363 = arith.addi %add3A_361, %add3A_362 : i32
      %add3A_364 = arith.constant 2 : i32
      %add3A_365 = arith.addi %add3A_363, %add3A_364 : i32
      %sub3A = arith.constant 1 : i32
      %sub3A_366 = arith.subi %add3A_365, %sub3A : i32
      %dma_start3A_367 = arith.constant 0 : i32
      %dma_start3A_368 = tpu.memref_slice %arg7[%sub3A_366, %dma_start3A_367] : memref<16x128xi32, #tpu.memory_space<vmem>> -> memref<1x128xi32, #tpu.memory_space<vmem>>
      %dma_start3A_369 = tpu.memref_squeeze %dma_start3A_368 : memref<1x128xi32, #tpu.memory_space<vmem>> -> memref<128xi32, #tpu.memory_space<vmem>>
      %dma_start3A_370 = arith.constant 0 : i32
      %dma_start3A_371 = arith.constant 0 : i32
      %dma_start3A_372 = tpu.memref_slice %arg11[%dma_start3A_370, %dma_start3A_371] : memref<10240x64xf32, #tpu.memory_space<vmem_shared>> -> memref<10240x64xf32, #tpu.memory_space<vmem_shared>>
      tpu.enqueue_indirect_dma source(%dma_start3A_372 : memref<10240x64xf32, #tpu.memory_space<vmem_shared>>) target(%arg10 : memref<128x64xf32, #tpu.memory_space<vmem>>) offsets(%dma_start3A_369 : memref<128xi32, #tpu.memory_space<vmem>>) semaphore(%arg14 : memref<!tpu.dma_semaphore, #tpu.memory_space<semaphore_mem>>)
      %add3A_373 = arith.constant 0 : i32
      %add3A_374 = arith.addi %add3A_361, %add3A_373 : i32
      %dma_wait3A_375 = arith.constant 0 : i32
      %dma_wait3A_376 = arith.constant 0 : i32
      %dma_wait3A_377 = tpu.memref_slice %arg7[%dma_wait3A_375, %dma_wait3A_376] : memref<16x128xi32, #tpu.memory_space<vmem>> -> memref<1x128xi32, #tpu.memory_space<vmem>>
      %dma_wait3A_378 = tpu.memref_squeeze %dma_wait3A_377 : memref<1x128xi32, #tpu.memory_space<vmem>> -> memref<128xi32, #tpu.memory_space<vmem>>
      %dma_wait3A_379 = arith.constant 0 : i32
      %dma_wait3A_380 = arith.constant 0 : i32
      %dma_wait3A_381 = tpu.memref_slice %arg11[%dma_wait3A_379, %dma_wait3A_380] : memref<10240x64xf32, #tpu.memory_space<vmem_shared>> -> memref<10240x64xf32, #tpu.memory_space<vmem_shared>>
      tpu.wait_indirect_dma semaphore(%arg13 : memref<!tpu.dma_semaphore, #tpu.memory_space<semaphore_mem>>) src(%dma_wait3A_381 : memref<10240x64xf32, #tpu.memory_space<vmem_shared>>) dst(%arg9 : memref<128x64xf32, #tpu.memory_space<vmem>>)
      "tpu.region"() ({
        %run_scoped3A_403 = tpu.sem_alloc : memref<!tpu.dma_semaphore, #tpu.memory_space<semaphore_mem>>
        %dma_start3A_404 = arith.constant 0 : i32
        %dma_start3A_405 = tpu.memref_slice %arg8[%add3A_374, %dma_start3A_404] : memref<16x128xi32, #tpu.memory_space<vmem>> -> memref<1x128xi32, #tpu.memory_space<vmem>>
        %dma_start3A_406 = tpu.memref_squeeze %dma_start3A_405 : memref<1x128xi32, #tpu.memory_space<vmem>> -> memref<128xi32, #tpu.memory_space<vmem>>
        %dma_start3A_407 = arith.constant 0 : i32
        %dma_start3A_408 = arith.constant 0 : i32
        %dma_start3A_409 = tpu.memref_slice %arg12[%dma_start3A_407, %dma_start3A_408] : memref<10240x64xf32, #tpu.memory_space<vmem_shared>> -> memref<10240x64xf32, #tpu.memory_space<vmem_shared>>
        tpu.enqueue_indirect_dma source(%arg9 : memref<128x64xf32, #tpu.memory_space<vmem>>) target(%dma_start3A_409 : memref<10240x64xf32, #tpu.memory_space<vmem_shared>>) offsets(%dma_start3A_406 : memref<128xi32, #tpu.memory_space<vmem>>) semaphore(%run_scoped3A_403 : memref<!tpu.dma_semaphore, #tpu.memory_space<semaphore_mem>>) {add = true}
        %dma_wait3A_410 = arith.constant 0 : i32
        %dma_wait3A_411 = tpu.memref_slice %arg8[%add3A_374, %dma_wait3A_410] : memref<16x128xi32, #tpu.memory_space<vmem>> -> memref<1x128xi32, #tpu.memory_space<vmem>>
        %dma_wait3A_412 = tpu.memref_squeeze %dma_wait3A_411 : memref<1x128xi32, #tpu.memory_space<vmem>> -> memref<128xi32, #tpu.memory_space<vmem>>
        %dma_wait3A_413 = arith.constant 0 : i32
        %dma_wait3A_414 = arith.constant 0 : i32
        %dma_wait3A_415 = tpu.memref_slice %arg12[%dma_wait3A_413, %dma_wait3A_414] : memref<10240x64xf32, #tpu.memory_space<vmem_shared>> -> memref<10240x64xf32, #tpu.memory_space<vmem_shared>>
        tpu.wait_indirect_dma semaphore(%run_scoped3A_403 : memref<!tpu.dma_semaphore, #tpu.memory_space<semaphore_mem>>) src(%arg9 : memref<128x64xf32, #tpu.memory_space<vmem>>) dst(%dma_wait3A_415 : memref<10240x64xf32, #tpu.memory_space<vmem_shared>>)
        tpu.yield
      }) : () -> ()
      %add3A_382 = arith.constant 1 : i32
      %add3A_383 = arith.addi %add3A_361, %add3A_382 : i32
      %add3A_384 = arith.constant 2 : i32
      %add3A_385 = arith.addi %add3A_383, %add3A_384 : i32
      %sub3A_386 = arith.constant 1 : i32
      %sub3A_387 = arith.subi %add3A_385, %sub3A_386 : i32
      %dma_start3A_388 = arith.constant 0 : i32
      %dma_start3A_389 = tpu.memref_slice %arg7[%sub3A_387, %dma_start3A_388] : memref<16x128xi32, #tpu.memory_space<vmem>> -> memref<1x128xi32, #tpu.memory_space<vmem>>
      %dma_start3A_390 = tpu.memref_squeeze %dma_start3A_389 : memref<1x128xi32, #tpu.memory_space<vmem>> -> memref<128xi32, #tpu.memory_space<vmem>>
      %dma_start3A_391 = arith.constant 0 : i32
      %dma_start3A_392 = arith.constant 0 : i32
      %dma_start3A_393 = tpu.memref_slice %arg11[%dma_start3A_391, %dma_start3A_392] : memref<10240x64xf32, #tpu.memory_space<vmem_shared>> -> memref<10240x64xf32, #tpu.memory_space<vmem_shared>>
      tpu.enqueue_indirect_dma source(%dma_start3A_393 : memref<10240x64xf32, #tpu.memory_space<vmem_shared>>) target(%arg9 : memref<128x64xf32, #tpu.memory_space<vmem>>) offsets(%dma_start3A_390 : memref<128xi32, #tpu.memory_space<vmem>>) semaphore(%arg13 : memref<!tpu.dma_semaphore, #tpu.memory_space<semaphore_mem>>)
      %add3A_394 = arith.constant 1 : i32
      %add3A_395 = arith.addi %add3A_361, %add3A_394 : i32
      %dma_wait3A_396 = arith.constant 0 : i32
      %dma_wait3A_397 = arith.constant 0 : i32
      %dma_wait3A_398 = tpu.memref_slice %arg7[%dma_wait3A_396, %dma_wait3A_397] : memref<16x128xi32, #tpu.memory_space<vmem>> -> memref<1x128xi32, #tpu.memory_space<vmem>>
      %dma_wait3A_399 = tpu.memref_squeeze %dma_wait3A_398 : memref<1x128xi32, #tpu.memory_space<vmem>> -> memref<128xi32, #tpu.memory_space<vmem>>
      %dma_wait3A_400 = arith.constant 0 : i32
      %dma_wait3A_401 = arith.constant 0 : i32
      %dma_wait3A_402 = tpu.memref_slice %arg11[%dma_wait3A_400, %dma_wait3A_401] : memref<10240x64xf32, #tpu.memory_space<vmem_shared>> -> memref<10240x64xf32, #tpu.memory_space<vmem_shared>>
      tpu.wait_indirect_dma semaphore(%arg14 : memref<!tpu.dma_semaphore, #tpu.memory_space<semaphore_mem>>) src(%dma_wait3A_402 : memref<10240x64xf32, #tpu.memory_space<vmem_shared>>) dst(%arg10 : memref<128x64xf32, #tpu.memory_space<vmem>>)
      "tpu.region"() ({
        %run_scoped3A_403 = tpu.sem_alloc : memref<!tpu.dma_semaphore, #tpu.memory_space<semaphore_mem>>
        %dma_start3A_404 = arith.constant 0 : i32
        %dma_start3A_405 = tpu.memref_slice %arg8[%add3A_395, %dma_start3A_404] : memref<16x128xi32, #tpu.memory_space<vmem>> -> memref<1x128xi32, #tpu.memory_space<vmem>>
        %dma_start3A_406 = tpu.memref_squeeze %dma_start3A_405 : memref<1x128xi32, #tpu.memory_space<vmem>> -> memref<128xi32, #tpu.memory_space<vmem>>
        %dma_start3A_407 = arith.constant 0 : i32
        %dma_start3A_408 = arith.constant 0 : i32
        %dma_start3A_409 = tpu.memref_slice %arg12[%dma_start3A_407, %dma_start3A_408] : memref<10240x64xf32, #tpu.memory_space<vmem_shared>> -> memref<10240x64xf32, #tpu.memory_space<vmem_shared>>
        tpu.enqueue_indirect_dma source(%arg10 : memref<128x64xf32, #tpu.memory_space<vmem>>) target(%dma_start3A_409 : memref<10240x64xf32, #tpu.memory_space<vmem_shared>>) offsets(%dma_start3A_406 : memref<128xi32, #tpu.memory_space<vmem>>) semaphore(%run_scoped3A_403 : memref<!tpu.dma_semaphore, #tpu.memory_space<semaphore_mem>>) {add = true}
        %dma_wait3A_410 = arith.constant 0 : i32
        %dma_wait3A_411 = tpu.memref_slice %arg8[%add3A_395, %dma_wait3A_410] : memref<16x128xi32, #tpu.memory_space<vmem>> -> memref<1x128xi32, #tpu.memory_space<vmem>>
        %dma_wait3A_412 = tpu.memref_squeeze %dma_wait3A_411 : memref<1x128xi32, #tpu.memory_space<vmem>> -> memref<128xi32, #tpu.memory_space<vmem>>
        %dma_wait3A_413 = arith.constant 0 : i32
        %dma_wait3A_414 = arith.constant 0 : i32
        %dma_wait3A_415 = tpu.memref_slice %arg12[%dma_wait3A_413, %dma_wait3A_414] : memref<10240x64xf32, #tpu.memory_space<vmem_shared>> -> memref<10240x64xf32, #tpu.memory_space<vmem_shared>>
        tpu.wait_indirect_dma semaphore(%run_scoped3A_403 : memref<!tpu.dma_semaphore, #tpu.memory_space<semaphore_mem>>) src(%arg10 : memref<128x64xf32, #tpu.memory_space<vmem>>) dst(%dma_wait3A_415 : memref<10240x64xf32, #tpu.memory_space<vmem_shared>>)
        tpu.yield
      }) : () -> ()
    }
    %scan3A_15 = arith.constant 7 : i32
    %dma_start3A_16 = arith.constant 15 : i32
    %dma_start3A_17 = arith.constant 0 : i32
    %dma_start3A_18 = tpu.memref_slice %arg7[%dma_start3A_16, %dma_start3A_17] : memref<16x128xi32, #tpu.memory_space<vmem>> -> memref<1x128xi32, #tpu.memory_space<vmem>>
    %dma_start3A_19 = tpu.memref_squeeze %dma_start3A_18 : memref<1x128xi32, #tpu.memory_space<vmem>> -> memref<128xi32, #tpu.memory_space<vmem>>
    %dma_start3A_20 = arith.constant 0 : i32
    %dma_start3A_21 = arith.constant 0 : i32
    %dma_start3A_22 = tpu.memref_slice %arg11[%dma_start3A_20, %dma_start3A_21] : memref<10240x64xf32, #tpu.memory_space<vmem_shared>> -> memref<10240x64xf32, #tpu.memory_space<vmem_shared>>
    tpu.enqueue_indirect_dma source(%dma_start3A_22 : memref<10240x64xf32, #tpu.memory_space<vmem_shared>>) target(%arg10 : memref<128x64xf32, #tpu.memory_space<vmem>>) offsets(%dma_start3A_19 : memref<128xi32, #tpu.memory_space<vmem>>) semaphore(%arg14 : memref<!tpu.dma_semaphore, #tpu.memory_space<semaphore_mem>>)
    %dma_wait3A = arith.constant 0 : i32
    %dma_wait3A_23 = arith.constant 0 : i32
    %dma_wait3A_24 = tpu.memref_slice %arg7[%dma_wait3A, %dma_wait3A_23] : memref<16x128xi32, #tpu.memory_space<vmem>> -> memref<1x128xi32, #tpu.memory_space<vmem>>
    %dma_wait3A_25 = tpu.memref_squeeze %dma_wait3A_24 : memref<1x128xi32, #tpu.memory_space<vmem>> -> memref<128xi32, #tpu.memory_space<vmem>>
    %dma_wait3A_26 = arith.constant 0 : i32
    %dma_wait3A_27 = arith.constant 0 : i32
    %dma_wait3A_28 = tpu.memref_slice %arg11[%dma_wait3A_26, %dma_wait3A_27] : memref<10240x64xf32, #tpu.memory_space<vmem_shared>> -> memref<10240x64xf32, #tpu.memory_space<vmem_shared>>
    tpu.wait_indirect_dma semaphore(%arg13 : memref<!tpu.dma_semaphore, #tpu.memory_space<semaphore_mem>>) src(%dma_wait3A_28 : memref<10240x64xf32, #tpu.memory_space<vmem_shared>>) dst(%arg9 : memref<128x64xf32, #tpu.memory_space<vmem>>)
    %run_scoped3A = arith.constant 14 : i32
    "tpu.region"() ({
      %run_scoped3A_357 = tpu.sem_alloc : memref<!tpu.dma_semaphore, #tpu.memory_space<semaphore_mem>>
      %dma_start3A_358 = arith.constant 0 : i32
      %dma_start3A_359 = tpu.memref_slice %arg8[%run_scoped3A, %dma_start3A_358] : memref<16x128xi32, #tpu.memory_space<vmem>> -> memref<1x128xi32, #tpu.memory_space<vmem>>
      %dma_start3A_360 = tpu.memref_squeeze %dma_start3A_359 : memref<1x128xi32, #tpu.memory_space<vmem>> -> memref<128xi32, #tpu.memory_space<vmem>>
      %dma_start3A_361 = arith.constant 0 : i32
      %dma_start3A_362 = arith.constant 0 : i32
      %dma_start3A_363 = tpu.memref_slice %arg12[%dma_start3A_361, %dma_start3A_362] : memref<10240x64xf32, #tpu.memory_space<vmem_shared>> -> memref<10240x64xf32, #tpu.memory_space<vmem_shared>>
      tpu.enqueue_indirect_dma source(%arg9 : memref<128x64xf32, #tpu.memory_space<vmem>>) target(%dma_start3A_363 : memref<10240x64xf32, #tpu.memory_space<vmem_shared>>) offsets(%dma_start3A_360 : memref<128xi32, #tpu.memory_space<vmem>>) semaphore(%run_scoped3A_357 : memref<!tpu.dma_semaphore, #tpu.memory_space<semaphore_mem>>) {add = true}
      %dma_wait3A_364 = arith.constant 0 : i32
      %dma_wait3A_365 = tpu.memref_slice %arg8[%run_scoped3A, %dma_wait3A_364] : memref<16x128xi32, #tpu.memory_space<vmem>> -> memref<1x128xi32, #tpu.memory_space<vmem>>
      %dma_wait3A_366 = tpu.memref_squeeze %dma_wait3A_365 : memref<1x128xi32, #tpu.memory_space<vmem>> -> memref<128xi32, #tpu.memory_space<vmem>>
      %dma_wait3A_367 = arith.constant 0 : i32
      %dma_wait3A_368 = arith.constant 0 : i32
      %dma_wait3A_369 = tpu.memref_slice %arg12[%dma_wait3A_367, %dma_wait3A_368] : memref<10240x64xf32, #tpu.memory_space<vmem_shared>> -> memref<10240x64xf32, #tpu.memory_space<vmem_shared>>
      tpu.wait_indirect_dma semaphore(%run_scoped3A_357 : memref<!tpu.dma_semaphore, #tpu.memory_space<semaphore_mem>>) src(%arg9 : memref<128x64xf32, #tpu.memory_space<vmem>>) dst(%dma_wait3A_369 : memref<10240x64xf32, #tpu.memory_space<vmem_shared>>)
      tpu.yield
    }) : () -> ()
    %dma_wait3A_29 = arith.constant 0 : i32
    %dma_wait3A_30 = arith.constant 0 : i32
    %dma_wait3A_31 = tpu.memref_slice %arg7[%dma_wait3A_29, %dma_wait3A_30] : memref<16x128xi32, #tpu.memory_space<vmem>> -> memref<1x128xi32, #tpu.memory_space<vmem>>
    %dma_wait3A_32 = tpu.memref_squeeze %dma_wait3A_31 : memref<1x128xi32, #tpu.memory_space<vmem>> -> memref<128xi32, #tpu.memory_space<vmem>>
    %dma_wait3A_33 = arith.constant 0 : i32
    %dma_wait3A_34 = arith.constant 0 : i32
    %dma_wait3A_35 = tpu.memref_slice %arg11[%dma_wait3A_33, %dma_wait3A_34] : memref<10240x64xf32, #tpu.memory_space<vmem_shared>> -> memref<10240x64xf32, #tpu.memory_space<vmem_shared>>
    tpu.wait_indirect_dma semaphore(%arg14 : memref<!tpu.dma_semaphore, #tpu.memory_space<semaphore_mem>>) src(%dma_wait3A_35 : memref<10240x64xf32, #tpu.memory_space<vmem_shared>>) dst(%arg10 : memref<128x64xf32, #tpu.memory_space<vmem>>)
    %run_scoped3A_36 = arith.constant 15 : i32
    "tpu.region"() ({
      %run_scoped3A_357 = tpu.sem_alloc : memref<!tpu.dma_semaphore, #tpu.memory_space<semaphore_mem>>
      %dma_start3A_358 = arith.constant 0 : i32
      %dma_start3A_359 = tpu.memref_slice %arg8[%run_scoped3A_36, %dma_start3A_358] : memref<16x128xi32, #tpu.memory_space<vmem>> -> memref<1x128xi32, #tpu.memory_space<vmem>>
      %dma_start3A_360 = tpu.memref_squeeze %dma_start3A_359 : memref<1x128xi32, #tpu.memory_space<vmem>> -> memref<128xi32, #tpu.memory_space<vmem>>
      %dma_start3A_361 = arith.constant 0 : i32
      %dma_start3A_362 = arith.constant 0 : i32
      %dma_start3A_363 = tpu.memref_slice %arg12[%dma_start3A_361, %dma_start3A_362] : memref<10240x64xf32, #tpu.memory_space<vmem_shared>> -> memref<10240x64xf32, #tpu.memory_space<vmem_shared>>
      tpu.enqueue_indirect_dma source(%arg10 : memref<128x64xf32, #tpu.memory_space<vmem>>) target(%dma_start3A_363 : memref<10240x64xf32, #tpu.memory_space<vmem_shared>>) offsets(%dma_start3A_360 : memref<128xi32, #tpu.memory_space<vmem>>) semaphore(%run_scoped3A_357 : memref<!tpu.dma_semaphore, #tpu.memory_space<semaphore_mem>>) {add = true}
      %dma_wait3A_364 = arith.constant 0 : i32
      %dma_wait3A_365 = tpu.memref_slice %arg8[%run_scoped3A_36, %dma_wait3A_364] : memref<16x128xi32, #tpu.memory_space<vmem>> -> memref<1x128xi32, #tpu.memory_space<vmem>>
      %dma_wait3A_366 = tpu.memref_squeeze %dma_wait3A_365 : memref<1x128xi32, #tpu.memory_space<vmem>> -> memref<128xi32, #tpu.memory_space<vmem>>
      %dma_wait3A_367 = arith.constant 0 : i32
      %dma_wait3A_368 = arith.constant 0 : i32
      %dma_wait3A_369 = tpu.memref_slice %arg12[%dma_wait3A_367, %dma_wait3A_368] : memref<10240x64xf32, #tpu.memory_space<vmem_shared>> -> memref<10240x64xf32, #tpu.memory_space<vmem_shared>>
      tpu.wait_indirect_dma semaphore(%run_scoped3A_357 : memref<!tpu.dma_semaphore, #tpu.memory_space<semaphore_mem>>) src(%arg10 : memref<128x64xf32, #tpu.memory_space<vmem>>) dst(%dma_wait3A_369 : memref<10240x64xf32, #tpu.memory_space<vmem_shared>>)
      tpu.yield
    }) : () -> ()
    "tpu.region"() ({
      %run_scoped3A_357 = tpu.sem_alloc : memref<!tpu.dma_semaphore, #tpu.memory_space<semaphore_mem>>
      %dma_start3A_358 = arith.constant 16 : i32
      %dma_start3A_359 = arith.constant 0 : i32
      %dma_start3A_360 = tpu.memref_slice %arg3[%arg1, %dma_start3A_358, %dma_start3A_359] : memref<32x80x128xi32, #tpu.memory_space<hbm>> -> memref<1x16x128xi32, #tpu.memory_space<hbm>>
      %dma_start3A_361 = tpu.memref_squeeze %dma_start3A_360 : memref<1x16x128xi32, #tpu.memory_space<hbm>> -> memref<16x128xi32, #tpu.memory_space<hbm>>
      %dma_start3A_362 = arith.constant 16 : i32
      %dma_start3A_363 = arith.constant 0 : i32
      %dma_start3A_364 = tpu.memref_slice %arg3[%arg1, %dma_start3A_362, %dma_start3A_363] : memref<32x80x128xi32, #tpu.memory_space<hbm>> -> memref<1x16x128xi32, #tpu.memory_space<hbm>>
      %dma_start3A_365 = tpu.memref_squeeze %dma_start3A_364 : memref<1x16x128xi32, #tpu.memory_space<hbm>> -> memref<16x128xi32, #tpu.memory_space<hbm>>
      tpu.enqueue_dma source(%dma_start3A_365 : memref<16x128xi32, #tpu.memory_space<hbm>>) target(%arg7 : memref<16x128xi32, #tpu.memory_space<vmem>>) target_semaphore(%run_scoped3A_357 : memref<!tpu.dma_semaphore, #tpu.memory_space<semaphore_mem>>)
      %dma_wait3A_366 = arith.constant 16 : i32
      %dma_wait3A_367 = arith.constant 0 : i32
      %dma_wait3A_368 = tpu.memref_slice %arg3[%arg1, %dma_wait3A_366, %dma_wait3A_367] : memref<32x80x128xi32, #tpu.memory_space<hbm>> -> memref<1x16x128xi32, #tpu.memory_space<hbm>>
      %dma_wait3A_369 = tpu.memref_squeeze %dma_wait3A_368 : memref<1x16x128xi32, #tpu.memory_space<hbm>> -> memref<16x128xi32, #tpu.memory_space<hbm>>
      %dma_wait3A_370 = arith.constant 16 : i32
      %dma_wait3A_371 = arith.constant 0 : i32
      %dma_wait3A_372 = tpu.memref_slice %arg3[%arg1, %dma_wait3A_370, %dma_wait3A_371] : memref<32x80x128xi32, #tpu.memory_space<hbm>> -> memref<1x16x128xi32, #tpu.memory_space<hbm>>
      %dma_wait3A_373 = tpu.memref_squeeze %dma_wait3A_372 : memref<1x16x128xi32, #tpu.memory_space<hbm>> -> memref<16x128xi32, #tpu.memory_space<hbm>>
      tpu.wait_dma2 semaphore(%run_scoped3A_357 : memref<!tpu.dma_semaphore, #tpu.memory_space<semaphore_mem>>) src(%dma_wait3A_373 : memref<16x128xi32, #tpu.memory_space<hbm>>) dst(%arg7 : memref<16x128xi32, #tpu.memory_space<vmem>>)
      tpu.yield
    }) : () -> ()
    "tpu.region"() ({
      %run_scoped3A_357 = tpu.sem_alloc : memref<!tpu.dma_semaphore, #tpu.memory_space<semaphore_mem>>
      %dma_start3A_358 = arith.constant 16 : i32
      %dma_start3A_359 = arith.constant 0 : i32
      %dma_start3A_360 = tpu.memref_slice %arg4[%arg1, %dma_start3A_358, %dma_start3A_359] : memref<32x80x128xi32, #tpu.memory_space<hbm>> -> memref<1x16x128xi32, #tpu.memory_space<hbm>>
      %dma_start3A_361 = tpu.memref_squeeze %dma_start3A_360 : memref<1x16x128xi32, #tpu.memory_space<hbm>> -> memref<16x128xi32, #tpu.memory_space<hbm>>
      %dma_start3A_362 = arith.constant 16 : i32
      %dma_start3A_363 = arith.constant 0 : i32
      %dma_start3A_364 = tpu.memref_slice %arg4[%arg1, %dma_start3A_362, %dma_start3A_363] : memref<32x80x128xi32, #tpu.memory_space<hbm>> -> memref<1x16x128xi32, #tpu.memory_space<hbm>>
      %dma_start3A_365 = tpu.memref_squeeze %dma_start3A_364 : memref<1x16x128xi32, #tpu.memory_space<hbm>> -> memref<16x128xi32, #tpu.memory_space<hbm>>
      tpu.enqueue_dma source(%dma_start3A_365 : memref<16x128xi32, #tpu.memory_space<hbm>>) target(%arg8 : memref<16x128xi32, #tpu.memory_space<vmem>>) target_semaphore(%run_scoped3A_357 : memref<!tpu.dma_semaphore, #tpu.memory_space<semaphore_mem>>)
      %dma_wait3A_366 = arith.constant 16 : i32
      %dma_wait3A_367 = arith.constant 0 : i32
      %dma_wait3A_368 = tpu.memref_slice %arg4[%arg1, %dma_wait3A_366, %dma_wait3A_367] : memref<32x80x128xi32, #tpu.memory_space<hbm>> -> memref<1x16x128xi32, #tpu.memory_space<hbm>>
      %dma_wait3A_369 = tpu.memref_squeeze %dma_wait3A_368 : memref<1x16x128xi32, #tpu.memory_space<hbm>> -> memref<16x128xi32, #tpu.memory_space<hbm>>
      %dma_wait3A_370 = arith.constant 16 : i32
      %dma_wait3A_371 = arith.constant 0 : i32
      %dma_wait3A_372 = tpu.memref_slice %arg4[%arg1, %dma_wait3A_370, %dma_wait3A_371] : memref<32x80x128xi32, #tpu.memory_space<hbm>> -> memref<1x16x128xi32, #tpu.memory_space<hbm>>
      %dma_wait3A_373 = tpu.memref_squeeze %dma_wait3A_372 : memref<1x16x128xi32, #tpu.memory_space<hbm>> -> memref<16x128xi32, #tpu.memory_space<hbm>>
      tpu.wait_dma2 semaphore(%run_scoped3A_357 : memref<!tpu.dma_semaphore, #tpu.memory_space<semaphore_mem>>) src(%dma_wait3A_373 : memref<16x128xi32, #tpu.memory_space<hbm>>) dst(%arg8 : memref<16x128xi32, #tpu.memory_space<vmem>>)
      tpu.yield
    }) : () -> ()
    %dma_start3A_37 = arith.constant 0 : i32
    %dma_start3A_38 = arith.constant 0 : i32
    %dma_start3A_39 = tpu.memref_slice %arg7[%dma_start3A_37, %dma_start3A_38] : memref<16x128xi32, #tpu.memory_space<vmem>> -> memref<1x128xi32, #tpu.memory_space<vmem>>
    %dma_start3A_40 = tpu.memref_squeeze %dma_start3A_39 : memref<1x128xi32, #tpu.memory_space<vmem>> -> memref<128xi32, #tpu.memory_space<vmem>>
    %dma_start3A_41 = arith.constant 0 : i32
    %dma_start3A_42 = arith.constant 0 : i32
    %dma_start3A_43 = tpu.memref_slice %arg11[%dma_start3A_41, %dma_start3A_42] : memref<10240x64xf32, #tpu.memory_space<vmem_shared>> -> memref<10240x64xf32, #tpu.memory_space<vmem_shared>>
    tpu.enqueue_indirect_dma source(%dma_start3A_43 : memref<10240x64xf32, #tpu.memory_space<vmem_shared>>) target(%arg9 : memref<128x64xf32, #tpu.memory_space<vmem>>) offsets(%dma_start3A_40 : memref<128xi32, #tpu.memory_space<vmem>>) semaphore(%arg13 : memref<!tpu.dma_semaphore, #tpu.memory_space<semaphore_mem>>)
    %scan3A_44 = arith.constant 0 : i32
    %scan3A_45 = arith.constant 7 : i32
    %scan3A_46 = arith.addi %scan3A_44, %scan3A_45 : i32
    %scan3A_47 = arith.constant 1 : i32
    scf.for %scan3A_357 = %scan3A_44 to %scan3A_46 step %scan3A_47  : i32 {
      %mul3A_358 = arith.constant 2 : i32
      %mul3A_359 = arith.muli %scan3A_357, %mul3A_358 : i32
      %add3A_360 = arith.constant 0 : i32
      %add3A_361 = arith.addi %add3A_360, %mul3A_359 : i32
      %add3A_362 = arith.constant 0 : i32
      %add3A_363 = arith.addi %add3A_361, %add3A_362 : i32
      %add3A_364 = arith.constant 2 : i32
      %add3A_365 = arith.addi %add3A_363, %add3A_364 : i32
      %sub3A = arith.constant 1 : i32
      %sub3A_366 = arith.subi %add3A_365, %sub3A : i32
      %dma_start3A_367 = arith.constant 0 : i32
      %dma_start3A_368 = tpu.memref_slice %arg7[%sub3A_366, %dma_start3A_367] : memref<16x128xi32, #tpu.memory_space<vmem>> -> memref<1x128xi32, #tpu.memory_space<vmem>>
      %dma_start3A_369 = tpu.memref_squeeze %dma_start3A_368 : memref<1x128xi32, #tpu.memory_space<vmem>> -> memref<128xi32, #tpu.memory_space<vmem>>
      %dma_start3A_370 = arith.constant 0 : i32
      %dma_start3A_371 = arith.constant 0 : i32
      %dma_start3A_372 = tpu.memref_slice %arg11[%dma_start3A_370, %dma_start3A_371] : memref<10240x64xf32, #tpu.memory_space<vmem_shared>> -> memref<10240x64xf32, #tpu.memory_space<vmem_shared>>
      tpu.enqueue_indirect_dma source(%dma_start3A_372 : memref<10240x64xf32, #tpu.memory_space<vmem_shared>>) target(%arg10 : memref<128x64xf32, #tpu.memory_space<vmem>>) offsets(%dma_start3A_369 : memref<128xi32, #tpu.memory_space<vmem>>) semaphore(%arg14 : memref<!tpu.dma_semaphore, #tpu.memory_space<semaphore_mem>>)
      %add3A_373 = arith.constant 0 : i32
      %add3A_374 = arith.addi %add3A_361, %add3A_373 : i32
      %dma_wait3A_375 = arith.constant 0 : i32
      %dma_wait3A_376 = arith.constant 0 : i32
      %dma_wait3A_377 = tpu.memref_slice %arg7[%dma_wait3A_375, %dma_wait3A_376] : memref<16x128xi32, #tpu.memory_space<vmem>> -> memref<1x128xi32, #tpu.memory_space<vmem>>
      %dma_wait3A_378 = tpu.memref_squeeze %dma_wait3A_377 : memref<1x128xi32, #tpu.memory_space<vmem>> -> memref<128xi32, #tpu.memory_space<vmem>>
      %dma_wait3A_379 = arith.constant 0 : i32
      %dma_wait3A_380 = arith.constant 0 : i32
      %dma_wait3A_381 = tpu.memref_slice %arg11[%dma_wait3A_379, %dma_wait3A_380] : memref<10240x64xf32, #tpu.memory_space<vmem_shared>> -> memref<10240x64xf32, #tpu.memory_space<vmem_shared>>
      tpu.wait_indirect_dma semaphore(%arg13 : memref<!tpu.dma_semaphore, #tpu.memory_space<semaphore_mem>>) src(%dma_wait3A_381 : memref<10240x64xf32, #tpu.memory_space<vmem_shared>>) dst(%arg9 : memref<128x64xf32, #tpu.memory_space<vmem>>)
      "tpu.region"() ({
        %run_scoped3A_403 = tpu.sem_alloc : memref<!tpu.dma_semaphore, #tpu.memory_space<semaphore_mem>>
        %dma_start3A_404 = arith.constant 0 : i32
        %dma_start3A_405 = tpu.memref_slice %arg8[%add3A_374, %dma_start3A_404] : memref<16x128xi32, #tpu.memory_space<vmem>> -> memref<1x128xi32, #tpu.memory_space<vmem>>
        %dma_start3A_406 = tpu.memref_squeeze %dma_start3A_405 : memref<1x128xi32, #tpu.memory_space<vmem>> -> memref<128xi32, #tpu.memory_space<vmem>>
        %dma_start3A_407 = arith.constant 0 : i32
        %dma_start3A_408 = arith.constant 0 : i32
        %dma_start3A_409 = tpu.memref_slice %arg12[%dma_start3A_407, %dma_start3A_408] : memref<10240x64xf32, #tpu.memory_space<vmem_shared>> -> memref<10240x64xf32, #tpu.memory_space<vmem_shared>>
        tpu.enqueue_indirect_dma source(%arg9 : memref<128x64xf32, #tpu.memory_space<vmem>>) target(%dma_start3A_409 : memref<10240x64xf32, #tpu.memory_space<vmem_shared>>) offsets(%dma_start3A_406 : memref<128xi32, #tpu.memory_space<vmem>>) semaphore(%run_scoped3A_403 : memref<!tpu.dma_semaphore, #tpu.memory_space<semaphore_mem>>) {add = true}
        %dma_wait3A_410 = arith.constant 0 : i32
        %dma_wait3A_411 = tpu.memref_slice %arg8[%add3A_374, %dma_wait3A_410] : memref<16x128xi32, #tpu.memory_space<vmem>> -> memref<1x128xi32, #tpu.memory_space<vmem>>
        %dma_wait3A_412 = tpu.memref_squeeze %dma_wait3A_411 : memref<1x128xi32, #tpu.memory_space<vmem>> -> memref<128xi32, #tpu.memory_space<vmem>>
        %dma_wait3A_413 = arith.constant 0 : i32
        %dma_wait3A_414 = arith.constant 0 : i32
        %dma_wait3A_415 = tpu.memref_slice %arg12[%dma_wait3A_413, %dma_wait3A_414] : memref<10240x64xf32, #tpu.memory_space<vmem_shared>> -> memref<10240x64xf32, #tpu.memory_space<vmem_shared>>
        tpu.wait_indirect_dma semaphore(%run_scoped3A_403 : memref<!tpu.dma_semaphore, #tpu.memory_space<semaphore_mem>>) src(%arg9 : memref<128x64xf32, #tpu.memory_space<vmem>>) dst(%dma_wait3A_415 : memref<10240x64xf32, #tpu.memory_space<vmem_shared>>)
        tpu.yield
      }) : () -> ()
      %add3A_382 = arith.constant 1 : i32
      %add3A_383 = arith.addi %add3A_361, %add3A_382 : i32
      %add3A_384 = arith.constant 2 : i32
      %add3A_385 = arith.addi %add3A_383, %add3A_384 : i32
      %sub3A_386 = arith.constant 1 : i32
      %sub3A_387 = arith.subi %add3A_385, %sub3A_386 : i32
      %dma_start3A_388 = arith.constant 0 : i32
      %dma_start3A_389 = tpu.memref_slice %arg7[%sub3A_387, %dma_start3A_388] : memref<16x128xi32, #tpu.memory_space<vmem>> -> memref<1x128xi32, #tpu.memory_space<vmem>>
      %dma_start3A_390 = tpu.memref_squeeze %dma_start3A_389 : memref<1x128xi32, #tpu.memory_space<vmem>> -> memref<128xi32, #tpu.memory_space<vmem>>
      %dma_start3A_391 = arith.constant 0 : i32
      %dma_start3A_392 = arith.constant 0 : i32
      %dma_start3A_393 = tpu.memref_slice %arg11[%dma_start3A_391, %dma_start3A_392] : memref<10240x64xf32, #tpu.memory_space<vmem_shared>> -> memref<10240x64xf32, #tpu.memory_space<vmem_shared>>
      tpu.enqueue_indirect_dma source(%dma_start3A_393 : memref<10240x64xf32, #tpu.memory_space<vmem_shared>>) target(%arg9 : memref<128x64xf32, #tpu.memory_space<vmem>>) offsets(%dma_start3A_390 : memref<128xi32, #tpu.memory_space<vmem>>) semaphore(%arg13 : memref<!tpu.dma_semaphore, #tpu.memory_space<semaphore_mem>>)
      %add3A_394 = arith.constant 1 : i32
      %add3A_395 = arith.addi %add3A_361, %add3A_394 : i32
      %dma_wait3A_396 = arith.constant 0 : i32
      %dma_wait3A_397 = arith.constant 0 : i32
      %dma_wait3A_398 = tpu.memref_slice %arg7[%dma_wait3A_396, %dma_wait3A_397] : memref<16x128xi32, #tpu.memory_space<vmem>> -> memref<1x128xi32, #tpu.memory_space<vmem>>
      %dma_wait3A_399 = tpu.memref_squeeze %dma_wait3A_398 : memref<1x128xi32, #tpu.memory_space<vmem>> -> memref<128xi32, #tpu.memory_space<vmem>>
      %dma_wait3A_400 = arith.constant 0 : i32
      %dma_wait3A_401 = arith.constant 0 : i32
      %dma_wait3A_402 = tpu.memref_slice %arg11[%dma_wait3A_400, %dma_wait3A_401] : memref<10240x64xf32, #tpu.memory_space<vmem_shared>> -> memref<10240x64xf32, #tpu.memory_space<vmem_shared>>
      tpu.wait_indirect_dma semaphore(%arg14 : memref<!tpu.dma_semaphore, #tpu.memory_space<semaphore_mem>>) src(%dma_wait3A_402 : memref<10240x64xf32, #tpu.memory_space<vmem_shared>>) dst(%arg10 : memref<128x64xf32, #tpu.memory_space<vmem>>)
      "tpu.region"() ({
        %run_scoped3A_403 = tpu.sem_alloc : memref<!tpu.dma_semaphore, #tpu.memory_space<semaphore_mem>>
        %dma_start3A_404 = arith.constant 0 : i32
        %dma_start3A_405 = tpu.memref_slice %arg8[%add3A_395, %dma_start3A_404] : memref<16x128xi32, #tpu.memory_space<vmem>> -> memref<1x128xi32, #tpu.memory_space<vmem>>
        %dma_start3A_406 = tpu.memref_squeeze %dma_start3A_405 : memref<1x128xi32, #tpu.memory_space<vmem>> -> memref<128xi32, #tpu.memory_space<vmem>>
        %dma_start3A_407 = arith.constant 0 : i32
        %dma_start3A_408 = arith.constant 0 : i32
        %dma_start3A_409 = tpu.memref_slice %arg12[%dma_start3A_407, %dma_start3A_408] : memref<10240x64xf32, #tpu.memory_space<vmem_shared>> -> memref<10240x64xf32, #tpu.memory_space<vmem_shared>>
        tpu.enqueue_indirect_dma source(%arg10 : memref<128x64xf32, #tpu.memory_space<vmem>>) target(%dma_start3A_409 : memref<10240x64xf32, #tpu.memory_space<vmem_shared>>) offsets(%dma_start3A_406 : memref<128xi32, #tpu.memory_space<vmem>>) semaphore(%run_scoped3A_403 : memref<!tpu.dma_semaphore, #tpu.memory_space<semaphore_mem>>) {add = true}
        %dma_wait3A_410 = arith.constant 0 : i32
        %dma_wait3A_411 = tpu.memref_slice %arg8[%add3A_395, %dma_wait3A_410] : memref<16x128xi32, #tpu.memory_space<vmem>> -> memref<1x128xi32, #tpu.memory_space<vmem>>
        %dma_wait3A_412 = tpu.memref_squeeze %dma_wait3A_411 : memref<1x128xi32, #tpu.memory_space<vmem>> -> memref<128xi32, #tpu.memory_space<vmem>>
        %dma_wait3A_413 = arith.constant 0 : i32
        %dma_wait3A_414 = arith.constant 0 : i32
        %dma_wait3A_415 = tpu.memref_slice %arg12[%dma_wait3A_413, %dma_wait3A_414] : memref<10240x64xf32, #tpu.memory_space<vmem_shared>> -> memref<10240x64xf32, #tpu.memory_space<vmem_shared>>
        tpu.wait_indirect_dma semaphore(%run_scoped3A_403 : memref<!tpu.dma_semaphore, #tpu.memory_space<semaphore_mem>>) src(%arg10 : memref<128x64xf32, #tpu.memory_space<vmem>>) dst(%dma_wait3A_415 : memref<10240x64xf32, #tpu.memory_space<vmem_shared>>)
        tpu.yield
      }) : () -> ()
    }
    %scan3A_48 = arith.constant 7 : i32
    %dma_start3A_49 = arith.constant 15 : i32
    %dma_start3A_50 = arith.constant 0 : i32
    %dma_start3A_51 = tpu.memref_slice %arg7[%dma_start3A_49, %dma_start3A_50] : memref<16x128xi32, #tpu.memory_space<vmem>> -> memref<1x128xi32, #tpu.memory_space<vmem>>
    %dma_start3A_52 = tpu.memref_squeeze %dma_start3A_51 : memref<1x128xi32, #tpu.memory_space<vmem>> -> memref<128xi32, #tpu.memory_space<vmem>>
    %dma_start3A_53 = arith.constant 0 : i32
    %dma_start3A_54 = arith.constant 0 : i32
    %dma_start3A_55 = tpu.memref_slice %arg11[%dma_start3A_53, %dma_start3A_54] : memref<10240x64xf32, #tpu.memory_space<vmem_shared>> -> memref<10240x64xf32, #tpu.memory_space<vmem_shared>>
    tpu.enqueue_indirect_dma source(%dma_start3A_55 : memref<10240x64xf32, #tpu.memory_space<vmem_shared>>) target(%arg10 : memref<128x64xf32, #tpu.memory_space<vmem>>) offsets(%dma_start3A_52 : memref<128xi32, #tpu.memory_space<vmem>>) semaphore(%arg14 : memref<!tpu.dma_semaphore, #tpu.memory_space<semaphore_mem>>)
    %dma_wait3A_56 = arith.constant 0 : i32
    %dma_wait3A_57 = arith.constant 0 : i32
    %dma_wait3A_58 = tpu.memref_slice %arg7[%dma_wait3A_56, %dma_wait3A_57] : memref<16x128xi32, #tpu.memory_space<vmem>> -> memref<1x128xi32, #tpu.memory_space<vmem>>
    %dma_wait3A_59 = tpu.memref_squeeze %dma_wait3A_58 : memref<1x128xi32, #tpu.memory_space<vmem>> -> memref<128xi32, #tpu.memory_space<vmem>>
    %dma_wait3A_60 = arith.constant 0 : i32
    %dma_wait3A_61 = arith.constant 0 : i32
    %dma_wait3A_62 = tpu.memref_slice %arg11[%dma_wait3A_60, %dma_wait3A_61] : memref<10240x64xf32, #tpu.memory_space<vmem_shared>> -> memref<10240x64xf32, #tpu.memory_space<vmem_shared>>
    tpu.wait_indirect_dma semaphore(%arg13 : memref<!tpu.dma_semaphore, #tpu.memory_space<semaphore_mem>>) src(%dma_wait3A_62 : memref<10240x64xf32, #tpu.memory_space<vmem_shared>>) dst(%arg9 : memref<128x64xf32, #tpu.memory_space<vmem>>)
    %run_scoped3A_63 = arith.constant 14 : i32
    "tpu.region"() ({
      %run_scoped3A_357 = tpu.sem_alloc : memref<!tpu.dma_semaphore, #tpu.memory_space<semaphore_mem>>
      %dma_start3A_358 = arith.constant 0 : i32
      %dma_start3A_359 = tpu.memref_slice %arg8[%run_scoped3A_63, %dma_start3A_358] : memref<16x128xi32, #tpu.memory_space<vmem>> -> memref<1x128xi32, #tpu.memory_space<vmem>>
      %dma_start3A_360 = tpu.memref_squeeze %dma_start3A_359 : memref<1x128xi32, #tpu.memory_space<vmem>> -> memref<128xi32, #tpu.memory_space<vmem>>
      %dma_start3A_361 = arith.constant 0 : i32
      %dma_start3A_362 = arith.constant 0 : i32
      %dma_start3A_363 = tpu.memref_slice %arg12[%dma_start3A_361, %dma_start3A_362] : memref<10240x64xf32, #tpu.memory_space<vmem_shared>> -> memref<10240x64xf32, #tpu.memory_space<vmem_shared>>
      tpu.enqueue_indirect_dma source(%arg9 : memref<128x64xf32, #tpu.memory_space<vmem>>) target(%dma_start3A_363 : memref<10240x64xf32, #tpu.memory_space<vmem_shared>>) offsets(%dma_start3A_360 : memref<128xi32, #tpu.memory_space<vmem>>) semaphore(%run_scoped3A_357 : memref<!tpu.dma_semaphore, #tpu.memory_space<semaphore_mem>>) {add = true}
      %dma_wait3A_364 = arith.constant 0 : i32
      %dma_wait3A_365 = tpu.memref_slice %arg8[%run_scoped3A_63, %dma_wait3A_364] : memref<16x128xi32, #tpu.memory_space<vmem>> -> memref<1x128xi32, #tpu.memory_space<vmem>>
      %dma_wait3A_366 = tpu.memref_squeeze %dma_wait3A_365 : memref<1x128xi32, #tpu.memory_space<vmem>> -> memref<128xi32, #tpu.memory_space<vmem>>
      %dma_wait3A_367 = arith.constant 0 : i32
      %dma_wait3A_368 = arith.constant 0 : i32
      %dma_wait3A_369 = tpu.memref_slice %arg12[%dma_wait3A_367, %dma_wait3A_368] : memref<10240x64xf32, #tpu.memory_space<vmem_shared>> -> memref<10240x64xf32, #tpu.memory_space<vmem_shared>>
      tpu.wait_indirect_dma semaphore(%run_scoped3A_357 : memref<!tpu.dma_semaphore, #tpu.memory_space<semaphore_mem>>) src(%arg9 : memref<128x64xf32, #tpu.memory_space<vmem>>) dst(%dma_wait3A_369 : memref<10240x64xf32, #tpu.memory_space<vmem_shared>>)
      tpu.yield
    }) : () -> ()
    %dma_wait3A_64 = arith.constant 0 : i32
    %dma_wait3A_65 = arith.constant 0 : i32
    %dma_wait3A_66 = tpu.memref_slice %arg7[%dma_wait3A_64, %dma_wait3A_65] : memref<16x128xi32, #tpu.memory_space<vmem>> -> memref<1x128xi32, #tpu.memory_space<vmem>>
    %dma_wait3A_67 = tpu.memref_squeeze %dma_wait3A_66 : memref<1x128xi32, #tpu.memory_space<vmem>> -> memref<128xi32, #tpu.memory_space<vmem>>
    %dma_wait3A_68 = arith.constant 0 : i32
    %dma_wait3A_69 = arith.constant 0 : i32
    %dma_wait3A_70 = tpu.memref_slice %arg11[%dma_wait3A_68, %dma_wait3A_69] : memref<10240x64xf32, #tpu.memory_space<vmem_shared>> -> memref<10240x64xf32, #tpu.memory_space<vmem_shared>>
    tpu.wait_indirect_dma semaphore(%arg14 : memref<!tpu.dma_semaphore, #tpu.memory_space<semaphore_mem>>) src(%dma_wait3A_70 : memref<10240x64xf32, #tpu.memory_space<vmem_shared>>) dst(%arg10 : memref<128x64xf32, #tpu.memory_space<vmem>>)
    %run_scoped3A_71 = arith.constant 15 : i32
    "tpu.region"() ({
      %run_scoped3A_357 = tpu.sem_alloc : memref<!tpu.dma_semaphore, #tpu.memory_space<semaphore_mem>>
      %dma_start3A_358 = arith.constant 0 : i32
      %dma_start3A_359 = tpu.memref_slice %arg8[%run_scoped3A_71, %dma_start3A_358] : memref<16x128xi32, #tpu.memory_space<vmem>> -> memref<1x128xi32, #tpu.memory_space<vmem>>
      %dma_start3A_360 = tpu.memref_squeeze %dma_start3A_359 : memref<1x128xi32, #tpu.memory_space<vmem>> -> memref<128xi32, #tpu.memory_space<vmem>>
      %dma_start3A_361 = arith.constant 0 : i32
      %dma_start3A_362 = arith.constant 0 : i32
      %dma_start3A_363 = tpu.memref_slice %arg12[%dma_start3A_361, %dma_start3A_362] : memref<10240x64xf32, #tpu.memory_space<vmem_shared>> -> memref<10240x64xf32, #tpu.memory_space<vmem_shared>>
      tpu.enqueue_indirect_dma source(%arg10 : memref<128x64xf32, #tpu.memory_space<vmem>>) target(%dma_start3A_363 : memref<10240x64xf32, #tpu.memory_space<vmem_shared>>) offsets(%dma_start3A_360 : memref<128xi32, #tpu.memory_space<vmem>>) semaphore(%run_scoped3A_357 : memref<!tpu.dma_semaphore, #tpu.memory_space<semaphore_mem>>) {add = true}
      %dma_wait3A_364 = arith.constant 0 : i32
      %dma_wait3A_365 = tpu.memref_slice %arg8[%run_scoped3A_71, %dma_wait3A_364] : memref<16x128xi32, #tpu.memory_space<vmem>> -> memref<1x128xi32, #tpu.memory_space<vmem>>
      %dma_wait3A_366 = tpu.memref_squeeze %dma_wait3A_365 : memref<1x128xi32, #tpu.memory_space<vmem>> -> memref<128xi32, #tpu.memory_space<vmem>>
      %dma_wait3A_367 = arith.constant 0 : i32
      %dma_wait3A_368 = arith.constant 0 : i32
      %dma_wait3A_369 = tpu.memref_slice %arg12[%dma_wait3A_367, %dma_wait3A_368] : memref<10240x64xf32, #tpu.memory_space<vmem_shared>> -> memref<10240x64xf32, #tpu.memory_space<vmem_shared>>
      tpu.wait_indirect_dma semaphore(%run_scoped3A_357 : memref<!tpu.dma_semaphore, #tpu.memory_space<semaphore_mem>>) src(%arg10 : memref<128x64xf32, #tpu.memory_space<vmem>>) dst(%dma_wait3A_369 : memref<10240x64xf32, #tpu.memory_space<vmem_shared>>)
      tpu.yield
    }) : () -> ()
    "tpu.region"() ({
      %run_scoped3A_357 = tpu.sem_alloc : memref<!tpu.dma_semaphore, #tpu.memory_space<semaphore_mem>>
      %dma_start3A_358 = arith.constant 32 : i32
      %dma_start3A_359 = arith.constant 0 : i32
      %dma_start3A_360 = tpu.memref_slice %arg3[%arg1, %dma_start3A_358, %dma_start3A_359] : memref<32x80x128xi32, #tpu.memory_space<hbm>> -> memref<1x16x128xi32, #tpu.memory_space<hbm>>
      %dma_start3A_361 = tpu.memref_squeeze %dma_start3A_360 : memref<1x16x128xi32, #tpu.memory_space<hbm>> -> memref<16x128xi32, #tpu.memory_space<hbm>>
      %dma_start3A_362 = arith.constant 32 : i32
      %dma_start3A_363 = arith.constant 0 : i32
      %dma_start3A_364 = tpu.memref_slice %arg3[%arg1, %dma_start3A_362, %dma_start3A_363] : memref<32x80x128xi32, #tpu.memory_space<hbm>> -> memref<1x16x128xi32, #tpu.memory_space<hbm>>
      %dma_start3A_365 = tpu.memref_squeeze %dma_start3A_364 : memref<1x16x128xi32, #tpu.memory_space<hbm>> -> memref<16x128xi32, #tpu.memory_space<hbm>>
      tpu.enqueue_dma source(%dma_start3A_365 : memref<16x128xi32, #tpu.memory_space<hbm>>) target(%arg7 : memref<16x128xi32, #tpu.memory_space<vmem>>) target_semaphore(%run_scoped3A_357 : memref<!tpu.dma_semaphore, #tpu.memory_space<semaphore_mem>>)
      %dma_wait3A_366 = arith.constant 32 : i32
      %dma_wait3A_367 = arith.constant 0 : i32
      %dma_wait3A_368 = tpu.memref_slice %arg3[%arg1, %dma_wait3A_366, %dma_wait3A_367] : memref<32x80x128xi32, #tpu.memory_space<hbm>> -> memref<1x16x128xi32, #tpu.memory_space<hbm>>
      %dma_wait3A_369 = tpu.memref_squeeze %dma_wait3A_368 : memref<1x16x128xi32, #tpu.memory_space<hbm>> -> memref<16x128xi32, #tpu.memory_space<hbm>>
      %dma_wait3A_370 = arith.constant 32 : i32
      %dma_wait3A_371 = arith.constant 0 : i32
      %dma_wait3A_372 = tpu.memref_slice %arg3[%arg1, %dma_wait3A_370, %dma_wait3A_371] : memref<32x80x128xi32, #tpu.memory_space<hbm>> -> memref<1x16x128xi32, #tpu.memory_space<hbm>>
      %dma_wait3A_373 = tpu.memref_squeeze %dma_wait3A_372 : memref<1x16x128xi32, #tpu.memory_space<hbm>> -> memref<16x128xi32, #tpu.memory_space<hbm>>
      tpu.wait_dma2 semaphore(%run_scoped3A_357 : memref<!tpu.dma_semaphore, #tpu.memory_space<semaphore_mem>>) src(%dma_wait3A_373 : memref<16x128xi32, #tpu.memory_space<hbm>>) dst(%arg7 : memref<16x128xi32, #tpu.memory_space<vmem>>)
      tpu.yield
    }) : () -> ()
    "tpu.region"() ({
      %run_scoped3A_357 = tpu.sem_alloc : memref<!tpu.dma_semaphore, #tpu.memory_space<semaphore_mem>>
      %dma_start3A_358 = arith.constant 32 : i32
      %dma_start3A_359 = arith.constant 0 : i32
      %dma_start3A_360 = tpu.memref_slice %arg4[%arg1, %dma_start3A_358, %dma_start3A_359] : memref<32x80x128xi32, #tpu.memory_space<hbm>> -> memref<1x16x128xi32, #tpu.memory_space<hbm>>
      %dma_start3A_361 = tpu.memref_squeeze %dma_start3A_360 : memref<1x16x128xi32, #tpu.memory_space<hbm>> -> memref<16x128xi32, #tpu.memory_space<hbm>>
      %dma_start3A_362 = arith.constant 32 : i32
      %dma_start3A_363 = arith.constant 0 : i32
      %dma_start3A_364 = tpu.memref_slice %arg4[%arg1, %dma_start3A_362, %dma_start3A_363] : memref<32x80x128xi32, #tpu.memory_space<hbm>> -> memref<1x16x128xi32, #tpu.memory_space<hbm>>
      %dma_start3A_365 = tpu.memref_squeeze %dma_start3A_364 : memref<1x16x128xi32, #tpu.memory_space<hbm>> -> memref<16x128xi32, #tpu.memory_space<hbm>>
      tpu.enqueue_dma source(%dma_start3A_365 : memref<16x128xi32, #tpu.memory_space<hbm>>) target(%arg8 : memref<16x128xi32, #tpu.memory_space<vmem>>) target_semaphore(%run_scoped3A_357 : memref<!tpu.dma_semaphore, #tpu.memory_space<semaphore_mem>>)
      %dma_wait3A_366 = arith.constant 32 : i32
      %dma_wait3A_367 = arith.constant 0 : i32
      %dma_wait3A_368 = tpu.memref_slice %arg4[%arg1, %dma_wait3A_366, %dma_wait3A_367] : memref<32x80x128xi32, #tpu.memory_space<hbm>> -> memref<1x16x128xi32, #tpu.memory_space<hbm>>
      %dma_wait3A_369 = tpu.memref_squeeze %dma_wait3A_368 : memref<1x16x128xi32, #tpu.memory_space<hbm>> -> memref<16x128xi32, #tpu.memory_space<hbm>>
      %dma_wait3A_370 = arith.constant 32 : i32
      %dma_wait3A_371 = arith.constant 0 : i32
      %dma_wait3A_372 = tpu.memref_slice %arg4[%arg1, %dma_wait3A_370, %dma_wait3A_371] : memref<32x80x128xi32, #tpu.memory_space<hbm>> -> memref<1x16x128xi32, #tpu.memory_space<hbm>>
      %dma_wait3A_373 = tpu.memref_squeeze %dma_wait3A_372 : memref<1x16x128xi32, #tpu.memory_space<hbm>> -> memref<16x128xi32, #tpu.memory_space<hbm>>
      tpu.wait_dma2 semaphore(%run_scoped3A_357 : memref<!tpu.dma_semaphore, #tpu.memory_space<semaphore_mem>>) src(%dma_wait3A_373 : memref<16x128xi32, #tpu.memory_space<hbm>>) dst(%arg8 : memref<16x128xi32, #tpu.memory_space<vmem>>)
      tpu.yield
    }) : () -> ()
    %dma_start3A_72 = arith.constant 0 : i32
    %dma_start3A_73 = arith.constant 0 : i32
    %dma_start3A_74 = tpu.memref_slice %arg7[%dma_start3A_72, %dma_start3A_73] : memref<16x128xi32, #tpu.memory_space<vmem>> -> memref<1x128xi32, #tpu.memory_space<vmem>>
    %dma_start3A_75 = tpu.memref_squeeze %dma_start3A_74 : memref<1x128xi32, #tpu.memory_space<vmem>> -> memref<128xi32, #tpu.memory_space<vmem>>
    %dma_start3A_76 = arith.constant 0 : i32
    %dma_start3A_77 = arith.constant 0 : i32
    %dma_start3A_78 = tpu.memref_slice %arg11[%dma_start3A_76, %dma_start3A_77] : memref<10240x64xf32, #tpu.memory_space<vmem_shared>> -> memref<10240x64xf32, #tpu.memory_space<vmem_shared>>
    tpu.enqueue_indirect_dma source(%dma_start3A_78 : memref<10240x64xf32, #tpu.memory_space<vmem_shared>>) target(%arg9 : memref<128x64xf32, #tpu.memory_space<vmem>>) offsets(%dma_start3A_75 : memref<128xi32, #tpu.memory_space<vmem>>) semaphore(%arg13 : memref<!tpu.dma_semaphore, #tpu.memory_space<semaphore_mem>>)
    %scan3A_79 = arith.constant 0 : i32
    %scan3A_80 = arith.constant 7 : i32
    %scan3A_81 = arith.addi %scan3A_79, %scan3A_80 : i32
    %scan3A_82 = arith.constant 1 : i32
    scf.for %scan3A_357 = %scan3A_79 to %scan3A_81 step %scan3A_82  : i32 {
      %mul3A_358 = arith.constant 2 : i32
      %mul3A_359 = arith.muli %scan3A_357, %mul3A_358 : i32
      %add3A_360 = arith.constant 0 : i32
      %add3A_361 = arith.addi %add3A_360, %mul3A_359 : i32
      %add3A_362 = arith.constant 0 : i32
      %add3A_363 = arith.addi %add3A_361, %add3A_362 : i32
      %add3A_364 = arith.constant 2 : i32
      %add3A_365 = arith.addi %add3A_363, %add3A_364 : i32
      %sub3A = arith.constant 1 : i32
      %sub3A_366 = arith.subi %add3A_365, %sub3A : i32
      %dma_start3A_367 = arith.constant 0 : i32
      %dma_start3A_368 = tpu.memref_slice %arg7[%sub3A_366, %dma_start3A_367] : memref<16x128xi32, #tpu.memory_space<vmem>> -> memref<1x128xi32, #tpu.memory_space<vmem>>
      %dma_start3A_369 = tpu.memref_squeeze %dma_start3A_368 : memref<1x128xi32, #tpu.memory_space<vmem>> -> memref<128xi32, #tpu.memory_space<vmem>>
      %dma_start3A_370 = arith.constant 0 : i32
      %dma_start3A_371 = arith.constant 0 : i32
      %dma_start3A_372 = tpu.memref_slice %arg11[%dma_start3A_370, %dma_start3A_371] : memref<10240x64xf32, #tpu.memory_space<vmem_shared>> -> memref<10240x64xf32, #tpu.memory_space<vmem_shared>>
      tpu.enqueue_indirect_dma source(%dma_start3A_372 : memref<10240x64xf32, #tpu.memory_space<vmem_shared>>) target(%arg10 : memref<128x64xf32, #tpu.memory_space<vmem>>) offsets(%dma_start3A_369 : memref<128xi32, #tpu.memory_space<vmem>>) semaphore(%arg14 : memref<!tpu.dma_semaphore, #tpu.memory_space<semaphore_mem>>)
      %add3A_373 = arith.constant 0 : i32
      %add3A_374 = arith.addi %add3A_361, %add3A_373 : i32
      %dma_wait3A_375 = arith.constant 0 : i32
      %dma_wait3A_376 = arith.constant 0 : i32
      %dma_wait3A_377 = tpu.memref_slice %arg7[%dma_wait3A_375, %dma_wait3A_376] : memref<16x128xi32, #tpu.memory_space<vmem>> -> memref<1x128xi32, #tpu.memory_space<vmem>>
      %dma_wait3A_378 = tpu.memref_squeeze %dma_wait3A_377 : memref<1x128xi32, #tpu.memory_space<vmem>> -> memref<128xi32, #tpu.memory_space<vmem>>
      %dma_wait3A_379 = arith.constant 0 : i32
      %dma_wait3A_380 = arith.constant 0 : i32
      %dma_wait3A_381 = tpu.memref_slice %arg11[%dma_wait3A_379, %dma_wait3A_380] : memref<10240x64xf32, #tpu.memory_space<vmem_shared>> -> memref<10240x64xf32, #tpu.memory_space<vmem_shared>>
      tpu.wait_indirect_dma semaphore(%arg13 : memref<!tpu.dma_semaphore, #tpu.memory_space<semaphore_mem>>) src(%dma_wait3A_381 : memref<10240x64xf32, #tpu.memory_space<vmem_shared>>) dst(%arg9 : memref<128x64xf32, #tpu.memory_space<vmem>>)
      "tpu.region"() ({
        %run_scoped3A_403 = tpu.sem_alloc : memref<!tpu.dma_semaphore, #tpu.memory_space<semaphore_mem>>
        %dma_start3A_404 = arith.constant 0 : i32
        %dma_start3A_405 = tpu.memref_slice %arg8[%add3A_374, %dma_start3A_404] : memref<16x128xi32, #tpu.memory_space<vmem>> -> memref<1x128xi32, #tpu.memory_space<vmem>>
        %dma_start3A_406 = tpu.memref_squeeze %dma_start3A_405 : memref<1x128xi32, #tpu.memory_space<vmem>> -> memref<128xi32, #tpu.memory_space<vmem>>
        %dma_start3A_407 = arith.constant 0 : i32
        %dma_start3A_408 = arith.constant 0 : i32
        %dma_start3A_409 = tpu.memref_slice %arg12[%dma_start3A_407, %dma_start3A_408] : memref<10240x64xf32, #tpu.memory_space<vmem_shared>> -> memref<10240x64xf32, #tpu.memory_space<vmem_shared>>
        tpu.enqueue_indirect_dma source(%arg9 : memref<128x64xf32, #tpu.memory_space<vmem>>) target(%dma_start3A_409 : memref<10240x64xf32, #tpu.memory_space<vmem_shared>>) offsets(%dma_start3A_406 : memref<128xi32, #tpu.memory_space<vmem>>) semaphore(%run_scoped3A_403 : memref<!tpu.dma_semaphore, #tpu.memory_space<semaphore_mem>>) {add = true}
        %dma_wait3A_410 = arith.constant 0 : i32
        %dma_wait3A_411 = tpu.memref_slice %arg8[%add3A_374, %dma_wait3A_410] : memref<16x128xi32, #tpu.memory_space<vmem>> -> memref<1x128xi32, #tpu.memory_space<vmem>>
        %dma_wait3A_412 = tpu.memref_squeeze %dma_wait3A_411 : memref<1x128xi32, #tpu.memory_space<vmem>> -> memref<128xi32, #tpu.memory_space<vmem>>
        %dma_wait3A_413 = arith.constant 0 : i32
        %dma_wait3A_414 = arith.constant 0 : i32
        %dma_wait3A_415 = tpu.memref_slice %arg12[%dma_wait3A_413, %dma_wait3A_414] : memref<10240x64xf32, #tpu.memory_space<vmem_shared>> -> memref<10240x64xf32, #tpu.memory_space<vmem_shared>>
        tpu.wait_indirect_dma semaphore(%run_scoped3A_403 : memref<!tpu.dma_semaphore, #tpu.memory_space<semaphore_mem>>) src(%arg9 : memref<128x64xf32, #tpu.memory_space<vmem>>) dst(%dma_wait3A_415 : memref<10240x64xf32, #tpu.memory_space<vmem_shared>>)
        tpu.yield
      }) : () -> ()
      %add3A_382 = arith.constant 1 : i32
      %add3A_383 = arith.addi %add3A_361, %add3A_382 : i32
      %add3A_384 = arith.constant 2 : i32
      %add3A_385 = arith.addi %add3A_383, %add3A_384 : i32
      %sub3A_386 = arith.constant 1 : i32
      %sub3A_387 = arith.subi %add3A_385, %sub3A_386 : i32
      %dma_start3A_388 = arith.constant 0 : i32
      %dma_start3A_389 = tpu.memref_slice %arg7[%sub3A_387, %dma_start3A_388] : memref<16x128xi32, #tpu.memory_space<vmem>> -> memref<1x128xi32, #tpu.memory_space<vmem>>
      %dma_start3A_390 = tpu.memref_squeeze %dma_start3A_389 : memref<1x128xi32, #tpu.memory_space<vmem>> -> memref<128xi32, #tpu.memory_space<vmem>>
      %dma_start3A_391 = arith.constant 0 : i32
      %dma_start3A_392 = arith.constant 0 : i32
      %dma_start3A_393 = tpu.memref_slice %arg11[%dma_start3A_391, %dma_start3A_392] : memref<10240x64xf32, #tpu.memory_space<vmem_shared>> -> memref<10240x64xf32, #tpu.memory_space<vmem_shared>>
      tpu.enqueue_indirect_dma source(%dma_start3A_393 : memref<10240x64xf32, #tpu.memory_space<vmem_shared>>) target(%arg9 : memref<128x64xf32, #tpu.memory_space<vmem>>) offsets(%dma_start3A_390 : memref<128xi32, #tpu.memory_space<vmem>>) semaphore(%arg13 : memref<!tpu.dma_semaphore, #tpu.memory_space<semaphore_mem>>)
      %add3A_394 = arith.constant 1 : i32
      %add3A_395 = arith.addi %add3A_361, %add3A_394 : i32
      %dma_wait3A_396 = arith.constant 0 : i32
      %dma_wait3A_397 = arith.constant 0 : i32
      %dma_wait3A_398 = tpu.memref_slice %arg7[%dma_wait3A_396, %dma_wait3A_397] : memref<16x128xi32, #tpu.memory_space<vmem>> -> memref<1x128xi32, #tpu.memory_space<vmem>>
      %dma_wait3A_399 = tpu.memref_squeeze %dma_wait3A_398 : memref<1x128xi32, #tpu.memory_space<vmem>> -> memref<128xi32, #tpu.memory_space<vmem>>
      %dma_wait3A_400 = arith.constant 0 : i32
      %dma_wait3A_401 = arith.constant 0 : i32
      %dma_wait3A_402 = tpu.memref_slice %arg11[%dma_wait3A_400, %dma_wait3A_401] : memref<10240x64xf32, #tpu.memory_space<vmem_shared>> -> memref<10240x64xf32, #tpu.memory_space<vmem_shared>>
      tpu.wait_indirect_dma semaphore(%arg14 : memref<!tpu.dma_semaphore, #tpu.memory_space<semaphore_mem>>) src(%dma_wait3A_402 : memref<10240x64xf32, #tpu.memory_space<vmem_shared>>) dst(%arg10 : memref<128x64xf32, #tpu.memory_space<vmem>>)
      "tpu.region"() ({
        %run_scoped3A_403 = tpu.sem_alloc : memref<!tpu.dma_semaphore, #tpu.memory_space<semaphore_mem>>
        %dma_start3A_404 = arith.constant 0 : i32
        %dma_start3A_405 = tpu.memref_slice %arg8[%add3A_395, %dma_start3A_404] : memref<16x128xi32, #tpu.memory_space<vmem>> -> memref<1x128xi32, #tpu.memory_space<vmem>>
        %dma_start3A_406 = tpu.memref_squeeze %dma_start3A_405 : memref<1x128xi32, #tpu.memory_space<vmem>> -> memref<128xi32, #tpu.memory_space<vmem>>
        %dma_start3A_407 = arith.constant 0 : i32
        %dma_start3A_408 = arith.constant 0 : i32
        %dma_start3A_409 = tpu.memref_slice %arg12[%dma_start3A_407, %dma_start3A_408] : memref<10240x64xf32, #tpu.memory_space<vmem_shared>> -> memref<10240x64xf32, #tpu.memory_space<vmem_shared>>
        tpu.enqueue_indirect_dma source(%arg10 : memref<128x64xf32, #tpu.memory_space<vmem>>) target(%dma_start3A_409 : memref<10240x64xf32, #tpu.memory_space<vmem_shared>>) offsets(%dma_start3A_406 : memref<128xi32, #tpu.memory_space<vmem>>) semaphore(%run_scoped3A_403 : memref<!tpu.dma_semaphore, #tpu.memory_space<semaphore_mem>>) {add = true}
        %dma_wait3A_410 = arith.constant 0 : i32
        %dma_wait3A_411 = tpu.memref_slice %arg8[%add3A_395, %dma_wait3A_410] : memref<16x128xi32, #tpu.memory_space<vmem>> -> memref<1x128xi32, #tpu.memory_space<vmem>>
        %dma_wait3A_412 = tpu.memref_squeeze %dma_wait3A_411 : memref<1x128xi32, #tpu.memory_space<vmem>> -> memref<128xi32, #tpu.memory_space<vmem>>
        %dma_wait3A_413 = arith.constant 0 : i32
        %dma_wait3A_414 = arith.constant 0 : i32
        %dma_wait3A_415 = tpu.memref_slice %arg12[%dma_wait3A_413, %dma_wait3A_414] : memref<10240x64xf32, #tpu.memory_space<vmem_shared>> -> memref<10240x64xf32, #tpu.memory_space<vmem_shared>>
        tpu.wait_indirect_dma semaphore(%run_scoped3A_403 : memref<!tpu.dma_semaphore, #tpu.memory_space<semaphore_mem>>) src(%arg10 : memref<128x64xf32, #tpu.memory_space<vmem>>) dst(%dma_wait3A_415 : memref<10240x64xf32, #tpu.memory_space<vmem_shared>>)
        tpu.yield
      }) : () -> ()
    }
    %scan3A_83 = arith.constant 7 : i32
    %dma_start3A_84 = arith.constant 15 : i32
    %dma_start3A_85 = arith.constant 0 : i32
    %dma_start3A_86 = tpu.memref_slice %arg7[%dma_start3A_84, %dma_start3A_85] : memref<16x128xi32, #tpu.memory_space<vmem>> -> memref<1x128xi32, #tpu.memory_space<vmem>>
    %dma_start3A_87 = tpu.memref_squeeze %dma_start3A_86 : memref<1x128xi32, #tpu.memory_space<vmem>> -> memref<128xi32, #tpu.memory_space<vmem>>
    %dma_start3A_88 = arith.constant 0 : i32
    %dma_start3A_89 = arith.constant 0 : i32
    %dma_start3A_90 = tpu.memref_slice %arg11[%dma_start3A_88, %dma_start3A_89] : memref<10240x64xf32, #tpu.memory_space<vmem_shared>> -> memref<10240x64xf32, #tpu.memory_space<vmem_shared>>
    tpu.enqueue_indirect_dma source(%dma_start3A_90 : memref<10240x64xf32, #tpu.memory_space<vmem_shared>>) target(%arg10 : memref<128x64xf32, #tpu.memory_space<vmem>>) offsets(%dma_start3A_87 : memref<128xi32, #tpu.memory_space<vmem>>) semaphore(%arg14 : memref<!tpu.dma_semaphore, #tpu.memory_space<semaphore_mem>>)
    %dma_wait3A_91 = arith.constant 0 : i32
    %dma_wait3A_92 = arith.constant 0 : i32
    %dma_wait3A_93 = tpu.memref_slice %arg7[%dma_wait3A_91, %dma_wait3A_92] : memref<16x128xi32, #tpu.memory_space<vmem>> -> memref<1x128xi32, #tpu.memory_space<vmem>>
    %dma_wait3A_94 = tpu.memref_squeeze %dma_wait3A_93 : memref<1x128xi32, #tpu.memory_space<vmem>> -> memref<128xi32, #tpu.memory_space<vmem>>
    %dma_wait3A_95 = arith.constant 0 : i32
    %dma_wait3A_96 = arith.constant 0 : i32
    %dma_wait3A_97 = tpu.memref_slice %arg11[%dma_wait3A_95, %dma_wait3A_96] : memref<10240x64xf32, #tpu.memory_space<vmem_shared>> -> memref<10240x64xf32, #tpu.memory_space<vmem_shared>>
    tpu.wait_indirect_dma semaphore(%arg13 : memref<!tpu.dma_semaphore, #tpu.memory_space<semaphore_mem>>) src(%dma_wait3A_97 : memref<10240x64xf32, #tpu.memory_space<vmem_shared>>) dst(%arg9 : memref<128x64xf32, #tpu.memory_space<vmem>>)
    %run_scoped3A_98 = arith.constant 14 : i32
    "tpu.region"() ({
      %run_scoped3A_357 = tpu.sem_alloc : memref<!tpu.dma_semaphore, #tpu.memory_space<semaphore_mem>>
      %dma_start3A_358 = arith.constant 0 : i32
      %dma_start3A_359 = tpu.memref_slice %arg8[%run_scoped3A_98, %dma_start3A_358] : memref<16x128xi32, #tpu.memory_space<vmem>> -> memref<1x128xi32, #tpu.memory_space<vmem>>
      %dma_start3A_360 = tpu.memref_squeeze %dma_start3A_359 : memref<1x128xi32, #tpu.memory_space<vmem>> -> memref<128xi32, #tpu.memory_space<vmem>>
      %dma_start3A_361 = arith.constant 0 : i32
      %dma_start3A_362 = arith.constant 0 : i32
      %dma_start3A_363 = tpu.memref_slice %arg12[%dma_start3A_361, %dma_start3A_362] : memref<10240x64xf32, #tpu.memory_space<vmem_shared>> -> memref<10240x64xf32, #tpu.memory_space<vmem_shared>>
      tpu.enqueue_indirect_dma source(%arg9 : memref<128x64xf32, #tpu.memory_space<vmem>>) target(%dma_start3A_363 : memref<10240x64xf32, #tpu.memory_space<vmem_shared>>) offsets(%dma_start3A_360 : memref<128xi32, #tpu.memory_space<vmem>>) semaphore(%run_scoped3A_357 : memref<!tpu.dma_semaphore, #tpu.memory_space<semaphore_mem>>) {add = true}
      %dma_wait3A_364 = arith.constant 0 : i32
      %dma_wait3A_365 = tpu.memref_slice %arg8[%run_scoped3A_98, %dma_wait3A_364] : memref<16x128xi32, #tpu.memory_space<vmem>> -> memref<1x128xi32, #tpu.memory_space<vmem>>
      %dma_wait3A_366 = tpu.memref_squeeze %dma_wait3A_365 : memref<1x128xi32, #tpu.memory_space<vmem>> -> memref<128xi32, #tpu.memory_space<vmem>>
      %dma_wait3A_367 = arith.constant 0 : i32
      %dma_wait3A_368 = arith.constant 0 : i32
      %dma_wait3A_369 = tpu.memref_slice %arg12[%dma_wait3A_367, %dma_wait3A_368] : memref<10240x64xf32, #tpu.memory_space<vmem_shared>> -> memref<10240x64xf32, #tpu.memory_space<vmem_shared>>
      tpu.wait_indirect_dma semaphore(%run_scoped3A_357 : memref<!tpu.dma_semaphore, #tpu.memory_space<semaphore_mem>>) src(%arg9 : memref<128x64xf32, #tpu.memory_space<vmem>>) dst(%dma_wait3A_369 : memref<10240x64xf32, #tpu.memory_space<vmem_shared>>)
      tpu.yield
    }) : () -> ()
    %dma_wait3A_99 = arith.constant 0 : i32
    %dma_wait3A_100 = arith.constant 0 : i32
    %dma_wait3A_101 = tpu.memref_slice %arg7[%dma_wait3A_99, %dma_wait3A_100] : memref<16x128xi32, #tpu.memory_space<vmem>> -> memref<1x128xi32, #tpu.memory_space<vmem>>
    %dma_wait3A_102 = tpu.memref_squeeze %dma_wait3A_101 : memref<1x128xi32, #tpu.memory_space<vmem>> -> memref<128xi32, #tpu.memory_space<vmem>>
    %dma_wait3A_103 = arith.constant 0 : i32
    %dma_wait3A_104 = arith.constant 0 : i32
    %dma_wait3A_105 = tpu.memref_slice %arg11[%dma_wait3A_103, %dma_wait3A_104] : memref<10240x64xf32, #tpu.memory_space<vmem_shared>> -> memref<10240x64xf32, #tpu.memory_space<vmem_shared>>
    tpu.wait_indirect_dma semaphore(%arg14 : memref<!tpu.dma_semaphore, #tpu.memory_space<semaphore_mem>>) src(%dma_wait3A_105 : memref<10240x64xf32, #tpu.memory_space<vmem_shared>>) dst(%arg10 : memref<128x64xf32, #tpu.memory_space<vmem>>)
    %run_scoped3A_106 = arith.constant 15 : i32
    "tpu.region"() ({
      %run_scoped3A_357 = tpu.sem_alloc : memref<!tpu.dma_semaphore, #tpu.memory_space<semaphore_mem>>
      %dma_start3A_358 = arith.constant 0 : i32
      %dma_start3A_359 = tpu.memref_slice %arg8[%run_scoped3A_106, %dma_start3A_358] : memref<16x128xi32, #tpu.memory_space<vmem>> -> memref<1x128xi32, #tpu.memory_space<vmem>>
      %dma_start3A_360 = tpu.memref_squeeze %dma_start3A_359 : memref<1x128xi32, #tpu.memory_space<vmem>> -> memref<128xi32, #tpu.memory_space<vmem>>
      %dma_start3A_361 = arith.constant 0 : i32
      %dma_start3A_362 = arith.constant 0 : i32
      %dma_start3A_363 = tpu.memref_slice %arg12[%dma_start3A_361, %dma_start3A_362] : memref<10240x64xf32, #tpu.memory_space<vmem_shared>> -> memref<10240x64xf32, #tpu.memory_space<vmem_shared>>
      tpu.enqueue_indirect_dma source(%arg10 : memref<128x64xf32, #tpu.memory_space<vmem>>) target(%dma_start3A_363 : memref<10240x64xf32, #tpu.memory_space<vmem_shared>>) offsets(%dma_start3A_360 : memref<128xi32, #tpu.memory_space<vmem>>) semaphore(%run_scoped3A_357 : memref<!tpu.dma_semaphore, #tpu.memory_space<semaphore_mem>>) {add = true}
      %dma_wait3A_364 = arith.constant 0 : i32
      %dma_wait3A_365 = tpu.memref_slice %arg8[%run_scoped3A_106, %dma_wait3A_364] : memref<16x128xi32, #tpu.memory_space<vmem>> -> memref<1x128xi32, #tpu.memory_space<vmem>>
      %dma_wait3A_366 = tpu.memref_squeeze %dma_wait3A_365 : memref<1x128xi32, #tpu.memory_space<vmem>> -> memref<128xi32, #tpu.memory_space<vmem>>
      %dma_wait3A_367 = arith.constant 0 : i32
      %dma_wait3A_368 = arith.constant 0 : i32
      %dma_wait3A_369 = tpu.memref_slice %arg12[%dma_wait3A_367, %dma_wait3A_368] : memref<10240x64xf32, #tpu.memory_space<vmem_shared>> -> memref<10240x64xf32, #tpu.memory_space<vmem_shared>>
      tpu.wait_indirect_dma semaphore(%run_scoped3A_357 : memref<!tpu.dma_semaphore, #tpu.memory_space<semaphore_mem>>) src(%arg10 : memref<128x64xf32, #tpu.memory_space<vmem>>) dst(%dma_wait3A_369 : memref<10240x64xf32, #tpu.memory_space<vmem_shared>>)
      tpu.yield
    }) : () -> ()
    "tpu.region"() ({
      %run_scoped3A_357 = tpu.sem_alloc : memref<!tpu.dma_semaphore, #tpu.memory_space<semaphore_mem>>
      %dma_start3A_358 = arith.constant 48 : i32
      %dma_start3A_359 = arith.constant 0 : i32
      %dma_start3A_360 = tpu.memref_slice %arg3[%arg1, %dma_start3A_358, %dma_start3A_359] : memref<32x80x128xi32, #tpu.memory_space<hbm>> -> memref<1x16x128xi32, #tpu.memory_space<hbm>>
      %dma_start3A_361 = tpu.memref_squeeze %dma_start3A_360 : memref<1x16x128xi32, #tpu.memory_space<hbm>> -> memref<16x128xi32, #tpu.memory_space<hbm>>
      %dma_start3A_362 = arith.constant 48 : i32
      %dma_start3A_363 = arith.constant 0 : i32
      %dma_start3A_364 = tpu.memref_slice %arg3[%arg1, %dma_start3A_362, %dma_start3A_363] : memref<32x80x128xi32, #tpu.memory_space<hbm>> -> memref<1x16x128xi32, #tpu.memory_space<hbm>>
      %dma_start3A_365 = tpu.memref_squeeze %dma_start3A_364 : memref<1x16x128xi32, #tpu.memory_space<hbm>> -> memref<16x128xi32, #tpu.memory_space<hbm>>
      tpu.enqueue_dma source(%dma_start3A_365 : memref<16x128xi32, #tpu.memory_space<hbm>>) target(%arg7 : memref<16x128xi32, #tpu.memory_space<vmem>>) target_semaphore(%run_scoped3A_357 : memref<!tpu.dma_semaphore, #tpu.memory_space<semaphore_mem>>)
      %dma_wait3A_366 = arith.constant 48 : i32
      %dma_wait3A_367 = arith.constant 0 : i32
      %dma_wait3A_368 = tpu.memref_slice %arg3[%arg1, %dma_wait3A_366, %dma_wait3A_367] : memref<32x80x128xi32, #tpu.memory_space<hbm>> -> memref<1x16x128xi32, #tpu.memory_space<hbm>>
      %dma_wait3A_369 = tpu.memref_squeeze %dma_wait3A_368 : memref<1x16x128xi32, #tpu.memory_space<hbm>> -> memref<16x128xi32, #tpu.memory_space<hbm>>
      %dma_wait3A_370 = arith.constant 48 : i32
      %dma_wait3A_371 = arith.constant 0 : i32
      %dma_wait3A_372 = tpu.memref_slice %arg3[%arg1, %dma_wait3A_370, %dma_wait3A_371] : memref<32x80x128xi32, #tpu.memory_space<hbm>> -> memref<1x16x128xi32, #tpu.memory_space<hbm>>
      %dma_wait3A_373 = tpu.memref_squeeze %dma_wait3A_372 : memref<1x16x128xi32, #tpu.memory_space<hbm>> -> memref<16x128xi32, #tpu.memory_space<hbm>>
      tpu.wait_dma2 semaphore(%run_scoped3A_357 : memref<!tpu.dma_semaphore, #tpu.memory_space<semaphore_mem>>) src(%dma_wait3A_373 : memref<16x128xi32, #tpu.memory_space<hbm>>) dst(%arg7 : memref<16x128xi32, #tpu.memory_space<vmem>>)
      tpu.yield
    }) : () -> ()
    "tpu.region"() ({
      %run_scoped3A_357 = tpu.sem_alloc : memref<!tpu.dma_semaphore, #tpu.memory_space<semaphore_mem>>
      %dma_start3A_358 = arith.constant 48 : i32
      %dma_start3A_359 = arith.constant 0 : i32
      %dma_start3A_360 = tpu.memref_slice %arg4[%arg1, %dma_start3A_358, %dma_start3A_359] : memref<32x80x128xi32, #tpu.memory_space<hbm>> -> memref<1x16x128xi32, #tpu.memory_space<hbm>>
      %dma_start3A_361 = tpu.memref_squeeze %dma_start3A_360 : memref<1x16x128xi32, #tpu.memory_space<hbm>> -> memref<16x128xi32, #tpu.memory_space<hbm>>
      %dma_start3A_362 = arith.constant 48 : i32
      %dma_start3A_363 = arith.constant 0 : i32
      %dma_start3A_364 = tpu.memref_slice %arg4[%arg1, %dma_start3A_362, %dma_start3A_363] : memref<32x80x128xi32, #tpu.memory_space<hbm>> -> memref<1x16x128xi32, #tpu.memory_space<hbm>>
      %dma_start3A_365 = tpu.memref_squeeze %dma_start3A_364 : memref<1x16x128xi32, #tpu.memory_space<hbm>> -> memref<16x128xi32, #tpu.memory_space<hbm>>
      tpu.enqueue_dma source(%dma_start3A_365 : memref<16x128xi32, #tpu.memory_space<hbm>>) target(%arg8 : memref<16x128xi32, #tpu.memory_space<vmem>>) target_semaphore(%run_scoped3A_357 : memref<!tpu.dma_semaphore, #tpu.memory_space<semaphore_mem>>)
      %dma_wait3A_366 = arith.constant 48 : i32
      %dma_wait3A_367 = arith.constant 0 : i32
      %dma_wait3A_368 = tpu.memref_slice %arg4[%arg1, %dma_wait3A_366, %dma_wait3A_367] : memref<32x80x128xi32, #tpu.memory_space<hbm>> -> memref<1x16x128xi32, #tpu.memory_space<hbm>>
      %dma_wait3A_369 = tpu.memref_squeeze %dma_wait3A_368 : memref<1x16x128xi32, #tpu.memory_space<hbm>> -> memref<16x128xi32, #tpu.memory_space<hbm>>
      %dma_wait3A_370 = arith.constant 48 : i32
      %dma_wait3A_371 = arith.constant 0 : i32
      %dma_wait3A_372 = tpu.memref_slice %arg4[%arg1, %dma_wait3A_370, %dma_wait3A_371] : memref<32x80x128xi32, #tpu.memory_space<hbm>> -> memref<1x16x128xi32, #tpu.memory_space<hbm>>
      %dma_wait3A_373 = tpu.memref_squeeze %dma_wait3A_372 : memref<1x16x128xi32, #tpu.memory_space<hbm>> -> memref<16x128xi32, #tpu.memory_space<hbm>>
      tpu.wait_dma2 semaphore(%run_scoped3A_357 : memref<!tpu.dma_semaphore, #tpu.memory_space<semaphore_mem>>) src(%dma_wait3A_373 : memref<16x128xi32, #tpu.memory_space<hbm>>) dst(%arg8 : memref<16x128xi32, #tpu.memory_space<vmem>>)
      tpu.yield
    }) : () -> ()
    %dma_start3A_107 = arith.constant 0 : i32
    %dma_start3A_108 = arith.constant 0 : i32
    %dma_start3A_109 = tpu.memref_slice %arg7[%dma_start3A_107, %dma_start3A_108] : memref<16x128xi32, #tpu.memory_space<vmem>> -> memref<1x128xi32, #tpu.memory_space<vmem>>
    %dma_start3A_110 = tpu.memref_squeeze %dma_start3A_109 : memref<1x128xi32, #tpu.memory_space<vmem>> -> memref<128xi32, #tpu.memory_space<vmem>>
    %dma_start3A_111 = arith.constant 0 : i32
    %dma_start3A_112 = arith.constant 0 : i32
    %dma_start3A_113 = tpu.memref_slice %arg11[%dma_start3A_111, %dma_start3A_112] : memref<10240x64xf32, #tpu.memory_space<vmem_shared>> -> memref<10240x64xf32, #tpu.memory_space<vmem_shared>>
    tpu.enqueue_indirect_dma source(%dma_start3A_113 : memref<10240x64xf32, #tpu.memory_space<vmem_shared>>) target(%arg9 : memref<128x64xf32, #tpu.memory_space<vmem>>) offsets(%dma_start3A_110 : memref<128xi32, #tpu.memory_space<vmem>>) semaphore(%arg13 : memref<!tpu.dma_semaphore, #tpu.memory_space<semaphore_mem>>)
    %scan3A_114 = arith.constant 0 : i32
    %scan3A_115 = arith.constant 7 : i32
    %scan3A_116 = arith.addi %scan3A_114, %scan3A_115 : i32
    %scan3A_117 = arith.constant 1 : i32
    scf.for %scan3A_357 = %scan3A_114 to %scan3A_116 step %scan3A_117  : i32 {
      %mul3A_358 = arith.constant 2 : i32
      %mul3A_359 = arith.muli %scan3A_357, %mul3A_358 : i32
      %add3A_360 = arith.constant 0 : i32
      %add3A_361 = arith.addi %add3A_360, %mul3A_359 : i32
      %add3A_362 = arith.constant 0 : i32
      %add3A_363 = arith.addi %add3A_361, %add3A_362 : i32
      %add3A_364 = arith.constant 2 : i32
      %add3A_365 = arith.addi %add3A_363, %add3A_364 : i32
      %sub3A = arith.constant 1 : i32
      %sub3A_366 = arith.subi %add3A_365, %sub3A : i32
      %dma_start3A_367 = arith.constant 0 : i32
      %dma_start3A_368 = tpu.memref_slice %arg7[%sub3A_366, %dma_start3A_367] : memref<16x128xi32, #tpu.memory_space<vmem>> -> memref<1x128xi32, #tpu.memory_space<vmem>>
      %dma_start3A_369 = tpu.memref_squeeze %dma_start3A_368 : memref<1x128xi32, #tpu.memory_space<vmem>> -> memref<128xi32, #tpu.memory_space<vmem>>
      %dma_start3A_370 = arith.constant 0 : i32
      %dma_start3A_371 = arith.constant 0 : i32
      %dma_start3A_372 = tpu.memref_slice %arg11[%dma_start3A_370, %dma_start3A_371] : memref<10240x64xf32, #tpu.memory_space<vmem_shared>> -> memref<10240x64xf32, #tpu.memory_space<vmem_shared>>
      tpu.enqueue_indirect_dma source(%dma_start3A_372 : memref<10240x64xf32, #tpu.memory_space<vmem_shared>>) target(%arg10 : memref<128x64xf32, #tpu.memory_space<vmem>>) offsets(%dma_start3A_369 : memref<128xi32, #tpu.memory_space<vmem>>) semaphore(%arg14 : memref<!tpu.dma_semaphore, #tpu.memory_space<semaphore_mem>>)
      %add3A_373 = arith.constant 0 : i32
      %add3A_374 = arith.addi %add3A_361, %add3A_373 : i32
      %dma_wait3A_375 = arith.constant 0 : i32
      %dma_wait3A_376 = arith.constant 0 : i32
      %dma_wait3A_377 = tpu.memref_slice %arg7[%dma_wait3A_375, %dma_wait3A_376] : memref<16x128xi32, #tpu.memory_space<vmem>> -> memref<1x128xi32, #tpu.memory_space<vmem>>
      %dma_wait3A_378 = tpu.memref_squeeze %dma_wait3A_377 : memref<1x128xi32, #tpu.memory_space<vmem>> -> memref<128xi32, #tpu.memory_space<vmem>>
      %dma_wait3A_379 = arith.constant 0 : i32
      %dma_wait3A_380 = arith.constant 0 : i32
      %dma_wait3A_381 = tpu.memref_slice %arg11[%dma_wait3A_379, %dma_wait3A_380] : memref<10240x64xf32, #tpu.memory_space<vmem_shared>> -> memref<10240x64xf32, #tpu.memory_space<vmem_shared>>
      tpu.wait_indirect_dma semaphore(%arg13 : memref<!tpu.dma_semaphore, #tpu.memory_space<semaphore_mem>>) src(%dma_wait3A_381 : memref<10240x64xf32, #tpu.memory_space<vmem_shared>>) dst(%arg9 : memref<128x64xf32, #tpu.memory_space<vmem>>)
      "tpu.region"() ({
        %run_scoped3A_403 = tpu.sem_alloc : memref<!tpu.dma_semaphore, #tpu.memory_space<semaphore_mem>>
        %dma_start3A_404 = arith.constant 0 : i32
        %dma_start3A_405 = tpu.memref_slice %arg8[%add3A_374, %dma_start3A_404] : memref<16x128xi32, #tpu.memory_space<vmem>> -> memref<1x128xi32, #tpu.memory_space<vmem>>
        %dma_start3A_406 = tpu.memref_squeeze %dma_start3A_405 : memref<1x128xi32, #tpu.memory_space<vmem>> -> memref<128xi32, #tpu.memory_space<vmem>>
        %dma_start3A_407 = arith.constant 0 : i32
        %dma_start3A_408 = arith.constant 0 : i32
        %dma_start3A_409 = tpu.memref_slice %arg12[%dma_start3A_407, %dma_start3A_408] : memref<10240x64xf32, #tpu.memory_space<vmem_shared>> -> memref<10240x64xf32, #tpu.memory_space<vmem_shared>>
        tpu.enqueue_indirect_dma source(%arg9 : memref<128x64xf32, #tpu.memory_space<vmem>>) target(%dma_start3A_409 : memref<10240x64xf32, #tpu.memory_space<vmem_shared>>) offsets(%dma_start3A_406 : memref<128xi32, #tpu.memory_space<vmem>>) semaphore(%run_scoped3A_403 : memref<!tpu.dma_semaphore, #tpu.memory_space<semaphore_mem>>) {add = true}
        %dma_wait3A_410 = arith.constant 0 : i32
        %dma_wait3A_411 = tpu.memref_slice %arg8[%add3A_374, %dma_wait3A_410] : memref<16x128xi32, #tpu.memory_space<vmem>> -> memref<1x128xi32, #tpu.memory_space<vmem>>
        %dma_wait3A_412 = tpu.memref_squeeze %dma_wait3A_411 : memref<1x128xi32, #tpu.memory_space<vmem>> -> memref<128xi32, #tpu.memory_space<vmem>>
        %dma_wait3A_413 = arith.constant 0 : i32
        %dma_wait3A_414 = arith.constant 0 : i32
        %dma_wait3A_415 = tpu.memref_slice %arg12[%dma_wait3A_413, %dma_wait3A_414] : memref<10240x64xf32, #tpu.memory_space<vmem_shared>> -> memref<10240x64xf32, #tpu.memory_space<vmem_shared>>
        tpu.wait_indirect_dma semaphore(%run_scoped3A_403 : memref<!tpu.dma_semaphore, #tpu.memory_space<semaphore_mem>>) src(%arg9 : memref<128x64xf32, #tpu.memory_space<vmem>>) dst(%dma_wait3A_415 : memref<10240x64xf32, #tpu.memory_space<vmem_shared>>)
        tpu.yield
      }) : () -> ()
      %add3A_382 = arith.constant 1 : i32
      %add3A_383 = arith.addi %add3A_361, %add3A_382 : i32
      %add3A_384 = arith.constant 2 : i32
      %add3A_385 = arith.addi %add3A_383, %add3A_384 : i32
      %sub3A_386 = arith.constant 1 : i32
      %sub3A_387 = arith.subi %add3A_385, %sub3A_386 : i32
      %dma_start3A_388 = arith.constant 0 : i32
      %dma_start3A_389 = tpu.memref_slice %arg7[%sub3A_387, %dma_start3A_388] : memref<16x128xi32, #tpu.memory_space<vmem>> -> memref<1x128xi32, #tpu.memory_space<vmem>>
      %dma_start3A_390 = tpu.memref_squeeze %dma_start3A_389 : memref<1x128xi32, #tpu.memory_space<vmem>> -> memref<128xi32, #tpu.memory_space<vmem>>
      %dma_start3A_391 = arith.constant 0 : i32
      %dma_start3A_392 = arith.constant 0 : i32
      %dma_start3A_393 = tpu.memref_slice %arg11[%dma_start3A_391, %dma_start3A_392] : memref<10240x64xf32, #tpu.memory_space<vmem_shared>> -> memref<10240x64xf32, #tpu.memory_space<vmem_shared>>
      tpu.enqueue_indirect_dma source(%dma_start3A_393 : memref<10240x64xf32, #tpu.memory_space<vmem_shared>>) target(%arg9 : memref<128x64xf32, #tpu.memory_space<vmem>>) offsets(%dma_start3A_390 : memref<128xi32, #tpu.memory_space<vmem>>) semaphore(%arg13 : memref<!tpu.dma_semaphore, #tpu.memory_space<semaphore_mem>>)
      %add3A_394 = arith.constant 1 : i32
      %add3A_395 = arith.addi %add3A_361, %add3A_394 : i32
      %dma_wait3A_396 = arith.constant 0 : i32
      %dma_wait3A_397 = arith.constant 0 : i32
      %dma_wait3A_398 = tpu.memref_slice %arg7[%dma_wait3A_396, %dma_wait3A_397] : memref<16x128xi32, #tpu.memory_space<vmem>> -> memref<1x128xi32, #tpu.memory_space<vmem>>
      %dma_wait3A_399 = tpu.memref_squeeze %dma_wait3A_398 : memref<1x128xi32, #tpu.memory_space<vmem>> -> memref<128xi32, #tpu.memory_space<vmem>>
      %dma_wait3A_400 = arith.constant 0 : i32
      %dma_wait3A_401 = arith.constant 0 : i32
      %dma_wait3A_402 = tpu.memref_slice %arg11[%dma_wait3A_400, %dma_wait3A_401] : memref<10240x64xf32, #tpu.memory_space<vmem_shared>> -> memref<10240x64xf32, #tpu.memory_space<vmem_shared>>
      tpu.wait_indirect_dma semaphore(%arg14 : memref<!tpu.dma_semaphore, #tpu.memory_space<semaphore_mem>>) src(%dma_wait3A_402 : memref<10240x64xf32, #tpu.memory_space<vmem_shared>>) dst(%arg10 : memref<128x64xf32, #tpu.memory_space<vmem>>)
      "tpu.region"() ({
        %run_scoped3A_403 = tpu.sem_alloc : memref<!tpu.dma_semaphore, #tpu.memory_space<semaphore_mem>>
        %dma_start3A_404 = arith.constant 0 : i32
        %dma_start3A_405 = tpu.memref_slice %arg8[%add3A_395, %dma_start3A_404] : memref<16x128xi32, #tpu.memory_space<vmem>> -> memref<1x128xi32, #tpu.memory_space<vmem>>
        %dma_start3A_406 = tpu.memref_squeeze %dma_start3A_405 : memref<1x128xi32, #tpu.memory_space<vmem>> -> memref<128xi32, #tpu.memory_space<vmem>>
        %dma_start3A_407 = arith.constant 0 : i32
        %dma_start3A_408 = arith.constant 0 : i32
        %dma_start3A_409 = tpu.memref_slice %arg12[%dma_start3A_407, %dma_start3A_408] : memref<10240x64xf32, #tpu.memory_space<vmem_shared>> -> memref<10240x64xf32, #tpu.memory_space<vmem_shared>>
        tpu.enqueue_indirect_dma source(%arg10 : memref<128x64xf32, #tpu.memory_space<vmem>>) target(%dma_start3A_409 : memref<10240x64xf32, #tpu.memory_space<vmem_shared>>) offsets(%dma_start3A_406 : memref<128xi32, #tpu.memory_space<vmem>>) semaphore(%run_scoped3A_403 : memref<!tpu.dma_semaphore, #tpu.memory_space<semaphore_mem>>) {add = true}
        %dma_wait3A_410 = arith.constant 0 : i32
        %dma_wait3A_411 = tpu.memref_slice %arg8[%add3A_395, %dma_wait3A_410] : memref<16x128xi32, #tpu.memory_space<vmem>> -> memref<1x128xi32, #tpu.memory_space<vmem>>
        %dma_wait3A_412 = tpu.memref_squeeze %dma_wait3A_411 : memref<1x128xi32, #tpu.memory_space<vmem>> -> memref<128xi32, #tpu.memory_space<vmem>>
        %dma_wait3A_413 = arith.constant 0 : i32
        %dma_wait3A_414 = arith.constant 0 : i32
        %dma_wait3A_415 = tpu.memref_slice %arg12[%dma_wait3A_413, %dma_wait3A_414] : memref<10240x64xf32, #tpu.memory_space<vmem_shared>> -> memref<10240x64xf32, #tpu.memory_space<vmem_shared>>
        tpu.wait_indirect_dma semaphore(%run_scoped3A_403 : memref<!tpu.dma_semaphore, #tpu.memory_space<semaphore_mem>>) src(%arg10 : memref<128x64xf32, #tpu.memory_space<vmem>>) dst(%dma_wait3A_415 : memref<10240x64xf32, #tpu.memory_space<vmem_shared>>)
        tpu.yield
      }) : () -> ()
    }
    %scan3A_118 = arith.constant 7 : i32
    %dma_start3A_119 = arith.constant 15 : i32
    %dma_start3A_120 = arith.constant 0 : i32
    %dma_start3A_121 = tpu.memref_slice %arg7[%dma_start3A_119, %dma_start3A_120] : memref<16x128xi32, #tpu.memory_space<vmem>> -> memref<1x128xi32, #tpu.memory_space<vmem>>
    %dma_start3A_122 = tpu.memref_squeeze %dma_start3A_121 : memref<1x128xi32, #tpu.memory_space<vmem>> -> memref<128xi32, #tpu.memory_space<vmem>>
    %dma_start3A_123 = arith.constant 0 : i32
    %dma_start3A_124 = arith.constant 0 : i32
    %dma_start3A_125 = tpu.memref_slice %arg11[%dma_start3A_123, %dma_start3A_124] : memref<10240x64xf32, #tpu.memory_space<vmem_shared>> -> memref<10240x64xf32, #tpu.memory_space<vmem_shared>>
    tpu.enqueue_indirect_dma source(%dma_start3A_125 : memref<10240x64xf32, #tpu.memory_space<vmem_shared>>) target(%arg10 : memref<128x64xf32, #tpu.memory_space<vmem>>) offsets(%dma_start3A_122 : memref<128xi32, #tpu.memory_space<vmem>>) semaphore(%arg14 : memref<!tpu.dma_semaphore, #tpu.memory_space<semaphore_mem>>)
    %dma_wait3A_126 = arith.constant 0 : i32
    %dma_wait3A_127 = arith.constant 0 : i32
    %dma_wait3A_128 = tpu.memref_slice %arg7[%dma_wait3A_126, %dma_wait3A_127] : memref<16x128xi32, #tpu.memory_space<vmem>> -> memref<1x128xi32, #tpu.memory_space<vmem>>
    %dma_wait3A_129 = tpu.memref_squeeze %dma_wait3A_128 : memref<1x128xi32, #tpu.memory_space<vmem>> -> memref<128xi32, #tpu.memory_space<vmem>>
    %dma_wait3A_130 = arith.constant 0 : i32
    %dma_wait3A_131 = arith.constant 0 : i32
    %dma_wait3A_132 = tpu.memref_slice %arg11[%dma_wait3A_130, %dma_wait3A_131] : memref<10240x64xf32, #tpu.memory_space<vmem_shared>> -> memref<10240x64xf32, #tpu.memory_space<vmem_shared>>
    tpu.wait_indirect_dma semaphore(%arg13 : memref<!tpu.dma_semaphore, #tpu.memory_space<semaphore_mem>>) src(%dma_wait3A_132 : memref<10240x64xf32, #tpu.memory_space<vmem_shared>>) dst(%arg9 : memref<128x64xf32, #tpu.memory_space<vmem>>)
    %run_scoped3A_133 = arith.constant 14 : i32
    "tpu.region"() ({
      %run_scoped3A_357 = tpu.sem_alloc : memref<!tpu.dma_semaphore, #tpu.memory_space<semaphore_mem>>
      %dma_start3A_358 = arith.constant 0 : i32
      %dma_start3A_359 = tpu.memref_slice %arg8[%run_scoped3A_133, %dma_start3A_358] : memref<16x128xi32, #tpu.memory_space<vmem>> -> memref<1x128xi32, #tpu.memory_space<vmem>>
      %dma_start3A_360 = tpu.memref_squeeze %dma_start3A_359 : memref<1x128xi32, #tpu.memory_space<vmem>> -> memref<128xi32, #tpu.memory_space<vmem>>
      %dma_start3A_361 = arith.constant 0 : i32
      %dma_start3A_362 = arith.constant 0 : i32
      %dma_start3A_363 = tpu.memref_slice %arg12[%dma_start3A_361, %dma_start3A_362] : memref<10240x64xf32, #tpu.memory_space<vmem_shared>> -> memref<10240x64xf32, #tpu.memory_space<vmem_shared>>
      tpu.enqueue_indirect_dma source(%arg9 : memref<128x64xf32, #tpu.memory_space<vmem>>) target(%dma_start3A_363 : memref<10240x64xf32, #tpu.memory_space<vmem_shared>>) offsets(%dma_start3A_360 : memref<128xi32, #tpu.memory_space<vmem>>) semaphore(%run_scoped3A_357 : memref<!tpu.dma_semaphore, #tpu.memory_space<semaphore_mem>>) {add = true}
      %dma_wait3A_364 = arith.constant 0 : i32
      %dma_wait3A_365 = tpu.memref_slice %arg8[%run_scoped3A_133, %dma_wait3A_364] : memref<16x128xi32, #tpu.memory_space<vmem>> -> memref<1x128xi32, #tpu.memory_space<vmem>>
      %dma_wait3A_366 = tpu.memref_squeeze %dma_wait3A_365 : memref<1x128xi32, #tpu.memory_space<vmem>> -> memref<128xi32, #tpu.memory_space<vmem>>
      %dma_wait3A_367 = arith.constant 0 : i32
      %dma_wait3A_368 = arith.constant 0 : i32
      %dma_wait3A_369 = tpu.memref_slice %arg12[%dma_wait3A_367, %dma_wait3A_368] : memref<10240x64xf32, #tpu.memory_space<vmem_shared>> -> memref<10240x64xf32, #tpu.memory_space<vmem_shared>>
      tpu.wait_indirect_dma semaphore(%run_scoped3A_357 : memref<!tpu.dma_semaphore, #tpu.memory_space<semaphore_mem>>) src(%arg9 : memref<128x64xf32, #tpu.memory_space<vmem>>) dst(%dma_wait3A_369 : memref<10240x64xf32, #tpu.memory_space<vmem_shared>>)
      tpu.yield
    }) : () -> ()
    %dma_wait3A_134 = arith.constant 0 : i32
    %dma_wait3A_135 = arith.constant 0 : i32
    %dma_wait3A_136 = tpu.memref_slice %arg7[%dma_wait3A_134, %dma_wait3A_135] : memref<16x128xi32, #tpu.memory_space<vmem>> -> memref<1x128xi32, #tpu.memory_space<vmem>>
    %dma_wait3A_137 = tpu.memref_squeeze %dma_wait3A_136 : memref<1x128xi32, #tpu.memory_space<vmem>> -> memref<128xi32, #tpu.memory_space<vmem>>
    %dma_wait3A_138 = arith.constant 0 : i32
    %dma_wait3A_139 = arith.constant 0 : i32
    %dma_wait3A_140 = tpu.memref_slice %arg11[%dma_wait3A_138, %dma_wait3A_139] : memref<10240x64xf32, #tpu.memory_space<vmem_shared>> -> memref<10240x64xf32, #tpu.memory_space<vmem_shared>>
    tpu.wait_indirect_dma semaphore(%arg14 : memref<!tpu.dma_semaphore, #tpu.memory_space<semaphore_mem>>) src(%dma_wait3A_140 : memref<10240x64xf32, #tpu.memory_space<vmem_shared>>) dst(%arg10 : memref<128x64xf32, #tpu.memory_space<vmem>>)
    %run_scoped3A_141 = arith.constant 15 : i32
    "tpu.region"() ({
      %run_scoped3A_357 = tpu.sem_alloc : memref<!tpu.dma_semaphore, #tpu.memory_space<semaphore_mem>>
      %dma_start3A_358 = arith.constant 0 : i32
      %dma_start3A_359 = tpu.memref_slice %arg8[%run_scoped3A_141, %dma_start3A_358] : memref<16x128xi32, #tpu.memory_space<vmem>> -> memref<1x128xi32, #tpu.memory_space<vmem>>
      %dma_start3A_360 = tpu.memref_squeeze %dma_start3A_359 : memref<1x128xi32, #tpu.memory_space<vmem>> -> memref<128xi32, #tpu.memory_space<vmem>>
      %dma_start3A_361 = arith.constant 0 : i32
      %dma_start3A_362 = arith.constant 0 : i32
      %dma_start3A_363 = tpu.memref_slice %arg12[%dma_start3A_361, %dma_start3A_362] : memref<10240x64xf32, #tpu.memory_space<vmem_shared>> -> memref<10240x64xf32, #tpu.memory_space<vmem_shared>>
      tpu.enqueue_indirect_dma source(%arg10 : memref<128x64xf32, #tpu.memory_space<vmem>>) target(%dma_start3A_363 : memref<10240x64xf32, #tpu.memory_space<vmem_shared>>) offsets(%dma_start3A_360 : memref<128xi32, #tpu.memory_space<vmem>>) semaphore(%run_scoped3A_357 : memref<!tpu.dma_semaphore, #tpu.memory_space<semaphore_mem>>) {add = true}
      %dma_wait3A_364 = arith.constant 0 : i32
      %dma_wait3A_365 = tpu.memref_slice %arg8[%run_scoped3A_141, %dma_wait3A_364] : memref<16x128xi32, #tpu.memory_space<vmem>> -> memref<1x128xi32, #tpu.memory_space<vmem>>
      %dma_wait3A_366 = tpu.memref_squeeze %dma_wait3A_365 : memref<1x128xi32, #tpu.memory_space<vmem>> -> memref<128xi32, #tpu.memory_space<vmem>>
      %dma_wait3A_367 = arith.constant 0 : i32
      %dma_wait3A_368 = arith.constant 0 : i32
      %dma_wait3A_369 = tpu.memref_slice %arg12[%dma_wait3A_367, %dma_wait3A_368] : memref<10240x64xf32, #tpu.memory_space<vmem_shared>> -> memref<10240x64xf32, #tpu.memory_space<vmem_shared>>
      tpu.wait_indirect_dma semaphore(%run_scoped3A_357 : memref<!tpu.dma_semaphore, #tpu.memory_space<semaphore_mem>>) src(%arg10 : memref<128x64xf32, #tpu.memory_space<vmem>>) dst(%dma_wait3A_369 : memref<10240x64xf32, #tpu.memory_space<vmem_shared>>)
      tpu.yield
    }) : () -> ()
    "tpu.region"() ({
      %run_scoped3A_357 = tpu.sem_alloc : memref<!tpu.dma_semaphore, #tpu.memory_space<semaphore_mem>>
      %dma_start3A_358 = arith.constant 64 : i32
      %dma_start3A_359 = arith.constant 0 : i32
      %dma_start3A_360 = tpu.memref_slice %arg3[%arg1, %dma_start3A_358, %dma_start3A_359] : memref<32x80x128xi32, #tpu.memory_space<hbm>> -> memref<1x16x128xi32, #tpu.memory_space<hbm>>
      %dma_start3A_361 = tpu.memref_squeeze %dma_start3A_360 : memref<1x16x128xi32, #tpu.memory_space<hbm>> -> memref<16x128xi32, #tpu.memory_space<hbm>>
      %dma_start3A_362 = arith.constant 64 : i32
      %dma_start3A_363 = arith.constant 0 : i32
      %dma_start3A_364 = tpu.memref_slice %arg3[%arg1, %dma_start3A_362, %dma_start3A_363] : memref<32x80x128xi32, #tpu.memory_space<hbm>> -> memref<1x16x128xi32, #tpu.memory_space<hbm>>
      %dma_start3A_365 = tpu.memref_squeeze %dma_start3A_364 : memref<1x16x128xi32, #tpu.memory_space<hbm>> -> memref<16x128xi32, #tpu.memory_space<hbm>>
      tpu.enqueue_dma source(%dma_start3A_365 : memref<16x128xi32, #tpu.memory_space<hbm>>) target(%arg7 : memref<16x128xi32, #tpu.memory_space<vmem>>) target_semaphore(%run_scoped3A_357 : memref<!tpu.dma_semaphore, #tpu.memory_space<semaphore_mem>>)
      %dma_wait3A_366 = arith.constant 64 : i32
      %dma_wait3A_367 = arith.constant 0 : i32
      %dma_wait3A_368 = tpu.memref_slice %arg3[%arg1, %dma_wait3A_366, %dma_wait3A_367] : memref<32x80x128xi32, #tpu.memory_space<hbm>> -> memref<1x16x128xi32, #tpu.memory_space<hbm>>
      %dma_wait3A_369 = tpu.memref_squeeze %dma_wait3A_368 : memref<1x16x128xi32, #tpu.memory_space<hbm>> -> memref<16x128xi32, #tpu.memory_space<hbm>>
      %dma_wait3A_370 = arith.constant 64 : i32
      %dma_wait3A_371 = arith.constant 0 : i32
      %dma_wait3A_372 = tpu.memref_slice %arg3[%arg1, %dma_wait3A_370, %dma_wait3A_371] : memref<32x80x128xi32, #tpu.memory_space<hbm>> -> memref<1x16x128xi32, #tpu.memory_space<hbm>>
      %dma_wait3A_373 = tpu.memref_squeeze %dma_wait3A_372 : memref<1x16x128xi32, #tpu.memory_space<hbm>> -> memref<16x128xi32, #tpu.memory_space<hbm>>
      tpu.wait_dma2 semaphore(%run_scoped3A_357 : memref<!tpu.dma_semaphore, #tpu.memory_space<semaphore_mem>>) src(%dma_wait3A_373 : memref<16x128xi32, #tpu.memory_space<hbm>>) dst(%arg7 : memref<16x128xi32, #tpu.memory_space<vmem>>)
      tpu.yield
    }) : () -> ()
    "tpu.region"() ({
      %run_scoped3A_357 = tpu.sem_alloc : memref<!tpu.dma_semaphore, #tpu.memory_space<semaphore_mem>>
      %dma_start3A_358 = arith.constant 64 : i32
      %dma_start3A_359 = arith.constant 0 : i32
      %dma_start3A_360 = tpu.memref_slice %arg4[%arg1, %dma_start3A_358, %dma_start3A_359] : memref<32x80x128xi32, #tpu.memory_space<hbm>> -> memref<1x16x128xi32, #tpu.memory_space<hbm>>
      %dma_start3A_361 = tpu.memref_squeeze %dma_start3A_360 : memref<1x16x128xi32, #tpu.memory_space<hbm>> -> memref<16x128xi32, #tpu.memory_space<hbm>>
      %dma_start3A_362 = arith.constant 64 : i32
      %dma_start3A_363 = arith.constant 0 : i32
      %dma_start3A_364 = tpu.memref_slice %arg4[%arg1, %dma_start3A_362, %dma_start3A_363] : memref<32x80x128xi32, #tpu.memory_space<hbm>> -> memref<1x16x128xi32, #tpu.memory_space<hbm>>
      %dma_start3A_365 = tpu.memref_squeeze %dma_start3A_364 : memref<1x16x128xi32, #tpu.memory_space<hbm>> -> memref<16x128xi32, #tpu.memory_space<hbm>>
      tpu.enqueue_dma source(%dma_start3A_365 : memref<16x128xi32, #tpu.memory_space<hbm>>) target(%arg8 : memref<16x128xi32, #tpu.memory_space<vmem>>) target_semaphore(%run_scoped3A_357 : memref<!tpu.dma_semaphore, #tpu.memory_space<semaphore_mem>>)
      %dma_wait3A_366 = arith.constant 64 : i32
      %dma_wait3A_367 = arith.constant 0 : i32
      %dma_wait3A_368 = tpu.memref_slice %arg4[%arg1, %dma_wait3A_366, %dma_wait3A_367] : memref<32x80x128xi32, #tpu.memory_space<hbm>> -> memref<1x16x128xi32, #tpu.memory_space<hbm>>
      %dma_wait3A_369 = tpu.memref_squeeze %dma_wait3A_368 : memref<1x16x128xi32, #tpu.memory_space<hbm>> -> memref<16x128xi32, #tpu.memory_space<hbm>>
      %dma_wait3A_370 = arith.constant 64 : i32
      %dma_wait3A_371 = arith.constant 0 : i32
      %dma_wait3A_372 = tpu.memref_slice %arg4[%arg1, %dma_wait3A_370, %dma_wait3A_371] : memref<32x80x128xi32, #tpu.memory_space<hbm>> -> memref<1x16x128xi32, #tpu.memory_space<hbm>>
      %dma_wait3A_373 = tpu.memref_squeeze %dma_wait3A_372 : memref<1x16x128xi32, #tpu.memory_space<hbm>> -> memref<16x128xi32, #tpu.memory_space<hbm>>
      tpu.wait_dma2 semaphore(%run_scoped3A_357 : memref<!tpu.dma_semaphore, #tpu.memory_space<semaphore_mem>>) src(%dma_wait3A_373 : memref<16x128xi32, #tpu.memory_space<hbm>>) dst(%arg8 : memref<16x128xi32, #tpu.memory_space<vmem>>)
      tpu.yield
    }) : () -> ()
    %dma_start3A_142 = arith.constant 0 : i32
    %dma_start3A_143 = arith.constant 0 : i32
    %dma_start3A_144 = tpu.memref_slice %arg7[%dma_start3A_142, %dma_start3A_143] : memref<16x128xi32, #tpu.memory_space<vmem>> -> memref<1x128xi32, #tpu.memory_space<vmem>>
    %dma_start3A_145 = tpu.memref_squeeze %dma_start3A_144 : memref<1x128xi32, #tpu.memory_space<vmem>> -> memref<128xi32, #tpu.memory_space<vmem>>
    %dma_start3A_146 = arith.constant 0 : i32
    %dma_start3A_147 = arith.constant 0 : i32
    %dma_start3A_148 = tpu.memref_slice %arg11[%dma_start3A_146, %dma_start3A_147] : memref<10240x64xf32, #tpu.memory_space<vmem_shared>> -> memref<10240x64xf32, #tpu.memory_space<vmem_shared>>
    tpu.enqueue_indirect_dma source(%dma_start3A_148 : memref<10240x64xf32, #tpu.memory_space<vmem_shared>>) target(%arg9 : memref<128x64xf32, #tpu.memory_space<vmem>>) offsets(%dma_start3A_145 : memref<128xi32, #tpu.memory_space<vmem>>) semaphore(%arg13 : memref<!tpu.dma_semaphore, #tpu.memory_space<semaphore_mem>>)
    %scan3A_149 = arith.constant 0 : i32
    %scan3A_150 = arith.constant 7 : i32
    %scan3A_151 = arith.addi %scan3A_149, %scan3A_150 : i32
    %scan3A_152 = arith.constant 1 : i32
    scf.for %scan3A_357 = %scan3A_149 to %scan3A_151 step %scan3A_152  : i32 {
      %mul3A_358 = arith.constant 2 : i32
      %mul3A_359 = arith.muli %scan3A_357, %mul3A_358 : i32
      %add3A_360 = arith.constant 0 : i32
      %add3A_361 = arith.addi %add3A_360, %mul3A_359 : i32
      %add3A_362 = arith.constant 0 : i32
      %add3A_363 = arith.addi %add3A_361, %add3A_362 : i32
      %add3A_364 = arith.constant 2 : i32
      %add3A_365 = arith.addi %add3A_363, %add3A_364 : i32
      %sub3A = arith.constant 1 : i32
      %sub3A_366 = arith.subi %add3A_365, %sub3A : i32
      %dma_start3A_367 = arith.constant 0 : i32
      %dma_start3A_368 = tpu.memref_slice %arg7[%sub3A_366, %dma_start3A_367] : memref<16x128xi32, #tpu.memory_space<vmem>> -> memref<1x128xi32, #tpu.memory_space<vmem>>
      %dma_start3A_369 = tpu.memref_squeeze %dma_start3A_368 : memref<1x128xi32, #tpu.memory_space<vmem>> -> memref<128xi32, #tpu.memory_space<vmem>>
      %dma_start3A_370 = arith.constant 0 : i32
      %dma_start3A_371 = arith.constant 0 : i32
      %dma_start3A_372 = tpu.memref_slice %arg11[%dma_start3A_370, %dma_start3A_371] : memref<10240x64xf32, #tpu.memory_space<vmem_shared>> -> memref<10240x64xf32, #tpu.memory_space<vmem_shared>>
      tpu.enqueue_indirect_dma source(%dma_start3A_372 : memref<10240x64xf32, #tpu.memory_space<vmem_shared>>) target(%arg10 : memref<128x64xf32, #tpu.memory_space<vmem>>) offsets(%dma_start3A_369 : memref<128xi32, #tpu.memory_space<vmem>>) semaphore(%arg14 : memref<!tpu.dma_semaphore, #tpu.memory_space<semaphore_mem>>)
      %add3A_373 = arith.constant 0 : i32
      %add3A_374 = arith.addi %add3A_361, %add3A_373 : i32
      %dma_wait3A_375 = arith.constant 0 : i32
      %dma_wait3A_376 = arith.constant 0 : i32
      %dma_wait3A_377 = tpu.memref_slice %arg7[%dma_wait3A_375, %dma_wait3A_376] : memref<16x128xi32, #tpu.memory_space<vmem>> -> memref<1x128xi32, #tpu.memory_space<vmem>>
      %dma_wait3A_378 = tpu.memref_squeeze %dma_wait3A_377 : memref<1x128xi32, #tpu.memory_space<vmem>> -> memref<128xi32, #tpu.memory_space<vmem>>
      %dma_wait3A_379 = arith.constant 0 : i32
      %dma_wait3A_380 = arith.constant 0 : i32
      %dma_wait3A_381 = tpu.memref_slice %arg11[%dma_wait3A_379, %dma_wait3A_380] : memref<10240x64xf32, #tpu.memory_space<vmem_shared>> -> memref<10240x64xf32, #tpu.memory_space<vmem_shared>>
      tpu.wait_indirect_dma semaphore(%arg13 : memref<!tpu.dma_semaphore, #tpu.memory_space<semaphore_mem>>) src(%dma_wait3A_381 : memref<10240x64xf32, #tpu.memory_space<vmem_shared>>) dst(%arg9 : memref<128x64xf32, #tpu.memory_space<vmem>>)
      "tpu.region"() ({
        %run_scoped3A_403 = tpu.sem_alloc : memref<!tpu.dma_semaphore, #tpu.memory_space<semaphore_mem>>
        %dma_start3A_404 = arith.constant 0 : i32
        %dma_start3A_405 = tpu.memref_slice %arg8[%add3A_374, %dma_start3A_404] : memref<16x128xi32, #tpu.memory_space<vmem>> -> memref<1x128xi32, #tpu.memory_space<vmem>>
        %dma_start3A_406 = tpu.memref_squeeze %dma_start3A_405 : memref<1x128xi32, #tpu.memory_space<vmem>> -> memref<128xi32, #tpu.memory_space<vmem>>
        %dma_start3A_407 = arith.constant 0 : i32
        %dma_start3A_408 = arith.constant 0 : i32
        %dma_start3A_409 = tpu.memref_slice %arg12[%dma_start3A_407, %dma_start3A_408] : memref<10240x64xf32, #tpu.memory_space<vmem_shared>> -> memref<10240x64xf32, #tpu.memory_space<vmem_shared>>
        tpu.enqueue_indirect_dma source(%arg9 : memref<128x64xf32, #tpu.memory_space<vmem>>) target(%dma_start3A_409 : memref<10240x64xf32, #tpu.memory_space<vmem_shared>>) offsets(%dma_start3A_406 : memref<128xi32, #tpu.memory_space<vmem>>) semaphore(%run_scoped3A_403 : memref<!tpu.dma_semaphore, #tpu.memory_space<semaphore_mem>>) {add = true}
        %dma_wait3A_410 = arith.constant 0 : i32
        %dma_wait3A_411 = tpu.memref_slice %arg8[%add3A_374, %dma_wait3A_410] : memref<16x128xi32, #tpu.memory_space<vmem>> -> memref<1x128xi32, #tpu.memory_space<vmem>>
        %dma_wait3A_412 = tpu.memref_squeeze %dma_wait3A_411 : memref<1x128xi32, #tpu.memory_space<vmem>> -> memref<128xi32, #tpu.memory_space<vmem>>
        %dma_wait3A_413 = arith.constant 0 : i32
        %dma_wait3A_414 = arith.constant 0 : i32
        %dma_wait3A_415 = tpu.memref_slice %arg12[%dma_wait3A_413, %dma_wait3A_414] : memref<10240x64xf32, #tpu.memory_space<vmem_shared>> -> memref<10240x64xf32, #tpu.memory_space<vmem_shared>>
        tpu.wait_indirect_dma semaphore(%run_scoped3A_403 : memref<!tpu.dma_semaphore, #tpu.memory_space<semaphore_mem>>) src(%arg9 : memref<128x64xf32, #tpu.memory_space<vmem>>) dst(%dma_wait3A_415 : memref<10240x64xf32, #tpu.memory_space<vmem_shared>>)
        tpu.yield
      }) : () -> ()
      %add3A_382 = arith.constant 1 : i32
      %add3A_383 = arith.addi %add3A_361, %add3A_382 : i32
      %add3A_384 = arith.constant 2 : i32
      %add3A_385 = arith.addi %add3A_383, %add3A_384 : i32
      %sub3A_386 = arith.constant 1 : i32
      %sub3A_387 = arith.subi %add3A_385, %sub3A_386 : i32
      %dma_start3A_388 = arith.constant 0 : i32
      %dma_start3A_389 = tpu.memref_slice %arg7[%sub3A_387, %dma_start3A_388] : memref<16x128xi32, #tpu.memory_space<vmem>> -> memref<1x128xi32, #tpu.memory_space<vmem>>
      %dma_start3A_390 = tpu.memref_squeeze %dma_start3A_389 : memref<1x128xi32, #tpu.memory_space<vmem>> -> memref<128xi32, #tpu.memory_space<vmem>>
      %dma_start3A_391 = arith.constant 0 : i32
      %dma_start3A_392 = arith.constant 0 : i32
      %dma_start3A_393 = tpu.memref_slice %arg11[%dma_start3A_391, %dma_start3A_392] : memref<10240x64xf32, #tpu.memory_space<vmem_shared>> -> memref<10240x64xf32, #tpu.memory_space<vmem_shared>>
      tpu.enqueue_indirect_dma source(%dma_start3A_393 : memref<10240x64xf32, #tpu.memory_space<vmem_shared>>) target(%arg9 : memref<128x64xf32, #tpu.memory_space<vmem>>) offsets(%dma_start3A_390 : memref<128xi32, #tpu.memory_space<vmem>>) semaphore(%arg13 : memref<!tpu.dma_semaphore, #tpu.memory_space<semaphore_mem>>)
      %add3A_394 = arith.constant 1 : i32
      %add3A_395 = arith.addi %add3A_361, %add3A_394 : i32
      %dma_wait3A_396 = arith.constant 0 : i32
      %dma_wait3A_397 = arith.constant 0 : i32
      %dma_wait3A_398 = tpu.memref_slice %arg7[%dma_wait3A_396, %dma_wait3A_397] : memref<16x128xi32, #tpu.memory_space<vmem>> -> memref<1x128xi32, #tpu.memory_space<vmem>>
      %dma_wait3A_399 = tpu.memref_squeeze %dma_wait3A_398 : memref<1x128xi32, #tpu.memory_space<vmem>> -> memref<128xi32, #tpu.memory_space<vmem>>
      %dma_wait3A_400 = arith.constant 0 : i32
      %dma_wait3A_401 = arith.constant 0 : i32
      %dma_wait3A_402 = tpu.memref_slice %arg11[%dma_wait3A_400, %dma_wait3A_401] : memref<10240x64xf32, #tpu.memory_space<vmem_shared>> -> memref<10240x64xf32, #tpu.memory_space<vmem_shared>>
      tpu.wait_indirect_dma semaphore(%arg14 : memref<!tpu.dma_semaphore, #tpu.memory_space<semaphore_mem>>) src(%dma_wait3A_402 : memref<10240x64xf32, #tpu.memory_space<vmem_shared>>) dst(%arg10 : memref<128x64xf32, #tpu.memory_space<vmem>>)
      "tpu.region"() ({
        %run_scoped3A_403 = tpu.sem_alloc : memref<!tpu.dma_semaphore, #tpu.memory_space<semaphore_mem>>
        %dma_start3A_404 = arith.constant 0 : i32
        %dma_start3A_405 = tpu.memref_slice %arg8[%add3A_395, %dma_start3A_404] : memref<16x128xi32, #tpu.memory_space<vmem>> -> memref<1x128xi32, #tpu.memory_space<vmem>>
        %dma_start3A_406 = tpu.memref_squeeze %dma_start3A_405 : memref<1x128xi32, #tpu.memory_space<vmem>> -> memref<128xi32, #tpu.memory_space<vmem>>
        %dma_start3A_407 = arith.constant 0 : i32
        %dma_start3A_408 = arith.constant 0 : i32
        %dma_start3A_409 = tpu.memref_slice %arg12[%dma_start3A_407, %dma_start3A_408] : memref<10240x64xf32, #tpu.memory_space<vmem_shared>> -> memref<10240x64xf32, #tpu.memory_space<vmem_shared>>
        tpu.enqueue_indirect_dma source(%arg10 : memref<128x64xf32, #tpu.memory_space<vmem>>) target(%dma_start3A_409 : memref<10240x64xf32, #tpu.memory_space<vmem_shared>>) offsets(%dma_start3A_406 : memref<128xi32, #tpu.memory_space<vmem>>) semaphore(%run_scoped3A_403 : memref<!tpu.dma_semaphore, #tpu.memory_space<semaphore_mem>>) {add = true}
        %dma_wait3A_410 = arith.constant 0 : i32
        %dma_wait3A_411 = tpu.memref_slice %arg8[%add3A_395, %dma_wait3A_410] : memref<16x128xi32, #tpu.memory_space<vmem>> -> memref<1x128xi32, #tpu.memory_space<vmem>>
        %dma_wait3A_412 = tpu.memref_squeeze %dma_wait3A_411 : memref<1x128xi32, #tpu.memory_space<vmem>> -> memref<128xi32, #tpu.memory_space<vmem>>
        %dma_wait3A_413 = arith.constant 0 : i32
        %dma_wait3A_414 = arith.constant 0 : i32
        %dma_wait3A_415 = tpu.memref_slice %arg12[%dma_wait3A_413, %dma_wait3A_414] : memref<10240x64xf32, #tpu.memory_space<vmem_shared>> -> memref<10240x64xf32, #tpu.memory_space<vmem_shared>>
        tpu.wait_indirect_dma semaphore(%run_scoped3A_403 : memref<!tpu.dma_semaphore, #tpu.memory_space<semaphore_mem>>) src(%arg10 : memref<128x64xf32, #tpu.memory_space<vmem>>) dst(%dma_wait3A_415 : memref<10240x64xf32, #tpu.memory_space<vmem_shared>>)
        tpu.yield
      }) : () -> ()
    }
    %scan3A_153 = arith.constant 7 : i32
    %dma_start3A_154 = arith.constant 15 : i32
    %dma_start3A_155 = arith.constant 0 : i32
    %dma_start3A_156 = tpu.memref_slice %arg7[%dma_start3A_154, %dma_start3A_155] : memref<16x128xi32, #tpu.memory_space<vmem>> -> memref<1x128xi32, #tpu.memory_space<vmem>>
    %dma_start3A_157 = tpu.memref_squeeze %dma_start3A_156 : memref<1x128xi32, #tpu.memory_space<vmem>> -> memref<128xi32, #tpu.memory_space<vmem>>
    %dma_start3A_158 = arith.constant 0 : i32
    %dma_start3A_159 = arith.constant 0 : i32
    %dma_start3A_160 = tpu.memref_slice %arg11[%dma_start3A_158, %dma_start3A_159] : memref<10240x64xf32, #tpu.memory_space<vmem_shared>> -> memref<10240x64xf32, #tpu.memory_space<vmem_shared>>
    tpu.enqueue_indirect_dma source(%dma_start3A_160 : memref<10240x64xf32, #tpu.memory_space<vmem_shared>>) target(%arg10 : memref<128x64xf32, #tpu.memory_space<vmem>>) offsets(%dma_start3A_157 : memref<128xi32, #tpu.memory_space<vmem>>) semaphore(%arg14 : memref<!tpu.dma_semaphore, #tpu.memory_space<semaphore_mem>>)
    %dma_wait3A_161 = arith.constant 0 : i32
    %dma_wait3A_162 = arith.constant 0 : i32
    %dma_wait3A_163 = tpu.memref_slice %arg7[%dma_wait3A_161, %dma_wait3A_162] : memref<16x128xi32, #tpu.memory_space<vmem>> -> memref<1x128xi32, #tpu.memory_space<vmem>>
    %dma_wait3A_164 = tpu.memref_squeeze %dma_wait3A_163 : memref<1x128xi32, #tpu.memory_space<vmem>> -> memref<128xi32, #tpu.memory_space<vmem>>
    %dma_wait3A_165 = arith.constant 0 : i32
    %dma_wait3A_166 = arith.constant 0 : i32
    %dma_wait3A_167 = tpu.memref_slice %arg11[%dma_wait3A_165, %dma_wait3A_166] : memref<10240x64xf32, #tpu.memory_space<vmem_shared>> -> memref<10240x64xf32, #tpu.memory_space<vmem_shared>>
    tpu.wait_indirect_dma semaphore(%arg13 : memref<!tpu.dma_semaphore, #tpu.memory_space<semaphore_mem>>) src(%dma_wait3A_167 : memref<10240x64xf32, #tpu.memory_space<vmem_shared>>) dst(%arg9 : memref<128x64xf32, #tpu.memory_space<vmem>>)
    %run_scoped3A_168 = arith.constant 14 : i32
    "tpu.region"() ({
      %run_scoped3A_357 = tpu.sem_alloc : memref<!tpu.dma_semaphore, #tpu.memory_space<semaphore_mem>>
      %dma_start3A_358 = arith.constant 0 : i32
      %dma_start3A_359 = tpu.memref_slice %arg8[%run_scoped3A_168, %dma_start3A_358] : memref<16x128xi32, #tpu.memory_space<vmem>> -> memref<1x128xi32, #tpu.memory_space<vmem>>
      %dma_start3A_360 = tpu.memref_squeeze %dma_start3A_359 : memref<1x128xi32, #tpu.memory_space<vmem>> -> memref<128xi32, #tpu.memory_space<vmem>>
      %dma_start3A_361 = arith.constant 0 : i32
      %dma_start3A_362 = arith.constant 0 : i32
      %dma_start3A_363 = tpu.memref_slice %arg12[%dma_start3A_361, %dma_start3A_362] : memref<10240x64xf32, #tpu.memory_space<vmem_shared>> -> memref<10240x64xf32, #tpu.memory_space<vmem_shared>>
      tpu.enqueue_indirect_dma source(%arg9 : memref<128x64xf32, #tpu.memory_space<vmem>>) target(%dma_start3A_363 : memref<10240x64xf32, #tpu.memory_space<vmem_shared>>) offsets(%dma_start3A_360 : memref<128xi32, #tpu.memory_space<vmem>>) semaphore(%run_scoped3A_357 : memref<!tpu.dma_semaphore, #tpu.memory_space<semaphore_mem>>) {add = true}
      %dma_wait3A_364 = arith.constant 0 : i32
      %dma_wait3A_365 = tpu.memref_slice %arg8[%run_scoped3A_168, %dma_wait3A_364] : memref<16x128xi32, #tpu.memory_space<vmem>> -> memref<1x128xi32, #tpu.memory_space<vmem>>
      %dma_wait3A_366 = tpu.memref_squeeze %dma_wait3A_365 : memref<1x128xi32, #tpu.memory_space<vmem>> -> memref<128xi32, #tpu.memory_space<vmem>>
      %dma_wait3A_367 = arith.constant 0 : i32
      %dma_wait3A_368 = arith.constant 0 : i32
      %dma_wait3A_369 = tpu.memref_slice %arg12[%dma_wait3A_367, %dma_wait3A_368] : memref<10240x64xf32, #tpu.memory_space<vmem_shared>> -> memref<10240x64xf32, #tpu.memory_space<vmem_shared>>
      tpu.wait_indirect_dma semaphore(%run_scoped3A_357 : memref<!tpu.dma_semaphore, #tpu.memory_space<semaphore_mem>>) src(%arg9 : memref<128x64xf32, #tpu.memory_space<vmem>>) dst(%dma_wait3A_369 : memref<10240x64xf32, #tpu.memory_space<vmem_shared>>)
      tpu.yield
    }) : () -> ()
    %dma_wait3A_169 = arith.constant 0 : i32
    %dma_wait3A_170 = arith.constant 0 : i32
    %dma_wait3A_171 = tpu.memref_slice %arg7[%dma_wait3A_169, %dma_wait3A_170] : memref<16x128xi32, #tpu.memory_space<vmem>> -> memref<1x128xi32, #tpu.memory_space<vmem>>
    %dma_wait3A_172 = tpu.memref_squeeze %dma_wait3A_171 : memref<1x128xi32, #tpu.memory_space<vmem>> -> memref<128xi32, #tpu.memory_space<vmem>>
    %dma_wait3A_173 = arith.constant 0 : i32
    %dma_wait3A_174 = arith.constant 0 : i32
    %dma_wait3A_175 = tpu.memref_slice %arg11[%dma_wait3A_173, %dma_wait3A_174] : memref<10240x64xf32, #tpu.memory_space<vmem_shared>> -> memref<10240x64xf32, #tpu.memory_space<vmem_shared>>
    tpu.wait_indirect_dma semaphore(%arg14 : memref<!tpu.dma_semaphore, #tpu.memory_space<semaphore_mem>>) src(%dma_wait3A_175 : memref<10240x64xf32, #tpu.memory_space<vmem_shared>>) dst(%arg10 : memref<128x64xf32, #tpu.memory_space<vmem>>)
    %run_scoped3A_176 = arith.constant 15 : i32
    "tpu.region"() ({
      %run_scoped3A_357 = tpu.sem_alloc : memref<!tpu.dma_semaphore, #tpu.memory_space<semaphore_mem>>
      %dma_start3A_358 = arith.constant 0 : i32
      %dma_start3A_359 = tpu.memref_slice %arg8[%run_scoped3A_176, %dma_start3A_358] : memref<16x128xi32, #tpu.memory_space<vmem>> -> memref<1x128xi32, #tpu.memory_space<vmem>>
      %dma_start3A_360 = tpu.memref_squeeze %dma_start3A_359 : memref<1x128xi32, #tpu.memory_space<vmem>> -> memref<128xi32, #tpu.memory_space<vmem>>
      %dma_start3A_361 = arith.constant 0 : i32
      %dma_start3A_362 = arith.constant 0 : i32
      %dma_start3A_363 = tpu.memref_slice %arg12[%dma_start3A_361, %dma_start3A_362] : memref<10240x64xf32, #tpu.memory_space<vmem_shared>> -> memref<10240x64xf32, #tpu.memory_space<vmem_shared>>
      tpu.enqueue_indirect_dma source(%arg10 : memref<128x64xf32, #tpu.memory_space<vmem>>) target(%dma_start3A_363 : memref<10240x64xf32, #tpu.memory_space<vmem_shared>>) offsets(%dma_start3A_360 : memref<128xi32, #tpu.memory_space<vmem>>) semaphore(%run_scoped3A_357 : memref<!tpu.dma_semaphore, #tpu.memory_space<semaphore_mem>>) {add = true}
      %dma_wait3A_364 = arith.constant 0 : i32
      %dma_wait3A_365 = tpu.memref_slice %arg8[%run_scoped3A_176, %dma_wait3A_364] : memref<16x128xi32, #tpu.memory_space<vmem>> -> memref<1x128xi32, #tpu.memory_space<vmem>>
      %dma_wait3A_366 = tpu.memref_squeeze %dma_wait3A_365 : memref<1x128xi32, #tpu.memory_space<vmem>> -> memref<128xi32, #tpu.memory_space<vmem>>
      %dma_wait3A_367 = arith.constant 0 : i32
      %dma_wait3A_368 = arith.constant 0 : i32
      %dma_wait3A_369 = tpu.memref_slice %arg12[%dma_wait3A_367, %dma_wait3A_368] : memref<10240x64xf32, #tpu.memory_space<vmem_shared>> -> memref<10240x64xf32, #tpu.memory_space<vmem_shared>>
      tpu.wait_indirect_dma semaphore(%run_scoped3A_357 : memref<!tpu.dma_semaphore, #tpu.memory_space<semaphore_mem>>) src(%arg10 : memref<128x64xf32, #tpu.memory_space<vmem>>) dst(%dma_wait3A_369 : memref<10240x64xf32, #tpu.memory_space<vmem_shared>>)
      tpu.yield
    }) : () -> ()
    "tpu.region"() ({
      %run_scoped3A_357 = tpu.sem_alloc : memref<!tpu.dma_semaphore, #tpu.memory_space<semaphore_mem>>
      %dma_start3A_358 = arith.constant 0 : i32
      %dma_start3A_359 = arith.constant 0 : i32
      %dma_start3A_360 = tpu.memref_slice %arg3[%add3A_5, %dma_start3A_358, %dma_start3A_359] : memref<32x80x128xi32, #tpu.memory_space<hbm>> -> memref<1x16x128xi32, #tpu.memory_space<hbm>>
      %dma_start3A_361 = tpu.memref_squeeze %dma_start3A_360 : memref<1x16x128xi32, #tpu.memory_space<hbm>> -> memref<16x128xi32, #tpu.memory_space<hbm>>
      %dma_start3A_362 = arith.constant 0 : i32
      %dma_start3A_363 = arith.constant 0 : i32
      %dma_start3A_364 = tpu.memref_slice %arg3[%add3A_5, %dma_start3A_362, %dma_start3A_363] : memref<32x80x128xi32, #tpu.memory_space<hbm>> -> memref<1x16x128xi32, #tpu.memory_space<hbm>>
      %dma_start3A_365 = tpu.memref_squeeze %dma_start3A_364 : memref<1x16x128xi32, #tpu.memory_space<hbm>> -> memref<16x128xi32, #tpu.memory_space<hbm>>
      tpu.enqueue_dma source(%dma_start3A_365 : memref<16x128xi32, #tpu.memory_space<hbm>>) target(%arg7 : memref<16x128xi32, #tpu.memory_space<vmem>>) target_semaphore(%run_scoped3A_357 : memref<!tpu.dma_semaphore, #tpu.memory_space<semaphore_mem>>)
      %dma_wait3A_366 = arith.constant 0 : i32
      %dma_wait3A_367 = arith.constant 0 : i32
      %dma_wait3A_368 = tpu.memref_slice %arg3[%add3A_5, %dma_wait3A_366, %dma_wait3A_367] : memref<32x80x128xi32, #tpu.memory_space<hbm>> -> memref<1x16x128xi32, #tpu.memory_space<hbm>>
      %dma_wait3A_369 = tpu.memref_squeeze %dma_wait3A_368 : memref<1x16x128xi32, #tpu.memory_space<hbm>> -> memref<16x128xi32, #tpu.memory_space<hbm>>
      %dma_wait3A_370 = arith.constant 0 : i32
      %dma_wait3A_371 = arith.constant 0 : i32
      %dma_wait3A_372 = tpu.memref_slice %arg3[%add3A_5, %dma_wait3A_370, %dma_wait3A_371] : memref<32x80x128xi32, #tpu.memory_space<hbm>> -> memref<1x16x128xi32, #tpu.memory_space<hbm>>
      %dma_wait3A_373 = tpu.memref_squeeze %dma_wait3A_372 : memref<1x16x128xi32, #tpu.memory_space<hbm>> -> memref<16x128xi32, #tpu.memory_space<hbm>>
      tpu.wait_dma2 semaphore(%run_scoped3A_357 : memref<!tpu.dma_semaphore, #tpu.memory_space<semaphore_mem>>) src(%dma_wait3A_373 : memref<16x128xi32, #tpu.memory_space<hbm>>) dst(%arg7 : memref<16x128xi32, #tpu.memory_space<vmem>>)
      tpu.yield
    }) : () -> ()
    "tpu.region"() ({
      %run_scoped3A_357 = tpu.sem_alloc : memref<!tpu.dma_semaphore, #tpu.memory_space<semaphore_mem>>
      %dma_start3A_358 = arith.constant 0 : i32
      %dma_start3A_359 = arith.constant 0 : i32
      %dma_start3A_360 = tpu.memref_slice %arg4[%add3A_5, %dma_start3A_358, %dma_start3A_359] : memref<32x80x128xi32, #tpu.memory_space<hbm>> -> memref<1x16x128xi32, #tpu.memory_space<hbm>>
      %dma_start3A_361 = tpu.memref_squeeze %dma_start3A_360 : memref<1x16x128xi32, #tpu.memory_space<hbm>> -> memref<16x128xi32, #tpu.memory_space<hbm>>
      %dma_start3A_362 = arith.constant 0 : i32
      %dma_start3A_363 = arith.constant 0 : i32
      %dma_start3A_364 = tpu.memref_slice %arg4[%add3A_5, %dma_start3A_362, %dma_start3A_363] : memref<32x80x128xi32, #tpu.memory_space<hbm>> -> memref<1x16x128xi32, #tpu.memory_space<hbm>>
      %dma_start3A_365 = tpu.memref_squeeze %dma_start3A_364 : memref<1x16x128xi32, #tpu.memory_space<hbm>> -> memref<16x128xi32, #tpu.memory_space<hbm>>
      tpu.enqueue_dma source(%dma_start3A_365 : memref<16x128xi32, #tpu.memory_space<hbm>>) target(%arg8 : memref<16x128xi32, #tpu.memory_space<vmem>>) target_semaphore(%run_scoped3A_357 : memref<!tpu.dma_semaphore, #tpu.memory_space<semaphore_mem>>)
      %dma_wait3A_366 = arith.constant 0 : i32
      %dma_wait3A_367 = arith.constant 0 : i32
      %dma_wait3A_368 = tpu.memref_slice %arg4[%add3A_5, %dma_wait3A_366, %dma_wait3A_367] : memref<32x80x128xi32, #tpu.memory_space<hbm>> -> memref<1x16x128xi32, #tpu.memory_space<hbm>>
      %dma_wait3A_369 = tpu.memref_squeeze %dma_wait3A_368 : memref<1x16x128xi32, #tpu.memory_space<hbm>> -> memref<16x128xi32, #tpu.memory_space<hbm>>
      %dma_wait3A_370 = arith.constant 0 : i32
      %dma_wait3A_371 = arith.constant 0 : i32
      %dma_wait3A_372 = tpu.memref_slice %arg4[%add3A_5, %dma_wait3A_370, %dma_wait3A_371] : memref<32x80x128xi32, #tpu.memory_space<hbm>> -> memref<1x16x128xi32, #tpu.memory_space<hbm>>
      %dma_wait3A_373 = tpu.memref_squeeze %dma_wait3A_372 : memref<1x16x128xi32, #tpu.memory_space<hbm>> -> memref<16x128xi32, #tpu.memory_space<hbm>>
      tpu.wait_dma2 semaphore(%run_scoped3A_357 : memref<!tpu.dma_semaphore, #tpu.memory_space<semaphore_mem>>) src(%dma_wait3A_373 : memref<16x128xi32, #tpu.memory_space<hbm>>) dst(%arg8 : memref<16x128xi32, #tpu.memory_space<vmem>>)
      tpu.yield
    }) : () -> ()
    %dma_start3A_177 = arith.constant 0 : i32
    %dma_start3A_178 = arith.constant 0 : i32
    %dma_start3A_179 = tpu.memref_slice %arg7[%dma_start3A_177, %dma_start3A_178] : memref<16x128xi32, #tpu.memory_space<vmem>> -> memref<1x128xi32, #tpu.memory_space<vmem>>
    %dma_start3A_180 = tpu.memref_squeeze %dma_start3A_179 : memref<1x128xi32, #tpu.memory_space<vmem>> -> memref<128xi32, #tpu.memory_space<vmem>>
    %dma_start3A_181 = arith.constant 0 : i32
    %dma_start3A_182 = arith.constant 0 : i32
    %dma_start3A_183 = tpu.memref_slice %arg11[%dma_start3A_181, %dma_start3A_182] : memref<10240x64xf32, #tpu.memory_space<vmem_shared>> -> memref<10240x64xf32, #tpu.memory_space<vmem_shared>>
    tpu.enqueue_indirect_dma source(%dma_start3A_183 : memref<10240x64xf32, #tpu.memory_space<vmem_shared>>) target(%arg9 : memref<128x64xf32, #tpu.memory_space<vmem>>) offsets(%dma_start3A_180 : memref<128xi32, #tpu.memory_space<vmem>>) semaphore(%arg13 : memref<!tpu.dma_semaphore, #tpu.memory_space<semaphore_mem>>)
    %scan3A_184 = arith.constant 0 : i32
    %scan3A_185 = arith.constant 7 : i32
    %scan3A_186 = arith.addi %scan3A_184, %scan3A_185 : i32
    %scan3A_187 = arith.constant 1 : i32
    scf.for %scan3A_357 = %scan3A_184 to %scan3A_186 step %scan3A_187  : i32 {
      %mul3A_358 = arith.constant 2 : i32
      %mul3A_359 = arith.muli %scan3A_357, %mul3A_358 : i32
      %add3A_360 = arith.constant 0 : i32
      %add3A_361 = arith.addi %add3A_360, %mul3A_359 : i32
      %add3A_362 = arith.constant 0 : i32
      %add3A_363 = arith.addi %add3A_361, %add3A_362 : i32
      %add3A_364 = arith.constant 2 : i32
      %add3A_365 = arith.addi %add3A_363, %add3A_364 : i32
      %sub3A = arith.constant 1 : i32
      %sub3A_366 = arith.subi %add3A_365, %sub3A : i32
      %dma_start3A_367 = arith.constant 0 : i32
      %dma_start3A_368 = tpu.memref_slice %arg7[%sub3A_366, %dma_start3A_367] : memref<16x128xi32, #tpu.memory_space<vmem>> -> memref<1x128xi32, #tpu.memory_space<vmem>>
      %dma_start3A_369 = tpu.memref_squeeze %dma_start3A_368 : memref<1x128xi32, #tpu.memory_space<vmem>> -> memref<128xi32, #tpu.memory_space<vmem>>
      %dma_start3A_370 = arith.constant 0 : i32
      %dma_start3A_371 = arith.constant 0 : i32
      %dma_start3A_372 = tpu.memref_slice %arg11[%dma_start3A_370, %dma_start3A_371] : memref<10240x64xf32, #tpu.memory_space<vmem_shared>> -> memref<10240x64xf32, #tpu.memory_space<vmem_shared>>
      tpu.enqueue_indirect_dma source(%dma_start3A_372 : memref<10240x64xf32, #tpu.memory_space<vmem_shared>>) target(%arg10 : memref<128x64xf32, #tpu.memory_space<vmem>>) offsets(%dma_start3A_369 : memref<128xi32, #tpu.memory_space<vmem>>) semaphore(%arg14 : memref<!tpu.dma_semaphore, #tpu.memory_space<semaphore_mem>>)
      %add3A_373 = arith.constant 0 : i32
      %add3A_374 = arith.addi %add3A_361, %add3A_373 : i32
      %dma_wait3A_375 = arith.constant 0 : i32
      %dma_wait3A_376 = arith.constant 0 : i32
      %dma_wait3A_377 = tpu.memref_slice %arg7[%dma_wait3A_375, %dma_wait3A_376] : memref<16x128xi32, #tpu.memory_space<vmem>> -> memref<1x128xi32, #tpu.memory_space<vmem>>
      %dma_wait3A_378 = tpu.memref_squeeze %dma_wait3A_377 : memref<1x128xi32, #tpu.memory_space<vmem>> -> memref<128xi32, #tpu.memory_space<vmem>>
      %dma_wait3A_379 = arith.constant 0 : i32
      %dma_wait3A_380 = arith.constant 0 : i32
      %dma_wait3A_381 = tpu.memref_slice %arg11[%dma_wait3A_379, %dma_wait3A_380] : memref<10240x64xf32, #tpu.memory_space<vmem_shared>> -> memref<10240x64xf32, #tpu.memory_space<vmem_shared>>
      tpu.wait_indirect_dma semaphore(%arg13 : memref<!tpu.dma_semaphore, #tpu.memory_space<semaphore_mem>>) src(%dma_wait3A_381 : memref<10240x64xf32, #tpu.memory_space<vmem_shared>>) dst(%arg9 : memref<128x64xf32, #tpu.memory_space<vmem>>)
      "tpu.region"() ({
        %run_scoped3A_403 = tpu.sem_alloc : memref<!tpu.dma_semaphore, #tpu.memory_space<semaphore_mem>>
        %dma_start3A_404 = arith.constant 0 : i32
        %dma_start3A_405 = tpu.memref_slice %arg8[%add3A_374, %dma_start3A_404] : memref<16x128xi32, #tpu.memory_space<vmem>> -> memref<1x128xi32, #tpu.memory_space<vmem>>
        %dma_start3A_406 = tpu.memref_squeeze %dma_start3A_405 : memref<1x128xi32, #tpu.memory_space<vmem>> -> memref<128xi32, #tpu.memory_space<vmem>>
        %dma_start3A_407 = arith.constant 0 : i32
        %dma_start3A_408 = arith.constant 0 : i32
        %dma_start3A_409 = tpu.memref_slice %arg12[%dma_start3A_407, %dma_start3A_408] : memref<10240x64xf32, #tpu.memory_space<vmem_shared>> -> memref<10240x64xf32, #tpu.memory_space<vmem_shared>>
        tpu.enqueue_indirect_dma source(%arg9 : memref<128x64xf32, #tpu.memory_space<vmem>>) target(%dma_start3A_409 : memref<10240x64xf32, #tpu.memory_space<vmem_shared>>) offsets(%dma_start3A_406 : memref<128xi32, #tpu.memory_space<vmem>>) semaphore(%run_scoped3A_403 : memref<!tpu.dma_semaphore, #tpu.memory_space<semaphore_mem>>) {add = true}
        %dma_wait3A_410 = arith.constant 0 : i32
        %dma_wait3A_411 = tpu.memref_slice %arg8[%add3A_374, %dma_wait3A_410] : memref<16x128xi32, #tpu.memory_space<vmem>> -> memref<1x128xi32, #tpu.memory_space<vmem>>
        %dma_wait3A_412 = tpu.memref_squeeze %dma_wait3A_411 : memref<1x128xi32, #tpu.memory_space<vmem>> -> memref<128xi32, #tpu.memory_space<vmem>>
        %dma_wait3A_413 = arith.constant 0 : i32
        %dma_wait3A_414 = arith.constant 0 : i32
        %dma_wait3A_415 = tpu.memref_slice %arg12[%dma_wait3A_413, %dma_wait3A_414] : memref<10240x64xf32, #tpu.memory_space<vmem_shared>> -> memref<10240x64xf32, #tpu.memory_space<vmem_shared>>
        tpu.wait_indirect_dma semaphore(%run_scoped3A_403 : memref<!tpu.dma_semaphore, #tpu.memory_space<semaphore_mem>>) src(%arg9 : memref<128x64xf32, #tpu.memory_space<vmem>>) dst(%dma_wait3A_415 : memref<10240x64xf32, #tpu.memory_space<vmem_shared>>)
        tpu.yield
      }) : () -> ()
      %add3A_382 = arith.constant 1 : i32
      %add3A_383 = arith.addi %add3A_361, %add3A_382 : i32
      %add3A_384 = arith.constant 2 : i32
      %add3A_385 = arith.addi %add3A_383, %add3A_384 : i32
      %sub3A_386 = arith.constant 1 : i32
      %sub3A_387 = arith.subi %add3A_385, %sub3A_386 : i32
      %dma_start3A_388 = arith.constant 0 : i32
      %dma_start3A_389 = tpu.memref_slice %arg7[%sub3A_387, %dma_start3A_388] : memref<16x128xi32, #tpu.memory_space<vmem>> -> memref<1x128xi32, #tpu.memory_space<vmem>>
      %dma_start3A_390 = tpu.memref_squeeze %dma_start3A_389 : memref<1x128xi32, #tpu.memory_space<vmem>> -> memref<128xi32, #tpu.memory_space<vmem>>
      %dma_start3A_391 = arith.constant 0 : i32
      %dma_start3A_392 = arith.constant 0 : i32
      %dma_start3A_393 = tpu.memref_slice %arg11[%dma_start3A_391, %dma_start3A_392] : memref<10240x64xf32, #tpu.memory_space<vmem_shared>> -> memref<10240x64xf32, #tpu.memory_space<vmem_shared>>
      tpu.enqueue_indirect_dma source(%dma_start3A_393 : memref<10240x64xf32, #tpu.memory_space<vmem_shared>>) target(%arg9 : memref<128x64xf32, #tpu.memory_space<vmem>>) offsets(%dma_start3A_390 : memref<128xi32, #tpu.memory_space<vmem>>) semaphore(%arg13 : memref<!tpu.dma_semaphore, #tpu.memory_space<semaphore_mem>>)
      %add3A_394 = arith.constant 1 : i32
      %add3A_395 = arith.addi %add3A_361, %add3A_394 : i32
      %dma_wait3A_396 = arith.constant 0 : i32
      %dma_wait3A_397 = arith.constant 0 : i32
      %dma_wait3A_398 = tpu.memref_slice %arg7[%dma_wait3A_396, %dma_wait3A_397] : memref<16x128xi32, #tpu.memory_space<vmem>> -> memref<1x128xi32, #tpu.memory_space<vmem>>
      %dma_wait3A_399 = tpu.memref_squeeze %dma_wait3A_398 : memref<1x128xi32, #tpu.memory_space<vmem>> -> memref<128xi32, #tpu.memory_space<vmem>>
      %dma_wait3A_400 = arith.constant 0 : i32
      %dma_wait3A_401 = arith.constant 0 : i32
      %dma_wait3A_402 = tpu.memref_slice %arg11[%dma_wait3A_400, %dma_wait3A_401] : memref<10240x64xf32, #tpu.memory_space<vmem_shared>> -> memref<10240x64xf32, #tpu.memory_space<vmem_shared>>
      tpu.wait_indirect_dma semaphore(%arg14 : memref<!tpu.dma_semaphore, #tpu.memory_space<semaphore_mem>>) src(%dma_wait3A_402 : memref<10240x64xf32, #tpu.memory_space<vmem_shared>>) dst(%arg10 : memref<128x64xf32, #tpu.memory_space<vmem>>)
      "tpu.region"() ({
        %run_scoped3A_403 = tpu.sem_alloc : memref<!tpu.dma_semaphore, #tpu.memory_space<semaphore_mem>>
        %dma_start3A_404 = arith.constant 0 : i32
        %dma_start3A_405 = tpu.memref_slice %arg8[%add3A_395, %dma_start3A_404] : memref<16x128xi32, #tpu.memory_space<vmem>> -> memref<1x128xi32, #tpu.memory_space<vmem>>
        %dma_start3A_406 = tpu.memref_squeeze %dma_start3A_405 : memref<1x128xi32, #tpu.memory_space<vmem>> -> memref<128xi32, #tpu.memory_space<vmem>>
        %dma_start3A_407 = arith.constant 0 : i32
        %dma_start3A_408 = arith.constant 0 : i32
        %dma_start3A_409 = tpu.memref_slice %arg12[%dma_start3A_407, %dma_start3A_408] : memref<10240x64xf32, #tpu.memory_space<vmem_shared>> -> memref<10240x64xf32, #tpu.memory_space<vmem_shared>>
        tpu.enqueue_indirect_dma source(%arg10 : memref<128x64xf32, #tpu.memory_space<vmem>>) target(%dma_start3A_409 : memref<10240x64xf32, #tpu.memory_space<vmem_shared>>) offsets(%dma_start3A_406 : memref<128xi32, #tpu.memory_space<vmem>>) semaphore(%run_scoped3A_403 : memref<!tpu.dma_semaphore, #tpu.memory_space<semaphore_mem>>) {add = true}
        %dma_wait3A_410 = arith.constant 0 : i32
        %dma_wait3A_411 = tpu.memref_slice %arg8[%add3A_395, %dma_wait3A_410] : memref<16x128xi32, #tpu.memory_space<vmem>> -> memref<1x128xi32, #tpu.memory_space<vmem>>
        %dma_wait3A_412 = tpu.memref_squeeze %dma_wait3A_411 : memref<1x128xi32, #tpu.memory_space<vmem>> -> memref<128xi32, #tpu.memory_space<vmem>>
        %dma_wait3A_413 = arith.constant 0 : i32
        %dma_wait3A_414 = arith.constant 0 : i32
        %dma_wait3A_415 = tpu.memref_slice %arg12[%dma_wait3A_413, %dma_wait3A_414] : memref<10240x64xf32, #tpu.memory_space<vmem_shared>> -> memref<10240x64xf32, #tpu.memory_space<vmem_shared>>
        tpu.wait_indirect_dma semaphore(%run_scoped3A_403 : memref<!tpu.dma_semaphore, #tpu.memory_space<semaphore_mem>>) src(%arg10 : memref<128x64xf32, #tpu.memory_space<vmem>>) dst(%dma_wait3A_415 : memref<10240x64xf32, #tpu.memory_space<vmem_shared>>)
        tpu.yield
      }) : () -> ()
    }
    %scan3A_188 = arith.constant 7 : i32
    %dma_start3A_189 = arith.constant 15 : i32
    %dma_start3A_190 = arith.constant 0 : i32
    %dma_start3A_191 = tpu.memref_slice %arg7[%dma_start3A_189, %dma_start3A_190] : memref<16x128xi32, #tpu.memory_space<vmem>> -> memref<1x128xi32, #tpu.memory_space<vmem>>
    %dma_start3A_192 = tpu.memref_squeeze %dma_start3A_191 : memref<1x128xi32, #tpu.memory_space<vmem>> -> memref<128xi32, #tpu.memory_space<vmem>>
    %dma_start3A_193 = arith.constant 0 : i32
    %dma_start3A_194 = arith.constant 0 : i32
    %dma_start3A_195 = tpu.memref_slice %arg11[%dma_start3A_193, %dma_start3A_194] : memref<10240x64xf32, #tpu.memory_space<vmem_shared>> -> memref<10240x64xf32, #tpu.memory_space<vmem_shared>>
    tpu.enqueue_indirect_dma source(%dma_start3A_195 : memref<10240x64xf32, #tpu.memory_space<vmem_shared>>) target(%arg10 : memref<128x64xf32, #tpu.memory_space<vmem>>) offsets(%dma_start3A_192 : memref<128xi32, #tpu.memory_space<vmem>>) semaphore(%arg14 : memref<!tpu.dma_semaphore, #tpu.memory_space<semaphore_mem>>)
    %dma_wait3A_196 = arith.constant 0 : i32
    %dma_wait3A_197 = arith.constant 0 : i32
    %dma_wait3A_198 = tpu.memref_slice %arg7[%dma_wait3A_196, %dma_wait3A_197] : memref<16x128xi32, #tpu.memory_space<vmem>> -> memref<1x128xi32, #tpu.memory_space<vmem>>
    %dma_wait3A_199 = tpu.memref_squeeze %dma_wait3A_198 : memref<1x128xi32, #tpu.memory_space<vmem>> -> memref<128xi32, #tpu.memory_space<vmem>>
    %dma_wait3A_200 = arith.constant 0 : i32
    %dma_wait3A_201 = arith.constant 0 : i32
    %dma_wait3A_202 = tpu.memref_slice %arg11[%dma_wait3A_200, %dma_wait3A_201] : memref<10240x64xf32, #tpu.memory_space<vmem_shared>> -> memref<10240x64xf32, #tpu.memory_space<vmem_shared>>
    tpu.wait_indirect_dma semaphore(%arg13 : memref<!tpu.dma_semaphore, #tpu.memory_space<semaphore_mem>>) src(%dma_wait3A_202 : memref<10240x64xf32, #tpu.memory_space<vmem_shared>>) dst(%arg9 : memref<128x64xf32, #tpu.memory_space<vmem>>)
    %run_scoped3A_203 = arith.constant 14 : i32
    "tpu.region"() ({
      %run_scoped3A_357 = tpu.sem_alloc : memref<!tpu.dma_semaphore, #tpu.memory_space<semaphore_mem>>
      %dma_start3A_358 = arith.constant 0 : i32
      %dma_start3A_359 = tpu.memref_slice %arg8[%run_scoped3A_203, %dma_start3A_358] : memref<16x128xi32, #tpu.memory_space<vmem>> -> memref<1x128xi32, #tpu.memory_space<vmem>>
      %dma_start3A_360 = tpu.memref_squeeze %dma_start3A_359 : memref<1x128xi32, #tpu.memory_space<vmem>> -> memref<128xi32, #tpu.memory_space<vmem>>
      %dma_start3A_361 = arith.constant 0 : i32
      %dma_start3A_362 = arith.constant 0 : i32
      %dma_start3A_363 = tpu.memref_slice %arg12[%dma_start3A_361, %dma_start3A_362] : memref<10240x64xf32, #tpu.memory_space<vmem_shared>> -> memref<10240x64xf32, #tpu.memory_space<vmem_shared>>
      tpu.enqueue_indirect_dma source(%arg9 : memref<128x64xf32, #tpu.memory_space<vmem>>) target(%dma_start3A_363 : memref<10240x64xf32, #tpu.memory_space<vmem_shared>>) offsets(%dma_start3A_360 : memref<128xi32, #tpu.memory_space<vmem>>) semaphore(%run_scoped3A_357 : memref<!tpu.dma_semaphore, #tpu.memory_space<semaphore_mem>>) {add = true}
      %dma_wait3A_364 = arith.constant 0 : i32
      %dma_wait3A_365 = tpu.memref_slice %arg8[%run_scoped3A_203, %dma_wait3A_364] : memref<16x128xi32, #tpu.memory_space<vmem>> -> memref<1x128xi32, #tpu.memory_space<vmem>>
      %dma_wait3A_366 = tpu.memref_squeeze %dma_wait3A_365 : memref<1x128xi32, #tpu.memory_space<vmem>> -> memref<128xi32, #tpu.memory_space<vmem>>
      %dma_wait3A_367 = arith.constant 0 : i32
      %dma_wait3A_368 = arith.constant 0 : i32
      %dma_wait3A_369 = tpu.memref_slice %arg12[%dma_wait3A_367, %dma_wait3A_368] : memref<10240x64xf32, #tpu.memory_space<vmem_shared>> -> memref<10240x64xf32, #tpu.memory_space<vmem_shared>>
      tpu.wait_indirect_dma semaphore(%run_scoped3A_357 : memref<!tpu.dma_semaphore, #tpu.memory_space<semaphore_mem>>) src(%arg9 : memref<128x64xf32, #tpu.memory_space<vmem>>) dst(%dma_wait3A_369 : memref<10240x64xf32, #tpu.memory_space<vmem_shared>>)
      tpu.yield
    }) : () -> ()
    %dma_wait3A_204 = arith.constant 0 : i32
    %dma_wait3A_205 = arith.constant 0 : i32
    %dma_wait3A_206 = tpu.memref_slice %arg7[%dma_wait3A_204, %dma_wait3A_205] : memref<16x128xi32, #tpu.memory_space<vmem>> -> memref<1x128xi32, #tpu.memory_space<vmem>>
    %dma_wait3A_207 = tpu.memref_squeeze %dma_wait3A_206 : memref<1x128xi32, #tpu.memory_space<vmem>> -> memref<128xi32, #tpu.memory_space<vmem>>
    %dma_wait3A_208 = arith.constant 0 : i32
    %dma_wait3A_209 = arith.constant 0 : i32
    %dma_wait3A_210 = tpu.memref_slice %arg11[%dma_wait3A_208, %dma_wait3A_209] : memref<10240x64xf32, #tpu.memory_space<vmem_shared>> -> memref<10240x64xf32, #tpu.memory_space<vmem_shared>>
    tpu.wait_indirect_dma semaphore(%arg14 : memref<!tpu.dma_semaphore, #tpu.memory_space<semaphore_mem>>) src(%dma_wait3A_210 : memref<10240x64xf32, #tpu.memory_space<vmem_shared>>) dst(%arg10 : memref<128x64xf32, #tpu.memory_space<vmem>>)
    %run_scoped3A_211 = arith.constant 15 : i32
    "tpu.region"() ({
      %run_scoped3A_357 = tpu.sem_alloc : memref<!tpu.dma_semaphore, #tpu.memory_space<semaphore_mem>>
      %dma_start3A_358 = arith.constant 0 : i32
      %dma_start3A_359 = tpu.memref_slice %arg8[%run_scoped3A_211, %dma_start3A_358] : memref<16x128xi32, #tpu.memory_space<vmem>> -> memref<1x128xi32, #tpu.memory_space<vmem>>
      %dma_start3A_360 = tpu.memref_squeeze %dma_start3A_359 : memref<1x128xi32, #tpu.memory_space<vmem>> -> memref<128xi32, #tpu.memory_space<vmem>>
      %dma_start3A_361 = arith.constant 0 : i32
      %dma_start3A_362 = arith.constant 0 : i32
      %dma_start3A_363 = tpu.memref_slice %arg12[%dma_start3A_361, %dma_start3A_362] : memref<10240x64xf32, #tpu.memory_space<vmem_shared>> -> memref<10240x64xf32, #tpu.memory_space<vmem_shared>>
      tpu.enqueue_indirect_dma source(%arg10 : memref<128x64xf32, #tpu.memory_space<vmem>>) target(%dma_start3A_363 : memref<10240x64xf32, #tpu.memory_space<vmem_shared>>) offsets(%dma_start3A_360 : memref<128xi32, #tpu.memory_space<vmem>>) semaphore(%run_scoped3A_357 : memref<!tpu.dma_semaphore, #tpu.memory_space<semaphore_mem>>) {add = true}
      %dma_wait3A_364 = arith.constant 0 : i32
      %dma_wait3A_365 = tpu.memref_slice %arg8[%run_scoped3A_211, %dma_wait3A_364] : memref<16x128xi32, #tpu.memory_space<vmem>> -> memref<1x128xi32, #tpu.memory_space<vmem>>
      %dma_wait3A_366 = tpu.memref_squeeze %dma_wait3A_365 : memref<1x128xi32, #tpu.memory_space<vmem>> -> memref<128xi32, #tpu.memory_space<vmem>>
      %dma_wait3A_367 = arith.constant 0 : i32
      %dma_wait3A_368 = arith.constant 0 : i32
      %dma_wait3A_369 = tpu.memref_slice %arg12[%dma_wait3A_367, %dma_wait3A_368] : memref<10240x64xf32, #tpu.memory_space<vmem_shared>> -> memref<10240x64xf32, #tpu.memory_space<vmem_shared>>
      tpu.wait_indirect_dma semaphore(%run_scoped3A_357 : memref<!tpu.dma_semaphore, #tpu.memory_space<semaphore_mem>>) src(%arg10 : memref<128x64xf32, #tpu.memory_space<vmem>>) dst(%dma_wait3A_369 : memref<10240x64xf32, #tpu.memory_space<vmem_shared>>)
      tpu.yield
    }) : () -> ()
    "tpu.region"() ({
      %run_scoped3A_357 = tpu.sem_alloc : memref<!tpu.dma_semaphore, #tpu.memory_space<semaphore_mem>>
      %dma_start3A_358 = arith.constant 16 : i32
      %dma_start3A_359 = arith.constant 0 : i32
      %dma_start3A_360 = tpu.memref_slice %arg3[%add3A_5, %dma_start3A_358, %dma_start3A_359] : memref<32x80x128xi32, #tpu.memory_space<hbm>> -> memref<1x16x128xi32, #tpu.memory_space<hbm>>
      %dma_start3A_361 = tpu.memref_squeeze %dma_start3A_360 : memref<1x16x128xi32, #tpu.memory_space<hbm>> -> memref<16x128xi32, #tpu.memory_space<hbm>>
      %dma_start3A_362 = arith.constant 16 : i32
      %dma_start3A_363 = arith.constant 0 : i32
      %dma_start3A_364 = tpu.memref_slice %arg3[%add3A_5, %dma_start3A_362, %dma_start3A_363] : memref<32x80x128xi32, #tpu.memory_space<hbm>> -> memref<1x16x128xi32, #tpu.memory_space<hbm>>
      %dma_start3A_365 = tpu.memref_squeeze %dma_start3A_364 : memref<1x16x128xi32, #tpu.memory_space<hbm>> -> memref<16x128xi32, #tpu.memory_space<hbm>>
      tpu.enqueue_dma source(%dma_start3A_365 : memref<16x128xi32, #tpu.memory_space<hbm>>) target(%arg7 : memref<16x128xi32, #tpu.memory_space<vmem>>) target_semaphore(%run_scoped3A_357 : memref<!tpu.dma_semaphore, #tpu.memory_space<semaphore_mem>>)
      %dma_wait3A_366 = arith.constant 16 : i32
      %dma_wait3A_367 = arith.constant 0 : i32
      %dma_wait3A_368 = tpu.memref_slice %arg3[%add3A_5, %dma_wait3A_366, %dma_wait3A_367] : memref<32x80x128xi32, #tpu.memory_space<hbm>> -> memref<1x16x128xi32, #tpu.memory_space<hbm>>
      %dma_wait3A_369 = tpu.memref_squeeze %dma_wait3A_368 : memref<1x16x128xi32, #tpu.memory_space<hbm>> -> memref<16x128xi32, #tpu.memory_space<hbm>>
      %dma_wait3A_370 = arith.constant 16 : i32
      %dma_wait3A_371 = arith.constant 0 : i32
      %dma_wait3A_372 = tpu.memref_slice %arg3[%add3A_5, %dma_wait3A_370, %dma_wait3A_371] : memref<32x80x128xi32, #tpu.memory_space<hbm>> -> memref<1x16x128xi32, #tpu.memory_space<hbm>>
      %dma_wait3A_373 = tpu.memref_squeeze %dma_wait3A_372 : memref<1x16x128xi32, #tpu.memory_space<hbm>> -> memref<16x128xi32, #tpu.memory_space<hbm>>
      tpu.wait_dma2 semaphore(%run_scoped3A_357 : memref<!tpu.dma_semaphore, #tpu.memory_space<semaphore_mem>>) src(%dma_wait3A_373 : memref<16x128xi32, #tpu.memory_space<hbm>>) dst(%arg7 : memref<16x128xi32, #tpu.memory_space<vmem>>)
      tpu.yield
    }) : () -> ()
    "tpu.region"() ({
      %run_scoped3A_357 = tpu.sem_alloc : memref<!tpu.dma_semaphore, #tpu.memory_space<semaphore_mem>>
      %dma_start3A_358 = arith.constant 16 : i32
      %dma_start3A_359 = arith.constant 0 : i32
      %dma_start3A_360 = tpu.memref_slice %arg4[%add3A_5, %dma_start3A_358, %dma_start3A_359] : memref<32x80x128xi32, #tpu.memory_space<hbm>> -> memref<1x16x128xi32, #tpu.memory_space<hbm>>
      %dma_start3A_361 = tpu.memref_squeeze %dma_start3A_360 : memref<1x16x128xi32, #tpu.memory_space<hbm>> -> memref<16x128xi32, #tpu.memory_space<hbm>>
      %dma_start3A_362 = arith.constant 16 : i32
      %dma_start3A_363 = arith.constant 0 : i32
      %dma_start3A_364 = tpu.memref_slice %arg4[%add3A_5, %dma_start3A_362, %dma_start3A_363] : memref<32x80x128xi32, #tpu.memory_space<hbm>> -> memref<1x16x128xi32, #tpu.memory_space<hbm>>
      %dma_start3A_365 = tpu.memref_squeeze %dma_start3A_364 : memref<1x16x128xi32, #tpu.memory_space<hbm>> -> memref<16x128xi32, #tpu.memory_space<hbm>>
      tpu.enqueue_dma source(%dma_start3A_365 : memref<16x128xi32, #tpu.memory_space<hbm>>) target(%arg8 : memref<16x128xi32, #tpu.memory_space<vmem>>) target_semaphore(%run_scoped3A_357 : memref<!tpu.dma_semaphore, #tpu.memory_space<semaphore_mem>>)
      %dma_wait3A_366 = arith.constant 16 : i32
      %dma_wait3A_367 = arith.constant 0 : i32
      %dma_wait3A_368 = tpu.memref_slice %arg4[%add3A_5, %dma_wait3A_366, %dma_wait3A_367] : memref<32x80x128xi32, #tpu.memory_space<hbm>> -> memref<1x16x128xi32, #tpu.memory_space<hbm>>
      %dma_wait3A_369 = tpu.memref_squeeze %dma_wait3A_368 : memref<1x16x128xi32, #tpu.memory_space<hbm>> -> memref<16x128xi32, #tpu.memory_space<hbm>>
      %dma_wait3A_370 = arith.constant 16 : i32
      %dma_wait3A_371 = arith.constant 0 : i32
      %dma_wait3A_372 = tpu.memref_slice %arg4[%add3A_5, %dma_wait3A_370, %dma_wait3A_371] : memref<32x80x128xi32, #tpu.memory_space<hbm>> -> memref<1x16x128xi32, #tpu.memory_space<hbm>>
      %dma_wait3A_373 = tpu.memref_squeeze %dma_wait3A_372 : memref<1x16x128xi32, #tpu.memory_space<hbm>> -> memref<16x128xi32, #tpu.memory_space<hbm>>
      tpu.wait_dma2 semaphore(%run_scoped3A_357 : memref<!tpu.dma_semaphore, #tpu.memory_space<semaphore_mem>>) src(%dma_wait3A_373 : memref<16x128xi32, #tpu.memory_space<hbm>>) dst(%arg8 : memref<16x128xi32, #tpu.memory_space<vmem>>)
      tpu.yield
    }) : () -> ()
    %dma_start3A_212 = arith.constant 0 : i32
    %dma_start3A_213 = arith.constant 0 : i32
    %dma_start3A_214 = tpu.memref_slice %arg7[%dma_start3A_212, %dma_start3A_213] : memref<16x128xi32, #tpu.memory_space<vmem>> -> memref<1x128xi32, #tpu.memory_space<vmem>>
    %dma_start3A_215 = tpu.memref_squeeze %dma_start3A_214 : memref<1x128xi32, #tpu.memory_space<vmem>> -> memref<128xi32, #tpu.memory_space<vmem>>
    %dma_start3A_216 = arith.constant 0 : i32
    %dma_start3A_217 = arith.constant 0 : i32
    %dma_start3A_218 = tpu.memref_slice %arg11[%dma_start3A_216, %dma_start3A_217] : memref<10240x64xf32, #tpu.memory_space<vmem_shared>> -> memref<10240x64xf32, #tpu.memory_space<vmem_shared>>
    tpu.enqueue_indirect_dma source(%dma_start3A_218 : memref<10240x64xf32, #tpu.memory_space<vmem_shared>>) target(%arg9 : memref<128x64xf32, #tpu.memory_space<vmem>>) offsets(%dma_start3A_215 : memref<128xi32, #tpu.memory_space<vmem>>) semaphore(%arg13 : memref<!tpu.dma_semaphore, #tpu.memory_space<semaphore_mem>>)
    %scan3A_219 = arith.constant 0 : i32
    %scan3A_220 = arith.constant 7 : i32
    %scan3A_221 = arith.addi %scan3A_219, %scan3A_220 : i32
    %scan3A_222 = arith.constant 1 : i32
    scf.for %scan3A_357 = %scan3A_219 to %scan3A_221 step %scan3A_222  : i32 {
      %mul3A_358 = arith.constant 2 : i32
      %mul3A_359 = arith.muli %scan3A_357, %mul3A_358 : i32
      %add3A_360 = arith.constant 0 : i32
      %add3A_361 = arith.addi %add3A_360, %mul3A_359 : i32
      %add3A_362 = arith.constant 0 : i32
      %add3A_363 = arith.addi %add3A_361, %add3A_362 : i32
      %add3A_364 = arith.constant 2 : i32
      %add3A_365 = arith.addi %add3A_363, %add3A_364 : i32
      %sub3A = arith.constant 1 : i32
      %sub3A_366 = arith.subi %add3A_365, %sub3A : i32
      %dma_start3A_367 = arith.constant 0 : i32
      %dma_start3A_368 = tpu.memref_slice %arg7[%sub3A_366, %dma_start3A_367] : memref<16x128xi32, #tpu.memory_space<vmem>> -> memref<1x128xi32, #tpu.memory_space<vmem>>
      %dma_start3A_369 = tpu.memref_squeeze %dma_start3A_368 : memref<1x128xi32, #tpu.memory_space<vmem>> -> memref<128xi32, #tpu.memory_space<vmem>>
      %dma_start3A_370 = arith.constant 0 : i32
      %dma_start3A_371 = arith.constant 0 : i32
      %dma_start3A_372 = tpu.memref_slice %arg11[%dma_start3A_370, %dma_start3A_371] : memref<10240x64xf32, #tpu.memory_space<vmem_shared>> -> memref<10240x64xf32, #tpu.memory_space<vmem_shared>>
      tpu.enqueue_indirect_dma source(%dma_start3A_372 : memref<10240x64xf32, #tpu.memory_space<vmem_shared>>) target(%arg10 : memref<128x64xf32, #tpu.memory_space<vmem>>) offsets(%dma_start3A_369 : memref<128xi32, #tpu.memory_space<vmem>>) semaphore(%arg14 : memref<!tpu.dma_semaphore, #tpu.memory_space<semaphore_mem>>)
      %add3A_373 = arith.constant 0 : i32
      %add3A_374 = arith.addi %add3A_361, %add3A_373 : i32
      %dma_wait3A_375 = arith.constant 0 : i32
      %dma_wait3A_376 = arith.constant 0 : i32
      %dma_wait3A_377 = tpu.memref_slice %arg7[%dma_wait3A_375, %dma_wait3A_376] : memref<16x128xi32, #tpu.memory_space<vmem>> -> memref<1x128xi32, #tpu.memory_space<vmem>>
      %dma_wait3A_378 = tpu.memref_squeeze %dma_wait3A_377 : memref<1x128xi32, #tpu.memory_space<vmem>> -> memref<128xi32, #tpu.memory_space<vmem>>
      %dma_wait3A_379 = arith.constant 0 : i32
      %dma_wait3A_380 = arith.constant 0 : i32
      %dma_wait3A_381 = tpu.memref_slice %arg11[%dma_wait3A_379, %dma_wait3A_380] : memref<10240x64xf32, #tpu.memory_space<vmem_shared>> -> memref<10240x64xf32, #tpu.memory_space<vmem_shared>>
      tpu.wait_indirect_dma semaphore(%arg13 : memref<!tpu.dma_semaphore, #tpu.memory_space<semaphore_mem>>) src(%dma_wait3A_381 : memref<10240x64xf32, #tpu.memory_space<vmem_shared>>) dst(%arg9 : memref<128x64xf32, #tpu.memory_space<vmem>>)
      "tpu.region"() ({
        %run_scoped3A_403 = tpu.sem_alloc : memref<!tpu.dma_semaphore, #tpu.memory_space<semaphore_mem>>
        %dma_start3A_404 = arith.constant 0 : i32
        %dma_start3A_405 = tpu.memref_slice %arg8[%add3A_374, %dma_start3A_404] : memref<16x128xi32, #tpu.memory_space<vmem>> -> memref<1x128xi32, #tpu.memory_space<vmem>>
        %dma_start3A_406 = tpu.memref_squeeze %dma_start3A_405 : memref<1x128xi32, #tpu.memory_space<vmem>> -> memref<128xi32, #tpu.memory_space<vmem>>
        %dma_start3A_407 = arith.constant 0 : i32
        %dma_start3A_408 = arith.constant 0 : i32
        %dma_start3A_409 = tpu.memref_slice %arg12[%dma_start3A_407, %dma_start3A_408] : memref<10240x64xf32, #tpu.memory_space<vmem_shared>> -> memref<10240x64xf32, #tpu.memory_space<vmem_shared>>
        tpu.enqueue_indirect_dma source(%arg9 : memref<128x64xf32, #tpu.memory_space<vmem>>) target(%dma_start3A_409 : memref<10240x64xf32, #tpu.memory_space<vmem_shared>>) offsets(%dma_start3A_406 : memref<128xi32, #tpu.memory_space<vmem>>) semaphore(%run_scoped3A_403 : memref<!tpu.dma_semaphore, #tpu.memory_space<semaphore_mem>>) {add = true}
        %dma_wait3A_410 = arith.constant 0 : i32
        %dma_wait3A_411 = tpu.memref_slice %arg8[%add3A_374, %dma_wait3A_410] : memref<16x128xi32, #tpu.memory_space<vmem>> -> memref<1x128xi32, #tpu.memory_space<vmem>>
        %dma_wait3A_412 = tpu.memref_squeeze %dma_wait3A_411 : memref<1x128xi32, #tpu.memory_space<vmem>> -> memref<128xi32, #tpu.memory_space<vmem>>
        %dma_wait3A_413 = arith.constant 0 : i32
        %dma_wait3A_414 = arith.constant 0 : i32
        %dma_wait3A_415 = tpu.memref_slice %arg12[%dma_wait3A_413, %dma_wait3A_414] : memref<10240x64xf32, #tpu.memory_space<vmem_shared>> -> memref<10240x64xf32, #tpu.memory_space<vmem_shared>>
        tpu.wait_indirect_dma semaphore(%run_scoped3A_403 : memref<!tpu.dma_semaphore, #tpu.memory_space<semaphore_mem>>) src(%arg9 : memref<128x64xf32, #tpu.memory_space<vmem>>) dst(%dma_wait3A_415 : memref<10240x64xf32, #tpu.memory_space<vmem_shared>>)
        tpu.yield
      }) : () -> ()
      %add3A_382 = arith.constant 1 : i32
      %add3A_383 = arith.addi %add3A_361, %add3A_382 : i32
      %add3A_384 = arith.constant 2 : i32
      %add3A_385 = arith.addi %add3A_383, %add3A_384 : i32
      %sub3A_386 = arith.constant 1 : i32
      %sub3A_387 = arith.subi %add3A_385, %sub3A_386 : i32
      %dma_start3A_388 = arith.constant 0 : i32
      %dma_start3A_389 = tpu.memref_slice %arg7[%sub3A_387, %dma_start3A_388] : memref<16x128xi32, #tpu.memory_space<vmem>> -> memref<1x128xi32, #tpu.memory_space<vmem>>
      %dma_start3A_390 = tpu.memref_squeeze %dma_start3A_389 : memref<1x128xi32, #tpu.memory_space<vmem>> -> memref<128xi32, #tpu.memory_space<vmem>>
      %dma_start3A_391 = arith.constant 0 : i32
      %dma_start3A_392 = arith.constant 0 : i32
      %dma_start3A_393 = tpu.memref_slice %arg11[%dma_start3A_391, %dma_start3A_392] : memref<10240x64xf32, #tpu.memory_space<vmem_shared>> -> memref<10240x64xf32, #tpu.memory_space<vmem_shared>>
      tpu.enqueue_indirect_dma source(%dma_start3A_393 : memref<10240x64xf32, #tpu.memory_space<vmem_shared>>) target(%arg9 : memref<128x64xf32, #tpu.memory_space<vmem>>) offsets(%dma_start3A_390 : memref<128xi32, #tpu.memory_space<vmem>>) semaphore(%arg13 : memref<!tpu.dma_semaphore, #tpu.memory_space<semaphore_mem>>)
      %add3A_394 = arith.constant 1 : i32
      %add3A_395 = arith.addi %add3A_361, %add3A_394 : i32
      %dma_wait3A_396 = arith.constant 0 : i32
      %dma_wait3A_397 = arith.constant 0 : i32
      %dma_wait3A_398 = tpu.memref_slice %arg7[%dma_wait3A_396, %dma_wait3A_397] : memref<16x128xi32, #tpu.memory_space<vmem>> -> memref<1x128xi32, #tpu.memory_space<vmem>>
      %dma_wait3A_399 = tpu.memref_squeeze %dma_wait3A_398 : memref<1x128xi32, #tpu.memory_space<vmem>> -> memref<128xi32, #tpu.memory_space<vmem>>
      %dma_wait3A_400 = arith.constant 0 : i32
      %dma_wait3A_401 = arith.constant 0 : i32
      %dma_wait3A_402 = tpu.memref_slice %arg11[%dma_wait3A_400, %dma_wait3A_401] : memref<10240x64xf32, #tpu.memory_space<vmem_shared>> -> memref<10240x64xf32, #tpu.memory_space<vmem_shared>>
      tpu.wait_indirect_dma semaphore(%arg14 : memref<!tpu.dma_semaphore, #tpu.memory_space<semaphore_mem>>) src(%dma_wait3A_402 : memref<10240x64xf32, #tpu.memory_space<vmem_shared>>) dst(%arg10 : memref<128x64xf32, #tpu.memory_space<vmem>>)
      "tpu.region"() ({
        %run_scoped3A_403 = tpu.sem_alloc : memref<!tpu.dma_semaphore, #tpu.memory_space<semaphore_mem>>
        %dma_start3A_404 = arith.constant 0 : i32
        %dma_start3A_405 = tpu.memref_slice %arg8[%add3A_395, %dma_start3A_404] : memref<16x128xi32, #tpu.memory_space<vmem>> -> memref<1x128xi32, #tpu.memory_space<vmem>>
        %dma_start3A_406 = tpu.memref_squeeze %dma_start3A_405 : memref<1x128xi32, #tpu.memory_space<vmem>> -> memref<128xi32, #tpu.memory_space<vmem>>
        %dma_start3A_407 = arith.constant 0 : i32
        %dma_start3A_408 = arith.constant 0 : i32
        %dma_start3A_409 = tpu.memref_slice %arg12[%dma_start3A_407, %dma_start3A_408] : memref<10240x64xf32, #tpu.memory_space<vmem_shared>> -> memref<10240x64xf32, #tpu.memory_space<vmem_shared>>
        tpu.enqueue_indirect_dma source(%arg10 : memref<128x64xf32, #tpu.memory_space<vmem>>) target(%dma_start3A_409 : memref<10240x64xf32, #tpu.memory_space<vmem_shared>>) offsets(%dma_start3A_406 : memref<128xi32, #tpu.memory_space<vmem>>) semaphore(%run_scoped3A_403 : memref<!tpu.dma_semaphore, #tpu.memory_space<semaphore_mem>>) {add = true}
        %dma_wait3A_410 = arith.constant 0 : i32
        %dma_wait3A_411 = tpu.memref_slice %arg8[%add3A_395, %dma_wait3A_410] : memref<16x128xi32, #tpu.memory_space<vmem>> -> memref<1x128xi32, #tpu.memory_space<vmem>>
        %dma_wait3A_412 = tpu.memref_squeeze %dma_wait3A_411 : memref<1x128xi32, #tpu.memory_space<vmem>> -> memref<128xi32, #tpu.memory_space<vmem>>
        %dma_wait3A_413 = arith.constant 0 : i32
        %dma_wait3A_414 = arith.constant 0 : i32
        %dma_wait3A_415 = tpu.memref_slice %arg12[%dma_wait3A_413, %dma_wait3A_414] : memref<10240x64xf32, #tpu.memory_space<vmem_shared>> -> memref<10240x64xf32, #tpu.memory_space<vmem_shared>>
        tpu.wait_indirect_dma semaphore(%run_scoped3A_403 : memref<!tpu.dma_semaphore, #tpu.memory_space<semaphore_mem>>) src(%arg10 : memref<128x64xf32, #tpu.memory_space<vmem>>) dst(%dma_wait3A_415 : memref<10240x64xf32, #tpu.memory_space<vmem_shared>>)
        tpu.yield
      }) : () -> ()
    }
    %scan3A_223 = arith.constant 7 : i32
    %dma_start3A_224 = arith.constant 15 : i32
    %dma_start3A_225 = arith.constant 0 : i32
    %dma_start3A_226 = tpu.memref_slice %arg7[%dma_start3A_224, %dma_start3A_225] : memref<16x128xi32, #tpu.memory_space<vmem>> -> memref<1x128xi32, #tpu.memory_space<vmem>>
    %dma_start3A_227 = tpu.memref_squeeze %dma_start3A_226 : memref<1x128xi32, #tpu.memory_space<vmem>> -> memref<128xi32, #tpu.memory_space<vmem>>
    %dma_start3A_228 = arith.constant 0 : i32
    %dma_start3A_229 = arith.constant 0 : i32
    %dma_start3A_230 = tpu.memref_slice %arg11[%dma_start3A_228, %dma_start3A_229] : memref<10240x64xf32, #tpu.memory_space<vmem_shared>> -> memref<10240x64xf32, #tpu.memory_space<vmem_shared>>
    tpu.enqueue_indirect_dma source(%dma_start3A_230 : memref<10240x64xf32, #tpu.memory_space<vmem_shared>>) target(%arg10 : memref<128x64xf32, #tpu.memory_space<vmem>>) offsets(%dma_start3A_227 : memref<128xi32, #tpu.memory_space<vmem>>) semaphore(%arg14 : memref<!tpu.dma_semaphore, #tpu.memory_space<semaphore_mem>>)
    %dma_wait3A_231 = arith.constant 0 : i32
    %dma_wait3A_232 = arith.constant 0 : i32
    %dma_wait3A_233 = tpu.memref_slice %arg7[%dma_wait3A_231, %dma_wait3A_232] : memref<16x128xi32, #tpu.memory_space<vmem>> -> memref<1x128xi32, #tpu.memory_space<vmem>>
    %dma_wait3A_234 = tpu.memref_squeeze %dma_wait3A_233 : memref<1x128xi32, #tpu.memory_space<vmem>> -> memref<128xi32, #tpu.memory_space<vmem>>
    %dma_wait3A_235 = arith.constant 0 : i32
    %dma_wait3A_236 = arith.constant 0 : i32
    %dma_wait3A_237 = tpu.memref_slice %arg11[%dma_wait3A_235, %dma_wait3A_236] : memref<10240x64xf32, #tpu.memory_space<vmem_shared>> -> memref<10240x64xf32, #tpu.memory_space<vmem_shared>>
    tpu.wait_indirect_dma semaphore(%arg13 : memref<!tpu.dma_semaphore, #tpu.memory_space<semaphore_mem>>) src(%dma_wait3A_237 : memref<10240x64xf32, #tpu.memory_space<vmem_shared>>) dst(%arg9 : memref<128x64xf32, #tpu.memory_space<vmem>>)
    %run_scoped3A_238 = arith.constant 14 : i32
    "tpu.region"() ({
      %run_scoped3A_357 = tpu.sem_alloc : memref<!tpu.dma_semaphore, #tpu.memory_space<semaphore_mem>>
      %dma_start3A_358 = arith.constant 0 : i32
      %dma_start3A_359 = tpu.memref_slice %arg8[%run_scoped3A_238, %dma_start3A_358] : memref<16x128xi32, #tpu.memory_space<vmem>> -> memref<1x128xi32, #tpu.memory_space<vmem>>
      %dma_start3A_360 = tpu.memref_squeeze %dma_start3A_359 : memref<1x128xi32, #tpu.memory_space<vmem>> -> memref<128xi32, #tpu.memory_space<vmem>>
      %dma_start3A_361 = arith.constant 0 : i32
      %dma_start3A_362 = arith.constant 0 : i32
      %dma_start3A_363 = tpu.memref_slice %arg12[%dma_start3A_361, %dma_start3A_362] : memref<10240x64xf32, #tpu.memory_space<vmem_shared>> -> memref<10240x64xf32, #tpu.memory_space<vmem_shared>>
      tpu.enqueue_indirect_dma source(%arg9 : memref<128x64xf32, #tpu.memory_space<vmem>>) target(%dma_start3A_363 : memref<10240x64xf32, #tpu.memory_space<vmem_shared>>) offsets(%dma_start3A_360 : memref<128xi32, #tpu.memory_space<vmem>>) semaphore(%run_scoped3A_357 : memref<!tpu.dma_semaphore, #tpu.memory_space<semaphore_mem>>) {add = true}
      %dma_wait3A_364 = arith.constant 0 : i32
      %dma_wait3A_365 = tpu.memref_slice %arg8[%run_scoped3A_238, %dma_wait3A_364] : memref<16x128xi32, #tpu.memory_space<vmem>> -> memref<1x128xi32, #tpu.memory_space<vmem>>
      %dma_wait3A_366 = tpu.memref_squeeze %dma_wait3A_365 : memref<1x128xi32, #tpu.memory_space<vmem>> -> memref<128xi32, #tpu.memory_space<vmem>>
      %dma_wait3A_367 = arith.constant 0 : i32
      %dma_wait3A_368 = arith.constant 0 : i32
      %dma_wait3A_369 = tpu.memref_slice %arg12[%dma_wait3A_367, %dma_wait3A_368] : memref<10240x64xf32, #tpu.memory_space<vmem_shared>> -> memref<10240x64xf32, #tpu.memory_space<vmem_shared>>
      tpu.wait_indirect_dma semaphore(%run_scoped3A_357 : memref<!tpu.dma_semaphore, #tpu.memory_space<semaphore_mem>>) src(%arg9 : memref<128x64xf32, #tpu.memory_space<vmem>>) dst(%dma_wait3A_369 : memref<10240x64xf32, #tpu.memory_space<vmem_shared>>)
      tpu.yield
    }) : () -> ()
    %dma_wait3A_239 = arith.constant 0 : i32
    %dma_wait3A_240 = arith.constant 0 : i32
    %dma_wait3A_241 = tpu.memref_slice %arg7[%dma_wait3A_239, %dma_wait3A_240] : memref<16x128xi32, #tpu.memory_space<vmem>> -> memref<1x128xi32, #tpu.memory_space<vmem>>
    %dma_wait3A_242 = tpu.memref_squeeze %dma_wait3A_241 : memref<1x128xi32, #tpu.memory_space<vmem>> -> memref<128xi32, #tpu.memory_space<vmem>>
    %dma_wait3A_243 = arith.constant 0 : i32
    %dma_wait3A_244 = arith.constant 0 : i32
    %dma_wait3A_245 = tpu.memref_slice %arg11[%dma_wait3A_243, %dma_wait3A_244] : memref<10240x64xf32, #tpu.memory_space<vmem_shared>> -> memref<10240x64xf32, #tpu.memory_space<vmem_shared>>
    tpu.wait_indirect_dma semaphore(%arg14 : memref<!tpu.dma_semaphore, #tpu.memory_space<semaphore_mem>>) src(%dma_wait3A_245 : memref<10240x64xf32, #tpu.memory_space<vmem_shared>>) dst(%arg10 : memref<128x64xf32, #tpu.memory_space<vmem>>)
    %run_scoped3A_246 = arith.constant 15 : i32
    "tpu.region"() ({
      %run_scoped3A_357 = tpu.sem_alloc : memref<!tpu.dma_semaphore, #tpu.memory_space<semaphore_mem>>
      %dma_start3A_358 = arith.constant 0 : i32
      %dma_start3A_359 = tpu.memref_slice %arg8[%run_scoped3A_246, %dma_start3A_358] : memref<16x128xi32, #tpu.memory_space<vmem>> -> memref<1x128xi32, #tpu.memory_space<vmem>>
      %dma_start3A_360 = tpu.memref_squeeze %dma_start3A_359 : memref<1x128xi32, #tpu.memory_space<vmem>> -> memref<128xi32, #tpu.memory_space<vmem>>
      %dma_start3A_361 = arith.constant 0 : i32
      %dma_start3A_362 = arith.constant 0 : i32
      %dma_start3A_363 = tpu.memref_slice %arg12[%dma_start3A_361, %dma_start3A_362] : memref<10240x64xf32, #tpu.memory_space<vmem_shared>> -> memref<10240x64xf32, #tpu.memory_space<vmem_shared>>
      tpu.enqueue_indirect_dma source(%arg10 : memref<128x64xf32, #tpu.memory_space<vmem>>) target(%dma_start3A_363 : memref<10240x64xf32, #tpu.memory_space<vmem_shared>>) offsets(%dma_start3A_360 : memref<128xi32, #tpu.memory_space<vmem>>) semaphore(%run_scoped3A_357 : memref<!tpu.dma_semaphore, #tpu.memory_space<semaphore_mem>>) {add = true}
      %dma_wait3A_364 = arith.constant 0 : i32
      %dma_wait3A_365 = tpu.memref_slice %arg8[%run_scoped3A_246, %dma_wait3A_364] : memref<16x128xi32, #tpu.memory_space<vmem>> -> memref<1x128xi32, #tpu.memory_space<vmem>>
      %dma_wait3A_366 = tpu.memref_squeeze %dma_wait3A_365 : memref<1x128xi32, #tpu.memory_space<vmem>> -> memref<128xi32, #tpu.memory_space<vmem>>
      %dma_wait3A_367 = arith.constant 0 : i32
      %dma_wait3A_368 = arith.constant 0 : i32
      %dma_wait3A_369 = tpu.memref_slice %arg12[%dma_wait3A_367, %dma_wait3A_368] : memref<10240x64xf32, #tpu.memory_space<vmem_shared>> -> memref<10240x64xf32, #tpu.memory_space<vmem_shared>>
      tpu.wait_indirect_dma semaphore(%run_scoped3A_357 : memref<!tpu.dma_semaphore, #tpu.memory_space<semaphore_mem>>) src(%arg10 : memref<128x64xf32, #tpu.memory_space<vmem>>) dst(%dma_wait3A_369 : memref<10240x64xf32, #tpu.memory_space<vmem_shared>>)
      tpu.yield
    }) : () -> ()
    "tpu.region"() ({
      %run_scoped3A_357 = tpu.sem_alloc : memref<!tpu.dma_semaphore, #tpu.memory_space<semaphore_mem>>
      %dma_start3A_358 = arith.constant 32 : i32
      %dma_start3A_359 = arith.constant 0 : i32
      %dma_start3A_360 = tpu.memref_slice %arg3[%add3A_5, %dma_start3A_358, %dma_start3A_359] : memref<32x80x128xi32, #tpu.memory_space<hbm>> -> memref<1x16x128xi32, #tpu.memory_space<hbm>>
      %dma_start3A_361 = tpu.memref_squeeze %dma_start3A_360 : memref<1x16x128xi32, #tpu.memory_space<hbm>> -> memref<16x128xi32, #tpu.memory_space<hbm>>
      %dma_start3A_362 = arith.constant 32 : i32
      %dma_start3A_363 = arith.constant 0 : i32
      %dma_start3A_364 = tpu.memref_slice %arg3[%add3A_5, %dma_start3A_362, %dma_start3A_363] : memref<32x80x128xi32, #tpu.memory_space<hbm>> -> memref<1x16x128xi32, #tpu.memory_space<hbm>>
      %dma_start3A_365 = tpu.memref_squeeze %dma_start3A_364 : memref<1x16x128xi32, #tpu.memory_space<hbm>> -> memref<16x128xi32, #tpu.memory_space<hbm>>
      tpu.enqueue_dma source(%dma_start3A_365 : memref<16x128xi32, #tpu.memory_space<hbm>>) target(%arg7 : memref<16x128xi32, #tpu.memory_space<vmem>>) target_semaphore(%run_scoped3A_357 : memref<!tpu.dma_semaphore, #tpu.memory_space<semaphore_mem>>)
      %dma_wait3A_366 = arith.constant 32 : i32
      %dma_wait3A_367 = arith.constant 0 : i32
      %dma_wait3A_368 = tpu.memref_slice %arg3[%add3A_5, %dma_wait3A_366, %dma_wait3A_367] : memref<32x80x128xi32, #tpu.memory_space<hbm>> -> memref<1x16x128xi32, #tpu.memory_space<hbm>>
      %dma_wait3A_369 = tpu.memref_squeeze %dma_wait3A_368 : memref<1x16x128xi32, #tpu.memory_space<hbm>> -> memref<16x128xi32, #tpu.memory_space<hbm>>
      %dma_wait3A_370 = arith.constant 32 : i32
      %dma_wait3A_371 = arith.constant 0 : i32
      %dma_wait3A_372 = tpu.memref_slice %arg3[%add3A_5, %dma_wait3A_370, %dma_wait3A_371] : memref<32x80x128xi32, #tpu.memory_space<hbm>> -> memref<1x16x128xi32, #tpu.memory_space<hbm>>
      %dma_wait3A_373 = tpu.memref_squeeze %dma_wait3A_372 : memref<1x16x128xi32, #tpu.memory_space<hbm>> -> memref<16x128xi32, #tpu.memory_space<hbm>>
      tpu.wait_dma2 semaphore(%run_scoped3A_357 : memref<!tpu.dma_semaphore, #tpu.memory_space<semaphore_mem>>) src(%dma_wait3A_373 : memref<16x128xi32, #tpu.memory_space<hbm>>) dst(%arg7 : memref<16x128xi32, #tpu.memory_space<vmem>>)
      tpu.yield
    }) : () -> ()
    "tpu.region"() ({
      %run_scoped3A_357 = tpu.sem_alloc : memref<!tpu.dma_semaphore, #tpu.memory_space<semaphore_mem>>
      %dma_start3A_358 = arith.constant 32 : i32
      %dma_start3A_359 = arith.constant 0 : i32
      %dma_start3A_360 = tpu.memref_slice %arg4[%add3A_5, %dma_start3A_358, %dma_start3A_359] : memref<32x80x128xi32, #tpu.memory_space<hbm>> -> memref<1x16x128xi32, #tpu.memory_space<hbm>>
      %dma_start3A_361 = tpu.memref_squeeze %dma_start3A_360 : memref<1x16x128xi32, #tpu.memory_space<hbm>> -> memref<16x128xi32, #tpu.memory_space<hbm>>
      %dma_start3A_362 = arith.constant 32 : i32
      %dma_start3A_363 = arith.constant 0 : i32
      %dma_start3A_364 = tpu.memref_slice %arg4[%add3A_5, %dma_start3A_362, %dma_start3A_363] : memref<32x80x128xi32, #tpu.memory_space<hbm>> -> memref<1x16x128xi32, #tpu.memory_space<hbm>>
      %dma_start3A_365 = tpu.memref_squeeze %dma_start3A_364 : memref<1x16x128xi32, #tpu.memory_space<hbm>> -> memref<16x128xi32, #tpu.memory_space<hbm>>
      tpu.enqueue_dma source(%dma_start3A_365 : memref<16x128xi32, #tpu.memory_space<hbm>>) target(%arg8 : memref<16x128xi32, #tpu.memory_space<vmem>>) target_semaphore(%run_scoped3A_357 : memref<!tpu.dma_semaphore, #tpu.memory_space<semaphore_mem>>)
      %dma_wait3A_366 = arith.constant 32 : i32
      %dma_wait3A_367 = arith.constant 0 : i32
      %dma_wait3A_368 = tpu.memref_slice %arg4[%add3A_5, %dma_wait3A_366, %dma_wait3A_367] : memref<32x80x128xi32, #tpu.memory_space<hbm>> -> memref<1x16x128xi32, #tpu.memory_space<hbm>>
      %dma_wait3A_369 = tpu.memref_squeeze %dma_wait3A_368 : memref<1x16x128xi32, #tpu.memory_space<hbm>> -> memref<16x128xi32, #tpu.memory_space<hbm>>
      %dma_wait3A_370 = arith.constant 32 : i32
      %dma_wait3A_371 = arith.constant 0 : i32
      %dma_wait3A_372 = tpu.memref_slice %arg4[%add3A_5, %dma_wait3A_370, %dma_wait3A_371] : memref<32x80x128xi32, #tpu.memory_space<hbm>> -> memref<1x16x128xi32, #tpu.memory_space<hbm>>
      %dma_wait3A_373 = tpu.memref_squeeze %dma_wait3A_372 : memref<1x16x128xi32, #tpu.memory_space<hbm>> -> memref<16x128xi32, #tpu.memory_space<hbm>>
      tpu.wait_dma2 semaphore(%run_scoped3A_357 : memref<!tpu.dma_semaphore, #tpu.memory_space<semaphore_mem>>) src(%dma_wait3A_373 : memref<16x128xi32, #tpu.memory_space<hbm>>) dst(%arg8 : memref<16x128xi32, #tpu.memory_space<vmem>>)
      tpu.yield
    }) : () -> ()
    %dma_start3A_247 = arith.constant 0 : i32
    %dma_start3A_248 = arith.constant 0 : i32
    %dma_start3A_249 = tpu.memref_slice %arg7[%dma_start3A_247, %dma_start3A_248] : memref<16x128xi32, #tpu.memory_space<vmem>> -> memref<1x128xi32, #tpu.memory_space<vmem>>
    %dma_start3A_250 = tpu.memref_squeeze %dma_start3A_249 : memref<1x128xi32, #tpu.memory_space<vmem>> -> memref<128xi32, #tpu.memory_space<vmem>>
    %dma_start3A_251 = arith.constant 0 : i32
    %dma_start3A_252 = arith.constant 0 : i32
    %dma_start3A_253 = tpu.memref_slice %arg11[%dma_start3A_251, %dma_start3A_252] : memref<10240x64xf32, #tpu.memory_space<vmem_shared>> -> memref<10240x64xf32, #tpu.memory_space<vmem_shared>>
    tpu.enqueue_indirect_dma source(%dma_start3A_253 : memref<10240x64xf32, #tpu.memory_space<vmem_shared>>) target(%arg9 : memref<128x64xf32, #tpu.memory_space<vmem>>) offsets(%dma_start3A_250 : memref<128xi32, #tpu.memory_space<vmem>>) semaphore(%arg13 : memref<!tpu.dma_semaphore, #tpu.memory_space<semaphore_mem>>)
    %scan3A_254 = arith.constant 0 : i32
    %scan3A_255 = arith.constant 7 : i32
    %scan3A_256 = arith.addi %scan3A_254, %scan3A_255 : i32
    %scan3A_257 = arith.constant 1 : i32
    scf.for %scan3A_357 = %scan3A_254 to %scan3A_256 step %scan3A_257  : i32 {
      %mul3A_358 = arith.constant 2 : i32
      %mul3A_359 = arith.muli %scan3A_357, %mul3A_358 : i32
      %add3A_360 = arith.constant 0 : i32
      %add3A_361 = arith.addi %add3A_360, %mul3A_359 : i32
      %add3A_362 = arith.constant 0 : i32
      %add3A_363 = arith.addi %add3A_361, %add3A_362 : i32
      %add3A_364 = arith.constant 2 : i32
      %add3A_365 = arith.addi %add3A_363, %add3A_364 : i32
      %sub3A = arith.constant 1 : i32
      %sub3A_366 = arith.subi %add3A_365, %sub3A : i32
      %dma_start3A_367 = arith.constant 0 : i32
      %dma_start3A_368 = tpu.memref_slice %arg7[%sub3A_366, %dma_start3A_367] : memref<16x128xi32, #tpu.memory_space<vmem>> -> memref<1x128xi32, #tpu.memory_space<vmem>>
      %dma_start3A_369 = tpu.memref_squeeze %dma_start3A_368 : memref<1x128xi32, #tpu.memory_space<vmem>> -> memref<128xi32, #tpu.memory_space<vmem>>
      %dma_start3A_370 = arith.constant 0 : i32
      %dma_start3A_371 = arith.constant 0 : i32
      %dma_start3A_372 = tpu.memref_slice %arg11[%dma_start3A_370, %dma_start3A_371] : memref<10240x64xf32, #tpu.memory_space<vmem_shared>> -> memref<10240x64xf32, #tpu.memory_space<vmem_shared>>
      tpu.enqueue_indirect_dma source(%dma_start3A_372 : memref<10240x64xf32, #tpu.memory_space<vmem_shared>>) target(%arg10 : memref<128x64xf32, #tpu.memory_space<vmem>>) offsets(%dma_start3A_369 : memref<128xi32, #tpu.memory_space<vmem>>) semaphore(%arg14 : memref<!tpu.dma_semaphore, #tpu.memory_space<semaphore_mem>>)
      %add3A_373 = arith.constant 0 : i32
      %add3A_374 = arith.addi %add3A_361, %add3A_373 : i32
      %dma_wait3A_375 = arith.constant 0 : i32
      %dma_wait3A_376 = arith.constant 0 : i32
      %dma_wait3A_377 = tpu.memref_slice %arg7[%dma_wait3A_375, %dma_wait3A_376] : memref<16x128xi32, #tpu.memory_space<vmem>> -> memref<1x128xi32, #tpu.memory_space<vmem>>
      %dma_wait3A_378 = tpu.memref_squeeze %dma_wait3A_377 : memref<1x128xi32, #tpu.memory_space<vmem>> -> memref<128xi32, #tpu.memory_space<vmem>>
      %dma_wait3A_379 = arith.constant 0 : i32
      %dma_wait3A_380 = arith.constant 0 : i32
      %dma_wait3A_381 = tpu.memref_slice %arg11[%dma_wait3A_379, %dma_wait3A_380] : memref<10240x64xf32, #tpu.memory_space<vmem_shared>> -> memref<10240x64xf32, #tpu.memory_space<vmem_shared>>
      tpu.wait_indirect_dma semaphore(%arg13 : memref<!tpu.dma_semaphore, #tpu.memory_space<semaphore_mem>>) src(%dma_wait3A_381 : memref<10240x64xf32, #tpu.memory_space<vmem_shared>>) dst(%arg9 : memref<128x64xf32, #tpu.memory_space<vmem>>)
      "tpu.region"() ({
        %run_scoped3A_403 = tpu.sem_alloc : memref<!tpu.dma_semaphore, #tpu.memory_space<semaphore_mem>>
        %dma_start3A_404 = arith.constant 0 : i32
        %dma_start3A_405 = tpu.memref_slice %arg8[%add3A_374, %dma_start3A_404] : memref<16x128xi32, #tpu.memory_space<vmem>> -> memref<1x128xi32, #tpu.memory_space<vmem>>
        %dma_start3A_406 = tpu.memref_squeeze %dma_start3A_405 : memref<1x128xi32, #tpu.memory_space<vmem>> -> memref<128xi32, #tpu.memory_space<vmem>>
        %dma_start3A_407 = arith.constant 0 : i32
        %dma_start3A_408 = arith.constant 0 : i32
        %dma_start3A_409 = tpu.memref_slice %arg12[%dma_start3A_407, %dma_start3A_408] : memref<10240x64xf32, #tpu.memory_space<vmem_shared>> -> memref<10240x64xf32, #tpu.memory_space<vmem_shared>>
        tpu.enqueue_indirect_dma source(%arg9 : memref<128x64xf32, #tpu.memory_space<vmem>>) target(%dma_start3A_409 : memref<10240x64xf32, #tpu.memory_space<vmem_shared>>) offsets(%dma_start3A_406 : memref<128xi32, #tpu.memory_space<vmem>>) semaphore(%run_scoped3A_403 : memref<!tpu.dma_semaphore, #tpu.memory_space<semaphore_mem>>) {add = true}
        %dma_wait3A_410 = arith.constant 0 : i32
        %dma_wait3A_411 = tpu.memref_slice %arg8[%add3A_374, %dma_wait3A_410] : memref<16x128xi32, #tpu.memory_space<vmem>> -> memref<1x128xi32, #tpu.memory_space<vmem>>
        %dma_wait3A_412 = tpu.memref_squeeze %dma_wait3A_411 : memref<1x128xi32, #tpu.memory_space<vmem>> -> memref<128xi32, #tpu.memory_space<vmem>>
        %dma_wait3A_413 = arith.constant 0 : i32
        %dma_wait3A_414 = arith.constant 0 : i32
        %dma_wait3A_415 = tpu.memref_slice %arg12[%dma_wait3A_413, %dma_wait3A_414] : memref<10240x64xf32, #tpu.memory_space<vmem_shared>> -> memref<10240x64xf32, #tpu.memory_space<vmem_shared>>
        tpu.wait_indirect_dma semaphore(%run_scoped3A_403 : memref<!tpu.dma_semaphore, #tpu.memory_space<semaphore_mem>>) src(%arg9 : memref<128x64xf32, #tpu.memory_space<vmem>>) dst(%dma_wait3A_415 : memref<10240x64xf32, #tpu.memory_space<vmem_shared>>)
        tpu.yield
      }) : () -> ()
      %add3A_382 = arith.constant 1 : i32
      %add3A_383 = arith.addi %add3A_361, %add3A_382 : i32
      %add3A_384 = arith.constant 2 : i32
      %add3A_385 = arith.addi %add3A_383, %add3A_384 : i32
      %sub3A_386 = arith.constant 1 : i32
      %sub3A_387 = arith.subi %add3A_385, %sub3A_386 : i32
      %dma_start3A_388 = arith.constant 0 : i32
      %dma_start3A_389 = tpu.memref_slice %arg7[%sub3A_387, %dma_start3A_388] : memref<16x128xi32, #tpu.memory_space<vmem>> -> memref<1x128xi32, #tpu.memory_space<vmem>>
      %dma_start3A_390 = tpu.memref_squeeze %dma_start3A_389 : memref<1x128xi32, #tpu.memory_space<vmem>> -> memref<128xi32, #tpu.memory_space<vmem>>
      %dma_start3A_391 = arith.constant 0 : i32
      %dma_start3A_392 = arith.constant 0 : i32
      %dma_start3A_393 = tpu.memref_slice %arg11[%dma_start3A_391, %dma_start3A_392] : memref<10240x64xf32, #tpu.memory_space<vmem_shared>> -> memref<10240x64xf32, #tpu.memory_space<vmem_shared>>
      tpu.enqueue_indirect_dma source(%dma_start3A_393 : memref<10240x64xf32, #tpu.memory_space<vmem_shared>>) target(%arg9 : memref<128x64xf32, #tpu.memory_space<vmem>>) offsets(%dma_start3A_390 : memref<128xi32, #tpu.memory_space<vmem>>) semaphore(%arg13 : memref<!tpu.dma_semaphore, #tpu.memory_space<semaphore_mem>>)
      %add3A_394 = arith.constant 1 : i32
      %add3A_395 = arith.addi %add3A_361, %add3A_394 : i32
      %dma_wait3A_396 = arith.constant 0 : i32
      %dma_wait3A_397 = arith.constant 0 : i32
      %dma_wait3A_398 = tpu.memref_slice %arg7[%dma_wait3A_396, %dma_wait3A_397] : memref<16x128xi32, #tpu.memory_space<vmem>> -> memref<1x128xi32, #tpu.memory_space<vmem>>
      %dma_wait3A_399 = tpu.memref_squeeze %dma_wait3A_398 : memref<1x128xi32, #tpu.memory_space<vmem>> -> memref<128xi32, #tpu.memory_space<vmem>>
      %dma_wait3A_400 = arith.constant 0 : i32
      %dma_wait3A_401 = arith.constant 0 : i32
      %dma_wait3A_402 = tpu.memref_slice %arg11[%dma_wait3A_400, %dma_wait3A_401] : memref<10240x64xf32, #tpu.memory_space<vmem_shared>> -> memref<10240x64xf32, #tpu.memory_space<vmem_shared>>
      tpu.wait_indirect_dma semaphore(%arg14 : memref<!tpu.dma_semaphore, #tpu.memory_space<semaphore_mem>>) src(%dma_wait3A_402 : memref<10240x64xf32, #tpu.memory_space<vmem_shared>>) dst(%arg10 : memref<128x64xf32, #tpu.memory_space<vmem>>)
      "tpu.region"() ({
        %run_scoped3A_403 = tpu.sem_alloc : memref<!tpu.dma_semaphore, #tpu.memory_space<semaphore_mem>>
        %dma_start3A_404 = arith.constant 0 : i32
        %dma_start3A_405 = tpu.memref_slice %arg8[%add3A_395, %dma_start3A_404] : memref<16x128xi32, #tpu.memory_space<vmem>> -> memref<1x128xi32, #tpu.memory_space<vmem>>
        %dma_start3A_406 = tpu.memref_squeeze %dma_start3A_405 : memref<1x128xi32, #tpu.memory_space<vmem>> -> memref<128xi32, #tpu.memory_space<vmem>>
        %dma_start3A_407 = arith.constant 0 : i32
        %dma_start3A_408 = arith.constant 0 : i32
        %dma_start3A_409 = tpu.memref_slice %arg12[%dma_start3A_407, %dma_start3A_408] : memref<10240x64xf32, #tpu.memory_space<vmem_shared>> -> memref<10240x64xf32, #tpu.memory_space<vmem_shared>>
        tpu.enqueue_indirect_dma source(%arg10 : memref<128x64xf32, #tpu.memory_space<vmem>>) target(%dma_start3A_409 : memref<10240x64xf32, #tpu.memory_space<vmem_shared>>) offsets(%dma_start3A_406 : memref<128xi32, #tpu.memory_space<vmem>>) semaphore(%run_scoped3A_403 : memref<!tpu.dma_semaphore, #tpu.memory_space<semaphore_mem>>) {add = true}
        %dma_wait3A_410 = arith.constant 0 : i32
        %dma_wait3A_411 = tpu.memref_slice %arg8[%add3A_395, %dma_wait3A_410] : memref<16x128xi32, #tpu.memory_space<vmem>> -> memref<1x128xi32, #tpu.memory_space<vmem>>
        %dma_wait3A_412 = tpu.memref_squeeze %dma_wait3A_411 : memref<1x128xi32, #tpu.memory_space<vmem>> -> memref<128xi32, #tpu.memory_space<vmem>>
        %dma_wait3A_413 = arith.constant 0 : i32
        %dma_wait3A_414 = arith.constant 0 : i32
        %dma_wait3A_415 = tpu.memref_slice %arg12[%dma_wait3A_413, %dma_wait3A_414] : memref<10240x64xf32, #tpu.memory_space<vmem_shared>> -> memref<10240x64xf32, #tpu.memory_space<vmem_shared>>
        tpu.wait_indirect_dma semaphore(%run_scoped3A_403 : memref<!tpu.dma_semaphore, #tpu.memory_space<semaphore_mem>>) src(%arg10 : memref<128x64xf32, #tpu.memory_space<vmem>>) dst(%dma_wait3A_415 : memref<10240x64xf32, #tpu.memory_space<vmem_shared>>)
        tpu.yield
      }) : () -> ()
    }
    %scan3A_258 = arith.constant 7 : i32
    %dma_start3A_259 = arith.constant 15 : i32
    %dma_start3A_260 = arith.constant 0 : i32
    %dma_start3A_261 = tpu.memref_slice %arg7[%dma_start3A_259, %dma_start3A_260] : memref<16x128xi32, #tpu.memory_space<vmem>> -> memref<1x128xi32, #tpu.memory_space<vmem>>
    %dma_start3A_262 = tpu.memref_squeeze %dma_start3A_261 : memref<1x128xi32, #tpu.memory_space<vmem>> -> memref<128xi32, #tpu.memory_space<vmem>>
    %dma_start3A_263 = arith.constant 0 : i32
    %dma_start3A_264 = arith.constant 0 : i32
    %dma_start3A_265 = tpu.memref_slice %arg11[%dma_start3A_263, %dma_start3A_264] : memref<10240x64xf32, #tpu.memory_space<vmem_shared>> -> memref<10240x64xf32, #tpu.memory_space<vmem_shared>>
    tpu.enqueue_indirect_dma source(%dma_start3A_265 : memref<10240x64xf32, #tpu.memory_space<vmem_shared>>) target(%arg10 : memref<128x64xf32, #tpu.memory_space<vmem>>) offsets(%dma_start3A_262 : memref<128xi32, #tpu.memory_space<vmem>>) semaphore(%arg14 : memref<!tpu.dma_semaphore, #tpu.memory_space<semaphore_mem>>)
    %dma_wait3A_266 = arith.constant 0 : i32
    %dma_wait3A_267 = arith.constant 0 : i32
    %dma_wait3A_268 = tpu.memref_slice %arg7[%dma_wait3A_266, %dma_wait3A_267] : memref<16x128xi32, #tpu.memory_space<vmem>> -> memref<1x128xi32, #tpu.memory_space<vmem>>
    %dma_wait3A_269 = tpu.memref_squeeze %dma_wait3A_268 : memref<1x128xi32, #tpu.memory_space<vmem>> -> memref<128xi32, #tpu.memory_space<vmem>>
    %dma_wait3A_270 = arith.constant 0 : i32
    %dma_wait3A_271 = arith.constant 0 : i32
    %dma_wait3A_272 = tpu.memref_slice %arg11[%dma_wait3A_270, %dma_wait3A_271] : memref<10240x64xf32, #tpu.memory_space<vmem_shared>> -> memref<10240x64xf32, #tpu.memory_space<vmem_shared>>
    tpu.wait_indirect_dma semaphore(%arg13 : memref<!tpu.dma_semaphore, #tpu.memory_space<semaphore_mem>>) src(%dma_wait3A_272 : memref<10240x64xf32, #tpu.memory_space<vmem_shared>>) dst(%arg9 : memref<128x64xf32, #tpu.memory_space<vmem>>)
    %run_scoped3A_273 = arith.constant 14 : i32
    "tpu.region"() ({
      %run_scoped3A_357 = tpu.sem_alloc : memref<!tpu.dma_semaphore, #tpu.memory_space<semaphore_mem>>
      %dma_start3A_358 = arith.constant 0 : i32
      %dma_start3A_359 = tpu.memref_slice %arg8[%run_scoped3A_273, %dma_start3A_358] : memref<16x128xi32, #tpu.memory_space<vmem>> -> memref<1x128xi32, #tpu.memory_space<vmem>>
      %dma_start3A_360 = tpu.memref_squeeze %dma_start3A_359 : memref<1x128xi32, #tpu.memory_space<vmem>> -> memref<128xi32, #tpu.memory_space<vmem>>
      %dma_start3A_361 = arith.constant 0 : i32
      %dma_start3A_362 = arith.constant 0 : i32
      %dma_start3A_363 = tpu.memref_slice %arg12[%dma_start3A_361, %dma_start3A_362] : memref<10240x64xf32, #tpu.memory_space<vmem_shared>> -> memref<10240x64xf32, #tpu.memory_space<vmem_shared>>
      tpu.enqueue_indirect_dma source(%arg9 : memref<128x64xf32, #tpu.memory_space<vmem>>) target(%dma_start3A_363 : memref<10240x64xf32, #tpu.memory_space<vmem_shared>>) offsets(%dma_start3A_360 : memref<128xi32, #tpu.memory_space<vmem>>) semaphore(%run_scoped3A_357 : memref<!tpu.dma_semaphore, #tpu.memory_space<semaphore_mem>>) {add = true}
      %dma_wait3A_364 = arith.constant 0 : i32
      %dma_wait3A_365 = tpu.memref_slice %arg8[%run_scoped3A_273, %dma_wait3A_364] : memref<16x128xi32, #tpu.memory_space<vmem>> -> memref<1x128xi32, #tpu.memory_space<vmem>>
      %dma_wait3A_366 = tpu.memref_squeeze %dma_wait3A_365 : memref<1x128xi32, #tpu.memory_space<vmem>> -> memref<128xi32, #tpu.memory_space<vmem>>
      %dma_wait3A_367 = arith.constant 0 : i32
      %dma_wait3A_368 = arith.constant 0 : i32
      %dma_wait3A_369 = tpu.memref_slice %arg12[%dma_wait3A_367, %dma_wait3A_368] : memref<10240x64xf32, #tpu.memory_space<vmem_shared>> -> memref<10240x64xf32, #tpu.memory_space<vmem_shared>>
      tpu.wait_indirect_dma semaphore(%run_scoped3A_357 : memref<!tpu.dma_semaphore, #tpu.memory_space<semaphore_mem>>) src(%arg9 : memref<128x64xf32, #tpu.memory_space<vmem>>) dst(%dma_wait3A_369 : memref<10240x64xf32, #tpu.memory_space<vmem_shared>>)
      tpu.yield
    }) : () -> ()
    %dma_wait3A_274 = arith.constant 0 : i32
    %dma_wait3A_275 = arith.constant 0 : i32
    %dma_wait3A_276 = tpu.memref_slice %arg7[%dma_wait3A_274, %dma_wait3A_275] : memref<16x128xi32, #tpu.memory_space<vmem>> -> memref<1x128xi32, #tpu.memory_space<vmem>>
    %dma_wait3A_277 = tpu.memref_squeeze %dma_wait3A_276 : memref<1x128xi32, #tpu.memory_space<vmem>> -> memref<128xi32, #tpu.memory_space<vmem>>
    %dma_wait3A_278 = arith.constant 0 : i32
    %dma_wait3A_279 = arith.constant 0 : i32
    %dma_wait3A_280 = tpu.memref_slice %arg11[%dma_wait3A_278, %dma_wait3A_279] : memref<10240x64xf32, #tpu.memory_space<vmem_shared>> -> memref<10240x64xf32, #tpu.memory_space<vmem_shared>>
    tpu.wait_indirect_dma semaphore(%arg14 : memref<!tpu.dma_semaphore, #tpu.memory_space<semaphore_mem>>) src(%dma_wait3A_280 : memref<10240x64xf32, #tpu.memory_space<vmem_shared>>) dst(%arg10 : memref<128x64xf32, #tpu.memory_space<vmem>>)
    %run_scoped3A_281 = arith.constant 15 : i32
    "tpu.region"() ({
      %run_scoped3A_357 = tpu.sem_alloc : memref<!tpu.dma_semaphore, #tpu.memory_space<semaphore_mem>>
      %dma_start3A_358 = arith.constant 0 : i32
      %dma_start3A_359 = tpu.memref_slice %arg8[%run_scoped3A_281, %dma_start3A_358] : memref<16x128xi32, #tpu.memory_space<vmem>> -> memref<1x128xi32, #tpu.memory_space<vmem>>
      %dma_start3A_360 = tpu.memref_squeeze %dma_start3A_359 : memref<1x128xi32, #tpu.memory_space<vmem>> -> memref<128xi32, #tpu.memory_space<vmem>>
      %dma_start3A_361 = arith.constant 0 : i32
      %dma_start3A_362 = arith.constant 0 : i32
      %dma_start3A_363 = tpu.memref_slice %arg12[%dma_start3A_361, %dma_start3A_362] : memref<10240x64xf32, #tpu.memory_space<vmem_shared>> -> memref<10240x64xf32, #tpu.memory_space<vmem_shared>>
      tpu.enqueue_indirect_dma source(%arg10 : memref<128x64xf32, #tpu.memory_space<vmem>>) target(%dma_start3A_363 : memref<10240x64xf32, #tpu.memory_space<vmem_shared>>) offsets(%dma_start3A_360 : memref<128xi32, #tpu.memory_space<vmem>>) semaphore(%run_scoped3A_357 : memref<!tpu.dma_semaphore, #tpu.memory_space<semaphore_mem>>) {add = true}
      %dma_wait3A_364 = arith.constant 0 : i32
      %dma_wait3A_365 = tpu.memref_slice %arg8[%run_scoped3A_281, %dma_wait3A_364] : memref<16x128xi32, #tpu.memory_space<vmem>> -> memref<1x128xi32, #tpu.memory_space<vmem>>
      %dma_wait3A_366 = tpu.memref_squeeze %dma_wait3A_365 : memref<1x128xi32, #tpu.memory_space<vmem>> -> memref<128xi32, #tpu.memory_space<vmem>>
      %dma_wait3A_367 = arith.constant 0 : i32
      %dma_wait3A_368 = arith.constant 0 : i32
      %dma_wait3A_369 = tpu.memref_slice %arg12[%dma_wait3A_367, %dma_wait3A_368] : memref<10240x64xf32, #tpu.memory_space<vmem_shared>> -> memref<10240x64xf32, #tpu.memory_space<vmem_shared>>
      tpu.wait_indirect_dma semaphore(%run_scoped3A_357 : memref<!tpu.dma_semaphore, #tpu.memory_space<semaphore_mem>>) src(%arg10 : memref<128x64xf32, #tpu.memory_space<vmem>>) dst(%dma_wait3A_369 : memref<10240x64xf32, #tpu.memory_space<vmem_shared>>)
      tpu.yield
    }) : () -> ()
    "tpu.region"() ({
      %run_scoped3A_357 = tpu.sem_alloc : memref<!tpu.dma_semaphore, #tpu.memory_space<semaphore_mem>>
      %dma_start3A_358 = arith.constant 48 : i32
      %dma_start3A_359 = arith.constant 0 : i32
      %dma_start3A_360 = tpu.memref_slice %arg3[%add3A_5, %dma_start3A_358, %dma_start3A_359] : memref<32x80x128xi32, #tpu.memory_space<hbm>> -> memref<1x16x128xi32, #tpu.memory_space<hbm>>
      %dma_start3A_361 = tpu.memref_squeeze %dma_start3A_360 : memref<1x16x128xi32, #tpu.memory_space<hbm>> -> memref<16x128xi32, #tpu.memory_space<hbm>>
      %dma_start3A_362 = arith.constant 48 : i32
      %dma_start3A_363 = arith.constant 0 : i32
      %dma_start3A_364 = tpu.memref_slice %arg3[%add3A_5, %dma_start3A_362, %dma_start3A_363] : memref<32x80x128xi32, #tpu.memory_space<hbm>> -> memref<1x16x128xi32, #tpu.memory_space<hbm>>
      %dma_start3A_365 = tpu.memref_squeeze %dma_start3A_364 : memref<1x16x128xi32, #tpu.memory_space<hbm>> -> memref<16x128xi32, #tpu.memory_space<hbm>>
      tpu.enqueue_dma source(%dma_start3A_365 : memref<16x128xi32, #tpu.memory_space<hbm>>) target(%arg7 : memref<16x128xi32, #tpu.memory_space<vmem>>) target_semaphore(%run_scoped3A_357 : memref<!tpu.dma_semaphore, #tpu.memory_space<semaphore_mem>>)
      %dma_wait3A_366 = arith.constant 48 : i32
      %dma_wait3A_367 = arith.constant 0 : i32
      %dma_wait3A_368 = tpu.memref_slice %arg3[%add3A_5, %dma_wait3A_366, %dma_wait3A_367] : memref<32x80x128xi32, #tpu.memory_space<hbm>> -> memref<1x16x128xi32, #tpu.memory_space<hbm>>
      %dma_wait3A_369 = tpu.memref_squeeze %dma_wait3A_368 : memref<1x16x128xi32, #tpu.memory_space<hbm>> -> memref<16x128xi32, #tpu.memory_space<hbm>>
      %dma_wait3A_370 = arith.constant 48 : i32
      %dma_wait3A_371 = arith.constant 0 : i32
      %dma_wait3A_372 = tpu.memref_slice %arg3[%add3A_5, %dma_wait3A_370, %dma_wait3A_371] : memref<32x80x128xi32, #tpu.memory_space<hbm>> -> memref<1x16x128xi32, #tpu.memory_space<hbm>>
      %dma_wait3A_373 = tpu.memref_squeeze %dma_wait3A_372 : memref<1x16x128xi32, #tpu.memory_space<hbm>> -> memref<16x128xi32, #tpu.memory_space<hbm>>
      tpu.wait_dma2 semaphore(%run_scoped3A_357 : memref<!tpu.dma_semaphore, #tpu.memory_space<semaphore_mem>>) src(%dma_wait3A_373 : memref<16x128xi32, #tpu.memory_space<hbm>>) dst(%arg7 : memref<16x128xi32, #tpu.memory_space<vmem>>)
      tpu.yield
    }) : () -> ()
    "tpu.region"() ({
      %run_scoped3A_357 = tpu.sem_alloc : memref<!tpu.dma_semaphore, #tpu.memory_space<semaphore_mem>>
      %dma_start3A_358 = arith.constant 48 : i32
      %dma_start3A_359 = arith.constant 0 : i32
      %dma_start3A_360 = tpu.memref_slice %arg4[%add3A_5, %dma_start3A_358, %dma_start3A_359] : memref<32x80x128xi32, #tpu.memory_space<hbm>> -> memref<1x16x128xi32, #tpu.memory_space<hbm>>
      %dma_start3A_361 = tpu.memref_squeeze %dma_start3A_360 : memref<1x16x128xi32, #tpu.memory_space<hbm>> -> memref<16x128xi32, #tpu.memory_space<hbm>>
      %dma_start3A_362 = arith.constant 48 : i32
      %dma_start3A_363 = arith.constant 0 : i32
      %dma_start3A_364 = tpu.memref_slice %arg4[%add3A_5, %dma_start3A_362, %dma_start3A_363] : memref<32x80x128xi32, #tpu.memory_space<hbm>> -> memref<1x16x128xi32, #tpu.memory_space<hbm>>
      %dma_start3A_365 = tpu.memref_squeeze %dma_start3A_364 : memref<1x16x128xi32, #tpu.memory_space<hbm>> -> memref<16x128xi32, #tpu.memory_space<hbm>>
      tpu.enqueue_dma source(%dma_start3A_365 : memref<16x128xi32, #tpu.memory_space<hbm>>) target(%arg8 : memref<16x128xi32, #tpu.memory_space<vmem>>) target_semaphore(%run_scoped3A_357 : memref<!tpu.dma_semaphore, #tpu.memory_space<semaphore_mem>>)
      %dma_wait3A_366 = arith.constant 48 : i32
      %dma_wait3A_367 = arith.constant 0 : i32
      %dma_wait3A_368 = tpu.memref_slice %arg4[%add3A_5, %dma_wait3A_366, %dma_wait3A_367] : memref<32x80x128xi32, #tpu.memory_space<hbm>> -> memref<1x16x128xi32, #tpu.memory_space<hbm>>
      %dma_wait3A_369 = tpu.memref_squeeze %dma_wait3A_368 : memref<1x16x128xi32, #tpu.memory_space<hbm>> -> memref<16x128xi32, #tpu.memory_space<hbm>>
      %dma_wait3A_370 = arith.constant 48 : i32
      %dma_wait3A_371 = arith.constant 0 : i32
      %dma_wait3A_372 = tpu.memref_slice %arg4[%add3A_5, %dma_wait3A_370, %dma_wait3A_371] : memref<32x80x128xi32, #tpu.memory_space<hbm>> -> memref<1x16x128xi32, #tpu.memory_space<hbm>>
      %dma_wait3A_373 = tpu.memref_squeeze %dma_wait3A_372 : memref<1x16x128xi32, #tpu.memory_space<hbm>> -> memref<16x128xi32, #tpu.memory_space<hbm>>
      tpu.wait_dma2 semaphore(%run_scoped3A_357 : memref<!tpu.dma_semaphore, #tpu.memory_space<semaphore_mem>>) src(%dma_wait3A_373 : memref<16x128xi32, #tpu.memory_space<hbm>>) dst(%arg8 : memref<16x128xi32, #tpu.memory_space<vmem>>)
      tpu.yield
    }) : () -> ()
    %dma_start3A_282 = arith.constant 0 : i32
    %dma_start3A_283 = arith.constant 0 : i32
    %dma_start3A_284 = tpu.memref_slice %arg7[%dma_start3A_282, %dma_start3A_283] : memref<16x128xi32, #tpu.memory_space<vmem>> -> memref<1x128xi32, #tpu.memory_space<vmem>>
    %dma_start3A_285 = tpu.memref_squeeze %dma_start3A_284 : memref<1x128xi32, #tpu.memory_space<vmem>> -> memref<128xi32, #tpu.memory_space<vmem>>
    %dma_start3A_286 = arith.constant 0 : i32
    %dma_start3A_287 = arith.constant 0 : i32
    %dma_start3A_288 = tpu.memref_slice %arg11[%dma_start3A_286, %dma_start3A_287] : memref<10240x64xf32, #tpu.memory_space<vmem_shared>> -> memref<10240x64xf32, #tpu.memory_space<vmem_shared>>
    tpu.enqueue_indirect_dma source(%dma_start3A_288 : memref<10240x64xf32, #tpu.memory_space<vmem_shared>>) target(%arg9 : memref<128x64xf32, #tpu.memory_space<vmem>>) offsets(%dma_start3A_285 : memref<128xi32, #tpu.memory_space<vmem>>) semaphore(%arg13 : memref<!tpu.dma_semaphore, #tpu.memory_space<semaphore_mem>>)
    %scan3A_289 = arith.constant 0 : i32
    %scan3A_290 = arith.constant 7 : i32
    %scan3A_291 = arith.addi %scan3A_289, %scan3A_290 : i32
    %scan3A_292 = arith.constant 1 : i32
    scf.for %scan3A_357 = %scan3A_289 to %scan3A_291 step %scan3A_292  : i32 {
      %mul3A_358 = arith.constant 2 : i32
      %mul3A_359 = arith.muli %scan3A_357, %mul3A_358 : i32
      %add3A_360 = arith.constant 0 : i32
      %add3A_361 = arith.addi %add3A_360, %mul3A_359 : i32
      %add3A_362 = arith.constant 0 : i32
      %add3A_363 = arith.addi %add3A_361, %add3A_362 : i32
      %add3A_364 = arith.constant 2 : i32
      %add3A_365 = arith.addi %add3A_363, %add3A_364 : i32
      %sub3A = arith.constant 1 : i32
      %sub3A_366 = arith.subi %add3A_365, %sub3A : i32
      %dma_start3A_367 = arith.constant 0 : i32
      %dma_start3A_368 = tpu.memref_slice %arg7[%sub3A_366, %dma_start3A_367] : memref<16x128xi32, #tpu.memory_space<vmem>> -> memref<1x128xi32, #tpu.memory_space<vmem>>
      %dma_start3A_369 = tpu.memref_squeeze %dma_start3A_368 : memref<1x128xi32, #tpu.memory_space<vmem>> -> memref<128xi32, #tpu.memory_space<vmem>>
      %dma_start3A_370 = arith.constant 0 : i32
      %dma_start3A_371 = arith.constant 0 : i32
      %dma_start3A_372 = tpu.memref_slice %arg11[%dma_start3A_370, %dma_start3A_371] : memref<10240x64xf32, #tpu.memory_space<vmem_shared>> -> memref<10240x64xf32, #tpu.memory_space<vmem_shared>>
      tpu.enqueue_indirect_dma source(%dma_start3A_372 : memref<10240x64xf32, #tpu.memory_space<vmem_shared>>) target(%arg10 : memref<128x64xf32, #tpu.memory_space<vmem>>) offsets(%dma_start3A_369 : memref<128xi32, #tpu.memory_space<vmem>>) semaphore(%arg14 : memref<!tpu.dma_semaphore, #tpu.memory_space<semaphore_mem>>)
      %add3A_373 = arith.constant 0 : i32
      %add3A_374 = arith.addi %add3A_361, %add3A_373 : i32
      %dma_wait3A_375 = arith.constant 0 : i32
      %dma_wait3A_376 = arith.constant 0 : i32
      %dma_wait3A_377 = tpu.memref_slice %arg7[%dma_wait3A_375, %dma_wait3A_376] : memref<16x128xi32, #tpu.memory_space<vmem>> -> memref<1x128xi32, #tpu.memory_space<vmem>>
      %dma_wait3A_378 = tpu.memref_squeeze %dma_wait3A_377 : memref<1x128xi32, #tpu.memory_space<vmem>> -> memref<128xi32, #tpu.memory_space<vmem>>
      %dma_wait3A_379 = arith.constant 0 : i32
      %dma_wait3A_380 = arith.constant 0 : i32
      %dma_wait3A_381 = tpu.memref_slice %arg11[%dma_wait3A_379, %dma_wait3A_380] : memref<10240x64xf32, #tpu.memory_space<vmem_shared>> -> memref<10240x64xf32, #tpu.memory_space<vmem_shared>>
      tpu.wait_indirect_dma semaphore(%arg13 : memref<!tpu.dma_semaphore, #tpu.memory_space<semaphore_mem>>) src(%dma_wait3A_381 : memref<10240x64xf32, #tpu.memory_space<vmem_shared>>) dst(%arg9 : memref<128x64xf32, #tpu.memory_space<vmem>>)
      "tpu.region"() ({
        %run_scoped3A_403 = tpu.sem_alloc : memref<!tpu.dma_semaphore, #tpu.memory_space<semaphore_mem>>
        %dma_start3A_404 = arith.constant 0 : i32
        %dma_start3A_405 = tpu.memref_slice %arg8[%add3A_374, %dma_start3A_404] : memref<16x128xi32, #tpu.memory_space<vmem>> -> memref<1x128xi32, #tpu.memory_space<vmem>>
        %dma_start3A_406 = tpu.memref_squeeze %dma_start3A_405 : memref<1x128xi32, #tpu.memory_space<vmem>> -> memref<128xi32, #tpu.memory_space<vmem>>
        %dma_start3A_407 = arith.constant 0 : i32
        %dma_start3A_408 = arith.constant 0 : i32
        %dma_start3A_409 = tpu.memref_slice %arg12[%dma_start3A_407, %dma_start3A_408] : memref<10240x64xf32, #tpu.memory_space<vmem_shared>> -> memref<10240x64xf32, #tpu.memory_space<vmem_shared>>
        tpu.enqueue_indirect_dma source(%arg9 : memref<128x64xf32, #tpu.memory_space<vmem>>) target(%dma_start3A_409 : memref<10240x64xf32, #tpu.memory_space<vmem_shared>>) offsets(%dma_start3A_406 : memref<128xi32, #tpu.memory_space<vmem>>) semaphore(%run_scoped3A_403 : memref<!tpu.dma_semaphore, #tpu.memory_space<semaphore_mem>>) {add = true}
        %dma_wait3A_410 = arith.constant 0 : i32
        %dma_wait3A_411 = tpu.memref_slice %arg8[%add3A_374, %dma_wait3A_410] : memref<16x128xi32, #tpu.memory_space<vmem>> -> memref<1x128xi32, #tpu.memory_space<vmem>>
        %dma_wait3A_412 = tpu.memref_squeeze %dma_wait3A_411 : memref<1x128xi32, #tpu.memory_space<vmem>> -> memref<128xi32, #tpu.memory_space<vmem>>
        %dma_wait3A_413 = arith.constant 0 : i32
        %dma_wait3A_414 = arith.constant 0 : i32
        %dma_wait3A_415 = tpu.memref_slice %arg12[%dma_wait3A_413, %dma_wait3A_414] : memref<10240x64xf32, #tpu.memory_space<vmem_shared>> -> memref<10240x64xf32, #tpu.memory_space<vmem_shared>>
        tpu.wait_indirect_dma semaphore(%run_scoped3A_403 : memref<!tpu.dma_semaphore, #tpu.memory_space<semaphore_mem>>) src(%arg9 : memref<128x64xf32, #tpu.memory_space<vmem>>) dst(%dma_wait3A_415 : memref<10240x64xf32, #tpu.memory_space<vmem_shared>>)
        tpu.yield
      }) : () -> ()
      %add3A_382 = arith.constant 1 : i32
      %add3A_383 = arith.addi %add3A_361, %add3A_382 : i32
      %add3A_384 = arith.constant 2 : i32
      %add3A_385 = arith.addi %add3A_383, %add3A_384 : i32
      %sub3A_386 = arith.constant 1 : i32
      %sub3A_387 = arith.subi %add3A_385, %sub3A_386 : i32
      %dma_start3A_388 = arith.constant 0 : i32
      %dma_start3A_389 = tpu.memref_slice %arg7[%sub3A_387, %dma_start3A_388] : memref<16x128xi32, #tpu.memory_space<vmem>> -> memref<1x128xi32, #tpu.memory_space<vmem>>
      %dma_start3A_390 = tpu.memref_squeeze %dma_start3A_389 : memref<1x128xi32, #tpu.memory_space<vmem>> -> memref<128xi32, #tpu.memory_space<vmem>>
      %dma_start3A_391 = arith.constant 0 : i32
      %dma_start3A_392 = arith.constant 0 : i32
      %dma_start3A_393 = tpu.memref_slice %arg11[%dma_start3A_391, %dma_start3A_392] : memref<10240x64xf32, #tpu.memory_space<vmem_shared>> -> memref<10240x64xf32, #tpu.memory_space<vmem_shared>>
      tpu.enqueue_indirect_dma source(%dma_start3A_393 : memref<10240x64xf32, #tpu.memory_space<vmem_shared>>) target(%arg9 : memref<128x64xf32, #tpu.memory_space<vmem>>) offsets(%dma_start3A_390 : memref<128xi32, #tpu.memory_space<vmem>>) semaphore(%arg13 : memref<!tpu.dma_semaphore, #tpu.memory_space<semaphore_mem>>)
      %add3A_394 = arith.constant 1 : i32
      %add3A_395 = arith.addi %add3A_361, %add3A_394 : i32
      %dma_wait3A_396 = arith.constant 0 : i32
      %dma_wait3A_397 = arith.constant 0 : i32
      %dma_wait3A_398 = tpu.memref_slice %arg7[%dma_wait3A_396, %dma_wait3A_397] : memref<16x128xi32, #tpu.memory_space<vmem>> -> memref<1x128xi32, #tpu.memory_space<vmem>>
      %dma_wait3A_399 = tpu.memref_squeeze %dma_wait3A_398 : memref<1x128xi32, #tpu.memory_space<vmem>> -> memref<128xi32, #tpu.memory_space<vmem>>
      %dma_wait3A_400 = arith.constant 0 : i32
      %dma_wait3A_401 = arith.constant 0 : i32
      %dma_wait3A_402 = tpu.memref_slice %arg11[%dma_wait3A_400, %dma_wait3A_401] : memref<10240x64xf32, #tpu.memory_space<vmem_shared>> -> memref<10240x64xf32, #tpu.memory_space<vmem_shared>>
      tpu.wait_indirect_dma semaphore(%arg14 : memref<!tpu.dma_semaphore, #tpu.memory_space<semaphore_mem>>) src(%dma_wait3A_402 : memref<10240x64xf32, #tpu.memory_space<vmem_shared>>) dst(%arg10 : memref<128x64xf32, #tpu.memory_space<vmem>>)
      "tpu.region"() ({
        %run_scoped3A_403 = tpu.sem_alloc : memref<!tpu.dma_semaphore, #tpu.memory_space<semaphore_mem>>
        %dma_start3A_404 = arith.constant 0 : i32
        %dma_start3A_405 = tpu.memref_slice %arg8[%add3A_395, %dma_start3A_404] : memref<16x128xi32, #tpu.memory_space<vmem>> -> memref<1x128xi32, #tpu.memory_space<vmem>>
        %dma_start3A_406 = tpu.memref_squeeze %dma_start3A_405 : memref<1x128xi32, #tpu.memory_space<vmem>> -> memref<128xi32, #tpu.memory_space<vmem>>
        %dma_start3A_407 = arith.constant 0 : i32
        %dma_start3A_408 = arith.constant 0 : i32
        %dma_start3A_409 = tpu.memref_slice %arg12[%dma_start3A_407, %dma_start3A_408] : memref<10240x64xf32, #tpu.memory_space<vmem_shared>> -> memref<10240x64xf32, #tpu.memory_space<vmem_shared>>
        tpu.enqueue_indirect_dma source(%arg10 : memref<128x64xf32, #tpu.memory_space<vmem>>) target(%dma_start3A_409 : memref<10240x64xf32, #tpu.memory_space<vmem_shared>>) offsets(%dma_start3A_406 : memref<128xi32, #tpu.memory_space<vmem>>) semaphore(%run_scoped3A_403 : memref<!tpu.dma_semaphore, #tpu.memory_space<semaphore_mem>>) {add = true}
        %dma_wait3A_410 = arith.constant 0 : i32
        %dma_wait3A_411 = tpu.memref_slice %arg8[%add3A_395, %dma_wait3A_410] : memref<16x128xi32, #tpu.memory_space<vmem>> -> memref<1x128xi32, #tpu.memory_space<vmem>>
        %dma_wait3A_412 = tpu.memref_squeeze %dma_wait3A_411 : memref<1x128xi32, #tpu.memory_space<vmem>> -> memref<128xi32, #tpu.memory_space<vmem>>
        %dma_wait3A_413 = arith.constant 0 : i32
        %dma_wait3A_414 = arith.constant 0 : i32
        %dma_wait3A_415 = tpu.memref_slice %arg12[%dma_wait3A_413, %dma_wait3A_414] : memref<10240x64xf32, #tpu.memory_space<vmem_shared>> -> memref<10240x64xf32, #tpu.memory_space<vmem_shared>>
        tpu.wait_indirect_dma semaphore(%run_scoped3A_403 : memref<!tpu.dma_semaphore, #tpu.memory_space<semaphore_mem>>) src(%arg10 : memref<128x64xf32, #tpu.memory_space<vmem>>) dst(%dma_wait3A_415 : memref<10240x64xf32, #tpu.memory_space<vmem_shared>>)
        tpu.yield
      }) : () -> ()
    }
    %scan3A_293 = arith.constant 7 : i32
    %dma_start3A_294 = arith.constant 15 : i32
    %dma_start3A_295 = arith.constant 0 : i32
    %dma_start3A_296 = tpu.memref_slice %arg7[%dma_start3A_294, %dma_start3A_295] : memref<16x128xi32, #tpu.memory_space<vmem>> -> memref<1x128xi32, #tpu.memory_space<vmem>>
    %dma_start3A_297 = tpu.memref_squeeze %dma_start3A_296 : memref<1x128xi32, #tpu.memory_space<vmem>> -> memref<128xi32, #tpu.memory_space<vmem>>
    %dma_start3A_298 = arith.constant 0 : i32
    %dma_start3A_299 = arith.constant 0 : i32
    %dma_start3A_300 = tpu.memref_slice %arg11[%dma_start3A_298, %dma_start3A_299] : memref<10240x64xf32, #tpu.memory_space<vmem_shared>> -> memref<10240x64xf32, #tpu.memory_space<vmem_shared>>
    tpu.enqueue_indirect_dma source(%dma_start3A_300 : memref<10240x64xf32, #tpu.memory_space<vmem_shared>>) target(%arg10 : memref<128x64xf32, #tpu.memory_space<vmem>>) offsets(%dma_start3A_297 : memref<128xi32, #tpu.memory_space<vmem>>) semaphore(%arg14 : memref<!tpu.dma_semaphore, #tpu.memory_space<semaphore_mem>>)
    %dma_wait3A_301 = arith.constant 0 : i32
    %dma_wait3A_302 = arith.constant 0 : i32
    %dma_wait3A_303 = tpu.memref_slice %arg7[%dma_wait3A_301, %dma_wait3A_302] : memref<16x128xi32, #tpu.memory_space<vmem>> -> memref<1x128xi32, #tpu.memory_space<vmem>>
    %dma_wait3A_304 = tpu.memref_squeeze %dma_wait3A_303 : memref<1x128xi32, #tpu.memory_space<vmem>> -> memref<128xi32, #tpu.memory_space<vmem>>
    %dma_wait3A_305 = arith.constant 0 : i32
    %dma_wait3A_306 = arith.constant 0 : i32
    %dma_wait3A_307 = tpu.memref_slice %arg11[%dma_wait3A_305, %dma_wait3A_306] : memref<10240x64xf32, #tpu.memory_space<vmem_shared>> -> memref<10240x64xf32, #tpu.memory_space<vmem_shared>>
    tpu.wait_indirect_dma semaphore(%arg13 : memref<!tpu.dma_semaphore, #tpu.memory_space<semaphore_mem>>) src(%dma_wait3A_307 : memref<10240x64xf32, #tpu.memory_space<vmem_shared>>) dst(%arg9 : memref<128x64xf32, #tpu.memory_space<vmem>>)
    %run_scoped3A_308 = arith.constant 14 : i32
    "tpu.region"() ({
      %run_scoped3A_357 = tpu.sem_alloc : memref<!tpu.dma_semaphore, #tpu.memory_space<semaphore_mem>>
      %dma_start3A_358 = arith.constant 0 : i32
      %dma_start3A_359 = tpu.memref_slice %arg8[%run_scoped3A_308, %dma_start3A_358] : memref<16x128xi32, #tpu.memory_space<vmem>> -> memref<1x128xi32, #tpu.memory_space<vmem>>
      %dma_start3A_360 = tpu.memref_squeeze %dma_start3A_359 : memref<1x128xi32, #tpu.memory_space<vmem>> -> memref<128xi32, #tpu.memory_space<vmem>>
      %dma_start3A_361 = arith.constant 0 : i32
      %dma_start3A_362 = arith.constant 0 : i32
      %dma_start3A_363 = tpu.memref_slice %arg12[%dma_start3A_361, %dma_start3A_362] : memref<10240x64xf32, #tpu.memory_space<vmem_shared>> -> memref<10240x64xf32, #tpu.memory_space<vmem_shared>>
      tpu.enqueue_indirect_dma source(%arg9 : memref<128x64xf32, #tpu.memory_space<vmem>>) target(%dma_start3A_363 : memref<10240x64xf32, #tpu.memory_space<vmem_shared>>) offsets(%dma_start3A_360 : memref<128xi32, #tpu.memory_space<vmem>>) semaphore(%run_scoped3A_357 : memref<!tpu.dma_semaphore, #tpu.memory_space<semaphore_mem>>) {add = true}
      %dma_wait3A_364 = arith.constant 0 : i32
      %dma_wait3A_365 = tpu.memref_slice %arg8[%run_scoped3A_308, %dma_wait3A_364] : memref<16x128xi32, #tpu.memory_space<vmem>> -> memref<1x128xi32, #tpu.memory_space<vmem>>
      %dma_wait3A_366 = tpu.memref_squeeze %dma_wait3A_365 : memref<1x128xi32, #tpu.memory_space<vmem>> -> memref<128xi32, #tpu.memory_space<vmem>>
      %dma_wait3A_367 = arith.constant 0 : i32
      %dma_wait3A_368 = arith.constant 0 : i32
      %dma_wait3A_369 = tpu.memref_slice %arg12[%dma_wait3A_367, %dma_wait3A_368] : memref<10240x64xf32, #tpu.memory_space<vmem_shared>> -> memref<10240x64xf32, #tpu.memory_space<vmem_shared>>
      tpu.wait_indirect_dma semaphore(%run_scoped3A_357 : memref<!tpu.dma_semaphore, #tpu.memory_space<semaphore_mem>>) src(%arg9 : memref<128x64xf32, #tpu.memory_space<vmem>>) dst(%dma_wait3A_369 : memref<10240x64xf32, #tpu.memory_space<vmem_shared>>)
      tpu.yield
    }) : () -> ()
    %dma_wait3A_309 = arith.constant 0 : i32
    %dma_wait3A_310 = arith.constant 0 : i32
    %dma_wait3A_311 = tpu.memref_slice %arg7[%dma_wait3A_309, %dma_wait3A_310] : memref<16x128xi32, #tpu.memory_space<vmem>> -> memref<1x128xi32, #tpu.memory_space<vmem>>
    %dma_wait3A_312 = tpu.memref_squeeze %dma_wait3A_311 : memref<1x128xi32, #tpu.memory_space<vmem>> -> memref<128xi32, #tpu.memory_space<vmem>>
    %dma_wait3A_313 = arith.constant 0 : i32
    %dma_wait3A_314 = arith.constant 0 : i32
    %dma_wait3A_315 = tpu.memref_slice %arg11[%dma_wait3A_313, %dma_wait3A_314] : memref<10240x64xf32, #tpu.memory_space<vmem_shared>> -> memref<10240x64xf32, #tpu.memory_space<vmem_shared>>
    tpu.wait_indirect_dma semaphore(%arg14 : memref<!tpu.dma_semaphore, #tpu.memory_space<semaphore_mem>>) src(%dma_wait3A_315 : memref<10240x64xf32, #tpu.memory_space<vmem_shared>>) dst(%arg10 : memref<128x64xf32, #tpu.memory_space<vmem>>)
    %run_scoped3A_316 = arith.constant 15 : i32
    "tpu.region"() ({
      %run_scoped3A_357 = tpu.sem_alloc : memref<!tpu.dma_semaphore, #tpu.memory_space<semaphore_mem>>
      %dma_start3A_358 = arith.constant 0 : i32
      %dma_start3A_359 = tpu.memref_slice %arg8[%run_scoped3A_316, %dma_start3A_358] : memref<16x128xi32, #tpu.memory_space<vmem>> -> memref<1x128xi32, #tpu.memory_space<vmem>>
      %dma_start3A_360 = tpu.memref_squeeze %dma_start3A_359 : memref<1x128xi32, #tpu.memory_space<vmem>> -> memref<128xi32, #tpu.memory_space<vmem>>
      %dma_start3A_361 = arith.constant 0 : i32
      %dma_start3A_362 = arith.constant 0 : i32
      %dma_start3A_363 = tpu.memref_slice %arg12[%dma_start3A_361, %dma_start3A_362] : memref<10240x64xf32, #tpu.memory_space<vmem_shared>> -> memref<10240x64xf32, #tpu.memory_space<vmem_shared>>
      tpu.enqueue_indirect_dma source(%arg10 : memref<128x64xf32, #tpu.memory_space<vmem>>) target(%dma_start3A_363 : memref<10240x64xf32, #tpu.memory_space<vmem_shared>>) offsets(%dma_start3A_360 : memref<128xi32, #tpu.memory_space<vmem>>) semaphore(%run_scoped3A_357 : memref<!tpu.dma_semaphore, #tpu.memory_space<semaphore_mem>>) {add = true}
      %dma_wait3A_364 = arith.constant 0 : i32
      %dma_wait3A_365 = tpu.memref_slice %arg8[%run_scoped3A_316, %dma_wait3A_364] : memref<16x128xi32, #tpu.memory_space<vmem>> -> memref<1x128xi32, #tpu.memory_space<vmem>>
      %dma_wait3A_366 = tpu.memref_squeeze %dma_wait3A_365 : memref<1x128xi32, #tpu.memory_space<vmem>> -> memref<128xi32, #tpu.memory_space<vmem>>
      %dma_wait3A_367 = arith.constant 0 : i32
      %dma_wait3A_368 = arith.constant 0 : i32
      %dma_wait3A_369 = tpu.memref_slice %arg12[%dma_wait3A_367, %dma_wait3A_368] : memref<10240x64xf32, #tpu.memory_space<vmem_shared>> -> memref<10240x64xf32, #tpu.memory_space<vmem_shared>>
      tpu.wait_indirect_dma semaphore(%run_scoped3A_357 : memref<!tpu.dma_semaphore, #tpu.memory_space<semaphore_mem>>) src(%arg10 : memref<128x64xf32, #tpu.memory_space<vmem>>) dst(%dma_wait3A_369 : memref<10240x64xf32, #tpu.memory_space<vmem_shared>>)
      tpu.yield
    }) : () -> ()
    "tpu.region"() ({
      %run_scoped3A_357 = tpu.sem_alloc : memref<!tpu.dma_semaphore, #tpu.memory_space<semaphore_mem>>
      %dma_start3A_358 = arith.constant 64 : i32
      %dma_start3A_359 = arith.constant 0 : i32
      %dma_start3A_360 = tpu.memref_slice %arg3[%add3A_5, %dma_start3A_358, %dma_start3A_359] : memref<32x80x128xi32, #tpu.memory_space<hbm>> -> memref<1x16x128xi32, #tpu.memory_space<hbm>>
      %dma_start3A_361 = tpu.memref_squeeze %dma_start3A_360 : memref<1x16x128xi32, #tpu.memory_space<hbm>> -> memref<16x128xi32, #tpu.memory_space<hbm>>
      %dma_start3A_362 = arith.constant 64 : i32
      %dma_start3A_363 = arith.constant 0 : i32
      %dma_start3A_364 = tpu.memref_slice %arg3[%add3A_5, %dma_start3A_362, %dma_start3A_363] : memref<32x80x128xi32, #tpu.memory_space<hbm>> -> memref<1x16x128xi32, #tpu.memory_space<hbm>>
      %dma_start3A_365 = tpu.memref_squeeze %dma_start3A_364 : memref<1x16x128xi32, #tpu.memory_space<hbm>> -> memref<16x128xi32, #tpu.memory_space<hbm>>
      tpu.enqueue_dma source(%dma_start3A_365 : memref<16x128xi32, #tpu.memory_space<hbm>>) target(%arg7 : memref<16x128xi32, #tpu.memory_space<vmem>>) target_semaphore(%run_scoped3A_357 : memref<!tpu.dma_semaphore, #tpu.memory_space<semaphore_mem>>)
      %dma_wait3A_366 = arith.constant 64 : i32
      %dma_wait3A_367 = arith.constant 0 : i32
      %dma_wait3A_368 = tpu.memref_slice %arg3[%add3A_5, %dma_wait3A_366, %dma_wait3A_367] : memref<32x80x128xi32, #tpu.memory_space<hbm>> -> memref<1x16x128xi32, #tpu.memory_space<hbm>>
      %dma_wait3A_369 = tpu.memref_squeeze %dma_wait3A_368 : memref<1x16x128xi32, #tpu.memory_space<hbm>> -> memref<16x128xi32, #tpu.memory_space<hbm>>
      %dma_wait3A_370 = arith.constant 64 : i32
      %dma_wait3A_371 = arith.constant 0 : i32
      %dma_wait3A_372 = tpu.memref_slice %arg3[%add3A_5, %dma_wait3A_370, %dma_wait3A_371] : memref<32x80x128xi32, #tpu.memory_space<hbm>> -> memref<1x16x128xi32, #tpu.memory_space<hbm>>
      %dma_wait3A_373 = tpu.memref_squeeze %dma_wait3A_372 : memref<1x16x128xi32, #tpu.memory_space<hbm>> -> memref<16x128xi32, #tpu.memory_space<hbm>>
      tpu.wait_dma2 semaphore(%run_scoped3A_357 : memref<!tpu.dma_semaphore, #tpu.memory_space<semaphore_mem>>) src(%dma_wait3A_373 : memref<16x128xi32, #tpu.memory_space<hbm>>) dst(%arg7 : memref<16x128xi32, #tpu.memory_space<vmem>>)
      tpu.yield
    }) : () -> ()
    "tpu.region"() ({
      %run_scoped3A_357 = tpu.sem_alloc : memref<!tpu.dma_semaphore, #tpu.memory_space<semaphore_mem>>
      %dma_start3A_358 = arith.constant 64 : i32
      %dma_start3A_359 = arith.constant 0 : i32
      %dma_start3A_360 = tpu.memref_slice %arg4[%add3A_5, %dma_start3A_358, %dma_start3A_359] : memref<32x80x128xi32, #tpu.memory_space<hbm>> -> memref<1x16x128xi32, #tpu.memory_space<hbm>>
      %dma_start3A_361 = tpu.memref_squeeze %dma_start3A_360 : memref<1x16x128xi32, #tpu.memory_space<hbm>> -> memref<16x128xi32, #tpu.memory_space<hbm>>
      %dma_start3A_362 = arith.constant 64 : i32
      %dma_start3A_363 = arith.constant 0 : i32
      %dma_start3A_364 = tpu.memref_slice %arg4[%add3A_5, %dma_start3A_362, %dma_start3A_363] : memref<32x80x128xi32, #tpu.memory_space<hbm>> -> memref<1x16x128xi32, #tpu.memory_space<hbm>>
      %dma_start3A_365 = tpu.memref_squeeze %dma_start3A_364 : memref<1x16x128xi32, #tpu.memory_space<hbm>> -> memref<16x128xi32, #tpu.memory_space<hbm>>
      tpu.enqueue_dma source(%dma_start3A_365 : memref<16x128xi32, #tpu.memory_space<hbm>>) target(%arg8 : memref<16x128xi32, #tpu.memory_space<vmem>>) target_semaphore(%run_scoped3A_357 : memref<!tpu.dma_semaphore, #tpu.memory_space<semaphore_mem>>)
      %dma_wait3A_366 = arith.constant 64 : i32
      %dma_wait3A_367 = arith.constant 0 : i32
      %dma_wait3A_368 = tpu.memref_slice %arg4[%add3A_5, %dma_wait3A_366, %dma_wait3A_367] : memref<32x80x128xi32, #tpu.memory_space<hbm>> -> memref<1x16x128xi32, #tpu.memory_space<hbm>>
      %dma_wait3A_369 = tpu.memref_squeeze %dma_wait3A_368 : memref<1x16x128xi32, #tpu.memory_space<hbm>> -> memref<16x128xi32, #tpu.memory_space<hbm>>
      %dma_wait3A_370 = arith.constant 64 : i32
      %dma_wait3A_371 = arith.constant 0 : i32
      %dma_wait3A_372 = tpu.memref_slice %arg4[%add3A_5, %dma_wait3A_370, %dma_wait3A_371] : memref<32x80x128xi32, #tpu.memory_space<hbm>> -> memref<1x16x128xi32, #tpu.memory_space<hbm>>
      %dma_wait3A_373 = tpu.memref_squeeze %dma_wait3A_372 : memref<1x16x128xi32, #tpu.memory_space<hbm>> -> memref<16x128xi32, #tpu.memory_space<hbm>>
      tpu.wait_dma2 semaphore(%run_scoped3A_357 : memref<!tpu.dma_semaphore, #tpu.memory_space<semaphore_mem>>) src(%dma_wait3A_373 : memref<16x128xi32, #tpu.memory_space<hbm>>) dst(%arg8 : memref<16x128xi32, #tpu.memory_space<vmem>>)
      tpu.yield
    }) : () -> ()
    %dma_start3A_317 = arith.constant 0 : i32
    %dma_start3A_318 = arith.constant 0 : i32
    %dma_start3A_319 = tpu.memref_slice %arg7[%dma_start3A_317, %dma_start3A_318] : memref<16x128xi32, #tpu.memory_space<vmem>> -> memref<1x128xi32, #tpu.memory_space<vmem>>
    %dma_start3A_320 = tpu.memref_squeeze %dma_start3A_319 : memref<1x128xi32, #tpu.memory_space<vmem>> -> memref<128xi32, #tpu.memory_space<vmem>>
    %dma_start3A_321 = arith.constant 0 : i32
    %dma_start3A_322 = arith.constant 0 : i32
    %dma_start3A_323 = tpu.memref_slice %arg11[%dma_start3A_321, %dma_start3A_322] : memref<10240x64xf32, #tpu.memory_space<vmem_shared>> -> memref<10240x64xf32, #tpu.memory_space<vmem_shared>>
    tpu.enqueue_indirect_dma source(%dma_start3A_323 : memref<10240x64xf32, #tpu.memory_space<vmem_shared>>) target(%arg9 : memref<128x64xf32, #tpu.memory_space<vmem>>) offsets(%dma_start3A_320 : memref<128xi32, #tpu.memory_space<vmem>>) semaphore(%arg13 : memref<!tpu.dma_semaphore, #tpu.memory_space<semaphore_mem>>)
    %scan3A_324 = arith.constant 0 : i32
    %scan3A_325 = arith.constant 7 : i32
    %scan3A_326 = arith.addi %scan3A_324, %scan3A_325 : i32
    %scan3A_327 = arith.constant 1 : i32
    scf.for %scan3A_357 = %scan3A_324 to %scan3A_326 step %scan3A_327  : i32 {
      %mul3A_358 = arith.constant 2 : i32
      %mul3A_359 = arith.muli %scan3A_357, %mul3A_358 : i32
      %add3A_360 = arith.constant 0 : i32
      %add3A_361 = arith.addi %add3A_360, %mul3A_359 : i32
      %add3A_362 = arith.constant 0 : i32
      %add3A_363 = arith.addi %add3A_361, %add3A_362 : i32
      %add3A_364 = arith.constant 2 : i32
      %add3A_365 = arith.addi %add3A_363, %add3A_364 : i32
      %sub3A = arith.constant 1 : i32
      %sub3A_366 = arith.subi %add3A_365, %sub3A : i32
      %dma_start3A_367 = arith.constant 0 : i32
      %dma_start3A_368 = tpu.memref_slice %arg7[%sub3A_366, %dma_start3A_367] : memref<16x128xi32, #tpu.memory_space<vmem>> -> memref<1x128xi32, #tpu.memory_space<vmem>>
      %dma_start3A_369 = tpu.memref_squeeze %dma_start3A_368 : memref<1x128xi32, #tpu.memory_space<vmem>> -> memref<128xi32, #tpu.memory_space<vmem>>
      %dma_start3A_370 = arith.constant 0 : i32
      %dma_start3A_371 = arith.constant 0 : i32
      %dma_start3A_372 = tpu.memref_slice %arg11[%dma_start3A_370, %dma_start3A_371] : memref<10240x64xf32, #tpu.memory_space<vmem_shared>> -> memref<10240x64xf32, #tpu.memory_space<vmem_shared>>
      tpu.enqueue_indirect_dma source(%dma_start3A_372 : memref<10240x64xf32, #tpu.memory_space<vmem_shared>>) target(%arg10 : memref<128x64xf32, #tpu.memory_space<vmem>>) offsets(%dma_start3A_369 : memref<128xi32, #tpu.memory_space<vmem>>) semaphore(%arg14 : memref<!tpu.dma_semaphore, #tpu.memory_space<semaphore_mem>>)
      %add3A_373 = arith.constant 0 : i32
      %add3A_374 = arith.addi %add3A_361, %add3A_373 : i32
      %dma_wait3A_375 = arith.constant 0 : i32
      %dma_wait3A_376 = arith.constant 0 : i32
      %dma_wait3A_377 = tpu.memref_slice %arg7[%dma_wait3A_375, %dma_wait3A_376] : memref<16x128xi32, #tpu.memory_space<vmem>> -> memref<1x128xi32, #tpu.memory_space<vmem>>
      %dma_wait3A_378 = tpu.memref_squeeze %dma_wait3A_377 : memref<1x128xi32, #tpu.memory_space<vmem>> -> memref<128xi32, #tpu.memory_space<vmem>>
      %dma_wait3A_379 = arith.constant 0 : i32
      %dma_wait3A_380 = arith.constant 0 : i32
      %dma_wait3A_381 = tpu.memref_slice %arg11[%dma_wait3A_379, %dma_wait3A_380] : memref<10240x64xf32, #tpu.memory_space<vmem_shared>> -> memref<10240x64xf32, #tpu.memory_space<vmem_shared>>
      tpu.wait_indirect_dma semaphore(%arg13 : memref<!tpu.dma_semaphore, #tpu.memory_space<semaphore_mem>>) src(%dma_wait3A_381 : memref<10240x64xf32, #tpu.memory_space<vmem_shared>>) dst(%arg9 : memref<128x64xf32, #tpu.memory_space<vmem>>)
      "tpu.region"() ({
        %run_scoped3A_403 = tpu.sem_alloc : memref<!tpu.dma_semaphore, #tpu.memory_space<semaphore_mem>>
        %dma_start3A_404 = arith.constant 0 : i32
        %dma_start3A_405 = tpu.memref_slice %arg8[%add3A_374, %dma_start3A_404] : memref<16x128xi32, #tpu.memory_space<vmem>> -> memref<1x128xi32, #tpu.memory_space<vmem>>
        %dma_start3A_406 = tpu.memref_squeeze %dma_start3A_405 : memref<1x128xi32, #tpu.memory_space<vmem>> -> memref<128xi32, #tpu.memory_space<vmem>>
        %dma_start3A_407 = arith.constant 0 : i32
        %dma_start3A_408 = arith.constant 0 : i32
        %dma_start3A_409 = tpu.memref_slice %arg12[%dma_start3A_407, %dma_start3A_408] : memref<10240x64xf32, #tpu.memory_space<vmem_shared>> -> memref<10240x64xf32, #tpu.memory_space<vmem_shared>>
        tpu.enqueue_indirect_dma source(%arg9 : memref<128x64xf32, #tpu.memory_space<vmem>>) target(%dma_start3A_409 : memref<10240x64xf32, #tpu.memory_space<vmem_shared>>) offsets(%dma_start3A_406 : memref<128xi32, #tpu.memory_space<vmem>>) semaphore(%run_scoped3A_403 : memref<!tpu.dma_semaphore, #tpu.memory_space<semaphore_mem>>) {add = true}
        %dma_wait3A_410 = arith.constant 0 : i32
        %dma_wait3A_411 = tpu.memref_slice %arg8[%add3A_374, %dma_wait3A_410] : memref<16x128xi32, #tpu.memory_space<vmem>> -> memref<1x128xi32, #tpu.memory_space<vmem>>
        %dma_wait3A_412 = tpu.memref_squeeze %dma_wait3A_411 : memref<1x128xi32, #tpu.memory_space<vmem>> -> memref<128xi32, #tpu.memory_space<vmem>>
        %dma_wait3A_413 = arith.constant 0 : i32
        %dma_wait3A_414 = arith.constant 0 : i32
        %dma_wait3A_415 = tpu.memref_slice %arg12[%dma_wait3A_413, %dma_wait3A_414] : memref<10240x64xf32, #tpu.memory_space<vmem_shared>> -> memref<10240x64xf32, #tpu.memory_space<vmem_shared>>
        tpu.wait_indirect_dma semaphore(%run_scoped3A_403 : memref<!tpu.dma_semaphore, #tpu.memory_space<semaphore_mem>>) src(%arg9 : memref<128x64xf32, #tpu.memory_space<vmem>>) dst(%dma_wait3A_415 : memref<10240x64xf32, #tpu.memory_space<vmem_shared>>)
        tpu.yield
      }) : () -> ()
      %add3A_382 = arith.constant 1 : i32
      %add3A_383 = arith.addi %add3A_361, %add3A_382 : i32
      %add3A_384 = arith.constant 2 : i32
      %add3A_385 = arith.addi %add3A_383, %add3A_384 : i32
      %sub3A_386 = arith.constant 1 : i32
      %sub3A_387 = arith.subi %add3A_385, %sub3A_386 : i32
      %dma_start3A_388 = arith.constant 0 : i32
      %dma_start3A_389 = tpu.memref_slice %arg7[%sub3A_387, %dma_start3A_388] : memref<16x128xi32, #tpu.memory_space<vmem>> -> memref<1x128xi32, #tpu.memory_space<vmem>>
      %dma_start3A_390 = tpu.memref_squeeze %dma_start3A_389 : memref<1x128xi32, #tpu.memory_space<vmem>> -> memref<128xi32, #tpu.memory_space<vmem>>
      %dma_start3A_391 = arith.constant 0 : i32
      %dma_start3A_392 = arith.constant 0 : i32
      %dma_start3A_393 = tpu.memref_slice %arg11[%dma_start3A_391, %dma_start3A_392] : memref<10240x64xf32, #tpu.memory_space<vmem_shared>> -> memref<10240x64xf32, #tpu.memory_space<vmem_shared>>
      tpu.enqueue_indirect_dma source(%dma_start3A_393 : memref<10240x64xf32, #tpu.memory_space<vmem_shared>>) target(%arg9 : memref<128x64xf32, #tpu.memory_space<vmem>>) offsets(%dma_start3A_390 : memref<128xi32, #tpu.memory_space<vmem>>) semaphore(%arg13 : memref<!tpu.dma_semaphore, #tpu.memory_space<semaphore_mem>>)
      %add3A_394 = arith.constant 1 : i32
      %add3A_395 = arith.addi %add3A_361, %add3A_394 : i32
      %dma_wait3A_396 = arith.constant 0 : i32
      %dma_wait3A_397 = arith.constant 0 : i32
      %dma_wait3A_398 = tpu.memref_slice %arg7[%dma_wait3A_396, %dma_wait3A_397] : memref<16x128xi32, #tpu.memory_space<vmem>> -> memref<1x128xi32, #tpu.memory_space<vmem>>
      %dma_wait3A_399 = tpu.memref_squeeze %dma_wait3A_398 : memref<1x128xi32, #tpu.memory_space<vmem>> -> memref<128xi32, #tpu.memory_space<vmem>>
      %dma_wait3A_400 = arith.constant 0 : i32
      %dma_wait3A_401 = arith.constant 0 : i32
      %dma_wait3A_402 = tpu.memref_slice %arg11[%dma_wait3A_400, %dma_wait3A_401] : memref<10240x64xf32, #tpu.memory_space<vmem_shared>> -> memref<10240x64xf32, #tpu.memory_space<vmem_shared>>
      tpu.wait_indirect_dma semaphore(%arg14 : memref<!tpu.dma_semaphore, #tpu.memory_space<semaphore_mem>>) src(%dma_wait3A_402 : memref<10240x64xf32, #tpu.memory_space<vmem_shared>>) dst(%arg10 : memref<128x64xf32, #tpu.memory_space<vmem>>)
      "tpu.region"() ({
        %run_scoped3A_403 = tpu.sem_alloc : memref<!tpu.dma_semaphore, #tpu.memory_space<semaphore_mem>>
        %dma_start3A_404 = arith.constant 0 : i32
        %dma_start3A_405 = tpu.memref_slice %arg8[%add3A_395, %dma_start3A_404] : memref<16x128xi32, #tpu.memory_space<vmem>> -> memref<1x128xi32, #tpu.memory_space<vmem>>
        %dma_start3A_406 = tpu.memref_squeeze %dma_start3A_405 : memref<1x128xi32, #tpu.memory_space<vmem>> -> memref<128xi32, #tpu.memory_space<vmem>>
        %dma_start3A_407 = arith.constant 0 : i32
        %dma_start3A_408 = arith.constant 0 : i32
        %dma_start3A_409 = tpu.memref_slice %arg12[%dma_start3A_407, %dma_start3A_408] : memref<10240x64xf32, #tpu.memory_space<vmem_shared>> -> memref<10240x64xf32, #tpu.memory_space<vmem_shared>>
        tpu.enqueue_indirect_dma source(%arg10 : memref<128x64xf32, #tpu.memory_space<vmem>>) target(%dma_start3A_409 : memref<10240x64xf32, #tpu.memory_space<vmem_shared>>) offsets(%dma_start3A_406 : memref<128xi32, #tpu.memory_space<vmem>>) semaphore(%run_scoped3A_403 : memref<!tpu.dma_semaphore, #tpu.memory_space<semaphore_mem>>) {add = true}
        %dma_wait3A_410 = arith.constant 0 : i32
        %dma_wait3A_411 = tpu.memref_slice %arg8[%add3A_395, %dma_wait3A_410] : memref<16x128xi32, #tpu.memory_space<vmem>> -> memref<1x128xi32, #tpu.memory_space<vmem>>
        %dma_wait3A_412 = tpu.memref_squeeze %dma_wait3A_411 : memref<1x128xi32, #tpu.memory_space<vmem>> -> memref<128xi32, #tpu.memory_space<vmem>>
        %dma_wait3A_413 = arith.constant 0 : i32
        %dma_wait3A_414 = arith.constant 0 : i32
        %dma_wait3A_415 = tpu.memref_slice %arg12[%dma_wait3A_413, %dma_wait3A_414] : memref<10240x64xf32, #tpu.memory_space<vmem_shared>> -> memref<10240x64xf32, #tpu.memory_space<vmem_shared>>
        tpu.wait_indirect_dma semaphore(%run_scoped3A_403 : memref<!tpu.dma_semaphore, #tpu.memory_space<semaphore_mem>>) src(%arg10 : memref<128x64xf32, #tpu.memory_space<vmem>>) dst(%dma_wait3A_415 : memref<10240x64xf32, #tpu.memory_space<vmem_shared>>)
        tpu.yield
      }) : () -> ()
    }
    %scan3A_328 = arith.constant 7 : i32
    %dma_start3A_329 = arith.constant 15 : i32
    %dma_start3A_330 = arith.constant 0 : i32
    %dma_start3A_331 = tpu.memref_slice %arg7[%dma_start3A_329, %dma_start3A_330] : memref<16x128xi32, #tpu.memory_space<vmem>> -> memref<1x128xi32, #tpu.memory_space<vmem>>
    %dma_start3A_332 = tpu.memref_squeeze %dma_start3A_331 : memref<1x128xi32, #tpu.memory_space<vmem>> -> memref<128xi32, #tpu.memory_space<vmem>>
    %dma_start3A_333 = arith.constant 0 : i32
    %dma_start3A_334 = arith.constant 0 : i32
    %dma_start3A_335 = tpu.memref_slice %arg11[%dma_start3A_333, %dma_start3A_334] : memref<10240x64xf32, #tpu.memory_space<vmem_shared>> -> memref<10240x64xf32, #tpu.memory_space<vmem_shared>>
    tpu.enqueue_indirect_dma source(%dma_start3A_335 : memref<10240x64xf32, #tpu.memory_space<vmem_shared>>) target(%arg10 : memref<128x64xf32, #tpu.memory_space<vmem>>) offsets(%dma_start3A_332 : memref<128xi32, #tpu.memory_space<vmem>>) semaphore(%arg14 : memref<!tpu.dma_semaphore, #tpu.memory_space<semaphore_mem>>)
    %dma_wait3A_336 = arith.constant 0 : i32
    %dma_wait3A_337 = arith.constant 0 : i32
    %dma_wait3A_338 = tpu.memref_slice %arg7[%dma_wait3A_336, %dma_wait3A_337] : memref<16x128xi32, #tpu.memory_space<vmem>> -> memref<1x128xi32, #tpu.memory_space<vmem>>
    %dma_wait3A_339 = tpu.memref_squeeze %dma_wait3A_338 : memref<1x128xi32, #tpu.memory_space<vmem>> -> memref<128xi32, #tpu.memory_space<vmem>>
    %dma_wait3A_340 = arith.constant 0 : i32
    %dma_wait3A_341 = arith.constant 0 : i32
    %dma_wait3A_342 = tpu.memref_slice %arg11[%dma_wait3A_340, %dma_wait3A_341] : memref<10240x64xf32, #tpu.memory_space<vmem_shared>> -> memref<10240x64xf32, #tpu.memory_space<vmem_shared>>
    tpu.wait_indirect_dma semaphore(%arg13 : memref<!tpu.dma_semaphore, #tpu.memory_space<semaphore_mem>>) src(%dma_wait3A_342 : memref<10240x64xf32, #tpu.memory_space<vmem_shared>>) dst(%arg9 : memref<128x64xf32, #tpu.memory_space<vmem>>)
    %run_scoped3A_343 = arith.constant 14 : i32
    "tpu.region"() ({
      %run_scoped3A_357 = tpu.sem_alloc : memref<!tpu.dma_semaphore, #tpu.memory_space<semaphore_mem>>
      %dma_start3A_358 = arith.constant 0 : i32
      %dma_start3A_359 = tpu.memref_slice %arg8[%run_scoped3A_343, %dma_start3A_358] : memref<16x128xi32, #tpu.memory_space<vmem>> -> memref<1x128xi32, #tpu.memory_space<vmem>>
      %dma_start3A_360 = tpu.memref_squeeze %dma_start3A_359 : memref<1x128xi32, #tpu.memory_space<vmem>> -> memref<128xi32, #tpu.memory_space<vmem>>
      %dma_start3A_361 = arith.constant 0 : i32
      %dma_start3A_362 = arith.constant 0 : i32
      %dma_start3A_363 = tpu.memref_slice %arg12[%dma_start3A_361, %dma_start3A_362] : memref<10240x64xf32, #tpu.memory_space<vmem_shared>> -> memref<10240x64xf32, #tpu.memory_space<vmem_shared>>
      tpu.enqueue_indirect_dma source(%arg9 : memref<128x64xf32, #tpu.memory_space<vmem>>) target(%dma_start3A_363 : memref<10240x64xf32, #tpu.memory_space<vmem_shared>>) offsets(%dma_start3A_360 : memref<128xi32, #tpu.memory_space<vmem>>) semaphore(%run_scoped3A_357 : memref<!tpu.dma_semaphore, #tpu.memory_space<semaphore_mem>>) {add = true}
      %dma_wait3A_364 = arith.constant 0 : i32
      %dma_wait3A_365 = tpu.memref_slice %arg8[%run_scoped3A_343, %dma_wait3A_364] : memref<16x128xi32, #tpu.memory_space<vmem>> -> memref<1x128xi32, #tpu.memory_space<vmem>>
      %dma_wait3A_366 = tpu.memref_squeeze %dma_wait3A_365 : memref<1x128xi32, #tpu.memory_space<vmem>> -> memref<128xi32, #tpu.memory_space<vmem>>
      %dma_wait3A_367 = arith.constant 0 : i32
      %dma_wait3A_368 = arith.constant 0 : i32
      %dma_wait3A_369 = tpu.memref_slice %arg12[%dma_wait3A_367, %dma_wait3A_368] : memref<10240x64xf32, #tpu.memory_space<vmem_shared>> -> memref<10240x64xf32, #tpu.memory_space<vmem_shared>>
      tpu.wait_indirect_dma semaphore(%run_scoped3A_357 : memref<!tpu.dma_semaphore, #tpu.memory_space<semaphore_mem>>) src(%arg9 : memref<128x64xf32, #tpu.memory_space<vmem>>) dst(%dma_wait3A_369 : memref<10240x64xf32, #tpu.memory_space<vmem_shared>>)
      tpu.yield
    }) : () -> ()
    %dma_wait3A_344 = arith.constant 0 : i32
    %dma_wait3A_345 = arith.constant 0 : i32
    %dma_wait3A_346 = tpu.memref_slice %arg7[%dma_wait3A_344, %dma_wait3A_345] : memref<16x128xi32, #tpu.memory_space<vmem>> -> memref<1x128xi32, #tpu.memory_space<vmem>>
    %dma_wait3A_347 = tpu.memref_squeeze %dma_wait3A_346 : memref<1x128xi32, #tpu.memory_space<vmem>> -> memref<128xi32, #tpu.memory_space<vmem>>
    %dma_wait3A_348 = arith.constant 0 : i32
    %dma_wait3A_349 = arith.constant 0 : i32
    %dma_wait3A_350 = tpu.memref_slice %arg11[%dma_wait3A_348, %dma_wait3A_349] : memref<10240x64xf32, #tpu.memory_space<vmem_shared>> -> memref<10240x64xf32, #tpu.memory_space<vmem_shared>>
    tpu.wait_indirect_dma semaphore(%arg14 : memref<!tpu.dma_semaphore, #tpu.memory_space<semaphore_mem>>) src(%dma_wait3A_350 : memref<10240x64xf32, #tpu.memory_space<vmem_shared>>) dst(%arg10 : memref<128x64xf32, #tpu.memory_space<vmem>>)
    %run_scoped3A_351 = arith.constant 15 : i32
    "tpu.region"() ({
      %run_scoped3A_357 = tpu.sem_alloc : memref<!tpu.dma_semaphore, #tpu.memory_space<semaphore_mem>>
      %dma_start3A_358 = arith.constant 0 : i32
      %dma_start3A_359 = tpu.memref_slice %arg8[%run_scoped3A_351, %dma_start3A_358] : memref<16x128xi32, #tpu.memory_space<vmem>> -> memref<1x128xi32, #tpu.memory_space<vmem>>
      %dma_start3A_360 = tpu.memref_squeeze %dma_start3A_359 : memref<1x128xi32, #tpu.memory_space<vmem>> -> memref<128xi32, #tpu.memory_space<vmem>>
      %dma_start3A_361 = arith.constant 0 : i32
      %dma_start3A_362 = arith.constant 0 : i32
      %dma_start3A_363 = tpu.memref_slice %arg12[%dma_start3A_361, %dma_start3A_362] : memref<10240x64xf32, #tpu.memory_space<vmem_shared>> -> memref<10240x64xf32, #tpu.memory_space<vmem_shared>>
      tpu.enqueue_indirect_dma source(%arg10 : memref<128x64xf32, #tpu.memory_space<vmem>>) target(%dma_start3A_363 : memref<10240x64xf32, #tpu.memory_space<vmem_shared>>) offsets(%dma_start3A_360 : memref<128xi32, #tpu.memory_space<vmem>>) semaphore(%run_scoped3A_357 : memref<!tpu.dma_semaphore, #tpu.memory_space<semaphore_mem>>) {add = true}
      %dma_wait3A_364 = arith.constant 0 : i32
      %dma_wait3A_365 = tpu.memref_slice %arg8[%run_scoped3A_351, %dma_wait3A_364] : memref<16x128xi32, #tpu.memory_space<vmem>> -> memref<1x128xi32, #tpu.memory_space<vmem>>
      %dma_wait3A_366 = tpu.memref_squeeze %dma_wait3A_365 : memref<1x128xi32, #tpu.memory_space<vmem>> -> memref<128xi32, #tpu.memory_space<vmem>>
      %dma_wait3A_367 = arith.constant 0 : i32
      %dma_wait3A_368 = arith.constant 0 : i32
      %dma_wait3A_369 = tpu.memref_slice %arg12[%dma_wait3A_367, %dma_wait3A_368] : memref<10240x64xf32, #tpu.memory_space<vmem_shared>> -> memref<10240x64xf32, #tpu.memory_space<vmem_shared>>
      tpu.wait_indirect_dma semaphore(%run_scoped3A_357 : memref<!tpu.dma_semaphore, #tpu.memory_space<semaphore_mem>>) src(%arg10 : memref<128x64xf32, #tpu.memory_space<vmem>>) dst(%dma_wait3A_369 : memref<10240x64xf32, #tpu.memory_space<vmem_shared>>)
      tpu.yield
    }) : () -> ()
    %barrier3A_352 = arith.constant 0 : index
    tpu.barrier barrier_id(%barrier3A_352)
    %mul3A_353 = arith.constant 640 : i32
    %mul3A_354 = arith.muli %arg1, %mul3A_353 : i32
    %mul3A_355 = arith.constant 640 : i32
    %mul3A_356 = arith.muli %arg1, %mul3A_355 : i32
    "tpu.region"() ({
      %run_scoped3A_357 = tpu.sem_alloc : memref<!tpu.dma_semaphore, #tpu.memory_space<semaphore_mem>>
      %dma_start3A_358 = arith.constant 0 : i32
      %dma_start3A_359 = tpu.memref_slice %arg6[%arg0, %mul3A_356, %dma_start3A_358] : memref<2x10240x64xf32, #tpu.memory_space<hbm>> -> memref<1x640x64xf32, #tpu.memory_space<hbm>>
      %dma_start3A_360 = tpu.memref_squeeze %dma_start3A_359 : memref<1x640x64xf32, #tpu.memory_space<hbm>> -> memref<640x64xf32, #tpu.memory_space<hbm>>
      %dma_start3A_361 = arith.constant 0 : i32
      %dma_start3A_362 = tpu.memref_slice %arg12[%mul3A_354, %dma_start3A_361] : memref<10240x64xf32, #tpu.memory_space<vmem_shared>> -> memref<640x64xf32, #tpu.memory_space<vmem_shared>>
      tpu.enqueue_dma source(%dma_start3A_362 : memref<640x64xf32, #tpu.memory_space<vmem_shared>>) target(%dma_start3A_360 : memref<640x64xf32, #tpu.memory_space<hbm>>) target_semaphore(%run_scoped3A_357 : memref<!tpu.dma_semaphore, #tpu.memory_space<semaphore_mem>>)
      %dma_wait3A_363 = arith.constant 0 : i32
      %dma_wait3A_364 = tpu.memref_slice %arg6[%arg0, %mul3A_356, %dma_wait3A_363] : memref<2x10240x64xf32, #tpu.memory_space<hbm>> -> memref<1x640x64xf32, #tpu.memory_space<hbm>>
      %dma_wait3A_365 = tpu.memref_squeeze %dma_wait3A_364 : memref<1x640x64xf32, #tpu.memory_space<hbm>> -> memref<640x64xf32, #tpu.memory_space<hbm>>
      %dma_wait3A_366 = arith.constant 0 : i32
      %dma_wait3A_367 = tpu.memref_slice %arg12[%mul3A_354, %dma_wait3A_366] : memref<10240x64xf32, #tpu.memory_space<vmem_shared>> -> memref<640x64xf32, #tpu.memory_space<vmem_shared>>
      tpu.wait_dma2 semaphore(%run_scoped3A_357 : memref<!tpu.dma_semaphore, #tpu.memory_space<semaphore_mem>>) src(%dma_wait3A_367 : memref<640x64xf32, #tpu.memory_space<vmem_shared>>) dst(%dma_wait3A_365 : memref<640x64xf32, #tpu.memory_space<hbm>>)
      tpu.yield
    }) : () -> ()
    return
  }
}

#map = affine_map<(d0, d1) -> (0, 0, 0)>
#map1 = affine_map<(d0, d1) -> (0)>
#map2 = affine_map<(d0, d1) -> (0, 0)>
module attributes {stable_mosaic.version = 14 : i64} {
  func.func @_sc_degree(%arg0: i32, %arg1: i32, %arg2: memref<32x80x128xi32, #tpu.memory_space<hbm>>, %arg3: memref<128xf32, #tpu.memory_space<hbm>>, %arg4: memref<640xf32, #tpu.memory_space<hbm>>, %arg5: memref<2x10240xf32, #tpu.memory_space<hbm>>, %arg6: memref<80x128xi32, #tpu.memory_space<vmem>>, %arg7: memref<128xf32, #tpu.memory_space<vmem>>, %arg8: memref<10240xf32, #tpu.memory_space<vmem_shared>>) attributes {dimension_semantics = [#tpu.dimension_semantics<core_parallel>, #tpu.dimension_semantics<subcore_parallel>], iteration_bounds = array<i64: 2, 16>, scalar_prefetch = 0 : i64, scratch_operands = 3 : i64, tpu.core_type = #tpu.core_type<sc_vector_subcore>, window_params = [{transform_indices = #map}, {transform_indices = #map1}, {transform_indices = #map1}, {transform_indices = #map2}]} {
    %mul3A = arith.constant 16 : i32
    %mul3A_0 = arith.muli %arg0, %mul3A : i32
    %add3A = arith.addi %mul3A_0, %arg1 : i32
    "tpu.region"() ({
      %run_scoped3A = tpu.sem_alloc : memref<!tpu.dma_semaphore, #tpu.memory_space<semaphore_mem>>
      %dma_start3A = arith.constant 0 : i32
      %dma_start3A_12 = arith.constant 0 : i32
      %dma_start3A_13 = tpu.memref_slice %arg2[%add3A, %dma_start3A, %dma_start3A_12] : memref<32x80x128xi32, #tpu.memory_space<hbm>> -> memref<1x80x128xi32, #tpu.memory_space<hbm>>
      %dma_start3A_14 = tpu.memref_squeeze %dma_start3A_13 : memref<1x80x128xi32, #tpu.memory_space<hbm>> -> memref<80x128xi32, #tpu.memory_space<hbm>>
      %dma_start3A_15 = arith.constant 0 : i32
      %dma_start3A_16 = arith.constant 0 : i32
      %dma_start3A_17 = tpu.memref_slice %arg2[%add3A, %dma_start3A_15, %dma_start3A_16] : memref<32x80x128xi32, #tpu.memory_space<hbm>> -> memref<1x80x128xi32, #tpu.memory_space<hbm>>
      %dma_start3A_18 = tpu.memref_squeeze %dma_start3A_17 : memref<1x80x128xi32, #tpu.memory_space<hbm>> -> memref<80x128xi32, #tpu.memory_space<hbm>>
      tpu.enqueue_dma source(%dma_start3A_18 : memref<80x128xi32, #tpu.memory_space<hbm>>) target(%arg6 : memref<80x128xi32, #tpu.memory_space<vmem>>) target_semaphore(%run_scoped3A : memref<!tpu.dma_semaphore, #tpu.memory_space<semaphore_mem>>)
      %dma_wait3A = arith.constant 0 : i32
      %dma_wait3A_19 = arith.constant 0 : i32
      %dma_wait3A_20 = tpu.memref_slice %arg2[%add3A, %dma_wait3A, %dma_wait3A_19] : memref<32x80x128xi32, #tpu.memory_space<hbm>> -> memref<1x80x128xi32, #tpu.memory_space<hbm>>
      %dma_wait3A_21 = tpu.memref_squeeze %dma_wait3A_20 : memref<1x80x128xi32, #tpu.memory_space<hbm>> -> memref<80x128xi32, #tpu.memory_space<hbm>>
      %dma_wait3A_22 = arith.constant 0 : i32
      %dma_wait3A_23 = arith.constant 0 : i32
      %dma_wait3A_24 = tpu.memref_slice %arg2[%add3A, %dma_wait3A_22, %dma_wait3A_23] : memref<32x80x128xi32, #tpu.memory_space<hbm>> -> memref<1x80x128xi32, #tpu.memory_space<hbm>>
      %dma_wait3A_25 = tpu.memref_squeeze %dma_wait3A_24 : memref<1x80x128xi32, #tpu.memory_space<hbm>> -> memref<80x128xi32, #tpu.memory_space<hbm>>
      tpu.wait_dma2 semaphore(%run_scoped3A : memref<!tpu.dma_semaphore, #tpu.memory_space<semaphore_mem>>) src(%dma_wait3A_25 : memref<80x128xi32, #tpu.memory_space<hbm>>) dst(%arg6 : memref<80x128xi32, #tpu.memory_space<vmem>>)
      tpu.yield
    }) : () -> ()
    "tpu.region"() ({
      %run_scoped3A = tpu.sem_alloc : memref<!tpu.dma_semaphore, #tpu.memory_space<semaphore_mem>>
      tpu.enqueue_dma source(%arg3 : memref<128xf32, #tpu.memory_space<hbm>>) target(%arg7 : memref<128xf32, #tpu.memory_space<vmem>>) target_semaphore(%run_scoped3A : memref<!tpu.dma_semaphore, #tpu.memory_space<semaphore_mem>>)
      tpu.wait_dma2 semaphore(%run_scoped3A : memref<!tpu.dma_semaphore, #tpu.memory_space<semaphore_mem>>) src(%arg3 : memref<128xf32, #tpu.memory_space<hbm>>) dst(%arg7 : memref<128xf32, #tpu.memory_space<vmem>>)
      tpu.yield
    }) : () -> ()
    %mul3A_1 = arith.constant 640 : i32
    %mul3A_2 = arith.muli %arg1, %mul3A_1 : i32
    "tpu.region"() ({
      %run_scoped3A = tpu.sem_alloc : memref<!tpu.dma_semaphore, #tpu.memory_space<semaphore_mem>>
      %dma_start3A = tpu.memref_slice %arg8[%mul3A_2] : memref<10240xf32, #tpu.memory_space<vmem_shared>> -> memref<640xf32, #tpu.memory_space<vmem_shared>>
      tpu.enqueue_dma source(%arg4 : memref<640xf32, #tpu.memory_space<hbm>>) target(%dma_start3A : memref<640xf32, #tpu.memory_space<vmem_shared>>) target_semaphore(%run_scoped3A : memref<!tpu.dma_semaphore, #tpu.memory_space<semaphore_mem>>)
      %dma_wait3A = tpu.memref_slice %arg8[%mul3A_2] : memref<10240xf32, #tpu.memory_space<vmem_shared>> -> memref<640xf32, #tpu.memory_space<vmem_shared>>
      tpu.wait_dma2 semaphore(%run_scoped3A : memref<!tpu.dma_semaphore, #tpu.memory_space<semaphore_mem>>) src(%arg4 : memref<640xf32, #tpu.memory_space<hbm>>) dst(%dma_wait3A : memref<640xf32, #tpu.memory_space<vmem_shared>>)
      tpu.yield
    }) : () -> ()
    %barrier3A = arith.constant 0 : index
    tpu.barrier barrier_id(%barrier3A)
    %scan3A = arith.constant 0 : i32
    %scan3A_3 = arith.constant 80 : i32
    %scan3A_4 = arith.addi %scan3A, %scan3A_3 : i32
    %scan3A_5 = arith.constant 1 : i32
    scf.for %scan3A_12 = %scan3A to %scan3A_4 step %scan3A_5  : i32 {
      %mul3A_13 = arith.constant 1 : i32
      %mul3A_14 = arith.muli %scan3A_12, %mul3A_13 : i32
      %add3A_15 = arith.constant 0 : i32
      %add3A_16 = arith.addi %add3A_15, %mul3A_14 : i32
      "tpu.region"() ({
        %run_scoped3A = tpu.sem_alloc : memref<!tpu.dma_semaphore, #tpu.memory_space<semaphore_mem>>
        %dma_start3A = arith.constant 0 : i32
        %dma_start3A_17 = tpu.memref_slice %arg6[%add3A_16, %dma_start3A] : memref<80x128xi32, #tpu.memory_space<vmem>> -> memref<1x128xi32, #tpu.memory_space<vmem>>
        %dma_start3A_18 = tpu.memref_squeeze %dma_start3A_17 : memref<1x128xi32, #tpu.memory_space<vmem>> -> memref<128xi32, #tpu.memory_space<vmem>>
        %dma_start3A_19 = arith.constant 0 : i32
        %dma_start3A_20 = tpu.memref_slice %arg8[%dma_start3A_19] : memref<10240xf32, #tpu.memory_space<vmem_shared>> -> memref<10240xf32, #tpu.memory_space<vmem_shared>>
        tpu.enqueue_indirect_dma source(%arg7 : memref<128xf32, #tpu.memory_space<vmem>>) target(%dma_start3A_20 : memref<10240xf32, #tpu.memory_space<vmem_shared>>) offsets(%dma_start3A_18 : memref<128xi32, #tpu.memory_space<vmem>>) semaphore(%run_scoped3A : memref<!tpu.dma_semaphore, #tpu.memory_space<semaphore_mem>>) {add = true}
        %dma_wait3A = arith.constant 0 : i32
        %dma_wait3A_21 = tpu.memref_slice %arg6[%add3A_16, %dma_wait3A] : memref<80x128xi32, #tpu.memory_space<vmem>> -> memref<1x128xi32, #tpu.memory_space<vmem>>
        %dma_wait3A_22 = tpu.memref_squeeze %dma_wait3A_21 : memref<1x128xi32, #tpu.memory_space<vmem>> -> memref<128xi32, #tpu.memory_space<vmem>>
        %dma_wait3A_23 = arith.constant 0 : i32
        %dma_wait3A_24 = tpu.memref_slice %arg8[%dma_wait3A_23] : memref<10240xf32, #tpu.memory_space<vmem_shared>> -> memref<10240xf32, #tpu.memory_space<vmem_shared>>
        tpu.wait_indirect_dma semaphore(%run_scoped3A : memref<!tpu.dma_semaphore, #tpu.memory_space<semaphore_mem>>) src(%arg7 : memref<128xf32, #tpu.memory_space<vmem>>) dst(%dma_wait3A_24 : memref<10240xf32, #tpu.memory_space<vmem_shared>>)
        tpu.yield
      }) : () -> ()
    }
    %scan3A_6 = arith.constant 80 : i32
    %barrier3A_7 = arith.constant 0 : index
    tpu.barrier barrier_id(%barrier3A_7)
    %mul3A_8 = arith.constant 640 : i32
    %mul3A_9 = arith.muli %arg1, %mul3A_8 : i32
    %mul3A_10 = arith.constant 640 : i32
    %mul3A_11 = arith.muli %arg1, %mul3A_10 : i32
    "tpu.region"() ({
      %run_scoped3A = tpu.sem_alloc : memref<!tpu.dma_semaphore, #tpu.memory_space<semaphore_mem>>
      %dma_start3A = tpu.memref_slice %arg5[%arg0, %mul3A_11] : memref<2x10240xf32, #tpu.memory_space<hbm>> -> memref<1x640xf32, #tpu.memory_space<hbm>>
      %dma_start3A_12 = tpu.memref_squeeze %dma_start3A : memref<1x640xf32, #tpu.memory_space<hbm>> -> memref<640xf32, #tpu.memory_space<hbm>>
      %dma_start3A_13 = tpu.memref_slice %arg8[%mul3A_9] : memref<10240xf32, #tpu.memory_space<vmem_shared>> -> memref<640xf32, #tpu.memory_space<vmem_shared>>
      tpu.enqueue_dma source(%dma_start3A_13 : memref<640xf32, #tpu.memory_space<vmem_shared>>) target(%dma_start3A_12 : memref<640xf32, #tpu.memory_space<hbm>>) target_semaphore(%run_scoped3A : memref<!tpu.dma_semaphore, #tpu.memory_space<semaphore_mem>>)
      %dma_wait3A = tpu.memref_slice %arg5[%arg0, %mul3A_11] : memref<2x10240xf32, #tpu.memory_space<hbm>> -> memref<1x640xf32, #tpu.memory_space<hbm>>
      %dma_wait3A_14 = tpu.memref_squeeze %dma_wait3A : memref<1x640xf32, #tpu.memory_space<hbm>> -> memref<640xf32, #tpu.memory_space<hbm>>
      %dma_wait3A_15 = tpu.memref_slice %arg8[%mul3A_9] : memref<10240xf32, #tpu.memory_space<vmem_shared>> -> memref<640xf32, #tpu.memory_space<vmem_shared>>
      tpu.wait_dma2 semaphore(%run_scoped3A : memref<!tpu.dma_semaphore, #tpu.memory_space<semaphore_mem>>) src(%dma_wait3A_15 : memref<640xf32, #tpu.memory_space<vmem_shared>>) dst(%dma_wait3A_14 : memref<640xf32, #tpu.memory_space<hbm>>)
      tpu.yield
    }) : () -> ()
    return
  }
}

#map = affine_map<(d0, d1) -> (0)>
#map1 = affine_map<(d0, d1) -> (0, 0, 0)>
module attributes {stable_mosaic.version = 14 : i64} {
  func.func @_sc_agg_scalar(%arg0: i32, %arg1: i32, %arg2: memref<10240xf32, #tpu.memory_space<hbm>>, %arg3: memref<10240xf32, #tpu.memory_space<hbm>>, %arg4: memref<32x80x128xi32, #tpu.memory_space<hbm>>, %arg5: memref<32x80x128xi32, #tpu.memory_space<hbm>>, %arg6: memref<640xf32, #tpu.memory_space<hbm>>, %arg7: memref<16xf32, #tpu.memory_space<hbm>>, %arg8: memref<10240xf32, #tpu.memory_space<hbm>>, %arg9: memref<80x128xi32, #tpu.memory_space<vmem>>, %arg10: memref<80x128xi32, #tpu.memory_space<vmem>>, %arg11: memref<128xf32, #tpu.memory_space<vmem>>, %arg12: memref<128xf32, #tpu.memory_space<vmem>>, %arg13: memref<640xf32, #tpu.memory_space<vmem>>, %arg14: memref<640xf32, #tpu.memory_space<vmem>>, %arg15: memref<640xf32, #tpu.memory_space<vmem>>, %arg16: memref<640xf32, #tpu.memory_space<vmem>>, %arg17: memref<16xf32, #tpu.memory_space<vmem>>, %arg18: memref<10240xf32, #tpu.memory_space<vmem_shared>>, %arg19: memref<10240xf32, #tpu.memory_space<vmem_shared>>, %arg20: memref<!tpu.dma_semaphore, #tpu.memory_space<semaphore_mem>>, %arg21: memref<!tpu.dma_semaphore, #tpu.memory_space<semaphore_mem>>) attributes {dimension_semantics = [#tpu.dimension_semantics<core_parallel>, #tpu.dimension_semantics<subcore_parallel>], iteration_bounds = array<i64: 2, 16>, scalar_prefetch = 0 : i64, scratch_operands = 13 : i64, tpu.core_type = #tpu.core_type<sc_vector_subcore>, window_params = [{transform_indices = #map}, {transform_indices = #map}, {transform_indices = #map1}, {transform_indices = #map1}, {transform_indices = #map}, {transform_indices = #map}, {transform_indices = #map}]} {
    %mul3A = arith.constant 640 : i32
    %mul3A_0 = arith.muli %arg1, %mul3A : i32
    "tpu.region"() ({
      %run_scoped3A_70 = tpu.sem_alloc : memref<!tpu.dma_semaphore, #tpu.memory_space<semaphore_mem>>
      tpu.enqueue_dma source(%arg7 : memref<16xf32, #tpu.memory_space<hbm>>) target(%arg17 : memref<16xf32, #tpu.memory_space<vmem>>) target_semaphore(%run_scoped3A_70 : memref<!tpu.dma_semaphore, #tpu.memory_space<semaphore_mem>>)
      tpu.wait_dma2 semaphore(%run_scoped3A_70 : memref<!tpu.dma_semaphore, #tpu.memory_space<semaphore_mem>>) src(%arg7 : memref<16xf32, #tpu.memory_space<hbm>>) dst(%arg17 : memref<16xf32, #tpu.memory_space<vmem>>)
      tpu.yield
    }) : () -> ()
    "tpu.region"() ({
      %run_scoped3A_70 = tpu.sem_alloc : memref<!tpu.dma_semaphore, #tpu.memory_space<semaphore_mem>>
      %dma_start3A_71 = tpu.memref_slice %arg18[%mul3A_0] : memref<10240xf32, #tpu.memory_space<vmem_shared>> -> memref<640xf32, #tpu.memory_space<vmem_shared>>
      tpu.enqueue_dma source(%arg6 : memref<640xf32, #tpu.memory_space<hbm>>) target(%dma_start3A_71 : memref<640xf32, #tpu.memory_space<vmem_shared>>) target_semaphore(%run_scoped3A_70 : memref<!tpu.dma_semaphore, #tpu.memory_space<semaphore_mem>>)
      %dma_wait3A_72 = tpu.memref_slice %arg18[%mul3A_0] : memref<10240xf32, #tpu.memory_space<vmem_shared>> -> memref<640xf32, #tpu.memory_space<vmem_shared>>
      tpu.wait_dma2 semaphore(%run_scoped3A_70 : memref<!tpu.dma_semaphore, #tpu.memory_space<semaphore_mem>>) src(%arg6 : memref<640xf32, #tpu.memory_space<hbm>>) dst(%dma_wait3A_72 : memref<640xf32, #tpu.memory_space<vmem_shared>>)
      tpu.yield
    }) : () -> ()
    "tpu.region"() ({
      %run_scoped3A_70 = tpu.sem_alloc : memref<!tpu.dma_semaphore, #tpu.memory_space<semaphore_mem>>
      %dma_start3A_71 = tpu.memref_slice %arg2[%mul3A_0] : memref<10240xf32, #tpu.memory_space<hbm>> -> memref<640xf32, #tpu.memory_space<hbm>>
      %dma_start3A_72 = tpu.memref_slice %arg2[%mul3A_0] : memref<10240xf32, #tpu.memory_space<hbm>> -> memref<640xf32, #tpu.memory_space<hbm>>
      tpu.enqueue_dma source(%dma_start3A_72 : memref<640xf32, #tpu.memory_space<hbm>>) target(%arg15 : memref<640xf32, #tpu.memory_space<vmem>>) target_semaphore(%run_scoped3A_70 : memref<!tpu.dma_semaphore, #tpu.memory_space<semaphore_mem>>)
      %dma_wait3A_73 = tpu.memref_slice %arg2[%mul3A_0] : memref<10240xf32, #tpu.memory_space<hbm>> -> memref<640xf32, #tpu.memory_space<hbm>>
      %dma_wait3A_74 = tpu.memref_slice %arg2[%mul3A_0] : memref<10240xf32, #tpu.memory_space<hbm>> -> memref<640xf32, #tpu.memory_space<hbm>>
      tpu.wait_dma2 semaphore(%run_scoped3A_70 : memref<!tpu.dma_semaphore, #tpu.memory_space<semaphore_mem>>) src(%dma_wait3A_74 : memref<640xf32, #tpu.memory_space<hbm>>) dst(%arg15 : memref<640xf32, #tpu.memory_space<vmem>>)
      tpu.yield
    }) : () -> ()
    "tpu.region"() ({
      %run_scoped3A_70 = tpu.sem_alloc : memref<!tpu.dma_semaphore, #tpu.memory_space<semaphore_mem>>
      %dma_start3A_71 = tpu.memref_slice %arg19[%mul3A_0] : memref<10240xf32, #tpu.memory_space<vmem_shared>> -> memref<640xf32, #tpu.memory_space<vmem_shared>>
      %dma_start3A_72 = tpu.memref_slice %arg19[%mul3A_0] : memref<10240xf32, #tpu.memory_space<vmem_shared>> -> memref<640xf32, #tpu.memory_space<vmem_shared>>
      tpu.enqueue_dma source(%arg15 : memref<640xf32, #tpu.memory_space<vmem>>) target(%dma_start3A_72 : memref<640xf32, #tpu.memory_space<vmem_shared>>) target_semaphore(%run_scoped3A_70 : memref<!tpu.dma_semaphore, #tpu.memory_space<semaphore_mem>>)
      %dma_wait3A_73 = tpu.memref_slice %arg19[%mul3A_0] : memref<10240xf32, #tpu.memory_space<vmem_shared>> -> memref<640xf32, #tpu.memory_space<vmem_shared>>
      %dma_wait3A_74 = tpu.memref_slice %arg19[%mul3A_0] : memref<10240xf32, #tpu.memory_space<vmem_shared>> -> memref<640xf32, #tpu.memory_space<vmem_shared>>
      tpu.wait_dma2 semaphore(%run_scoped3A_70 : memref<!tpu.dma_semaphore, #tpu.memory_space<semaphore_mem>>) src(%arg15 : memref<640xf32, #tpu.memory_space<vmem>>) dst(%dma_wait3A_74 : memref<640xf32, #tpu.memory_space<vmem_shared>>)
      tpu.yield
    }) : () -> ()
    %barrier3A = arith.constant 0 : index
    tpu.barrier barrier_id(%barrier3A)
    %add3A = arith.constant 16 : i32
    %add3A_1 = arith.addi %add3A, %arg1 : i32
    "tpu.region"() ({
      %run_scoped3A_70 = tpu.sem_alloc : memref<!tpu.dma_semaphore, #tpu.memory_space<semaphore_mem>>
      %dma_start3A_71 = arith.constant 0 : i32
      %dma_start3A_72 = arith.constant 0 : i32
      %dma_start3A_73 = tpu.memref_slice %arg4[%arg1, %dma_start3A_71, %dma_start3A_72] : memref<32x80x128xi32, #tpu.memory_space<hbm>> -> memref<1x80x128xi32, #tpu.memory_space<hbm>>
      %dma_start3A_74 = tpu.memref_squeeze %dma_start3A_73 : memref<1x80x128xi32, #tpu.memory_space<hbm>> -> memref<80x128xi32, #tpu.memory_space<hbm>>
      %dma_start3A_75 = arith.constant 0 : i32
      %dma_start3A_76 = arith.constant 0 : i32
      %dma_start3A_77 = tpu.memref_slice %arg4[%arg1, %dma_start3A_75, %dma_start3A_76] : memref<32x80x128xi32, #tpu.memory_space<hbm>> -> memref<1x80x128xi32, #tpu.memory_space<hbm>>
      %dma_start3A_78 = tpu.memref_squeeze %dma_start3A_77 : memref<1x80x128xi32, #tpu.memory_space<hbm>> -> memref<80x128xi32, #tpu.memory_space<hbm>>
      tpu.enqueue_dma source(%dma_start3A_78 : memref<80x128xi32, #tpu.memory_space<hbm>>) target(%arg9 : memref<80x128xi32, #tpu.memory_space<vmem>>) target_semaphore(%run_scoped3A_70 : memref<!tpu.dma_semaphore, #tpu.memory_space<semaphore_mem>>)
      %dma_wait3A_79 = arith.constant 0 : i32
      %dma_wait3A_80 = arith.constant 0 : i32
      %dma_wait3A_81 = tpu.memref_slice %arg4[%arg1, %dma_wait3A_79, %dma_wait3A_80] : memref<32x80x128xi32, #tpu.memory_space<hbm>> -> memref<1x80x128xi32, #tpu.memory_space<hbm>>
      %dma_wait3A_82 = tpu.memref_squeeze %dma_wait3A_81 : memref<1x80x128xi32, #tpu.memory_space<hbm>> -> memref<80x128xi32, #tpu.memory_space<hbm>>
      %dma_wait3A_83 = arith.constant 0 : i32
      %dma_wait3A_84 = arith.constant 0 : i32
      %dma_wait3A_85 = tpu.memref_slice %arg4[%arg1, %dma_wait3A_83, %dma_wait3A_84] : memref<32x80x128xi32, #tpu.memory_space<hbm>> -> memref<1x80x128xi32, #tpu.memory_space<hbm>>
      %dma_wait3A_86 = tpu.memref_squeeze %dma_wait3A_85 : memref<1x80x128xi32, #tpu.memory_space<hbm>> -> memref<80x128xi32, #tpu.memory_space<hbm>>
      tpu.wait_dma2 semaphore(%run_scoped3A_70 : memref<!tpu.dma_semaphore, #tpu.memory_space<semaphore_mem>>) src(%dma_wait3A_86 : memref<80x128xi32, #tpu.memory_space<hbm>>) dst(%arg9 : memref<80x128xi32, #tpu.memory_space<vmem>>)
      tpu.yield
    }) : () -> ()
    "tpu.region"() ({
      %run_scoped3A_70 = tpu.sem_alloc : memref<!tpu.dma_semaphore, #tpu.memory_space<semaphore_mem>>
      %dma_start3A_71 = arith.constant 0 : i32
      %dma_start3A_72 = arith.constant 0 : i32
      %dma_start3A_73 = tpu.memref_slice %arg5[%arg1, %dma_start3A_71, %dma_start3A_72] : memref<32x80x128xi32, #tpu.memory_space<hbm>> -> memref<1x80x128xi32, #tpu.memory_space<hbm>>
      %dma_start3A_74 = tpu.memref_squeeze %dma_start3A_73 : memref<1x80x128xi32, #tpu.memory_space<hbm>> -> memref<80x128xi32, #tpu.memory_space<hbm>>
      %dma_start3A_75 = arith.constant 0 : i32
      %dma_start3A_76 = arith.constant 0 : i32
      %dma_start3A_77 = tpu.memref_slice %arg5[%arg1, %dma_start3A_75, %dma_start3A_76] : memref<32x80x128xi32, #tpu.memory_space<hbm>> -> memref<1x80x128xi32, #tpu.memory_space<hbm>>
      %dma_start3A_78 = tpu.memref_squeeze %dma_start3A_77 : memref<1x80x128xi32, #tpu.memory_space<hbm>> -> memref<80x128xi32, #tpu.memory_space<hbm>>
      tpu.enqueue_dma source(%dma_start3A_78 : memref<80x128xi32, #tpu.memory_space<hbm>>) target(%arg10 : memref<80x128xi32, #tpu.memory_space<vmem>>) target_semaphore(%run_scoped3A_70 : memref<!tpu.dma_semaphore, #tpu.memory_space<semaphore_mem>>)
      %dma_wait3A_79 = arith.constant 0 : i32
      %dma_wait3A_80 = arith.constant 0 : i32
      %dma_wait3A_81 = tpu.memref_slice %arg5[%arg1, %dma_wait3A_79, %dma_wait3A_80] : memref<32x80x128xi32, #tpu.memory_space<hbm>> -> memref<1x80x128xi32, #tpu.memory_space<hbm>>
      %dma_wait3A_82 = tpu.memref_squeeze %dma_wait3A_81 : memref<1x80x128xi32, #tpu.memory_space<hbm>> -> memref<80x128xi32, #tpu.memory_space<hbm>>
      %dma_wait3A_83 = arith.constant 0 : i32
      %dma_wait3A_84 = arith.constant 0 : i32
      %dma_wait3A_85 = tpu.memref_slice %arg5[%arg1, %dma_wait3A_83, %dma_wait3A_84] : memref<32x80x128xi32, #tpu.memory_space<hbm>> -> memref<1x80x128xi32, #tpu.memory_space<hbm>>
      %dma_wait3A_86 = tpu.memref_squeeze %dma_wait3A_85 : memref<1x80x128xi32, #tpu.memory_space<hbm>> -> memref<80x128xi32, #tpu.memory_space<hbm>>
      tpu.wait_dma2 semaphore(%run_scoped3A_70 : memref<!tpu.dma_semaphore, #tpu.memory_space<semaphore_mem>>) src(%dma_wait3A_86 : memref<80x128xi32, #tpu.memory_space<hbm>>) dst(%arg10 : memref<80x128xi32, #tpu.memory_space<vmem>>)
      tpu.yield
    }) : () -> ()
    %dma_start3A = arith.constant 0 : i32
    %dma_start3A_2 = arith.constant 0 : i32
    %dma_start3A_3 = tpu.memref_slice %arg9[%dma_start3A, %dma_start3A_2] : memref<80x128xi32, #tpu.memory_space<vmem>> -> memref<1x128xi32, #tpu.memory_space<vmem>>
    %dma_start3A_4 = tpu.memref_squeeze %dma_start3A_3 : memref<1x128xi32, #tpu.memory_space<vmem>> -> memref<128xi32, #tpu.memory_space<vmem>>
    %dma_start3A_5 = arith.constant 0 : i32
    %dma_start3A_6 = tpu.memref_slice %arg19[%dma_start3A_5] : memref<10240xf32, #tpu.memory_space<vmem_shared>> -> memref<10240xf32, #tpu.memory_space<vmem_shared>>
    tpu.enqueue_indirect_dma source(%dma_start3A_6 : memref<10240xf32, #tpu.memory_space<vmem_shared>>) target(%arg11 : memref<128xf32, #tpu.memory_space<vmem>>) offsets(%dma_start3A_4 : memref<128xi32, #tpu.memory_space<vmem>>) semaphore(%arg20 : memref<!tpu.dma_semaphore, #tpu.memory_space<semaphore_mem>>)
    %scan3A = arith.constant 0 : i32
    %scan3A_7 = arith.constant 39 : i32
    %scan3A_8 = arith.addi %scan3A, %scan3A_7 : i32
    %scan3A_9 = arith.constant 1 : i32
    scf.for %scan3A_70 = %scan3A to %scan3A_8 step %scan3A_9  : i32 {
      %mul3A_71 = arith.constant 2 : i32
      %mul3A_72 = arith.muli %scan3A_70, %mul3A_71 : i32
      %add3A_73 = arith.constant 0 : i32
      %add3A_74 = arith.addi %add3A_73, %mul3A_72 : i32
      %add3A_75 = arith.constant 1 : i32
      %add3A_76 = arith.addi %add3A_74, %add3A_75 : i32
      %dma_start3A_77 = arith.constant 0 : i32
      %dma_start3A_78 = tpu.memref_slice %arg9[%add3A_76, %dma_start3A_77] : memref<80x128xi32, #tpu.memory_space<vmem>> -> memref<1x128xi32, #tpu.memory_space<vmem>>
      %dma_start3A_79 = tpu.memref_squeeze %dma_start3A_78 : memref<1x128xi32, #tpu.memory_space<vmem>> -> memref<128xi32, #tpu.memory_space<vmem>>
      %dma_start3A_80 = arith.constant 0 : i32
      %dma_start3A_81 = tpu.memref_slice %arg19[%dma_start3A_80] : memref<10240xf32, #tpu.memory_space<vmem_shared>> -> memref<10240xf32, #tpu.memory_space<vmem_shared>>
      tpu.enqueue_indirect_dma source(%dma_start3A_81 : memref<10240xf32, #tpu.memory_space<vmem_shared>>) target(%arg12 : memref<128xf32, #tpu.memory_space<vmem>>) offsets(%dma_start3A_79 : memref<128xi32, #tpu.memory_space<vmem>>) semaphore(%arg21 : memref<!tpu.dma_semaphore, #tpu.memory_space<semaphore_mem>>)
      %dma_wait3A_82 = arith.constant 0 : i32
      %dma_wait3A_83 = arith.constant 0 : i32
      %dma_wait3A_84 = tpu.memref_slice %arg9[%dma_wait3A_82, %dma_wait3A_83] : memref<80x128xi32, #tpu.memory_space<vmem>> -> memref<1x128xi32, #tpu.memory_space<vmem>>
      %dma_wait3A_85 = tpu.memref_squeeze %dma_wait3A_84 : memref<1x128xi32, #tpu.memory_space<vmem>> -> memref<128xi32, #tpu.memory_space<vmem>>
      %dma_wait3A_86 = arith.constant 0 : i32
      %dma_wait3A_87 = tpu.memref_slice %arg19[%dma_wait3A_86] : memref<10240xf32, #tpu.memory_space<vmem_shared>> -> memref<10240xf32, #tpu.memory_space<vmem_shared>>
      tpu.wait_indirect_dma semaphore(%arg20 : memref<!tpu.dma_semaphore, #tpu.memory_space<semaphore_mem>>) src(%dma_wait3A_87 : memref<10240xf32, #tpu.memory_space<vmem_shared>>) dst(%arg11 : memref<128xf32, #tpu.memory_space<vmem>>)
      "tpu.region"() ({
        %run_scoped3A_103 = tpu.sem_alloc : memref<!tpu.dma_semaphore, #tpu.memory_space<semaphore_mem>>
        %dma_start3A_104 = arith.constant 0 : i32
        %dma_start3A_105 = tpu.memref_slice %arg10[%add3A_74, %dma_start3A_104] : memref<80x128xi32, #tpu.memory_space<vmem>> -> memref<1x128xi32, #tpu.memory_space<vmem>>
        %dma_start3A_106 = tpu.memref_squeeze %dma_start3A_105 : memref<1x128xi32, #tpu.memory_space<vmem>> -> memref<128xi32, #tpu.memory_space<vmem>>
        %dma_start3A_107 = arith.constant 0 : i32
        %dma_start3A_108 = tpu.memref_slice %arg18[%dma_start3A_107] : memref<10240xf32, #tpu.memory_space<vmem_shared>> -> memref<10240xf32, #tpu.memory_space<vmem_shared>>
        tpu.enqueue_indirect_dma source(%arg11 : memref<128xf32, #tpu.memory_space<vmem>>) target(%dma_start3A_108 : memref<10240xf32, #tpu.memory_space<vmem_shared>>) offsets(%dma_start3A_106 : memref<128xi32, #tpu.memory_space<vmem>>) semaphore(%run_scoped3A_103 : memref<!tpu.dma_semaphore, #tpu.memory_space<semaphore_mem>>) {add = true}
        %dma_wait3A_109 = arith.constant 0 : i32
        %dma_wait3A_110 = tpu.memref_slice %arg10[%add3A_74, %dma_wait3A_109] : memref<80x128xi32, #tpu.memory_space<vmem>> -> memref<1x128xi32, #tpu.memory_space<vmem>>
        %dma_wait3A_111 = tpu.memref_squeeze %dma_wait3A_110 : memref<1x128xi32, #tpu.memory_space<vmem>> -> memref<128xi32, #tpu.memory_space<vmem>>
        %dma_wait3A_112 = arith.constant 0 : i32
        %dma_wait3A_113 = tpu.memref_slice %arg18[%dma_wait3A_112] : memref<10240xf32, #tpu.memory_space<vmem_shared>> -> memref<10240xf32, #tpu.memory_space<vmem_shared>>
        tpu.wait_indirect_dma semaphore(%run_scoped3A_103 : memref<!tpu.dma_semaphore, #tpu.memory_space<semaphore_mem>>) src(%arg11 : memref<128xf32, #tpu.memory_space<vmem>>) dst(%dma_wait3A_113 : memref<10240xf32, #tpu.memory_space<vmem_shared>>)
        tpu.yield
      }) : () -> ()
      %add3A_88 = arith.constant 2 : i32
      %add3A_89 = arith.addi %add3A_74, %add3A_88 : i32
      %dma_start3A_90 = arith.constant 0 : i32
      %dma_start3A_91 = tpu.memref_slice %arg9[%add3A_89, %dma_start3A_90] : memref<80x128xi32, #tpu.memory_space<vmem>> -> memref<1x128xi32, #tpu.memory_space<vmem>>
      %dma_start3A_92 = tpu.memref_squeeze %dma_start3A_91 : memref<1x128xi32, #tpu.memory_space<vmem>> -> memref<128xi32, #tpu.memory_space<vmem>>
      %dma_start3A_93 = arith.constant 0 : i32
      %dma_start3A_94 = tpu.memref_slice %arg19[%dma_start3A_93] : memref<10240xf32, #tpu.memory_space<vmem_shared>> -> memref<10240xf32, #tpu.memory_space<vmem_shared>>
      tpu.enqueue_indirect_dma source(%dma_start3A_94 : memref<10240xf32, #tpu.memory_space<vmem_shared>>) target(%arg11 : memref<128xf32, #tpu.memory_space<vmem>>) offsets(%dma_start3A_92 : memref<128xi32, #tpu.memory_space<vmem>>) semaphore(%arg20 : memref<!tpu.dma_semaphore, #tpu.memory_space<semaphore_mem>>)
      %dma_wait3A_95 = arith.constant 0 : i32
      %dma_wait3A_96 = arith.constant 0 : i32
      %dma_wait3A_97 = tpu.memref_slice %arg9[%dma_wait3A_95, %dma_wait3A_96] : memref<80x128xi32, #tpu.memory_space<vmem>> -> memref<1x128xi32, #tpu.memory_space<vmem>>
      %dma_wait3A_98 = tpu.memref_squeeze %dma_wait3A_97 : memref<1x128xi32, #tpu.memory_space<vmem>> -> memref<128xi32, #tpu.memory_space<vmem>>
      %dma_wait3A_99 = arith.constant 0 : i32
      %dma_wait3A_100 = tpu.memref_slice %arg19[%dma_wait3A_99] : memref<10240xf32, #tpu.memory_space<vmem_shared>> -> memref<10240xf32, #tpu.memory_space<vmem_shared>>
      tpu.wait_indirect_dma semaphore(%arg21 : memref<!tpu.dma_semaphore, #tpu.memory_space<semaphore_mem>>) src(%dma_wait3A_100 : memref<10240xf32, #tpu.memory_space<vmem_shared>>) dst(%arg12 : memref<128xf32, #tpu.memory_space<vmem>>)
      %add3A_101 = arith.constant 1 : i32
      %add3A_102 = arith.addi %add3A_74, %add3A_101 : i32
      "tpu.region"() ({
        %run_scoped3A_103 = tpu.sem_alloc : memref<!tpu.dma_semaphore, #tpu.memory_space<semaphore_mem>>
        %dma_start3A_104 = arith.constant 0 : i32
        %dma_start3A_105 = tpu.memref_slice %arg10[%add3A_102, %dma_start3A_104] : memref<80x128xi32, #tpu.memory_space<vmem>> -> memref<1x128xi32, #tpu.memory_space<vmem>>
        %dma_start3A_106 = tpu.memref_squeeze %dma_start3A_105 : memref<1x128xi32, #tpu.memory_space<vmem>> -> memref<128xi32, #tpu.memory_space<vmem>>
        %dma_start3A_107 = arith.constant 0 : i32
        %dma_start3A_108 = tpu.memref_slice %arg18[%dma_start3A_107] : memref<10240xf32, #tpu.memory_space<vmem_shared>> -> memref<10240xf32, #tpu.memory_space<vmem_shared>>
        tpu.enqueue_indirect_dma source(%arg12 : memref<128xf32, #tpu.memory_space<vmem>>) target(%dma_start3A_108 : memref<10240xf32, #tpu.memory_space<vmem_shared>>) offsets(%dma_start3A_106 : memref<128xi32, #tpu.memory_space<vmem>>) semaphore(%run_scoped3A_103 : memref<!tpu.dma_semaphore, #tpu.memory_space<semaphore_mem>>) {add = true}
        %dma_wait3A_109 = arith.constant 0 : i32
        %dma_wait3A_110 = tpu.memref_slice %arg10[%add3A_102, %dma_wait3A_109] : memref<80x128xi32, #tpu.memory_space<vmem>> -> memref<1x128xi32, #tpu.memory_space<vmem>>
        %dma_wait3A_111 = tpu.memref_squeeze %dma_wait3A_110 : memref<1x128xi32, #tpu.memory_space<vmem>> -> memref<128xi32, #tpu.memory_space<vmem>>
        %dma_wait3A_112 = arith.constant 0 : i32
        %dma_wait3A_113 = tpu.memref_slice %arg18[%dma_wait3A_112] : memref<10240xf32, #tpu.memory_space<vmem_shared>> -> memref<10240xf32, #tpu.memory_space<vmem_shared>>
        tpu.wait_indirect_dma semaphore(%run_scoped3A_103 : memref<!tpu.dma_semaphore, #tpu.memory_space<semaphore_mem>>) src(%arg12 : memref<128xf32, #tpu.memory_space<vmem>>) dst(%dma_wait3A_113 : memref<10240xf32, #tpu.memory_space<vmem_shared>>)
        tpu.yield
      }) : () -> ()
    }
    %scan3A_10 = arith.constant 39 : i32
    %dma_start3A_11 = arith.constant 79 : i32
    %dma_start3A_12 = arith.constant 0 : i32
    %dma_start3A_13 = tpu.memref_slice %arg9[%dma_start3A_11, %dma_start3A_12] : memref<80x128xi32, #tpu.memory_space<vmem>> -> memref<1x128xi32, #tpu.memory_space<vmem>>
    %dma_start3A_14 = tpu.memref_squeeze %dma_start3A_13 : memref<1x128xi32, #tpu.memory_space<vmem>> -> memref<128xi32, #tpu.memory_space<vmem>>
    %dma_start3A_15 = arith.constant 0 : i32
    %dma_start3A_16 = tpu.memref_slice %arg19[%dma_start3A_15] : memref<10240xf32, #tpu.memory_space<vmem_shared>> -> memref<10240xf32, #tpu.memory_space<vmem_shared>>
    tpu.enqueue_indirect_dma source(%dma_start3A_16 : memref<10240xf32, #tpu.memory_space<vmem_shared>>) target(%arg12 : memref<128xf32, #tpu.memory_space<vmem>>) offsets(%dma_start3A_14 : memref<128xi32, #tpu.memory_space<vmem>>) semaphore(%arg21 : memref<!tpu.dma_semaphore, #tpu.memory_space<semaphore_mem>>)
    %dma_wait3A = arith.constant 0 : i32
    %dma_wait3A_17 = arith.constant 0 : i32
    %dma_wait3A_18 = tpu.memref_slice %arg9[%dma_wait3A, %dma_wait3A_17] : memref<80x128xi32, #tpu.memory_space<vmem>> -> memref<1x128xi32, #tpu.memory_space<vmem>>
    %dma_wait3A_19 = tpu.memref_squeeze %dma_wait3A_18 : memref<1x128xi32, #tpu.memory_space<vmem>> -> memref<128xi32, #tpu.memory_space<vmem>>
    %dma_wait3A_20 = arith.constant 0 : i32
    %dma_wait3A_21 = tpu.memref_slice %arg19[%dma_wait3A_20] : memref<10240xf32, #tpu.memory_space<vmem_shared>> -> memref<10240xf32, #tpu.memory_space<vmem_shared>>
    tpu.wait_indirect_dma semaphore(%arg20 : memref<!tpu.dma_semaphore, #tpu.memory_space<semaphore_mem>>) src(%dma_wait3A_21 : memref<10240xf32, #tpu.memory_space<vmem_shared>>) dst(%arg11 : memref<128xf32, #tpu.memory_space<vmem>>)
    %run_scoped3A = arith.constant 78 : i32
    "tpu.region"() ({
      %run_scoped3A_70 = tpu.sem_alloc : memref<!tpu.dma_semaphore, #tpu.memory_space<semaphore_mem>>
      %dma_start3A_71 = arith.constant 0 : i32
      %dma_start3A_72 = tpu.memref_slice %arg10[%run_scoped3A, %dma_start3A_71] : memref<80x128xi32, #tpu.memory_space<vmem>> -> memref<1x128xi32, #tpu.memory_space<vmem>>
      %dma_start3A_73 = tpu.memref_squeeze %dma_start3A_72 : memref<1x128xi32, #tpu.memory_space<vmem>> -> memref<128xi32, #tpu.memory_space<vmem>>
      %dma_start3A_74 = arith.constant 0 : i32
      %dma_start3A_75 = tpu.memref_slice %arg18[%dma_start3A_74] : memref<10240xf32, #tpu.memory_space<vmem_shared>> -> memref<10240xf32, #tpu.memory_space<vmem_shared>>
      tpu.enqueue_indirect_dma source(%arg11 : memref<128xf32, #tpu.memory_space<vmem>>) target(%dma_start3A_75 : memref<10240xf32, #tpu.memory_space<vmem_shared>>) offsets(%dma_start3A_73 : memref<128xi32, #tpu.memory_space<vmem>>) semaphore(%run_scoped3A_70 : memref<!tpu.dma_semaphore, #tpu.memory_space<semaphore_mem>>) {add = true}
      %dma_wait3A_76 = arith.constant 0 : i32
      %dma_wait3A_77 = tpu.memref_slice %arg10[%run_scoped3A, %dma_wait3A_76] : memref<80x128xi32, #tpu.memory_space<vmem>> -> memref<1x128xi32, #tpu.memory_space<vmem>>
      %dma_wait3A_78 = tpu.memref_squeeze %dma_wait3A_77 : memref<1x128xi32, #tpu.memory_space<vmem>> -> memref<128xi32, #tpu.memory_space<vmem>>
      %dma_wait3A_79 = arith.constant 0 : i32
      %dma_wait3A_80 = tpu.memref_slice %arg18[%dma_wait3A_79] : memref<10240xf32, #tpu.memory_space<vmem_shared>> -> memref<10240xf32, #tpu.memory_space<vmem_shared>>
      tpu.wait_indirect_dma semaphore(%run_scoped3A_70 : memref<!tpu.dma_semaphore, #tpu.memory_space<semaphore_mem>>) src(%arg11 : memref<128xf32, #tpu.memory_space<vmem>>) dst(%dma_wait3A_80 : memref<10240xf32, #tpu.memory_space<vmem_shared>>)
      tpu.yield
    }) : () -> ()
    %dma_wait3A_22 = arith.constant 0 : i32
    %dma_wait3A_23 = arith.constant 0 : i32
    %dma_wait3A_24 = tpu.memref_slice %arg9[%dma_wait3A_22, %dma_wait3A_23] : memref<80x128xi32, #tpu.memory_space<vmem>> -> memref<1x128xi32, #tpu.memory_space<vmem>>
    %dma_wait3A_25 = tpu.memref_squeeze %dma_wait3A_24 : memref<1x128xi32, #tpu.memory_space<vmem>> -> memref<128xi32, #tpu.memory_space<vmem>>
    %dma_wait3A_26 = arith.constant 0 : i32
    %dma_wait3A_27 = tpu.memref_slice %arg19[%dma_wait3A_26] : memref<10240xf32, #tpu.memory_space<vmem_shared>> -> memref<10240xf32, #tpu.memory_space<vmem_shared>>
    tpu.wait_indirect_dma semaphore(%arg21 : memref<!tpu.dma_semaphore, #tpu.memory_space<semaphore_mem>>) src(%dma_wait3A_27 : memref<10240xf32, #tpu.memory_space<vmem_shared>>) dst(%arg12 : memref<128xf32, #tpu.memory_space<vmem>>)
    %run_scoped3A_28 = arith.constant 79 : i32
    "tpu.region"() ({
      %run_scoped3A_70 = tpu.sem_alloc : memref<!tpu.dma_semaphore, #tpu.memory_space<semaphore_mem>>
      %dma_start3A_71 = arith.constant 0 : i32
      %dma_start3A_72 = tpu.memref_slice %arg10[%run_scoped3A_28, %dma_start3A_71] : memref<80x128xi32, #tpu.memory_space<vmem>> -> memref<1x128xi32, #tpu.memory_space<vmem>>
      %dma_start3A_73 = tpu.memref_squeeze %dma_start3A_72 : memref<1x128xi32, #tpu.memory_space<vmem>> -> memref<128xi32, #tpu.memory_space<vmem>>
      %dma_start3A_74 = arith.constant 0 : i32
      %dma_start3A_75 = tpu.memref_slice %arg18[%dma_start3A_74] : memref<10240xf32, #tpu.memory_space<vmem_shared>> -> memref<10240xf32, #tpu.memory_space<vmem_shared>>
      tpu.enqueue_indirect_dma source(%arg12 : memref<128xf32, #tpu.memory_space<vmem>>) target(%dma_start3A_75 : memref<10240xf32, #tpu.memory_space<vmem_shared>>) offsets(%dma_start3A_73 : memref<128xi32, #tpu.memory_space<vmem>>) semaphore(%run_scoped3A_70 : memref<!tpu.dma_semaphore, #tpu.memory_space<semaphore_mem>>) {add = true}
      %dma_wait3A_76 = arith.constant 0 : i32
      %dma_wait3A_77 = tpu.memref_slice %arg10[%run_scoped3A_28, %dma_wait3A_76] : memref<80x128xi32, #tpu.memory_space<vmem>> -> memref<1x128xi32, #tpu.memory_space<vmem>>
      %dma_wait3A_78 = tpu.memref_squeeze %dma_wait3A_77 : memref<1x128xi32, #tpu.memory_space<vmem>> -> memref<128xi32, #tpu.memory_space<vmem>>
      %dma_wait3A_79 = arith.constant 0 : i32
      %dma_wait3A_80 = tpu.memref_slice %arg18[%dma_wait3A_79] : memref<10240xf32, #tpu.memory_space<vmem_shared>> -> memref<10240xf32, #tpu.memory_space<vmem_shared>>
      tpu.wait_indirect_dma semaphore(%run_scoped3A_70 : memref<!tpu.dma_semaphore, #tpu.memory_space<semaphore_mem>>) src(%arg12 : memref<128xf32, #tpu.memory_space<vmem>>) dst(%dma_wait3A_80 : memref<10240xf32, #tpu.memory_space<vmem_shared>>)
      tpu.yield
    }) : () -> ()
    "tpu.region"() ({
      %run_scoped3A_70 = tpu.sem_alloc : memref<!tpu.dma_semaphore, #tpu.memory_space<semaphore_mem>>
      %dma_start3A_71 = arith.constant 0 : i32
      %dma_start3A_72 = arith.constant 0 : i32
      %dma_start3A_73 = tpu.memref_slice %arg4[%add3A_1, %dma_start3A_71, %dma_start3A_72] : memref<32x80x128xi32, #tpu.memory_space<hbm>> -> memref<1x80x128xi32, #tpu.memory_space<hbm>>
      %dma_start3A_74 = tpu.memref_squeeze %dma_start3A_73 : memref<1x80x128xi32, #tpu.memory_space<hbm>> -> memref<80x128xi32, #tpu.memory_space<hbm>>
      %dma_start3A_75 = arith.constant 0 : i32
      %dma_start3A_76 = arith.constant 0 : i32
      %dma_start3A_77 = tpu.memref_slice %arg4[%add3A_1, %dma_start3A_75, %dma_start3A_76] : memref<32x80x128xi32, #tpu.memory_space<hbm>> -> memref<1x80x128xi32, #tpu.memory_space<hbm>>
      %dma_start3A_78 = tpu.memref_squeeze %dma_start3A_77 : memref<1x80x128xi32, #tpu.memory_space<hbm>> -> memref<80x128xi32, #tpu.memory_space<hbm>>
      tpu.enqueue_dma source(%dma_start3A_78 : memref<80x128xi32, #tpu.memory_space<hbm>>) target(%arg9 : memref<80x128xi32, #tpu.memory_space<vmem>>) target_semaphore(%run_scoped3A_70 : memref<!tpu.dma_semaphore, #tpu.memory_space<semaphore_mem>>)
      %dma_wait3A_79 = arith.constant 0 : i32
      %dma_wait3A_80 = arith.constant 0 : i32
      %dma_wait3A_81 = tpu.memref_slice %arg4[%add3A_1, %dma_wait3A_79, %dma_wait3A_80] : memref<32x80x128xi32, #tpu.memory_space<hbm>> -> memref<1x80x128xi32, #tpu.memory_space<hbm>>
      %dma_wait3A_82 = tpu.memref_squeeze %dma_wait3A_81 : memref<1x80x128xi32, #tpu.memory_space<hbm>> -> memref<80x128xi32, #tpu.memory_space<hbm>>
      %dma_wait3A_83 = arith.constant 0 : i32
      %dma_wait3A_84 = arith.constant 0 : i32
      %dma_wait3A_85 = tpu.memref_slice %arg4[%add3A_1, %dma_wait3A_83, %dma_wait3A_84] : memref<32x80x128xi32, #tpu.memory_space<hbm>> -> memref<1x80x128xi32, #tpu.memory_space<hbm>>
      %dma_wait3A_86 = tpu.memref_squeeze %dma_wait3A_85 : memref<1x80x128xi32, #tpu.memory_space<hbm>> -> memref<80x128xi32, #tpu.memory_space<hbm>>
      tpu.wait_dma2 semaphore(%run_scoped3A_70 : memref<!tpu.dma_semaphore, #tpu.memory_space<semaphore_mem>>) src(%dma_wait3A_86 : memref<80x128xi32, #tpu.memory_space<hbm>>) dst(%arg9 : memref<80x128xi32, #tpu.memory_space<vmem>>)
      tpu.yield
    }) : () -> ()
    "tpu.region"() ({
      %run_scoped3A_70 = tpu.sem_alloc : memref<!tpu.dma_semaphore, #tpu.memory_space<semaphore_mem>>
      %dma_start3A_71 = arith.constant 0 : i32
      %dma_start3A_72 = arith.constant 0 : i32
      %dma_start3A_73 = tpu.memref_slice %arg5[%add3A_1, %dma_start3A_71, %dma_start3A_72] : memref<32x80x128xi32, #tpu.memory_space<hbm>> -> memref<1x80x128xi32, #tpu.memory_space<hbm>>
      %dma_start3A_74 = tpu.memref_squeeze %dma_start3A_73 : memref<1x80x128xi32, #tpu.memory_space<hbm>> -> memref<80x128xi32, #tpu.memory_space<hbm>>
      %dma_start3A_75 = arith.constant 0 : i32
      %dma_start3A_76 = arith.constant 0 : i32
      %dma_start3A_77 = tpu.memref_slice %arg5[%add3A_1, %dma_start3A_75, %dma_start3A_76] : memref<32x80x128xi32, #tpu.memory_space<hbm>> -> memref<1x80x128xi32, #tpu.memory_space<hbm>>
      %dma_start3A_78 = tpu.memref_squeeze %dma_start3A_77 : memref<1x80x128xi32, #tpu.memory_space<hbm>> -> memref<80x128xi32, #tpu.memory_space<hbm>>
      tpu.enqueue_dma source(%dma_start3A_78 : memref<80x128xi32, #tpu.memory_space<hbm>>) target(%arg10 : memref<80x128xi32, #tpu.memory_space<vmem>>) target_semaphore(%run_scoped3A_70 : memref<!tpu.dma_semaphore, #tpu.memory_space<semaphore_mem>>)
      %dma_wait3A_79 = arith.constant 0 : i32
      %dma_wait3A_80 = arith.constant 0 : i32
      %dma_wait3A_81 = tpu.memref_slice %arg5[%add3A_1, %dma_wait3A_79, %dma_wait3A_80] : memref<32x80x128xi32, #tpu.memory_space<hbm>> -> memref<1x80x128xi32, #tpu.memory_space<hbm>>
      %dma_wait3A_82 = tpu.memref_squeeze %dma_wait3A_81 : memref<1x80x128xi32, #tpu.memory_space<hbm>> -> memref<80x128xi32, #tpu.memory_space<hbm>>
      %dma_wait3A_83 = arith.constant 0 : i32
      %dma_wait3A_84 = arith.constant 0 : i32
      %dma_wait3A_85 = tpu.memref_slice %arg5[%add3A_1, %dma_wait3A_83, %dma_wait3A_84] : memref<32x80x128xi32, #tpu.memory_space<hbm>> -> memref<1x80x128xi32, #tpu.memory_space<hbm>>
      %dma_wait3A_86 = tpu.memref_squeeze %dma_wait3A_85 : memref<1x80x128xi32, #tpu.memory_space<hbm>> -> memref<80x128xi32, #tpu.memory_space<hbm>>
      tpu.wait_dma2 semaphore(%run_scoped3A_70 : memref<!tpu.dma_semaphore, #tpu.memory_space<semaphore_mem>>) src(%dma_wait3A_86 : memref<80x128xi32, #tpu.memory_space<hbm>>) dst(%arg10 : memref<80x128xi32, #tpu.memory_space<vmem>>)
      tpu.yield
    }) : () -> ()
    %dma_start3A_29 = arith.constant 0 : i32
    %dma_start3A_30 = arith.constant 0 : i32
    %dma_start3A_31 = tpu.memref_slice %arg9[%dma_start3A_29, %dma_start3A_30] : memref<80x128xi32, #tpu.memory_space<vmem>> -> memref<1x128xi32, #tpu.memory_space<vmem>>
    %dma_start3A_32 = tpu.memref_squeeze %dma_start3A_31 : memref<1x128xi32, #tpu.memory_space<vmem>> -> memref<128xi32, #tpu.memory_space<vmem>>
    %dma_start3A_33 = arith.constant 0 : i32
    %dma_start3A_34 = tpu.memref_slice %arg19[%dma_start3A_33] : memref<10240xf32, #tpu.memory_space<vmem_shared>> -> memref<10240xf32, #tpu.memory_space<vmem_shared>>
    tpu.enqueue_indirect_dma source(%dma_start3A_34 : memref<10240xf32, #tpu.memory_space<vmem_shared>>) target(%arg11 : memref<128xf32, #tpu.memory_space<vmem>>) offsets(%dma_start3A_32 : memref<128xi32, #tpu.memory_space<vmem>>) semaphore(%arg20 : memref<!tpu.dma_semaphore, #tpu.memory_space<semaphore_mem>>)
    %scan3A_35 = arith.constant 0 : i32
    %scan3A_36 = arith.constant 39 : i32
    %scan3A_37 = arith.addi %scan3A_35, %scan3A_36 : i32
    %scan3A_38 = arith.constant 1 : i32
    scf.for %scan3A_70 = %scan3A_35 to %scan3A_37 step %scan3A_38  : i32 {
      %mul3A_71 = arith.constant 2 : i32
      %mul3A_72 = arith.muli %scan3A_70, %mul3A_71 : i32
      %add3A_73 = arith.constant 0 : i32
      %add3A_74 = arith.addi %add3A_73, %mul3A_72 : i32
      %add3A_75 = arith.constant 1 : i32
      %add3A_76 = arith.addi %add3A_74, %add3A_75 : i32
      %dma_start3A_77 = arith.constant 0 : i32
      %dma_start3A_78 = tpu.memref_slice %arg9[%add3A_76, %dma_start3A_77] : memref<80x128xi32, #tpu.memory_space<vmem>> -> memref<1x128xi32, #tpu.memory_space<vmem>>
      %dma_start3A_79 = tpu.memref_squeeze %dma_start3A_78 : memref<1x128xi32, #tpu.memory_space<vmem>> -> memref<128xi32, #tpu.memory_space<vmem>>
      %dma_start3A_80 = arith.constant 0 : i32
      %dma_start3A_81 = tpu.memref_slice %arg19[%dma_start3A_80] : memref<10240xf32, #tpu.memory_space<vmem_shared>> -> memref<10240xf32, #tpu.memory_space<vmem_shared>>
      tpu.enqueue_indirect_dma source(%dma_start3A_81 : memref<10240xf32, #tpu.memory_space<vmem_shared>>) target(%arg12 : memref<128xf32, #tpu.memory_space<vmem>>) offsets(%dma_start3A_79 : memref<128xi32, #tpu.memory_space<vmem>>) semaphore(%arg21 : memref<!tpu.dma_semaphore, #tpu.memory_space<semaphore_mem>>)
      %dma_wait3A_82 = arith.constant 0 : i32
      %dma_wait3A_83 = arith.constant 0 : i32
      %dma_wait3A_84 = tpu.memref_slice %arg9[%dma_wait3A_82, %dma_wait3A_83] : memref<80x128xi32, #tpu.memory_space<vmem>> -> memref<1x128xi32, #tpu.memory_space<vmem>>
      %dma_wait3A_85 = tpu.memref_squeeze %dma_wait3A_84 : memref<1x128xi32, #tpu.memory_space<vmem>> -> memref<128xi32, #tpu.memory_space<vmem>>
      %dma_wait3A_86 = arith.constant 0 : i32
      %dma_wait3A_87 = tpu.memref_slice %arg19[%dma_wait3A_86] : memref<10240xf32, #tpu.memory_space<vmem_shared>> -> memref<10240xf32, #tpu.memory_space<vmem_shared>>
      tpu.wait_indirect_dma semaphore(%arg20 : memref<!tpu.dma_semaphore, #tpu.memory_space<semaphore_mem>>) src(%dma_wait3A_87 : memref<10240xf32, #tpu.memory_space<vmem_shared>>) dst(%arg11 : memref<128xf32, #tpu.memory_space<vmem>>)
      "tpu.region"() ({
        %run_scoped3A_103 = tpu.sem_alloc : memref<!tpu.dma_semaphore, #tpu.memory_space<semaphore_mem>>
        %dma_start3A_104 = arith.constant 0 : i32
        %dma_start3A_105 = tpu.memref_slice %arg10[%add3A_74, %dma_start3A_104] : memref<80x128xi32, #tpu.memory_space<vmem>> -> memref<1x128xi32, #tpu.memory_space<vmem>>
        %dma_start3A_106 = tpu.memref_squeeze %dma_start3A_105 : memref<1x128xi32, #tpu.memory_space<vmem>> -> memref<128xi32, #tpu.memory_space<vmem>>
        %dma_start3A_107 = arith.constant 0 : i32
        %dma_start3A_108 = tpu.memref_slice %arg18[%dma_start3A_107] : memref<10240xf32, #tpu.memory_space<vmem_shared>> -> memref<10240xf32, #tpu.memory_space<vmem_shared>>
        tpu.enqueue_indirect_dma source(%arg11 : memref<128xf32, #tpu.memory_space<vmem>>) target(%dma_start3A_108 : memref<10240xf32, #tpu.memory_space<vmem_shared>>) offsets(%dma_start3A_106 : memref<128xi32, #tpu.memory_space<vmem>>) semaphore(%run_scoped3A_103 : memref<!tpu.dma_semaphore, #tpu.memory_space<semaphore_mem>>) {add = true}
        %dma_wait3A_109 = arith.constant 0 : i32
        %dma_wait3A_110 = tpu.memref_slice %arg10[%add3A_74, %dma_wait3A_109] : memref<80x128xi32, #tpu.memory_space<vmem>> -> memref<1x128xi32, #tpu.memory_space<vmem>>
        %dma_wait3A_111 = tpu.memref_squeeze %dma_wait3A_110 : memref<1x128xi32, #tpu.memory_space<vmem>> -> memref<128xi32, #tpu.memory_space<vmem>>
        %dma_wait3A_112 = arith.constant 0 : i32
        %dma_wait3A_113 = tpu.memref_slice %arg18[%dma_wait3A_112] : memref<10240xf32, #tpu.memory_space<vmem_shared>> -> memref<10240xf32, #tpu.memory_space<vmem_shared>>
        tpu.wait_indirect_dma semaphore(%run_scoped3A_103 : memref<!tpu.dma_semaphore, #tpu.memory_space<semaphore_mem>>) src(%arg11 : memref<128xf32, #tpu.memory_space<vmem>>) dst(%dma_wait3A_113 : memref<10240xf32, #tpu.memory_space<vmem_shared>>)
        tpu.yield
      }) : () -> ()
      %add3A_88 = arith.constant 2 : i32
      %add3A_89 = arith.addi %add3A_74, %add3A_88 : i32
      %dma_start3A_90 = arith.constant 0 : i32
      %dma_start3A_91 = tpu.memref_slice %arg9[%add3A_89, %dma_start3A_90] : memref<80x128xi32, #tpu.memory_space<vmem>> -> memref<1x128xi32, #tpu.memory_space<vmem>>
      %dma_start3A_92 = tpu.memref_squeeze %dma_start3A_91 : memref<1x128xi32, #tpu.memory_space<vmem>> -> memref<128xi32, #tpu.memory_space<vmem>>
      %dma_start3A_93 = arith.constant 0 : i32
      %dma_start3A_94 = tpu.memref_slice %arg19[%dma_start3A_93] : memref<10240xf32, #tpu.memory_space<vmem_shared>> -> memref<10240xf32, #tpu.memory_space<vmem_shared>>
      tpu.enqueue_indirect_dma source(%dma_start3A_94 : memref<10240xf32, #tpu.memory_space<vmem_shared>>) target(%arg11 : memref<128xf32, #tpu.memory_space<vmem>>) offsets(%dma_start3A_92 : memref<128xi32, #tpu.memory_space<vmem>>) semaphore(%arg20 : memref<!tpu.dma_semaphore, #tpu.memory_space<semaphore_mem>>)
      %dma_wait3A_95 = arith.constant 0 : i32
      %dma_wait3A_96 = arith.constant 0 : i32
      %dma_wait3A_97 = tpu.memref_slice %arg9[%dma_wait3A_95, %dma_wait3A_96] : memref<80x128xi32, #tpu.memory_space<vmem>> -> memref<1x128xi32, #tpu.memory_space<vmem>>
      %dma_wait3A_98 = tpu.memref_squeeze %dma_wait3A_97 : memref<1x128xi32, #tpu.memory_space<vmem>> -> memref<128xi32, #tpu.memory_space<vmem>>
      %dma_wait3A_99 = arith.constant 0 : i32
      %dma_wait3A_100 = tpu.memref_slice %arg19[%dma_wait3A_99] : memref<10240xf32, #tpu.memory_space<vmem_shared>> -> memref<10240xf32, #tpu.memory_space<vmem_shared>>
      tpu.wait_indirect_dma semaphore(%arg21 : memref<!tpu.dma_semaphore, #tpu.memory_space<semaphore_mem>>) src(%dma_wait3A_100 : memref<10240xf32, #tpu.memory_space<vmem_shared>>) dst(%arg12 : memref<128xf32, #tpu.memory_space<vmem>>)
      %add3A_101 = arith.constant 1 : i32
      %add3A_102 = arith.addi %add3A_74, %add3A_101 : i32
      "tpu.region"() ({
        %run_scoped3A_103 = tpu.sem_alloc : memref<!tpu.dma_semaphore, #tpu.memory_space<semaphore_mem>>
        %dma_start3A_104 = arith.constant 0 : i32
        %dma_start3A_105 = tpu.memref_slice %arg10[%add3A_102, %dma_start3A_104] : memref<80x128xi32, #tpu.memory_space<vmem>> -> memref<1x128xi32, #tpu.memory_space<vmem>>
        %dma_start3A_106 = tpu.memref_squeeze %dma_start3A_105 : memref<1x128xi32, #tpu.memory_space<vmem>> -> memref<128xi32, #tpu.memory_space<vmem>>
        %dma_start3A_107 = arith.constant 0 : i32
        %dma_start3A_108 = tpu.memref_slice %arg18[%dma_start3A_107] : memref<10240xf32, #tpu.memory_space<vmem_shared>> -> memref<10240xf32, #tpu.memory_space<vmem_shared>>
        tpu.enqueue_indirect_dma source(%arg12 : memref<128xf32, #tpu.memory_space<vmem>>) target(%dma_start3A_108 : memref<10240xf32, #tpu.memory_space<vmem_shared>>) offsets(%dma_start3A_106 : memref<128xi32, #tpu.memory_space<vmem>>) semaphore(%run_scoped3A_103 : memref<!tpu.dma_semaphore, #tpu.memory_space<semaphore_mem>>) {add = true}
        %dma_wait3A_109 = arith.constant 0 : i32
        %dma_wait3A_110 = tpu.memref_slice %arg10[%add3A_102, %dma_wait3A_109] : memref<80x128xi32, #tpu.memory_space<vmem>> -> memref<1x128xi32, #tpu.memory_space<vmem>>
        %dma_wait3A_111 = tpu.memref_squeeze %dma_wait3A_110 : memref<1x128xi32, #tpu.memory_space<vmem>> -> memref<128xi32, #tpu.memory_space<vmem>>
        %dma_wait3A_112 = arith.constant 0 : i32
        %dma_wait3A_113 = tpu.memref_slice %arg18[%dma_wait3A_112] : memref<10240xf32, #tpu.memory_space<vmem_shared>> -> memref<10240xf32, #tpu.memory_space<vmem_shared>>
        tpu.wait_indirect_dma semaphore(%run_scoped3A_103 : memref<!tpu.dma_semaphore, #tpu.memory_space<semaphore_mem>>) src(%arg12 : memref<128xf32, #tpu.memory_space<vmem>>) dst(%dma_wait3A_113 : memref<10240xf32, #tpu.memory_space<vmem_shared>>)
        tpu.yield
      }) : () -> ()
    }
    %scan3A_39 = arith.constant 39 : i32
    %dma_start3A_40 = arith.constant 79 : i32
    %dma_start3A_41 = arith.constant 0 : i32
    %dma_start3A_42 = tpu.memref_slice %arg9[%dma_start3A_40, %dma_start3A_41] : memref<80x128xi32, #tpu.memory_space<vmem>> -> memref<1x128xi32, #tpu.memory_space<vmem>>
    %dma_start3A_43 = tpu.memref_squeeze %dma_start3A_42 : memref<1x128xi32, #tpu.memory_space<vmem>> -> memref<128xi32, #tpu.memory_space<vmem>>
    %dma_start3A_44 = arith.constant 0 : i32
    %dma_start3A_45 = tpu.memref_slice %arg19[%dma_start3A_44] : memref<10240xf32, #tpu.memory_space<vmem_shared>> -> memref<10240xf32, #tpu.memory_space<vmem_shared>>
    tpu.enqueue_indirect_dma source(%dma_start3A_45 : memref<10240xf32, #tpu.memory_space<vmem_shared>>) target(%arg12 : memref<128xf32, #tpu.memory_space<vmem>>) offsets(%dma_start3A_43 : memref<128xi32, #tpu.memory_space<vmem>>) semaphore(%arg21 : memref<!tpu.dma_semaphore, #tpu.memory_space<semaphore_mem>>)
    %dma_wait3A_46 = arith.constant 0 : i32
    %dma_wait3A_47 = arith.constant 0 : i32
    %dma_wait3A_48 = tpu.memref_slice %arg9[%dma_wait3A_46, %dma_wait3A_47] : memref<80x128xi32, #tpu.memory_space<vmem>> -> memref<1x128xi32, #tpu.memory_space<vmem>>
    %dma_wait3A_49 = tpu.memref_squeeze %dma_wait3A_48 : memref<1x128xi32, #tpu.memory_space<vmem>> -> memref<128xi32, #tpu.memory_space<vmem>>
    %dma_wait3A_50 = arith.constant 0 : i32
    %dma_wait3A_51 = tpu.memref_slice %arg19[%dma_wait3A_50] : memref<10240xf32, #tpu.memory_space<vmem_shared>> -> memref<10240xf32, #tpu.memory_space<vmem_shared>>
    tpu.wait_indirect_dma semaphore(%arg20 : memref<!tpu.dma_semaphore, #tpu.memory_space<semaphore_mem>>) src(%dma_wait3A_51 : memref<10240xf32, #tpu.memory_space<vmem_shared>>) dst(%arg11 : memref<128xf32, #tpu.memory_space<vmem>>)
    %run_scoped3A_52 = arith.constant 78 : i32
    "tpu.region"() ({
      %run_scoped3A_70 = tpu.sem_alloc : memref<!tpu.dma_semaphore, #tpu.memory_space<semaphore_mem>>
      %dma_start3A_71 = arith.constant 0 : i32
      %dma_start3A_72 = tpu.memref_slice %arg10[%run_scoped3A_52, %dma_start3A_71] : memref<80x128xi32, #tpu.memory_space<vmem>> -> memref<1x128xi32, #tpu.memory_space<vmem>>
      %dma_start3A_73 = tpu.memref_squeeze %dma_start3A_72 : memref<1x128xi32, #tpu.memory_space<vmem>> -> memref<128xi32, #tpu.memory_space<vmem>>
      %dma_start3A_74 = arith.constant 0 : i32
      %dma_start3A_75 = tpu.memref_slice %arg18[%dma_start3A_74] : memref<10240xf32, #tpu.memory_space<vmem_shared>> -> memref<10240xf32, #tpu.memory_space<vmem_shared>>
      tpu.enqueue_indirect_dma source(%arg11 : memref<128xf32, #tpu.memory_space<vmem>>) target(%dma_start3A_75 : memref<10240xf32, #tpu.memory_space<vmem_shared>>) offsets(%dma_start3A_73 : memref<128xi32, #tpu.memory_space<vmem>>) semaphore(%run_scoped3A_70 : memref<!tpu.dma_semaphore, #tpu.memory_space<semaphore_mem>>) {add = true}
      %dma_wait3A_76 = arith.constant 0 : i32
      %dma_wait3A_77 = tpu.memref_slice %arg10[%run_scoped3A_52, %dma_wait3A_76] : memref<80x128xi32, #tpu.memory_space<vmem>> -> memref<1x128xi32, #tpu.memory_space<vmem>>
      %dma_wait3A_78 = tpu.memref_squeeze %dma_wait3A_77 : memref<1x128xi32, #tpu.memory_space<vmem>> -> memref<128xi32, #tpu.memory_space<vmem>>
      %dma_wait3A_79 = arith.constant 0 : i32
      %dma_wait3A_80 = tpu.memref_slice %arg18[%dma_wait3A_79] : memref<10240xf32, #tpu.memory_space<vmem_shared>> -> memref<10240xf32, #tpu.memory_space<vmem_shared>>
      tpu.wait_indirect_dma semaphore(%run_scoped3A_70 : memref<!tpu.dma_semaphore, #tpu.memory_space<semaphore_mem>>) src(%arg11 : memref<128xf32, #tpu.memory_space<vmem>>) dst(%dma_wait3A_80 : memref<10240xf32, #tpu.memory_space<vmem_shared>>)
      tpu.yield
    }) : () -> ()
    %dma_wait3A_53 = arith.constant 0 : i32
    %dma_wait3A_54 = arith.constant 0 : i32
    %dma_wait3A_55 = tpu.memref_slice %arg9[%dma_wait3A_53, %dma_wait3A_54] : memref<80x128xi32, #tpu.memory_space<vmem>> -> memref<1x128xi32, #tpu.memory_space<vmem>>
    %dma_wait3A_56 = tpu.memref_squeeze %dma_wait3A_55 : memref<1x128xi32, #tpu.memory_space<vmem>> -> memref<128xi32, #tpu.memory_space<vmem>>
    %dma_wait3A_57 = arith.constant 0 : i32
    %dma_wait3A_58 = tpu.memref_slice %arg19[%dma_wait3A_57] : memref<10240xf32, #tpu.memory_space<vmem_shared>> -> memref<10240xf32, #tpu.memory_space<vmem_shared>>
    tpu.wait_indirect_dma semaphore(%arg21 : memref<!tpu.dma_semaphore, #tpu.memory_space<semaphore_mem>>) src(%dma_wait3A_58 : memref<10240xf32, #tpu.memory_space<vmem_shared>>) dst(%arg12 : memref<128xf32, #tpu.memory_space<vmem>>)
    %run_scoped3A_59 = arith.constant 79 : i32
    "tpu.region"() ({
      %run_scoped3A_70 = tpu.sem_alloc : memref<!tpu.dma_semaphore, #tpu.memory_space<semaphore_mem>>
      %dma_start3A_71 = arith.constant 0 : i32
      %dma_start3A_72 = tpu.memref_slice %arg10[%run_scoped3A_59, %dma_start3A_71] : memref<80x128xi32, #tpu.memory_space<vmem>> -> memref<1x128xi32, #tpu.memory_space<vmem>>
      %dma_start3A_73 = tpu.memref_squeeze %dma_start3A_72 : memref<1x128xi32, #tpu.memory_space<vmem>> -> memref<128xi32, #tpu.memory_space<vmem>>
      %dma_start3A_74 = arith.constant 0 : i32
      %dma_start3A_75 = tpu.memref_slice %arg18[%dma_start3A_74] : memref<10240xf32, #tpu.memory_space<vmem_shared>> -> memref<10240xf32, #tpu.memory_space<vmem_shared>>
      tpu.enqueue_indirect_dma source(%arg12 : memref<128xf32, #tpu.memory_space<vmem>>) target(%dma_start3A_75 : memref<10240xf32, #tpu.memory_space<vmem_shared>>) offsets(%dma_start3A_73 : memref<128xi32, #tpu.memory_space<vmem>>) semaphore(%run_scoped3A_70 : memref<!tpu.dma_semaphore, #tpu.memory_space<semaphore_mem>>) {add = true}
      %dma_wait3A_76 = arith.constant 0 : i32
      %dma_wait3A_77 = tpu.memref_slice %arg10[%run_scoped3A_59, %dma_wait3A_76] : memref<80x128xi32, #tpu.memory_space<vmem>> -> memref<1x128xi32, #tpu.memory_space<vmem>>
      %dma_wait3A_78 = tpu.memref_squeeze %dma_wait3A_77 : memref<1x128xi32, #tpu.memory_space<vmem>> -> memref<128xi32, #tpu.memory_space<vmem>>
      %dma_wait3A_79 = arith.constant 0 : i32
      %dma_wait3A_80 = tpu.memref_slice %arg18[%dma_wait3A_79] : memref<10240xf32, #tpu.memory_space<vmem_shared>> -> memref<10240xf32, #tpu.memory_space<vmem_shared>>
      tpu.wait_indirect_dma semaphore(%run_scoped3A_70 : memref<!tpu.dma_semaphore, #tpu.memory_space<semaphore_mem>>) src(%arg12 : memref<128xf32, #tpu.memory_space<vmem>>) dst(%dma_wait3A_80 : memref<10240xf32, #tpu.memory_space<vmem_shared>>)
      tpu.yield
    }) : () -> ()
    %barrier3A_60 = arith.constant 0 : index
    tpu.barrier barrier_id(%barrier3A_60)
    "tpu.region"() ({
      %run_scoped3A_70 = tpu.sem_alloc : memref<!tpu.dma_semaphore, #tpu.memory_space<semaphore_mem>>
      %dma_start3A_71 = tpu.memref_slice %arg18[%mul3A_0] : memref<10240xf32, #tpu.memory_space<vmem_shared>> -> memref<640xf32, #tpu.memory_space<vmem_shared>>
      %dma_start3A_72 = tpu.memref_slice %arg18[%mul3A_0] : memref<10240xf32, #tpu.memory_space<vmem_shared>> -> memref<640xf32, #tpu.memory_space<vmem_shared>>
      tpu.enqueue_dma source(%dma_start3A_72 : memref<640xf32, #tpu.memory_space<vmem_shared>>) target(%arg13 : memref<640xf32, #tpu.memory_space<vmem>>) target_semaphore(%run_scoped3A_70 : memref<!tpu.dma_semaphore, #tpu.memory_space<semaphore_mem>>)
      %dma_wait3A_73 = tpu.memref_slice %arg18[%mul3A_0] : memref<10240xf32, #tpu.memory_space<vmem_shared>> -> memref<640xf32, #tpu.memory_space<vmem_shared>>
      %dma_wait3A_74 = tpu.memref_slice %arg18[%mul3A_0] : memref<10240xf32, #tpu.memory_space<vmem_shared>> -> memref<640xf32, #tpu.memory_space<vmem_shared>>
      tpu.wait_dma2 semaphore(%run_scoped3A_70 : memref<!tpu.dma_semaphore, #tpu.memory_space<semaphore_mem>>) src(%dma_wait3A_74 : memref<640xf32, #tpu.memory_space<vmem_shared>>) dst(%arg13 : memref<640xf32, #tpu.memory_space<vmem>>)
      tpu.yield
    }) : () -> ()
    "tpu.region"() ({
      %run_scoped3A_70 = tpu.sem_alloc : memref<!tpu.dma_semaphore, #tpu.memory_space<semaphore_mem>>
      %dma_start3A_71 = tpu.memref_slice %arg3[%mul3A_0] : memref<10240xf32, #tpu.memory_space<hbm>> -> memref<640xf32, #tpu.memory_space<hbm>>
      %dma_start3A_72 = tpu.memref_slice %arg3[%mul3A_0] : memref<10240xf32, #tpu.memory_space<hbm>> -> memref<640xf32, #tpu.memory_space<hbm>>
      tpu.enqueue_dma source(%dma_start3A_72 : memref<640xf32, #tpu.memory_space<hbm>>) target(%arg14 : memref<640xf32, #tpu.memory_space<vmem>>) target_semaphore(%run_scoped3A_70 : memref<!tpu.dma_semaphore, #tpu.memory_space<semaphore_mem>>)
      %dma_wait3A_73 = tpu.memref_slice %arg3[%mul3A_0] : memref<10240xf32, #tpu.memory_space<hbm>> -> memref<640xf32, #tpu.memory_space<hbm>>
      %dma_wait3A_74 = tpu.memref_slice %arg3[%mul3A_0] : memref<10240xf32, #tpu.memory_space<hbm>> -> memref<640xf32, #tpu.memory_space<hbm>>
      tpu.wait_dma2 semaphore(%run_scoped3A_70 : memref<!tpu.dma_semaphore, #tpu.memory_space<semaphore_mem>>) src(%dma_wait3A_74 : memref<640xf32, #tpu.memory_space<hbm>>) dst(%arg14 : memref<640xf32, #tpu.memory_space<vmem>>)
      tpu.yield
    }) : () -> ()
    %get3A = arith.constant 0 : index
    %get3A_61 = tpu.vector_load %arg17[%get3A] {strides = array<i32>} : memref<16xf32, #tpu.memory_space<vmem>>, vector<16xf32>,
    %get3A_62 = vector.shape_cast %get3A_61 : vector<16xf32> to vector<16xf32>
    %scan3A_63 = arith.constant 0 : i32
    %scan3A_64 = arith.constant 40 : i32
    %scan3A_65 = arith.addi %scan3A_63, %scan3A_64 : i32
    %scan3A_66 = arith.constant 1 : i32
    scf.for %scan3A_70 = %scan3A_63 to %scan3A_65 step %scan3A_66  : i32 {
      %mul3A_71 = arith.constant 1 : i32
      %mul3A_72 = arith.muli %scan3A_70, %mul3A_71 : i32
      %add3A_73 = arith.constant 0 : i32
      %add3A_74 = arith.addi %add3A_73, %mul3A_72 : i32
      %mul3A_75 = arith.constant 16 : i32
      %mul3A_76 = arith.muli %add3A_74, %mul3A_75 : i32
      %get3A_77 = arith.index_cast %mul3A_76 : i32 to index
      %get3A_78 = tpu.vector_load %arg13[%get3A_77] {strides = array<i32>} : memref<640xf32, #tpu.memory_space<vmem>>, vector<16xf32>,
      %get3A_79 = vector.shape_cast %get3A_78 : vector<16xf32> to vector<16xf32>
      %mul3A_80 = arith.constant 16 : i32
      %mul3A_81 = arith.muli %add3A_74, %mul3A_80 : i32
      %get3A_82 = arith.index_cast %mul3A_81 : i32 to index
      %get3A_83 = tpu.vector_load %arg15[%get3A_82] {strides = array<i32>} : memref<640xf32, #tpu.memory_space<vmem>>, vector<16xf32>,
      %get3A_84 = vector.shape_cast %get3A_83 : vector<16xf32> to vector<16xf32>
      %mul3A_85 = arith.constant 16 : i32
      %mul3A_86 = arith.muli %add3A_74, %mul3A_85 : i32
      %get3A_87 = arith.index_cast %mul3A_86 : i32 to index
      %get3A_88 = tpu.vector_load %arg14[%get3A_87] {strides = array<i32>} : memref<640xf32, #tpu.memory_space<vmem>>, vector<16xf32>,
      %get3A_89 = vector.shape_cast %get3A_88 : vector<16xf32> to vector<16xf32>
      %add3A_90 = arith.addf %get3A_79, %get3A_84 : vector<16xf32>
      %mul3A_91 = arith.mulf %get3A_89, %add3A_90 : vector<16xf32>
      %add3A_92 = arith.addf %mul3A_91, %get3A_62 : vector<16xf32>
      %mul3A_93 = arith.constant 16 : i32
      %mul3A_94 = arith.muli %add3A_74, %mul3A_93 : i32
      %swap3A = arith.index_cast %mul3A_94 : i32 to index
      %swap3A_95 = tpu.vector_load %arg16[%swap3A] {strides = array<i32>} : memref<640xf32, #tpu.memory_space<vmem>>, vector<16xf32>,
      %swap3A_96 = vector.shape_cast %swap3A_95 : vector<16xf32> to vector<16xf32>
      %swap3A_97 = vector.shape_cast %add3A_92 : vector<16xf32> to vector<16xf32>
      tpu.vector_store %arg16[%swap3A], %swap3A_97 {strides = array<i32>} : memref<640xf32, #tpu.memory_space<vmem>>, vector<16xf32>,
    }
    %scan3A_67 = arith.constant 40 : i32
    %eq3A = arith.constant 0 : i32
    %eq3A_68 = arith.cmpi eq, %arg0, %eq3A : i32
    %convert_element_type3A = arith.extui %eq3A_68 : i1 to i32
    %cond3A = arith.constant 0 : i32
    %cond3A_69 = arith.cmpi ne, %convert_element_type3A, %cond3A : i32
    scf.if %cond3A_69 {
      "tpu.region"() ({
        %run_scoped3A_70 = tpu.sem_alloc : memref<!tpu.dma_semaphore, #tpu.memory_space<semaphore_mem>>
        %dma_start3A_71 = tpu.memref_slice %arg8[%mul3A_0] : memref<10240xf32, #tpu.memory_space<hbm>> -> memref<640xf32, #tpu.memory_space<hbm>>
        %dma_start3A_72 = tpu.memref_slice %arg8[%mul3A_0] : memref<10240xf32, #tpu.memory_space<hbm>> -> memref<640xf32, #tpu.memory_space<hbm>>
        tpu.enqueue_dma source(%arg16 : memref<640xf32, #tpu.memory_space<vmem>>) target(%dma_start3A_72 : memref<640xf32, #tpu.memory_space<hbm>>) target_semaphore(%run_scoped3A_70 : memref<!tpu.dma_semaphore, #tpu.memory_space<semaphore_mem>>)
        %dma_wait3A_73 = tpu.memref_slice %arg8[%mul3A_0] : memref<10240xf32, #tpu.memory_space<hbm>> -> memref<640xf32, #tpu.memory_space<hbm>>
        %dma_wait3A_74 = tpu.memref_slice %arg8[%mul3A_0] : memref<10240xf32, #tpu.memory_space<hbm>> -> memref<640xf32, #tpu.memory_space<hbm>>
        tpu.wait_dma2 semaphore(%run_scoped3A_70 : memref<!tpu.dma_semaphore, #tpu.memory_space<semaphore_mem>>) src(%arg16 : memref<640xf32, #tpu.memory_space<vmem>>) dst(%dma_wait3A_74 : memref<640xf32, #tpu.memory_space<hbm>>)
        tpu.yield
      }) : () -> ()
    } else {
    }
    return
  }
}

module attributes {stable_mosaic.version = 14 : i64} {
  func.func @body(%arg0: i32, %arg1: memref<1024x128xf32, #tpu.memory_space<vmem>>, %arg2: memref<128x128xf32, #tpu.memory_space<vmem>>, %arg3: memref<2x1024x1xf32, #tpu.memory_space<vmem>>, %arg4: memref<2x1024x64xf32, #tpu.memory_space<vmem>>, %arg5: memref<1024x1xf32, #tpu.memory_space<vmem>>) attributes {dimension_semantics = [#tpu.dimension_semantics<arbitrary>], iteration_bounds = array<i64: 10>, scalar_prefetch = 0 : i64, scratch_operands = 0 : i64, tpu.core_type = #tpu.core_type<tc>, window_params = [{transform_indices = @transform_0, window_bounds = array<i64: 1024, 128>}, {pipeline_mode = #tpu.pipeline_mode<synchronous>, transform_indices = @transform_1, window_bounds = array<i64: 128, 128>}, {transform_indices = @transform_2, window_bounds = array<i64: 2, 1024, 1>}, {transform_indices = @transform_3, window_bounds = array<i64: 2, 1024, 64>}, {transform_indices = @transform_4, window_bounds = array<i64: 1024, 1>}]} {
    %get3A = arith.constant 0 : index
    %get3A_0 = arith.constant 0 : index
    %get3A_1 = vector.load %arg1[%get3A, %get3A_0] : memref<1024x128xf32, #tpu.memory_space<vmem>>, vector<1024x128xf32>
    %get3A_2 = arith.constant 0 : index
    %get3A_3 = arith.constant 0 : index
    %get3A_4 = vector.load %arg2[%get3A_2, %get3A_3] : memref<128x128xf32, #tpu.memory_space<vmem>>, vector<128x128xf32>
    %dot_general3A = arith.constant dense<0.000000e+00> : vector<1024x128xf32>
    %dot_general3A_5 = tpu.matmul %get3A_1, %get3A_4, %dot_general3A {dimension_numbers = #tpu.dot_dimension_numbers<[1], [0], [0], [1], [0, 0, 1, 1], [], []>, transpose_lhs_hint = false} : vector<1024x128xf32>, vector<128x128xf32>, vector<1024x128xf32> -> vector<1024x128xf32>
    %get3A_6 = arith.constant 0 : index
    %get3A_7 = arith.constant 0 : index
    %get3A_8 = arith.constant 0 : index
    %get3A_9 = vector.load %arg3[%get3A_6, %get3A_7, %get3A_8] : memref<2x1024x1xf32, #tpu.memory_space<vmem>>, vector<1x1024x1xf32>
    %get3A_10 = vector.shape_cast %get3A_9 : vector<1x1024x1xf32> to vector<1024x1xf32>
    %get3A_11 = arith.constant 1 : index
    %get3A_12 = arith.constant 0 : index
    %get3A_13 = arith.constant 0 : index
    %get3A_14 = vector.load %arg3[%get3A_11, %get3A_12, %get3A_13] : memref<2x1024x1xf32, #tpu.memory_space<vmem>>, vector<1x1024x1xf32>
    %get3A_15 = vector.shape_cast %get3A_14 : vector<1x1024x1xf32> to vector<1024x1xf32>
    %add3A = arith.addf %get3A_10, %get3A_15 : vector<1024x1xf32>
    %add3A_16 = arith.constant 1.000000e+00 : f32
    %add3A_17 = vector.broadcast %add3A_16 : f32 to vector<1024x1xf32>
    %add3A_18 = arith.addf %add3A, %add3A_17 : vector<1024x1xf32>
    %rsqrt3A = math.rsqrt %add3A_18 : vector<1024x1xf32>
    %swap3A = arith.constant 0 : index
    %swap3A_19 = arith.constant 0 : index
    %swap3A_20 = vector.load %arg5[%swap3A, %swap3A_19] : memref<1024x1xf32, #tpu.memory_space<vmem>>, vector<1024x1xf32>
    tpu.vector_store %arg5[%swap3A, %swap3A_19], %rsqrt3A {strides = array<i32>} : memref<1024x1xf32, #tpu.memory_space<vmem>>, vector<1024x1xf32>,
    %slice3A = vector.extract_strided_slice %dot_general3A_5 {offsets = [0, 0], sizes = [1024, 64], strides = [1, 1]} : vector<1024x128xf32> to vector<1024x64xf32>
    %mul3A = vector.broadcast %rsqrt3A : vector<1024x1xf32> to vector<1024x64xf32>
    %mul3A_21 = arith.mulf %slice3A, %mul3A : vector<1024x64xf32>
    %swap3A_22 = arith.constant 0 : index
    %swap3A_23 = arith.constant 0 : index
    %swap3A_24 = arith.constant 0 : index
    %swap3A_25 = vector.load %arg4[%swap3A_22, %swap3A_23, %swap3A_24] : memref<2x1024x64xf32, #tpu.memory_space<vmem>>, vector<1x1024x64xf32>
    %swap3A_26 = vector.shape_cast %swap3A_25 : vector<1x1024x64xf32> to vector<1024x64xf32>
    %swap3A_27 = vector.shape_cast %mul3A_21 : vector<1024x64xf32> to vector<1x1024x64xf32>
    tpu.vector_store %arg4[%swap3A_22, %swap3A_23, %swap3A_24], %swap3A_27 {strides = array<i32>} : memref<2x1024x64xf32, #tpu.memory_space<vmem>>, vector<1x1024x64xf32>,
    %slice3A_28 = vector.extract_strided_slice %dot_general3A_5 {offsets = [0, 64], sizes = [1024, 64], strides = [1, 1]} : vector<1024x128xf32> to vector<1024x64xf32>
    %mul3A_29 = vector.broadcast %rsqrt3A : vector<1024x1xf32> to vector<1024x64xf32>
    %mul3A_30 = arith.mulf %slice3A_28, %mul3A_29 : vector<1024x64xf32>
    %swap3A_31 = arith.constant 1 : index
    %swap3A_32 = arith.constant 0 : index
    %swap3A_33 = arith.constant 0 : index
    %swap3A_34 = vector.load %arg4[%swap3A_31, %swap3A_32, %swap3A_33] : memref<2x1024x64xf32, #tpu.memory_space<vmem>>, vector<1x1024x64xf32>
    %swap3A_35 = vector.shape_cast %swap3A_34 : vector<1x1024x64xf32> to vector<1024x64xf32>
    %swap3A_36 = vector.shape_cast %mul3A_30 : vector<1024x64xf32> to vector<1x1024x64xf32>
    tpu.vector_store %arg4[%swap3A_31, %swap3A_32, %swap3A_33], %swap3A_36 {strides = array<i32>} : memref<2x1024x64xf32, #tpu.memory_space<vmem>>, vector<1x1024x64xf32>,
    return
  }
  func.func @transform_0(%arg0: i32) -> (i32, i32) {
    %c0_i32 = arith.constant 0 : i32
    %c0_i32_0 = arith.constant 0 : i32
    return %arg0, %c0_i32 : i32, i32
  }
  func.func @transform_1(%arg0: i32) -> (i32, i32) {
    %c0_i32 = arith.constant 0 : i32
    %c0_i32_0 = arith.constant 0 : i32
    %c0_i32_1 = arith.constant 0 : i32
    return %c0_i32, %c0_i32_0 : i32, i32
  }
  func.func @transform_2(%arg0: i32) -> (i32, i32, i32) {
    %c0_i32 = arith.constant 0 : i32
    %c0_i32_0 = arith.constant 0 : i32
    %c0_i32_1 = arith.constant 0 : i32
    return %c0_i32, %arg0, %c0_i32_0 : i32, i32, i32
  }
  func.func @transform_3(%arg0: i32) -> (i32, i32, i32) {
    %c0_i32 = arith.constant 0 : i32
    %c0_i32_0 = arith.constant 0 : i32
    %c0_i32_1 = arith.constant 0 : i32
    return %c0_i32, %arg0, %c0_i32_0 : i32, i32, i32
  }
  func.func @transform_4(%arg0: i32) -> (i32, i32) {
    %c0_i32 = arith.constant 0 : i32
    %c0_i32_0 = arith.constant 0 : i32
    return %arg0, %c0_i32 : i32, i32
  }
}

module attributes {stable_mosaic.version = 14 : i64} {
  func.func @body(%arg0: i32, %arg1: memref<2x1024x64xf32, #tpu.memory_space<vmem>>, %arg2: memref<2x1024x64xf32, #tpu.memory_space<vmem>>, %arg3: memref<1024x1xf32, #tpu.memory_space<vmem>>, %arg4: memref<2x64xf32, #tpu.memory_space<vmem>>, %arg5: memref<2x64x1xf32, #tpu.memory_space<vmem>>, %arg6: memref<1024x1xf32, #tpu.memory_space<vmem>>) attributes {dimension_semantics = [#tpu.dimension_semantics<arbitrary>], iteration_bounds = array<i64: 10>, scalar_prefetch = 0 : i64, scratch_operands = 0 : i64, tpu.core_type = #tpu.core_type<tc>, window_params = [{transform_indices = @transform_0, window_bounds = array<i64: 2, 1024, 64>}, {transform_indices = @transform_1, window_bounds = array<i64: 2, 1024, 64>}, {transform_indices = @transform_2, window_bounds = array<i64: 1024, 1>}, {pipeline_mode = #tpu.pipeline_mode<synchronous>, transform_indices = @transform_3, window_bounds = array<i64: 2, 64>}, {pipeline_mode = #tpu.pipeline_mode<synchronous>, transform_indices = @transform_4, window_bounds = array<i64: 2, 64, 1>}, {transform_indices = @transform_5, window_bounds = array<i64: 1024, 1>}]} {
    %broadcast_in_dim3A = arith.constant 0.000000e+00 : f32
    %broadcast_in_dim3A_0 = vector.broadcast %broadcast_in_dim3A : f32 to vector<1024x1xf32>
    %get3A = arith.constant 0 : index
    %get3A_1 = arith.constant 0 : index
    %get3A_2 = arith.constant 0 : index
    %get3A_3 = vector.load %arg1[%get3A, %get3A_1, %get3A_2] : memref<2x1024x64xf32, #tpu.memory_space<vmem>>, vector<1x1024x64xf32>
    %get3A_4 = vector.shape_cast %get3A_3 : vector<1x1024x64xf32> to vector<1024x64xf32>
    %get3A_5 = arith.constant 0 : index
    %get3A_6 = arith.constant 0 : index
    %get3A_7 = arith.constant 0 : index
    %get3A_8 = vector.load %arg2[%get3A_5, %get3A_6, %get3A_7] : memref<2x1024x64xf32, #tpu.memory_space<vmem>>, vector<1x1024x64xf32>
    %get3A_9 = vector.shape_cast %get3A_8 : vector<1x1024x64xf32> to vector<1024x64xf32>
    %add3A = arith.addf %get3A_4, %get3A_9 : vector<1024x64xf32>
    %get3A_10 = arith.constant 0 : index
    %get3A_11 = arith.constant 0 : index
    %get3A_12 = vector.load %arg3[%get3A_10, %get3A_11] : memref<1024x1xf32, #tpu.memory_space<vmem>>, vector<1024x1xf32>
    %mul3A = vector.broadcast %get3A_12 : vector<1024x1xf32> to vector<1024x64xf32>
    %mul3A_13 = arith.mulf %add3A, %mul3A : vector<1024x64xf32>
    %get3A_14 = arith.constant 0 : index
    %get3A_15 = arith.constant 0 : index
    %get3A_16 = vector.load %arg4[%get3A_14, %get3A_15] : memref<2x64xf32, #tpu.memory_space<vmem>>, vector<1x64xf32>
    %get3A_17 = vector.shape_cast %get3A_16 : vector<1x64xf32> to vector<64xf32>
    %broadcast_in_dim3A_18 = vector.shape_cast %get3A_17 : vector<64xf32> to vector<1x64xf32>
    %add3A_19 = vector.broadcast %broadcast_in_dim3A_18 : vector<1x64xf32> to vector<1024x64xf32>
    %add3A_20 = arith.addf %mul3A_13, %add3A_19 : vector<1024x64xf32>
    %max3A = arith.constant 0.000000e+00 : f32
    %max3A_21 = vector.broadcast %max3A : f32 to vector<1024x64xf32>
    %max3A_22 = arith.maximumf %add3A_20, %max3A_21 : vector<1024x64xf32>
    %get3A_23 = arith.constant 0 : index
    %get3A_24 = arith.constant 0 : index
    %get3A_25 = arith.constant 0 : index
    %get3A_26 = vector.load %arg5[%get3A_23, %get3A_24, %get3A_25] : memref<2x64x1xf32, #tpu.memory_space<vmem>>, vector<1x64x1xf32>
    %get3A_27 = vector.shape_cast %get3A_26 : vector<1x64x1xf32> to vector<64x1xf32>
    %dot_general3A = arith.constant dense<0.000000e+00> : vector<1024x1xf32>
    %dot_general3A_28 = tpu.matmul %max3A_22, %get3A_27, %dot_general3A {dimension_numbers = #tpu.dot_dimension_numbers<[1], [0], [0], [1], [0, 0, 1, 1], [], []>, transpose_lhs_hint = false} : vector<1024x64xf32>, vector<64x1xf32>, vector<1024x1xf32> -> vector<1024x1xf32>
    %add3A_29 = arith.addf %broadcast_in_dim3A_0, %dot_general3A_28 : vector<1024x1xf32>
    %get3A_30 = arith.constant 1 : index
    %get3A_31 = arith.constant 0 : index
    %get3A_32 = arith.constant 0 : index
    %get3A_33 = vector.load %arg1[%get3A_30, %get3A_31, %get3A_32] : memref<2x1024x64xf32, #tpu.memory_space<vmem>>, vector<1x1024x64xf32>
    %get3A_34 = vector.shape_cast %get3A_33 : vector<1x1024x64xf32> to vector<1024x64xf32>
    %get3A_35 = arith.constant 1 : index
    %get3A_36 = arith.constant 0 : index
    %get3A_37 = arith.constant 0 : index
    %get3A_38 = vector.load %arg2[%get3A_35, %get3A_36, %get3A_37] : memref<2x1024x64xf32, #tpu.memory_space<vmem>>, vector<1x1024x64xf32>
    %get3A_39 = vector.shape_cast %get3A_38 : vector<1x1024x64xf32> to vector<1024x64xf32>
    %add3A_40 = arith.addf %get3A_34, %get3A_39 : vector<1024x64xf32>
    %get3A_41 = arith.constant 0 : index
    %get3A_42 = arith.constant 0 : index
    %get3A_43 = vector.load %arg3[%get3A_41, %get3A_42] : memref<1024x1xf32, #tpu.memory_space<vmem>>, vector<1024x1xf32>
    %mul3A_44 = vector.broadcast %get3A_43 : vector<1024x1xf32> to vector<1024x64xf32>
    %mul3A_45 = arith.mulf %add3A_40, %mul3A_44 : vector<1024x64xf32>
    %get3A_46 = arith.constant 1 : index
    %get3A_47 = arith.constant 0 : index
    %get3A_48 = vector.load %arg4[%get3A_46, %get3A_47] : memref<2x64xf32, #tpu.memory_space<vmem>>, vector<1x64xf32>
    %get3A_49 = vector.shape_cast %get3A_48 : vector<1x64xf32> to vector<64xf32>
    %broadcast_in_dim3A_50 = vector.shape_cast %get3A_49 : vector<64xf32> to vector<1x64xf32>
    %add3A_51 = vector.broadcast %broadcast_in_dim3A_50 : vector<1x64xf32> to vector<1024x64xf32>
    %add3A_52 = arith.addf %mul3A_45, %add3A_51 : vector<1024x64xf32>
    %max3A_53 = arith.constant 0.000000e+00 : f32
    %max3A_54 = vector.broadcast %max3A_53 : f32 to vector<1024x64xf32>
    %max3A_55 = arith.maximumf %add3A_52, %max3A_54 : vector<1024x64xf32>
    %get3A_56 = arith.constant 1 : index
    %get3A_57 = arith.constant 0 : index
    %get3A_58 = arith.constant 0 : index
    %get3A_59 = vector.load %arg5[%get3A_56, %get3A_57, %get3A_58] : memref<2x64x1xf32, #tpu.memory_space<vmem>>, vector<1x64x1xf32>
    %get3A_60 = vector.shape_cast %get3A_59 : vector<1x64x1xf32> to vector<64x1xf32>
    %dot_general3A_61 = arith.constant dense<0.000000e+00> : vector<1024x1xf32>
    %dot_general3A_62 = tpu.matmul %max3A_55, %get3A_60, %dot_general3A_61 {dimension_numbers = #tpu.dot_dimension_numbers<[1], [0], [0], [1], [0, 0, 1, 1], [], []>, transpose_lhs_hint = false} : vector<1024x64xf32>, vector<64x1xf32>, vector<1024x1xf32> -> vector<1024x1xf32>
    %add3A_63 = arith.addf %add3A_29, %dot_general3A_62 : vector<1024x1xf32>
    %get3A_64 = arith.constant 0 : index
    %get3A_65 = arith.constant 0 : index
    %get3A_66 = vector.load %arg3[%get3A_64, %get3A_65] : memref<1024x1xf32, #tpu.memory_space<vmem>>, vector<1024x1xf32>
    %mul3A_67 = arith.mulf %add3A_63, %get3A_66 : vector<1024x1xf32>
    %swap3A = arith.constant 0 : index
    %swap3A_68 = arith.constant 0 : index
    %swap3A_69 = vector.load %arg6[%swap3A, %swap3A_68] : memref<1024x1xf32, #tpu.memory_space<vmem>>, vector<1024x1xf32>
    tpu.vector_store %arg6[%swap3A, %swap3A_68], %mul3A_67 {strides = array<i32>} : memref<1024x1xf32, #tpu.memory_space<vmem>>, vector<1024x1xf32>,
    return
  }
  func.func @transform_0(%arg0: i32) -> (i32, i32, i32) {
    %c0_i32 = arith.constant 0 : i32
    %c0_i32_0 = arith.constant 0 : i32
    %c0_i32_1 = arith.constant 0 : i32
    return %c0_i32, %arg0, %c0_i32_0 : i32, i32, i32
  }
  func.func @transform_1(%arg0: i32) -> (i32, i32, i32) {
    %c0_i32 = arith.constant 0 : i32
    %c0_i32_0 = arith.constant 0 : i32
    %c0_i32_1 = arith.constant 0 : i32
    return %c0_i32, %arg0, %c0_i32_0 : i32, i32, i32
  }
  func.func @transform_2(%arg0: i32) -> (i32, i32) {
    %c0_i32 = arith.constant 0 : i32
    %c0_i32_0 = arith.constant 0 : i32
    return %arg0, %c0_i32 : i32, i32
  }
  func.func @transform_3(%arg0: i32) -> (i32, i32) {
    %c0_i32 = arith.constant 0 : i32
    %c0_i32_0 = arith.constant 0 : i32
    %c0_i32_1 = arith.constant 0 : i32
    return %c0_i32, %c0_i32_0 : i32, i32
  }
  func.func @transform_4(%arg0: i32) -> (i32, i32, i32) {
    %c0_i32 = arith.constant 0 : i32
    %c0_i32_0 = arith.constant 0 : i32
    %c0_i32_1 = arith.constant 0 : i32
    %c0_i32_2 = arith.constant 0 : i32
    return %c0_i32, %c0_i32_0, %c0_i32_1 : i32, i32, i32
  }
  func.func @transform_5(%arg0: i32) -> (i32, i32) {
    %c0_i32 = arith.constant 0 : i32
    %c0_i32_0 = arith.constant 0 : i32
    return %arg0, %c0_i32 : i32, i32
  }
}

</mosaic_0001>

<sc_bundles>
// kernel: kernel.10.cloned.1.call-start
scs
__scs_entry_jumppad:
0x0: {  	(pc) =	sbr.rel $0x88, $3  }
0x1: {  	(tag) =	ssettag $0x0;
	lr =	simm.s32 $0x1  }
0x2: {  	[smem:$0x3F9B] =	sst lr;
	_ =	strace $0xD0000000  }
0x3: {  	_ = 	snop  }
0x4: {  	_ = 	snop  }
0x5: {  	_ = 	snop  }
0x6: {  	_ = 	snop  }
0x7: {  	_ = 	snop  }
__scs_overlays_trampoline_lowered:
0x8: {  	[smem:$0x3FAA] =	sst s0  }
0x9: {  	[smem:$0x3FAB] =	sst s1  }
0xa: {  	[smem:$0x3FAC] =	sst s2  }
0xb: {  	[smem:$0x3FAD] =	sst s3  }
0xc: {  	[smem:$0x3FAE] =	sst s4  }
0xd: {  	[smem:$0x3FAF] =	sst s5  }
0xe: {  	[smem:$0x3FB0] =	sst s6  }
0xf: {  	[smem:$0x3FB1] =	sst s7  }
0x10: {  	[smem:$0x3FB2] =	sst s8  }
0x11: {  	[smem:$0x3FB3] =	sst s9;
	s0 =	simm.s32 @!p0 $0x0  }
0x12: {  	s1 =	sld [smem:$0x3F99];
	s0 =	simm.s32 @p0 $0x1  }
0x13: {  	[smem:$0x3FB4] =	sst s0;
	s0 =	simm.s32 @!p1 $0x0  }
0x14: {  	s2 =	sld [smem:$0x3F98];
	s0 =	simm.s32 @p1 $0x1  }
0x15: {  	[smem:$0x3FB5] =	sst s0;
	s0 =	simm.s32 @!p2 $0x0  }
0x16: {  	s3 =	sld [smem:$0x3FDB];
	s0 =	simm.s32 @p2 $0x1  }
0x17: {  	s4 =	simm.s32 $0x1BF5;
	[smem:$0x3FB7] =	sst s0  }
0x18: {  	s0 =	sld [smem:$0x3F9A];
	_ =	swait.ge [sflag:s4], $0x0  }
0x19: {  	s7 =	sld [smem:$0x3F9B]  }
0x1a: {  	s8 =	sadd.s32 $0xFFFFE003, lr  }
0x1b: {  	s9 =	sadd.s32 $0xFFFFFEF7, lr;
	s5 =	simm.s32 $0xFFFFFFFF;
	p2 =	slt.u32 s8, $0xFFFFF086  }
0x1c: {  	p1 =	slt.u32 s9, $0xF7A;
	s5 =	simm.s32 @!p2 $0x0  }
0x1d: {  	s5 =	simm.s32 @p1 $0x1;
	p0 =	seq.s32 s7, s2  }
0x1e: {  	s7 =	smul.u32 @!p0 $0xF7A, s2;
	p2 =	seq.s32 @!p0 s5, $0x0  }
0x1f: {  	s9 =	smul.u32 $0xF7A, s1;
	s8 =	simm.s32 @!p0 $0x1BF5;
	p2 =	por !p2, p0  }
0x20: {  	[sflag:s8] =	ssyncset.s32 @!p0 $0xFFFFF086;
	s6 =	sadd.s32 @!p0 s3, s7;
	s7 =	simm.s32 @!p0 $0x108  }
0x21: {  	s3 =	sadd.s32 s3, s9;
	s6 =	sadd.s32 @!p0 $0x88, s6;
	s7 =	simm.s32 @p2 $0x1082  }
0x22: {  	[simem:s7], [sflag:s8] =	dma.local @!p0 [hbm:s6], $0xF7A  }
0x23: {  	s9 =	sor.u32 $0xD0000000, s2;
	s6 =	simm.s32 $0x108;
	_ =	swait.ge @!p0 [sflag:s8], $0x0  }
0x24: {  	s3 =	sadd.s32 $0x88, s3;
	s6 =	simm.s32 @!p1 $0x1082;
	[sflag:s4] =	ssyncset.s32 $0xFFFFF086  }
0x25: {  	[simem:s6], [sflag:s4] =	dma.local [hbm:s3], $0xF7A  }
0x26: {  	[smem:$0x3F9B] =	sst s1;
	(tag) =	ssettag s2;
	_ =	strace s9  }
0x27: {  	s1 =	sld [smem:$0x3FAB]  }
0x28: {  	s2 =	sld [smem:$0x3FAC]  }
0x29: {  	s4 =	sld [smem:$0x3FAE]  }
0x2a: {  	p0 =	seq.s32 s5, $0x0;
	s5 =	sld [smem:$0x3FAF]  }
0x2b: {  	s6 =	sld [smem:$0x3FB0]  }
0x2c: {  	s7 =	sld [smem:$0x3FB1]  }
0x2d: {  	s3 =	simm.s32 $0x108;
	s8 =	sld [smem:$0x3FB2]  }
0x2e: {  	s3 =	simm.s32 @!p0 $0x1082;
	s9 =	sld [smem:$0x3FB3]  }
0x2f: {  	lr =	sadd.s32 s0, s3;
	s0 =	sld [smem:$0x3FAA]  }
0x30: {  	s3 =	sld [smem:$0x3FAD]  }
0x31: {  	[smem:$0x3FB6] =	sst s10  }
0x32: {  	s10 =	sld [smem:$0x3FB4];
	_ =	sdelay $0x3  }
0x33: {  	p0 =	seq.s32 s10, $0x1;
	s10 =	sld [smem:$0x3FB6];
	_ =	sdelay $0x3  }
0x34: {  	[smem:$0x3FB6] =	sst s10  }
0x35: {  	s10 =	sld [smem:$0x3FB5];
	_ =	sdelay $0x3  }
0x36: {  	p1 =	seq.s32 s10, $0x1;
	s10 =	sld [smem:$0x3FB6];
	_ =	sdelay $0x3  }
0x37: {  	[smem:$0x3FB6] =	sst s10  }
0x38: {  	s10 =	sld [smem:$0x3FB7]  }
0x39: {  	_ = 	snop;
	(pc) =	sbr.ind lr, $3  }
0x3a: {  	_ = 	snop  }
0x3b: {  	_ = 	snop  }
0x3c: {  	p2 =	seq.s32 s10, $0x1;
	s10 =	sld [smem:$0x3FB6]  }
0x3d: {  	_ =	shalt  }
0x3e: {  	_ =	shalt  }
0x3f: {  	_ =	shalt  }
0x40: {  	_ =	shalt  }
0x41: {  	_ =	shalt  }
0x42: {  	_ =	shalt  }
0x43: {  	_ =	shalt  }
0x44: {  	_ =	shalt  }
0x45: {  	_ =	shalt  }
0x46: {  	_ =	shalt  }
0x47: {  	_ =	shalt  }
0x48: {  	_ =	shalt  }
0x49: {  	_ =	shalt  }
0x4a: {  	_ =	shalt  }
0x4b: {  	_ =	shalt  }
0x4c: {  	_ =	shalt  }
0x4d: {  	_ =	shalt  }
0x4e: {  	_ =	shalt  }
0x4f: {  	_ =	shalt  }
0x50: {  	_ =	shalt  }
0x51: {  	_ =	shalt  }
0x52: {  	_ =	shalt  }
0x53: {  	_ =	shalt  }
0x54: {  	_ =	shalt  }
0x55: {  	_ =	shalt  }
0x56: {  	_ =	shalt  }
0x57: {  	_ =	shalt  }
0x58: {  	_ =	shalt  }
0x59: {  	_ =	shalt  }
0x5a: {  	_ =	shalt  }
0x5b: {  	_ =	shalt  }
0x5c: {  	_ =	shalt  }
0x5d: {  	_ =	shalt  }
0x5e: {  	_ =	shalt  }
0x5f: {  	_ =	shalt  }
0x60: {  	_ =	shalt  }
0x61: {  	_ =	shalt  }
0x62: {  	_ =	shalt  }
0x63: {  	_ =	shalt  }
0x64: {  	_ =	shalt  }
0x65: {  	_ =	shalt  }
0x66: {  	_ =	shalt  }
0x67: {  	_ =	shalt  }
0x68: {  	_ =	shalt  }
0x69: {  	_ =	shalt  }
0x6a: {  	_ =	shalt  }
0x6b: {  	_ =	shalt  }
0x6c: {  	_ =	shalt  }
0x6d: {  	_ =	shalt  }
0x6e: {  	_ =	shalt  }
0x6f: {  	_ =	shalt  }
0x70: {  	_ =	shalt  }
0x71: {  	_ =	shalt  }
0x72: {  	_ =	shalt  }
0x73: {  	_ =	shalt  }
0x74: {  	_ =	shalt  }
0x75: {  	_ =	shalt  }
0x76: {  	_ =	shalt  }
0x77: {  	_ =	shalt  }
0x78: {  	_ =	shalt  }
0x79: {  	_ =	shalt  }
0x7a: {  	_ =	shalt  }
0x7b: {  	_ =	shalt  }
0x7c: {  	_ =	shalt  }
0x7d: {  	_ =	shalt  }
0x7e: {  	_ =	shalt  }
0x7f: {  	_ =	shalt  }
0x80: {  	_ =	shalt  }
0x81: {  	_ =	shalt  }
0x82: {  	_ =	shalt  }
0x83: {  	_ =	shalt  }
0x84: {  	_ =	shalt  }
0x85: {  	_ =	shalt  }
0x86: {  	_ =	shalt  }
0x87: {  	_ =	shalt  }
.Lfunc_end0:
.L_simem_size_0:
called_computation.1_lowered:
.L_overlay_start_0:
0x88: {  	s2 =	sld [smem:$0x3FD9]  }
0x89: {  	s3 =	sld [smem:$0x3FFE];
	_ =	sdelay $0x1  }
0x8a: {  	s1 =	srdreg.scid  }
0x8b: {  	s0 =	sand.u32 $0x1, s1  }
0x8c: {  	s16 =	sshll.u32 s0, $0xA;
	s2 =	sadd.s32 s3, s2  }
0x8d: {  	s2 =	sadd.s32 s2, s16  }
0x8e: {  	[smem:$0x3FC2] =	sst s2  }
0x8f: {  	_ = 	snop  }
0x90: {  	(tm) =	ssettm $0x1  }
0x91: {  	s17 =	sld [smem:$0x3FFB];
	_ =	sdelay $0x3  }
0x92: {  	_ =	strace s17  }
0x93: {  	s2 =	sld [smem:$0x3FFC];
	_ =	sdelay $0x3  }
0x94: {  	_ =	strace s2  }
0x95: {  	s2 =	sld [smem:$0x3FFD];
	_ =	sdelay $0x3  }
0x96: {  	_ =	strace s2  }
0x97: {  	_ =	strace $0x8FFFFFFF  }
0x98: {  	s18 =	sld [smem:$0x3FDB];
	_ =	sdelay $0x1  }
0x99: {  	s19 =	simm.s32 $_scs_section_size  }
0x9a: {  	s4 =	simm.s32 $_size__tile_overlayer_lowered;
	s5 =	simm.s32 $_tile_overlayer_lowered  }
0x9b: {  	s22 =	simm.s32 $0x1BFF;
	s21 =	sshll.u32 s5, $0x1;
	s2 =	sadd.s32 s19, s18  }
0x9c: {  	s6 =	simm.s32 $0x0;
	s20 =	sshll.u32 s4, $0x1;
	s4 =	sadd.s32 s21, s2  }
0x9d: {  	[timem:s6], [sflag:s22] =	dma.local [hbm:s4], s20  }
0x9e: {  	_ =	swait.ge [sflag:s22], s20  }
0x9f: {  	s3 =	ssub.s32 $0x0, s20;
	[sflag:s22] =	ssyncset.done $0x0  }
0xa0: {  	[sflag:s22] =	ssyncadd.s32 s3;
	_ =	sdelay $0x1  }
0xa1: {  	s23 =	simm.s32 $0x1B8B  }
0xa2: {  	_ =	swait.ge [sflag:s23], $0x1  }
0xa3: {  	[sflag:s23] =	ssyncset.done $0x0  }
0xa4: {  	s25 =	simm.s32 $0x1B8E;
	s24 =	sld [smem:$0x3FFE];
	[sflag:s23] =	ssyncadd.s32 $0xFFFFFFFF  }
0xa5: {  	s26 =	simm.s32 $execute0_lowered;
	[smem:$0x3FD2] =	sst s25  }
0xa6: {  	s4 =	sshll.u32 s26, $0x1;
	_ =	strace $0x80000049;
	[dreg:$0x1] =	wrdreg $0xFFFFFFFF  }
0xa7: {  	s28 =	simm.s32 $_size_execute0_lowered;
	s2 =	sadd.s32 s2, s4;
	[dreg:$0x0] =	wrdreg $0x0  }
0xa8: {  	s4 =	sshll.u32 s28, $0x1;
	[dreg:$0x2] =	wrdreg s2  }
0xa9: {  	[dreg:$0x3] =	wrdreg s4  }
0xaa: {  	[dreg:$0x4] =	wrdreg $0xC0  }
0xab: {  	_ =	task [dreg:s6], $0x5FFFF  }
0xac: {  	[dreg:$0x1] =	wrdreg $0xFFFFFFFF  }
0xad: {  	[dreg:$0x0] =	wrdreg $0x60  }
0xae: {  	[dreg:$0x2] =	wrdreg s24  }
0xaf: {  	[dreg:$0x3] =	wrdreg $0x50000  }
0xb0: {  	[dreg:$0x4] =	wrdreg $0xF0000  }
0xb1: {  	[dreg:$0x5] =	wrdreg $0x9  }
0xb2: {  	_ =	task.clear_ibuf [dreg:s6], $0x6FFFF;
	_ =	strace $0x90000049  }
0xb3: {  	s29 =	simm.s32 $0x9;
	_ =	strace $0x8000004B  }
0xb4: {  	_ =	swait.ge [sflag:s29], $0x1  }
0xb5: {  	[sflag:s29] =	ssyncadd.s32 $0xFFFFFFFF  }
0xb6: {  	_ =	strace $0x9000004B  }
0xb7: {  	_ =	sfence  }
0xb8: {  	s30 =	sld [smem:$0x0];
	_ =	sdelay $0x2  }
0xb9: {  	s31 =	sshll.u32 s1, $0xD;
	s1 =	sshrl.u32 s1, $0x2  }
0xba: {  	s3 =	sand.u32 $0x4000, s31;
	s1 =	sadd.s32 s1, s30  }
0xbb: {  	s0 =	sor.u32 s3, s0;
	s1 =	sshll.u32 s1, $0x11  }
0xbc: {  	s0 =	sor.u32 s1, s0  }
0xbd: {  	s0 =	sadd.s32 $0x8F2B, s0  }
0xbe: {  	[sflag:s0] =	ssyncadd.remote.s32 $0x1  }
0xbf: {  	_ =	sfence.sel $0xFFFF  }
0xc0: {  	[dreg:$0x0] =	wrdreg $0xFFFFFFFF;
	(pc) =	sbr.abs _section_cstart, $3  }
0xc1: {  	[dreg:$0x1] =	wrdreg $0xFFFFFFFF  }
0xc2: {  	_ =	task.clear_ibuf [dreg:s6], $0x2FFFF;
	_ =	strace $0x9FFFFFFF  }
0xc3: {  	(tm) =	ssettm $0x7FFFFFFF  }
tec
execute0_lowered:
.L_overlay_start_1:
0x0: {  	(tag) =	ssettag $0x1  }
0x1: {  	s1 =	rddreg [dreg:$0x0]  }
0x2: {  	s0 =	srdreg.scid;
	s12 =	stileid.u32  }
0x3: {  	s2 =	rddreg [dreg:$0x1];
	s5 =	sand.u32 $0x1, s0;
	s0 =	smul.u32 $0xA000, s12  }
0x4: {  	s3 =	rddreg [dreg:$0x2];
	s4 =	simm.s32 $0x0;
	s7 =	smul.u32 $0x2800, s12  }
0x5: {  	[smem:$0x7FF] =	sst s4;
	s6 =	smul.u32 $0xA0000, s5  }
0x6: {  	s8 =	sadd.s32 $0xAE00, s1;
	s9 =	sadd.s32 $0xB4E00, s1;
	_ =	strace $0x8000004A  }
0x7: {  	[dreg:$0x4] =	wrdreg s9;
	s7 =	sshrl.u32 s7, $0x3;
	s6 =	sadd.s32 s0, s6  }
0x8: {  	s20 =	sadd.s32 s8, s7;
	s10 =	sadd.s32 $0x100, s7;
	s24 =	sadd.s32 $0x200, s7  }
0x9: {  	s28 =	sadd.s32 $0x300, s7;
	[dreg:$0x6] =	wrdreg s20;
	s22 =	sadd.s32 s8, s10  }
0xa: {  	s31 =	sadd.s32 $0x400, s7;
	s25 =	sadd.s32 s8, s24;
	[dreg:$0x8] =	wrdreg s22  }
0xb: {  	s14 =	sadd.s32 $0x5000, s7;
	s29 =	sadd.s32 s8, s28;
	[dreg:$0xa] =	wrdreg s25  }
0xc: {  	s17 =	sadd.s32 $0x5100, s7;
	s11 =	sadd.s32 s8, s31;
	[dreg:$0xc] =	wrdreg s29  }
0xd: {  	s6 =	sshrl.u32 s6, $0x3;
	s15 =	sadd.s32 s8, s14;
	[dreg:$0xe] =	wrdreg s11  }
0xe: {  	s18 =	sadd.s32 s8, s17;
	s6 =	sadd.s32 s6, s1;
	[dreg:$0x10] =	wrdreg s15  }
0xf: {  	s1 =	sadd.s32 $0x200, s1;
	[dreg:$0x12] =	wrdreg s18;
	s19 =	sadd.s32 $0x8CE00, s6  }
0x10: {  	s21 =	sadd.s32 s1, s7;
	[dreg:$0x5] =	wrdreg s19  }
0x11: {  	s23 =	sadd.s32 s1, s10;
	[dreg:$0x7] =	wrdreg s21  }
0x12: {  	s5 =	ssub.s32 $0x2, s5;
	s26 =	sadd.s32 s1, s24;
	[dreg:$0x9] =	wrdreg s23  }
0x13: {  	s9 =	simm.s32 $0x800;
	s30 =	sadd.s32 s1, s28;
	[dreg:$0xb] =	wrdreg s26  }
0x14: {  	s20 =	sadd.s32 $0x5200, s7;
	s13 =	sadd.s32 s1, s31;
	[dreg:$0xd] =	wrdreg s30  }
0x15: {  	s11 =	sshrl.u32 s5, $0x1;
	s16 =	sadd.s32 s1, s14;
	[dreg:$0xf] =	wrdreg s13  }
0x16: {  	s15 =	simm.s32 $0x2;
	s22 =	sadd.s32 s1, s20;
	[dreg:$0x11] =	wrdreg s16  }
0x17: {  	s5 =	ssub.s32 s5, s11;
	s19 =	sadd.s32 s1, s17;
	[dreg:$0x15] =	wrdreg s22  }
0x18: {  	s28 =	sshll.u32 s12, $0x6;
	s21 =	sadd.s32 s8, s20;
	[dreg:$0x13] =	wrdreg s19  }
0x19: {  	s10 =	simm.s32 $0x80;
	s29 =	sor.u32 $0x1C03, s28;
	[dreg:$0x14] =	wrdreg s21  }
0x1a: {  	s23 =	sadd.s32 $0x5300, s7;
	s30 =	sadd.s32 $0xB6200, s6;
	[dreg:$0x1c] =	wrdreg s29  }
0x1b: {  	s11 =	simm.s32 $0x1000;
	s24 =	sadd.s32 s8, s23;
	[dreg:$0x1a] =	wrdreg s30  }
0x1c: {  	s7 =	sadd.s32 $0x5400, s7;
	s25 =	sadd.s32 s1, s23;
	[dreg:$0x16] =	wrdreg s24  }
0x1d: {  	s12 =	simm.s32 $0x3000;
	s8 =	sadd.s32 s8, s7;
	[dreg:$0x17] =	wrdreg s25  }
0x1e: {  	s26 =	sadd.s32 s0, s2;
	s1 =	sadd.s32 s1, s7;
	[dreg:$0x18] =	wrdreg s8  }
0x1f: {  	s0 =	sadd.s32 s0, s3;
	s31 =	sshrl.u32 s26, $0x3;
	[dreg:$0x19] =	wrdreg s1  }
0x20: {  	s5 =	smax.u32 s5, $0x1;
	s0 =	sshrl.u32 s0, $0x3;
	[dreg:$0x1b] =	wrdreg s31  }
0x21: {  	s13 =	simm.s32 $0x1;
	s7 =	simm.s32 $0x3;
	[dreg:$0x1d] =	wrdreg s0  }
.LBB2_1:
0x22: {  	[dreg:$0x1e] =	wrdreg s5  }
0x23: {  	s24 =	rddreg [dreg:$0x5]  }
0x24: {  	s25 =	rddreg [dreg:$0x1b]  }
0x25: {  	s0 =	rddreg [dreg:$0x1c]  }
0x26: {  	[spmem:s25], [sflag:s0] =	dma.local [hbm:s24], $0x1400  }
0x27: {  	_ =	swait.ge [sflag:s7], $0x1400  }
0x28: {  	s21 =	rddreg [dreg:$0x4];
	[sflag:s7] =	ssyncset.done $0x0  }
0x29: {  	s1 =	rddreg [dreg:$0x1d];
	[sflag:s7] =	ssyncadd.s32 $0xFFFFEC00  }
0x2a: {  	[spmem:s1], [sflag:s0] =	dma.local [hbm:s21], $0x1400  }
0x2b: {  	_ =	swait.ge [sflag:s7], $0x1400  }
0x2c: {  	[sflag:s7] =	ssyncset.done $0x0  }
0x2d: {  	[sflag:s7] =	ssyncadd.s32 $0xFFFFEC00  }
0x2e: {  	[bflag:$0x0] =	sbarrier.arrive $0xFFFF  }
0x2f: {  	s22 =	rddreg [dreg:$0x6]  }
0x30: {  	[tilespmem:s4], [sflag:$0x3] =	stream.linear.gather [hbm4b:s22+s4], $0x800, $0x38;
	[tilespmem:$0x19000] =	vst v63  }
0x31: {  	_ =	swait.ge [sflag:s7], $0x800  }
0x32: {  	[sflag:s7] =	ssyncset.done $0x0  }
0x33: {  	s23 =	rddreg [dreg:$0x7];
	[sflag:s7] =	ssyncadd.s32 $0xFFFFF800  }
0x34: {  	[tilespmem:s9], [sflag:$0x3] =	stream.linear.gather [hbm4b:s23+s4], $0x800, $0x38;
	[tilespmem:$0x19000] =	vst v63  }
0x35: {  	_ =	swait.ge [sflag:s7], $0x800  }
0x36: {  	[sflag:s7] =	ssyncset.done $0x0  }
0x37: {  	[sflag:s7] =	ssyncadd.s32 $0xFFFFF800  }
0x38: {  	[tilespmem:s11], [sflag:$0x1] =	stream.indirect.gather [spmem:s2], $0x40, s4, s10, $0xb8;
	[tilespmem:$0x19000] =	vst v63  }
0x39: {  	_ = 	snop  }
0x3a: {  	[tilespmem:s12], [sflag:$0x2] =	stream.indirect.gather [spmem:s2], $0x40, s10, s10, $0xb8;
	[tilespmem:$0x19000] =	vst v63  }
0x3b: {  	_ =	swait.ge [sflag:s13], $0x2000  }
0x3c: {  	[sflag:s13] =	ssyncset.done $0x0  }
0x3d: {  	[sflag:s13] =	ssyncadd.s32 $0xFFFFE000  }
0x3e: {  	[spmem:s3] =	stream.indirect.scatter.add.f32 [tilespmem:s11], [sflag:$0x3], $0x40, s9, s10, $0xb8;
	[tilespmem:$0x19000] =	vst v63  }
0x3f: {  	_ =	swait.ge [sflag:s7], $0x2000  }
0x40: {  	[sflag:s7] =	ssyncset.done $0x0  }
0x41: {  	s25 =	simm.s32 $0x100;
	[sflag:s7] =	ssyncadd.s32 $0xFFFFE000  }
0x42: {  	[tilespmem:s11], [sflag:$0x1] =	stream.indirect.gather [spmem:s2], $0x40, s25, s10, $0xb8;
	[tilespmem:$0x19000] =	vst v63  }
0x43: {  	_ =	swait.ge [sflag:s15], $0x2000  }
0x44: {  	[sflag:s15] =	ssyncset.done $0x0  }
0x45: {  	s26 =	simm.s32 $0x880;
	[sflag:s15] =	ssyncadd.s32 $0xFFFFE000  }
0x46: {  	[spmem:s3] =	stream.indirect.scatter.add.f32 [tilespmem:s12], [sflag:$0x3], $0x40, s26, s10, $0xb8;
	[tilespmem:$0x19000] =	vst v63  }
0x47: {  	_ =	swait.ge [sflag:s7], $0x2000  }
0x48: {  	[sflag:s7] =	ssyncset.done $0x0  }
0x49: {  	s28 =	simm.s32 $0x180;
	[sflag:s7] =	ssyncadd.s32 $0xFFFFE000  }
0x4a: {  	[tilespmem:s12], [sflag:$0x2] =	stream.indirect.gather [spmem:s2], $0x40, s28, s10, $0xb8;
	[tilespmem:$0x19000] =	vst v63  }
0x4b: {  	_ =	swait.ge [sflag:s13], $0x2000  }
0x4c: {  	[sflag:s13] =	ssyncset.done $0x0  }
0x4d: {  	s29 =	simm.s32 $0x900;
	[sflag:s13] =	ssyncadd.s32 $0xFFFFE000  }
0x4e: {  	[spmem:s3] =	stream.indirect.scatter.add.f32 [tilespmem:s11], [sflag:$0x3], $0x40, s29, s10, $0xb8;
	[tilespmem:$0x19000] =	vst v63  }
0x4f: {  	_ =	swait.ge [sflag:s7], $0x2000  }
0x50: {  	[sflag:s7] =	ssyncset.done $0x0  }
0x51: {  	s30 =	simm.s32 $0x200;
	[sflag:s7] =	ssyncadd.s32 $0xFFFFE000  }
0x52: {  	[tilespmem:s11], [sflag:$0x1] =	stream.indirect.gather [spmem:s2], $0x40, s30, s10, $0xb8;
	[tilespmem:$0x19000] =	vst v63  }
0x53: {  	_ =	swait.ge [sflag:s15], $0x2000  }
0x54: {  	[sflag:s15] =	ssyncset.done $0x0  }
0x55: {  	s31 =	simm.s32 $0x980;
	[sflag:s15] =	ssyncadd.s32 $0xFFFFE000  }
0x56: {  	[spmem:s3] =	stream.indirect.scatter.add.f32 [tilespmem:s12], [sflag:$0x3], $0x40, s31, s10, $0xb8;
	[tilespmem:$0x19000] =	vst v63  }
0x57: {  	_ =	swait.ge [sflag:s7], $0x2000  }
0x58: {  	[sflag:s7] =	ssyncset.done $0x0  }
0x59: {  	s5 =	simm.s32 $0x280;
	[sflag:s7] =	ssyncadd.s32 $0xFFFFE000  }
0x5a: {  	[tilespmem:s12], [sflag:$0x2] =	stream.indirect.gather [spmem:s2], $0x40, s5, s10, $0xb8;
	[tilespmem:$0x19000] =	vst v63  }
0x5b: {  	_ =	swait.ge [sflag:s13], $0x2000  }
0x5c: {  	[sflag:s13] =	ssyncset.done $0x0  }
0x5d: {  	s6 =	simm.s32 $0xA00;
	[sflag:s13] =	ssyncadd.s32 $0xFFFFE000  }
0x5e: {  	[spmem:s3] =	stream.indirect.scatter.add.f32 [tilespmem:s11], [sflag:$0x3], $0x40, s6, s10, $0xb8;
	[tilespmem:$0x19000] =	vst v63  }
0x5f: {  	_ =	swait.ge [sflag:s7], $0x2000  }
0x60: {  	[sflag:s7] =	ssyncset.done $0x0  }
0x61: {  	s8 =	simm.s32 $0x300;
	[sflag:s7] =	ssyncadd.s32 $0xFFFFE000  }
0x62: {  	[tilespmem:s11], [sflag:$0x1] =	stream.indirect.gather [spmem:s2], $0x40, s8, s10, $0xb8;
	[tilespmem:$0x19000] =	vst v63  }
0x63: {  	_ =	swait.ge [sflag:s15], $0x2000  }
0x64: {  	[sflag:s15] =	ssyncset.done $0x0  }
0x65: {  	s14 =	simm.s32 $0xA80;
	[sflag:s15] =	ssyncadd.s32 $0xFFFFE000  }
0x66: {  	[spmem:s3] =	stream.indirect.scatter.add.f32 [tilespmem:s12], [sflag:$0x3], $0x40, s14, s10, $0xb8;
	[tilespmem:$0x19000] =	vst v63  }
0x67: {  	_ =	swait.ge [sflag:s7], $0x2000  }
0x68: {  	[sflag:s7] =	ssyncset.done $0x0  }
0x69: {  	s16 =	simm.s32 $0x380;
	[sflag:s7] =	ssyncadd.s32 $0xFFFFE000  }
0x6a: {  	[tilespmem:s12], [sflag:$0x2] =	stream.indirect.gather [spmem:s2], $0x40, s16, s10, $0xb8;
	[tilespmem:$0x19000] =	vst v63  }
0x6b: {  	_ =	swait.ge [sflag:s13], $0x2000  }
0x6c: {  	[sflag:s13] =	ssyncset.done $0x0  }
0x6d: {  	s17 =	simm.s32 $0xB00;
	[sflag:s13] =	ssyncadd.s32 $0xFFFFE000  }
0x6e: {  	[spmem:s3] =	stream.indirect.scatter.add.f32 [tilespmem:s11], [sflag:$0x3], $0x40, s17, s10, $0xb8;
	[tilespmem:$0x19000] =	vst v63  }
0x6f: {  	_ =	swait.ge [sflag:s7], $0x2000  }
0x70: {  	[sflag:s7] =	ssyncset.done $0x0  }
0x71: {  	s18 =	simm.s32 $0x400;
	[sflag:s7] =	ssyncadd.s32 $0xFFFFE000  }
0x72: {  	[tilespmem:s11], [sflag:$0x1] =	stream.indirect.gather [spmem:s2], $0x40, s18, s10, $0xb8;
	[tilespmem:$0x19000] =	vst v63  }
0x73: {  	_ =	swait.ge [sflag:s15], $0x2000  }
0x74: {  	[sflag:s15] =	ssyncset.done $0x0  }
0x75: {  	s19 =	simm.s32 $0xB80;
	[sflag:s15] =	ssyncadd.s32 $0xFFFFE000  }
0x76: {  	[spmem:s3] =	stream.indirect.scatter.add.f32 [tilespmem:s12], [sflag:$0x3], $0x40, s19, s10, $0xb8;
	[tilespmem:$0x19000] =	vst v63  }
0x77: {  	_ =	swait.ge [sflag:s7], $0x2000  }
0x78: {  	[sflag:s7] =	ssyncset.done $0x0  }
0x79: {  	s24 =	simm.s32 $0x480;
	[sflag:s7] =	ssyncadd.s32 $0xFFFFE000  }
0x7a: {  	[tilespmem:s12], [sflag:$0x2] =	stream.indirect.gather [spmem:s2], $0x40, s24, s10, $0xb8;
	[tilespmem:$0x19000] =	vst v63  }
0x7b: {  	_ =	swait.ge [sflag:s13], $0x2000  }
0x7c: {  	[sflag:s13] =	ssyncset.done $0x0  }
0x7d: {  	s25 =	simm.s32 $0xC00;
	[sflag:s13] =	ssyncadd.s32 $0xFFFFE000  }
0x7e: {  	[spmem:s3] =	stream.indirect.scatter.add.f32 [tilespmem:s11], [sflag:$0x3], $0x40, s25, s10, $0xb8;
	[tilespmem:$0x19000] =	vst v63  }
0x7f: {  	_ =	swait.ge [sflag:s7], $0x2000  }
0x80: {  	[sflag:s7] =	ssyncset.done $0x0  }
0x81: {  	s29 =	simm.s32 $0x500;
	[sflag:s7] =	ssyncadd.s32 $0xFFFFE000  }
0x82: {  	[tilespmem:s11], [sflag:$0x1] =	stream.indirect.gather [spmem:s2], $0x40, s29, s10, $0xb8;
	[tilespmem:$0x19000] =	vst v63  }
0x83: {  	_ =	swait.ge [sflag:s15], $0x2000  }
0x84: {  	[sflag:s15] =	ssyncset.done $0x0  }
0x85: {  	s30 =	simm.s32 $0xC80;
	[sflag:s15] =	ssyncadd.s32 $0xFFFFE000  }
0x86: {  	[spmem:s3] =	stream.indirect.scatter.add.f32 [tilespmem:s12], [sflag:$0x3], $0x40, s30, s10, $0xb8;
	[tilespmem:$0x19000] =	vst v63  }
0x87: {  	_ =	swait.ge [sflag:s7], $0x2000  }
0x88: {  	[sflag:s7] =	ssyncset.done $0x0  }
0x89: {  	s31 =	simm.s32 $0x580;
	[sflag:s7] =	ssyncadd.s32 $0xFFFFE000  }
0x8a: {  	[tilespmem:s12], [sflag:$0x2] =	stream.indirect.gather [spmem:s2], $0x40, s31, s10, $0xb8;
	[tilespmem:$0x19000] =	vst v63  }
0x8b: {  	_ =	swait.ge [sflag:s13], $0x2000  }
0x8c: {  	[sflag:s13] =	ssyncset.done $0x0  }
0x8d: {  	s5 =	simm.s32 $0xD00;
	[sflag:s13] =	ssyncadd.s32 $0xFFFFE000  }
0x8e: {  	[spmem:s3] =	stream.indirect.scatter.add.f32 [tilespmem:s11], [sflag:$0x3], $0x40, s5, s10, $0xb8;
	[tilespmem:$0x19000] =	vst v63  }
0x8f: {  	_ =	swait.ge [sflag:s7], $0x2000  }
0x90: {  	[sflag:s7] =	ssyncset.done $0x0  }
0x91: {  	s6 =	simm.s32 $0x600;
	[sflag:s7] =	ssyncadd.s32 $0xFFFFE000  }
0x92: {  	[tilespmem:s11], [sflag:$0x1] =	stream.indirect.gather [spmem:s2], $0x40, s6, s10, $0xb8;
	[tilespmem:$0x19000] =	vst v63  }
0x93: {  	_ =	swait.ge [sflag:s15], $0x2000  }
0x94: {  	[sflag:s15] =	ssyncset.done $0x0  }
0x95: {  	s8 =	simm.s32 $0xD80;
	[sflag:s15] =	ssyncadd.s32 $0xFFFFE000  }
0x96: {  	[spmem:s3] =	stream.indirect.scatter.add.f32 [tilespmem:s12], [sflag:$0x3], $0x40, s8, s10, $0xb8;
	[tilespmem:$0x19000] =	vst v63  }
0x97: {  	_ =	swait.ge [sflag:s7], $0x2000  }
0x98: {  	[sflag:s7] =	ssyncset.done $0x0  }
0x99: {  	s14 =	simm.s32 $0x680;
	[sflag:s7] =	ssyncadd.s32 $0xFFFFE000  }
0x9a: {  	[tilespmem:s12], [sflag:$0x2] =	stream.indirect.gather [spmem:s2], $0x40, s14, s10, $0xb8;
	[tilespmem:$0x19000] =	vst v63  }
0x9b: {  	_ =	swait.ge [sflag:s13], $0x2000  }
0x9c: {  	[sflag:s13] =	ssyncset.done $0x0  }
0x9d: {  	s16 =	simm.s32 $0xE00;
	[sflag:s13] =	ssyncadd.s32 $0xFFFFE000  }
0x9e: {  	[spmem:s3] =	stream.indirect.scatter.add.f32 [tilespmem:s11], [sflag:$0x3], $0x40, s16, s10, $0xb8;
	[tilespmem:$0x19000] =	vst v63  }
0x9f: {  	_ =	swait.ge [sflag:s7], $0x2000  }
0xa0: {  	[sflag:s7] =	ssyncset.done $0x0  }
0xa1: {  	s17 =	simm.s32 $0x700;
	[sflag:s7] =	ssyncadd.s32 $0xFFFFE000  }
0xa2: {  	[tilespmem:s11], [sflag:$0x1] =	stream.indirect.gather [spmem:s2], $0x40, s17, s10, $0xb8;
	[tilespmem:$0x19000] =	vst v63  }
0xa3: {  	_ =	swait.ge [sflag:s15], $0x2000  }
0xa4: {  	[sflag:s15] =	ssyncset.done $0x0  }
0xa5: {  	s18 =	simm.s32 $0xE80;
	[sflag:s15] =	ssyncadd.s32 $0xFFFFE000  }
0xa6: {  	[spmem:s3] =	stream.indirect.scatter.add.f32 [tilespmem:s12], [sflag:$0x3], $0x40, s18, s10, $0xb8;
	[tilespmem:$0x19000] =	vst v63  }
0xa7: {  	_ =	swait.ge [sflag:s7], $0x2000  }
0xa8: {  	[sflag:s7] =	ssyncset.done $0x0  }
0xa9: {  	s19 =	simm.s32 $0x780;
	[sflag:s7] =	ssyncadd.s32 $0xFFFFE000  }
0xaa: {  	[tilespmem:s12], [sflag:$0x2] =	stream.indirect.gather [spmem:s2], $0x40, s19, s10, $0xb8;
	[tilespmem:$0x19000] =	vst v63  }
0xab: {  	_ =	swait.ge [sflag:s13], $0x2000  }
0xac: {  	[sflag:s13] =	ssyncset.done $0x0  }
0xad: {  	s29 =	simm.s32 $0xF00;
	[sflag:s13] =	ssyncadd.s32 $0xFFFFE000  }
0xae: {  	[spmem:s3] =	stream.indirect.scatter.add.f32 [tilespmem:s11], [sflag:$0x3], $0x40, s29, s10, $0xb8;
	[tilespmem:$0x19000] =	vst v63  }
0xaf: {  	_ =	swait.ge [sflag:s7], $0x2000  }
0xb0: {  	[sflag:s7] =	ssyncset.done $0x0  }
0xb1: {  	[sflag:s7] =	ssyncadd.s32 $0xFFFFE000  }
0xb2: {  	_ =	swait.ge [sflag:s15], $0x2000  }
0xb3: {  	[sflag:s15] =	ssyncset.done $0x0  }
0xb4: {  	s30 =	simm.s32 $0xF80;
	[sflag:s15] =	ssyncadd.s32 $0xFFFFE000  }
0xb5: {  	[spmem:s3] =	stream.indirect.scatter.add.f32 [tilespmem:s12], [sflag:$0x3], $0x40, s30, s10, $0xb8;
	[tilespmem:$0x19000] =	vst v63  }
0xb6: {  	_ =	swait.ge [sflag:s7], $0x2000  }
0xb7: {  	[sflag:s7] =	ssyncset.done $0x0  }
0xb8: {  	s31 =	rddreg [dreg:$0x8];
	[sflag:s7] =	ssyncadd.s32 $0xFFFFE000  }
0xb9: {  	[tilespmem:s4], [sflag:$0x3] =	stream.linear.gather [hbm4b:s31+s4], $0x800, $0x38;
	[tilespmem:$0x19000] =	vst v63  }
0xba: {  	_ =	swait.ge [sflag:s7], $0x800  }
0xbb: {  	[sflag:s7] =	ssyncset.done $0x0  }
0xbc: {  	s0 =	rddreg [dreg:$0x9];
	[sflag:s7] =	ssyncadd.s32 $0xFFFFF800  }
0xbd: {  	[tilespmem:s9], [sflag:$0x3] =	stream.linear.gather [hbm4b:s0+s4], $0x800, $0x38;
	[tilespmem:$0x19000] =	vst v63  }
0xbe: {  	_ =	swait.ge [sflag:s7], $0x800  }
0xbf: {  	[sflag:s7] =	ssyncset.done $0x0  }
0xc0: {  	[sflag:s7] =	ssyncadd.s32 $0xFFFFF800  }
0xc1: {  	[tilespmem:s11], [sflag:$0x1] =	stream.indirect.gather [spmem:s2], $0x40, s4, s10, $0xb8;
	[tilespmem:$0x19000] =	vst v63  }
0xc2: {  	_ = 	snop  }
0xc3: {  	[tilespmem:s12], [sflag:$0x2] =	stream.indirect.gather [spmem:s2], $0x40, s10, s10, $0xb8;
	[tilespmem:$0x19000] =	vst v63  }
0xc4: {  	_ =	swait.ge [sflag:s13], $0x2000  }
0xc5: {  	[sflag:s13] =	ssyncset.done $0x0  }
0xc6: {  	[sflag:s13] =	ssyncadd.s32 $0xFFFFE000  }
0xc7: {  	[spmem:s3] =	stream.indirect.scatter.add.f32 [tilespmem:s11], [sflag:$0x3], $0x40, s9, s10, $0xb8;
	[tilespmem:$0x19000] =	vst v63  }
0xc8: {  	_ =	swait.ge [sflag:s7], $0x2000  }
0xc9: {  	[sflag:s7] =	ssyncset.done $0x0  }
0xca: {  	s1 =	simm.s32 $0x100;
	[sflag:s7] =	ssyncadd.s32 $0xFFFFE000  }
0xcb: {  	[tilespmem:s11], [sflag:$0x1] =	stream.indirect.gather [spmem:s2], $0x40, s1, s10, $0xb8;
	[tilespmem:$0x19000] =	vst v63  }
0xcc: {  	_ =	swait.ge [sflag:s15], $0x2000  }
0xcd: {  	[sflag:s15] =	ssyncset.done $0x0  }
0xce: {  	s22 =	simm.s32 $0x880;
	[sflag:s15] =	ssyncadd.s32 $0xFFFFE000  }
0xcf: {  	[spmem:s3] =	stream.indirect.scatter.add.f32 [tilespmem:s12], [sflag:$0x3], $0x40, s22, s10, $0xb8;
	[tilespmem:$0x19000] =	vst v63  }
0xd0: {  	_ =	swait.ge [sflag:s7], $0x2000  }
0xd1: {  	[sflag:s7] =	ssyncset.done $0x0  }
0xd2: {  	s23 =	simm.s32 $0x180;
	[sflag:s7] =	ssyncadd.s32 $0xFFFFE000  }
0xd3: {  	[tilespmem:s12], [sflag:$0x2] =	stream.indirect.gather [spmem:s2], $0x40, s23, s10, $0xb8;
	[tilespmem:$0x19000] =	vst v63  }
0xd4: {  	_ =	swait.ge [sflag:s13], $0x2000  }
0xd5: {  	[sflag:s13] =	ssyncset.done $0x0  }
0xd6: {  	s26 =	simm.s32 $0x900;
	[sflag:s13] =	ssyncadd.s32 $0xFFFFE000  }
0xd7: {  	[spmem:s3] =	stream.indirect.scatter.add.f32 [tilespmem:s11], [sflag:$0x3], $0x40, s26, s10, $0xb8;
	[tilespmem:$0x19000] =	vst v63  }
0xd8: {  	_ =	swait.ge [sflag:s7], $0x2000  }
0xd9: {  	[sflag:s7] =	ssyncset.done $0x0  }
0xda: {  	s28 =	simm.s32 $0x200;
	[sflag:s7] =	ssyncadd.s32 $0xFFFFE000  }
0xdb: {  	[tilespmem:s11], [sflag:$0x1] =	stream.indirect.gather [spmem:s2], $0x40, s28, s10, $0xb8;
	[tilespmem:$0x19000] =	vst v63  }
0xdc: {  	_ =	swait.ge [sflag:s15], $0x2000  }
0xdd: {  	[sflag:s15] =	ssyncset.done $0x0  }
0xde: {  	s20 =	simm.s32 $0x980;
	[sflag:s15] =	ssyncadd.s32 $0xFFFFE000  }
0xdf: {  	[spmem:s3] =	stream.indirect.scatter.add.f32 [tilespmem:s12], [sflag:$0x3], $0x40, s20, s10, $0xb8;
	[tilespmem:$0x19000] =	vst v63  }
0xe0: {  	_ =	swait.ge [sflag:s7], $0x2000  }
0xe1: {  	[sflag:s7] =	ssyncset.done $0x0  }
0xe2: {  	s20 =	simm.s32 $0x280;
	[sflag:s7] =	ssyncadd.s32 $0xFFFFE000  }
0xe3: {  	[tilespmem:s12], [sflag:$0x2] =	stream.indirect.gather [spmem:s2], $0x40, s20, s10, $0xb8;
	[tilespmem:$0x19000] =	vst v63  }
0xe4: {  	_ =	swait.ge [sflag:s13], $0x2000  }
0xe5: {  	[sflag:s13] =	ssyncset.done $0x0  }
0xe6: {  	s21 =	simm.s32 $0xA00;
	[sflag:s13] =	ssyncadd.s32 $0xFFFFE000  }
0xe7: {  	[spmem:s3] =	stream.indirect.scatter.add.f32 [tilespmem:s11], [sflag:$0x3], $0x40, s21, s10, $0xb8;
	[tilespmem:$0x19000] =	vst v63  }
0xe8: {  	_ =	swait.ge [sflag:s7], $0x2000  }
0xe9: {  	[sflag:s7] =	ssyncset.done $0x0  }
0xea: {  	s21 =	simm.s32 $0x300;
	[sflag:s7] =	ssyncadd.s32 $0xFFFFE000  }
0xeb: {  	[tilespmem:s11], [sflag:$0x1] =	stream.indirect.gather [spmem:s2], $0x40, s21, s10, $0xb8;
	[tilespmem:$0x19000] =	vst v63  }
0xec: {  	_ =	swait.ge [sflag:s15], $0x2000  }
0xed: {  	[sflag:s15] =	ssyncset.done $0x0  }
0xee: {  	s22 =	simm.s32 $0xA80;
	[sflag:s15] =	ssyncadd.s32 $0xFFFFE000  }
0xef: {  	[spmem:s3] =	stream.indirect.scatter.add.f32 [tilespmem:s12], [sflag:$0x3], $0x40, s22, s10, $0xb8;
	[tilespmem:$0x19000] =	vst v63  }
0xf0: {  	_ =	swait.ge [sflag:s7], $0x2000  }
0xf1: {  	[sflag:s7] =	ssyncset.done $0x0  }
0xf2: {  	s23 =	simm.s32 $0x380;
	[sflag:s7] =	ssyncadd.s32 $0xFFFFE000  }
0xf3: {  	[tilespmem:s12], [sflag:$0x2] =	stream.indirect.gather [spmem:s2], $0x40, s23, s10, $0xb8;
	[tilespmem:$0x19000] =	vst v63  }
0xf4: {  	_ =	swait.ge [sflag:s13], $0x2000  }
0xf5: {  	[sflag:s13] =	ssyncset.done $0x0  }
0xf6: {  	s26 =	simm.s32 $0xB00;
	[sflag:s13] =	ssyncadd.s32 $0xFFFFE000  }
0xf7: {  	[spmem:s3] =	stream.indirect.scatter.add.f32 [tilespmem:s11], [sflag:$0x3], $0x40, s26, s10, $0xb8;
	[tilespmem:$0x19000] =	vst v63  }
0xf8: {  	_ =	swait.ge [sflag:s7], $0x2000  }
0xf9: {  	[sflag:s7] =	ssyncset.done $0x0  }
0xfa: {  	s28 =	simm.s32 $0x400;
	[sflag:s7] =	ssyncadd.s32 $0xFFFFE000  }
0xfb: {  	[tilespmem:s11], [sflag:$0x1] =	stream.indirect.gather [spmem:s2], $0x40, s28, s10, $0xb8;
	[tilespmem:$0x19000] =	vst v63  }
0xfc: {  	_ =	swait.ge [sflag:s15], $0x2000  }
0xfd: {  	[sflag:s15] =	ssyncset.done $0x0  }
0xfe: {  	s29 =	simm.s32 $0xB80;
	[sflag:s15] =	ssyncadd.s32 $0xFFFFE000  }
0xff: {  	[spmem:s3] =	stream.indirect.scatter.add.f32 [tilespmem:s12], [sflag:$0x3], $0x40, s29, s10, $0xb8;
	[tilespmem:$0x19000] =	vst v63  }
0x100: {  	_ =	swait.ge [sflag:s7], $0x2000  }
0x101: {  	[sflag:s7] =	ssyncset.done $0x0  }
0x102: {  	s30 =	simm.s32 $0x480;
	[sflag:s7] =	ssyncadd.s32 $0xFFFFE000  }
0x103: {  	[tilespmem:s12], [sflag:$0x2] =	stream.indirect.gather [spmem:s2], $0x40, s30, s10, $0xb8;
	[tilespmem:$0x19000] =	vst v63  }
0x104: {  	_ =	swait.ge [sflag:s13], $0x2000  }
0x105: {  	[sflag:s13] =	ssyncset.done $0x0  }
0x106: {  	s31 =	simm.s32 $0xC00;
	[sflag:s13] =	ssyncadd.s32 $0xFFFFE000  }
0x107: {  	[spmem:s3] =	stream.indirect.scatter.add.f32 [tilespmem:s11], [sflag:$0x3], $0x40, s31, s10, $0xb8;
	[tilespmem:$0x19000] =	vst v63  }
0x108: {  	_ =	swait.ge [sflag:s7], $0x2000  }
0x109: {  	[sflag:s7] =	ssyncset.done $0x0  }
0x10a: {  	s0 =	simm.s32 $0x500;
	[sflag:s7] =	ssyncadd.s32 $0xFFFFE000  }
0x10b: {  	[tilespmem:s11], [sflag:$0x1] =	stream.indirect.gather [spmem:s2], $0x40, s0, s10, $0xb8;
	[tilespmem:$0x19000] =	vst v63  }
0x10c: {  	_ =	swait.ge [sflag:s15], $0x2000  }
0x10d: {  	[sflag:s15] =	ssyncset.done $0x0  }
0x10e: {  	s1 =	simm.s32 $0xC80;
	[sflag:s15] =	ssyncadd.s32 $0xFFFFE000  }
0x10f: {  	[spmem:s3] =	stream.indirect.scatter.add.f32 [tilespmem:s12], [sflag:$0x3], $0x40, s1, s10, $0xb8;
	[tilespmem:$0x19000] =	vst v63  }
0x110: {  	_ =	swait.ge [sflag:s7], $0x2000  }
0x111: {  	[sflag:s7] =	ssyncset.done $0x0  }
0x112: {  	s24 =	simm.s32 $0x580;
	[sflag:s7] =	ssyncadd.s32 $0xFFFFE000  }
0x113: {  	[tilespmem:s12], [sflag:$0x2] =	stream.indirect.gather [spmem:s2], $0x40, s24, s10, $0xb8;
	[tilespmem:$0x19000] =	vst v63  }
0x114: {  	_ =	swait.ge [sflag:s13], $0x2000  }
0x115: {  	[sflag:s13] =	ssyncset.done $0x0  }
0x116: {  	s25 =	simm.s32 $0xD00;
	[sflag:s13] =	ssyncadd.s32 $0xFFFFE000  }
0x117: {  	[spmem:s3] =	stream.indirect.scatter.add.f32 [tilespmem:s11], [sflag:$0x3], $0x40, s25, s10, $0xb8;
	[tilespmem:$0x19000] =	vst v63  }
0x118: {  	_ =	swait.ge [sflag:s7], $0x2000  }
0x119: {  	[sflag:s7] =	ssyncset.done $0x0  }
0x11a: {  	s24 =	simm.s32 $0x600;
	[sflag:s7] =	ssyncadd.s32 $0xFFFFE000  }
0x11b: {  	[tilespmem:s11], [sflag:$0x1] =	stream.indirect.gather [spmem:s2], $0x40, s24, s10, $0xb8;
	[tilespmem:$0x19000] =	vst v63  }
0x11c: {  	_ =	swait.ge [sflag:s15], $0x2000  }
0x11d: {  	[sflag:s15] =	ssyncset.done $0x0  }
0x11e: {  	s5 =	simm.s32 $0xD80;
	[sflag:s15] =	ssyncadd.s32 $0xFFFFE000  }
0x11f: {  	[spmem:s3] =	stream.indirect.scatter.add.f32 [tilespmem:s12], [sflag:$0x3], $0x40, s5, s10, $0xb8;
	[tilespmem:$0x19000] =	vst v63  }
0x120: {  	_ =	swait.ge [sflag:s7], $0x2000  }
0x121: {  	[sflag:s7] =	ssyncset.done $0x0  }
0x122: {  	s6 =	simm.s32 $0x680;
	[sflag:s7] =	ssyncadd.s32 $0xFFFFE000  }
0x123: {  	[tilespmem:s12], [sflag:$0x2] =	stream.indirect.gather [spmem:s2], $0x40, s6, s10, $0xb8;
	[tilespmem:$0x19000] =	vst v63  }
0x124: {  	_ =	swait.ge [sflag:s13], $0x2000  }
0x125: {  	[sflag:s13] =	ssyncset.done $0x0  }
0x126: {  	s8 =	simm.s32 $0xE00;
	[sflag:s13] =	ssyncadd.s32 $0xFFFFE000  }
0x127: {  	[spmem:s3] =	stream.indirect.scatter.add.f32 [tilespmem:s11], [sflag:$0x3], $0x40, s8, s10, $0xb8;
	[tilespmem:$0x19000] =	vst v63  }
0x128: {  	_ =	swait.ge [sflag:s7], $0x2000  }
0x129: {  	[sflag:s7] =	ssyncset.done $0x0  }
0x12a: {  	s14 =	simm.s32 $0x700;
	[sflag:s7] =	ssyncadd.s32 $0xFFFFE000  }
0x12b: {  	[tilespmem:s11], [sflag:$0x1] =	stream.indirect.gather [spmem:s2], $0x40, s14, s10, $0xb8;
	[tilespmem:$0x19000] =	vst v63  }
0x12c: {  	_ =	swait.ge [sflag:s15], $0x2000  }
0x12d: {  	[sflag:s15] =	ssyncset.done $0x0  }
0x12e: {  	s16 =	simm.s32 $0xE80;
	[sflag:s15] =	ssyncadd.s32 $0xFFFFE000  }
0x12f: {  	[spmem:s3] =	stream.indirect.scatter.add.f32 [tilespmem:s12], [sflag:$0x3], $0x40, s16, s10, $0xb8;
	[tilespmem:$0x19000] =	vst v63  }
0x130: {  	_ =	swait.ge [sflag:s7], $0x2000  }
0x131: {  	[sflag:s7] =	ssyncset.done $0x0  }
0x132: {  	s17 =	simm.s32 $0x780;
	[sflag:s7] =	ssyncadd.s32 $0xFFFFE000  }
0x133: {  	[tilespmem:s12], [sflag:$0x2] =	stream.indirect.gather [spmem:s2], $0x40, s17, s10, $0xb8;
	[tilespmem:$0x19000] =	vst v63  }
0x134: {  	_ =	swait.ge [sflag:s13], $0x2000  }
0x135: {  	[sflag:s13] =	ssyncset.done $0x0  }
0x136: {  	s18 =	simm.s32 $0xF00;
	[sflag:s13] =	ssyncadd.s32 $0xFFFFE000  }
0x137: {  	[spmem:s3] =	stream.indirect.scatter.add.f32 [tilespmem:s11], [sflag:$0x3], $0x40, s18, s10, $0xb8;
	[tilespmem:$0x19000] =	vst v63  }
0x138: {  	_ =	swait.ge [sflag:s7], $0x2000  }
0x139: {  	[sflag:s7] =	ssyncset.done $0x0  }
0x13a: {  	[sflag:s7] =	ssyncadd.s32 $0xFFFFE000  }
0x13b: {  	_ =	swait.ge [sflag:s15], $0x2000  }
0x13c: {  	[sflag:s15] =	ssyncset.done $0x0  }
0x13d: {  	s19 =	simm.s32 $0xF80;
	[sflag:s15] =	ssyncadd.s32 $0xFFFFE000  }
0x13e: {  	[spmem:s3] =	stream.indirect.scatter.add.f32 [tilespmem:s12], [sflag:$0x3], $0x40, s19, s10, $0xb8;
	[tilespmem:$0x19000] =	vst v63  }
0x13f: {  	_ =	swait.ge [sflag:s7], $0x2000  }
0x140: {  	[sflag:s7] =	ssyncset.done $0x0  }
0x141: {  	s24 =	rddreg [dreg:$0xa];
	[sflag:s7] =	ssyncadd.s32 $0xFFFFE000  }
0x142: {  	[tilespmem:s4], [sflag:$0x3] =	stream.linear.gather [hbm4b:s24+s4], $0x800, $0x38;
	[tilespmem:$0x19000] =	vst v63  }
0x143: {  	_ =	swait.ge [sflag:s7], $0x800  }
0x144: {  	[sflag:s7] =	ssyncset.done $0x0  }
0x145: {  	s24 =	rddreg [dreg:$0xb];
	[sflag:s7] =	ssyncadd.s32 $0xFFFFF800  }
0x146: {  	[tilespmem:s9], [sflag:$0x3] =	stream.linear.gather [hbm4b:s24+s4], $0x800, $0x38;
	[tilespmem:$0x19000] =	vst v63  }
0x147: {  	_ =	swait.ge [sflag:s7], $0x800  }
0x148: {  	[sflag:s7] =	ssyncset.done $0x0  }
0x149: {  	[sflag:s7] =	ssyncadd.s32 $0xFFFFF800  }
0x14a: {  	[tilespmem:s11], [sflag:$0x1] =	stream.indirect.gather [spmem:s2], $0x40, s4, s10, $0xb8;
	[tilespmem:$0x19000] =	vst v63  }
0x14b: {  	_ = 	snop  }
0x14c: {  	[tilespmem:s12], [sflag:$0x2] =	stream.indirect.gather [spmem:s2], $0x40, s10, s10, $0xb8;
	[tilespmem:$0x19000] =	vst v63  }
0x14d: {  	_ =	swait.ge [sflag:s13], $0x2000  }
0x14e: {  	[sflag:s13] =	ssyncset.done $0x0  }
0x14f: {  	[sflag:s13] =	ssyncadd.s32 $0xFFFFE000  }
0x150: {  	[spmem:s3] =	stream.indirect.scatter.add.f32 [tilespmem:s11], [sflag:$0x3], $0x40, s9, s10, $0xb8;
	[tilespmem:$0x19000] =	vst v63  }
0x151: {  	_ =	swait.ge [sflag:s7], $0x2000  }
0x152: {  	[sflag:s7] =	ssyncset.done $0x0  }
0x153: {  	s24 =	simm.s32 $0x100;
	[sflag:s7] =	ssyncadd.s32 $0xFFFFE000  }
0x154: {  	[tilespmem:s11], [sflag:$0x1] =	stream.indirect.gather [spmem:s2], $0x40, s24, s10, $0xb8;
	[tilespmem:$0x19000] =	vst v63  }
0x155: {  	_ =	swait.ge [sflag:s15], $0x2000  }
0x156: {  	[sflag:s15] =	ssyncset.done $0x0  }
0x157: {  	s24 =	simm.s32 $0x880;
	[sflag:s15] =	ssyncadd.s32 $0xFFFFE000  }
0x158: {  	[spmem:s3] =	stream.indirect.scatter.add.f32 [tilespmem:s12], [sflag:$0x3], $0x40, s24, s10, $0xb8;
	[tilespmem:$0x19000] =	vst v63  }
0x159: {  	_ =	swait.ge [sflag:s7], $0x2000  }
0x15a: {  	[sflag:s7] =	ssyncset.done $0x0  }
0x15b: {  	s24 =	simm.s32 $0x180;
	[sflag:s7] =	ssyncadd.s32 $0xFFFFE000  }
0x15c: {  	[tilespmem:s12], [sflag:$0x2] =	stream.indirect.gather [spmem:s2], $0x40, s24, s10, $0xb8;
	[tilespmem:$0x19000] =	vst v63  }
0x15d: {  	_ =	swait.ge [sflag:s13], $0x2000  }
0x15e: {  	[sflag:s13] =	ssyncset.done $0x0  }
0x15f: {  	s24 =	simm.s32 $0x900;
	[sflag:s13] =	ssyncadd.s32 $0xFFFFE000  }
0x160: {  	[spmem:s3] =	stream.indirect.scatter.add.f32 [tilespmem:s11], [sflag:$0x3], $0x40, s24, s10, $0xb8;
	[tilespmem:$0x19000] =	vst v63  }
0x161: {  	_ =	swait.ge [sflag:s7], $0x2000  }
0x162: {  	[sflag:s7] =	ssyncset.done $0x0  }
0x163: {  	s24 =	simm.s32 $0x200;
	[sflag:s7] =	ssyncadd.s32 $0xFFFFE000  }
0x164: {  	[tilespmem:s11], [sflag:$0x1] =	stream.indirect.gather [spmem:s2], $0x40, s24, s10, $0xb8;
	[tilespmem:$0x19000] =	vst v63  }
0x165: {  	_ =	swait.ge [sflag:s15], $0x2000  }
0x166: {  	[sflag:s15] =	ssyncset.done $0x0  }
0x167: {  	s24 =	simm.s32 $0x980;
	[sflag:s15] =	ssyncadd.s32 $0xFFFFE000  }
0x168: {  	[spmem:s3] =	stream.indirect.scatter.add.f32 [tilespmem:s12], [sflag:$0x3], $0x40, s24, s10, $0xb8;
	[tilespmem:$0x19000] =	vst v63  }
0x169: {  	_ =	swait.ge [sflag:s7], $0x2000  }
0x16a: {  	[sflag:s7] =	ssyncset.done $0x0  }
0x16b: {  	[sflag:s7] =	ssyncadd.s32 $0xFFFFE000  }
0x16c: {  	[tilespmem:s12], [sflag:$0x2] =	stream.indirect.gather [spmem:s2], $0x40, s20, s10, $0xb8;
	[tilespmem:$0x19000] =	vst v63  }
0x16d: {  	_ =	swait.ge [sflag:s13], $0x2000  }
0x16e: {  	[sflag:s13] =	ssyncset.done $0x0  }
0x16f: {  	s24 =	simm.s32 $0xA00;
	[sflag:s13] =	ssyncadd.s32 $0xFFFFE000  }
0x170: {  	[spmem:s3] =	stream.indirect.scatter.add.f32 [tilespmem:s11], [sflag:$0x3], $0x40, s24, s10, $0xb8;
	[tilespmem:$0x19000] =	vst v63  }
0x171: {  	_ =	swait.ge [sflag:s7], $0x2000  }
0x172: {  	[sflag:s7] =	ssyncset.done $0x0  }
0x173: {  	[sflag:s7] =	ssyncadd.s32 $0xFFFFE000  }
0x174: {  	[tilespmem:s11], [sflag:$0x1] =	stream.indirect.gather [spmem:s2], $0x40, s21, s10, $0xb8;
	[tilespmem:$0x19000] =	vst v63  }
0x175: {  	_ =	swait.ge [sflag:s15], $0x2000  }
0x176: {  	[sflag:s15] =	ssyncset.done $0x0  }
0x177: {  	[sflag:s15] =	ssyncadd.s32 $0xFFFFE000  }
0x178: {  	[spmem:s3] =	stream.indirect.scatter.add.f32 [tilespmem:s12], [sflag:$0x3], $0x40, s22, s10, $0xb8;
	[tilespmem:$0x19000] =	vst v63  }
0x179: {  	_ =	swait.ge [sflag:s7], $0x2000  }
0x17a: {  	[sflag:s7] =	ssyncset.done $0x0  }
0x17b: {  	[sflag:s7] =	ssyncadd.s32 $0xFFFFE000  }
0x17c: {  	[tilespmem:s12], [sflag:$0x2] =	stream.indirect.gather [spmem:s2], $0x40, s23, s10, $0xb8;
	[tilespmem:$0x19000] =	vst v63  }
0x17d: {  	_ =	swait.ge [sflag:s13], $0x2000  }
0x17e: {  	[sflag:s13] =	ssyncset.done $0x0  }
0x17f: {  	[sflag:s13] =	ssyncadd.s32 $0xFFFFE000  }
0x180: {  	[spmem:s3] =	stream.indirect.scatter.add.f32 [tilespmem:s11], [sflag:$0x3], $0x40, s26, s10, $0xb8;
	[tilespmem:$0x19000] =	vst v63  }
0x181: {  	_ =	swait.ge [sflag:s7], $0x2000  }
0x182: {  	[sflag:s7] =	ssyncset.done $0x0  }
0x183: {  	[sflag:s7] =	ssyncadd.s32 $0xFFFFE000  }
0x184: {  	[tilespmem:s11], [sflag:$0x1] =	stream.indirect.gather [spmem:s2], $0x40, s28, s10, $0xb8;
	[tilespmem:$0x19000] =	vst v63  }
0x185: {  	_ =	swait.ge [sflag:s15], $0x2000  }
0x186: {  	[sflag:s15] =	ssyncset.done $0x0  }
0x187: {  	[sflag:s15] =	ssyncadd.s32 $0xFFFFE000  }
0x188: {  	[spmem:s3] =	stream.indirect.scatter.add.f32 [tilespmem:s12], [sflag:$0x3], $0x40, s29, s10, $0xb8;
	[tilespmem:$0x19000] =	vst v63  }
0x189: {  	_ =	swait.ge [sflag:s7], $0x2000  }
0x18a: {  	[sflag:s7] =	ssyncset.done $0x0  }
0x18b: {  	[sflag:s7] =	ssyncadd.s32 $0xFFFFE000  }
0x18c: {  	[tilespmem:s12], [sflag:$0x2] =	stream.indirect.gather [spmem:s2], $0x40, s30, s10, $0xb8;
	[tilespmem:$0x19000] =	vst v63  }
0x18d: {  	_ =	swait.ge [sflag:s13], $0x2000  }
0x18e: {  	[sflag:s13] =	ssyncset.done $0x0  }
0x18f: {  	[sflag:s13] =	ssyncadd.s32 $0xFFFFE000  }
0x190: {  	[spmem:s3] =	stream.indirect.scatter.add.f32 [tilespmem:s11], [sflag:$0x3], $0x40, s31, s10, $0xb8;
	[tilespmem:$0x19000] =	vst v63  }
0x191: {  	_ =	swait.ge [sflag:s7], $0x2000  }
0x192: {  	[sflag:s7] =	ssyncset.done $0x0  }
0x193: {  	[sflag:s7] =	ssyncadd.s32 $0xFFFFE000  }
0x194: {  	[tilespmem:s11], [sflag:$0x1] =	stream.indirect.gather [spmem:s2], $0x40, s0, s10, $0xb8;
	[tilespmem:$0x19000] =	vst v63  }
0x195: {  	_ =	swait.ge [sflag:s15], $0x2000  }
0x196: {  	[sflag:s15] =	ssyncset.done $0x0  }
0x197: {  	[sflag:s15] =	ssyncadd.s32 $0xFFFFE000  }
0x198: {  	[spmem:s3] =	stream.indirect.scatter.add.f32 [tilespmem:s12], [sflag:$0x3], $0x40, s1, s10, $0xb8;
	[tilespmem:$0x19000] =	vst v63  }
0x199: {  	_ =	swait.ge [sflag:s7], $0x2000  }
0x19a: {  	[sflag:s7] =	ssyncset.done $0x0  }
0x19b: {  	s24 =	simm.s32 $0x580;
	[sflag:s7] =	ssyncadd.s32 $0xFFFFE000  }
0x19c: {  	[tilespmem:s12], [sflag:$0x2] =	stream.indirect.gather [spmem:s2], $0x40, s24, s10, $0xb8;
	[tilespmem:$0x19000] =	vst v63  }
0x19d: {  	_ =	swait.ge [sflag:s13], $0x2000  }
0x19e: {  	[sflag:s13] =	ssyncset.done $0x0  }
0x19f: {  	s25 =	simm.s32 $0xD00;
	[sflag:s13] =	ssyncadd.s32 $0xFFFFE000  }
0x1a0: {  	[spmem:s3] =	stream.indirect.scatter.add.f32 [tilespmem:s11], [sflag:$0x3], $0x40, s25, s10, $0xb8;
	[tilespmem:$0x19000] =	vst v63  }
0x1a1: {  	_ =	swait.ge [sflag:s7], $0x2000  }
0x1a2: {  	[sflag:s7] =	ssyncset.done $0x0  }
0x1a3: {  	s24 =	simm.s32 $0x600;
	[sflag:s7] =	ssyncadd.s32 $0xFFFFE000  }
0x1a4: {  	[tilespmem:s11], [sflag:$0x1] =	stream.indirect.gather [spmem:s2], $0x40, s24, s10, $0xb8;
	[tilespmem:$0x19000] =	vst v63  }
0x1a5: {  	_ =	swait.ge [sflag:s15], $0x2000  }
0x1a6: {  	[sflag:s15] =	ssyncset.done $0x0  }
0x1a7: {  	s5 =	simm.s32 $0xD80;
	[sflag:s15] =	ssyncadd.s32 $0xFFFFE000  }
0x1a8: {  	[spmem:s3] =	stream.indirect.scatter.add.f32 [tilespmem:s12], [sflag:$0x3], $0x40, s5, s10, $0xb8;
	[tilespmem:$0x19000] =	vst v63  }
0x1a9: {  	_ =	swait.ge [sflag:s7], $0x2000  }
0x1aa: {  	[sflag:s7] =	ssyncset.done $0x0  }
0x1ab: {  	s6 =	simm.s32 $0x680;
	[sflag:s7] =	ssyncadd.s32 $0xFFFFE000  }
0x1ac: {  	[tilespmem:s12], [sflag:$0x2] =	stream.indirect.gather [spmem:s2], $0x40, s6, s10, $0xb8;
	[tilespmem:$0x19000] =	vst v63  }
0x1ad: {  	_ =	swait.ge [sflag:s13], $0x2000  }
0x1ae: {  	[sflag:s13] =	ssyncset.done $0x0  }
0x1af: {  	s8 =	simm.s32 $0xE00;
	[sflag:s13] =	ssyncadd.s32 $0xFFFFE000  }
0x1b0: {  	[spmem:s3] =	stream.indirect.scatter.add.f32 [tilespmem:s11], [sflag:$0x3], $0x40, s8, s10, $0xb8;
	[tilespmem:$0x19000] =	vst v63  }
0x1b1: {  	_ =	swait.ge [sflag:s7], $0x2000  }
0x1b2: {  	[sflag:s7] =	ssyncset.done $0x0  }
0x1b3: {  	s14 =	simm.s32 $0x700;
	[sflag:s7] =	ssyncadd.s32 $0xFFFFE000  }
0x1b4: {  	[tilespmem:s11], [sflag:$0x1] =	stream.indirect.gather [spmem:s2], $0x40, s14, s10, $0xb8;
	[tilespmem:$0x19000] =	vst v63  }
0x1b5: {  	_ =	swait.ge [sflag:s15], $0x2000  }
0x1b6: {  	[sflag:s15] =	ssyncset.done $0x0  }
0x1b7: {  	s16 =	simm.s32 $0xE80;
	[sflag:s15] =	ssyncadd.s32 $0xFFFFE000  }
0x1b8: {  	[spmem:s3] =	stream.indirect.scatter.add.f32 [tilespmem:s12], [sflag:$0x3], $0x40, s16, s10, $0xb8;
	[tilespmem:$0x19000] =	vst v63  }
0x1b9: {  	_ =	swait.ge [sflag:s7], $0x2000  }
0x1ba: {  	[sflag:s7] =	ssyncset.done $0x0  }
0x1bb: {  	s17 =	simm.s32 $0x780;
	[sflag:s7] =	ssyncadd.s32 $0xFFFFE000  }
0x1bc: {  	[tilespmem:s12], [sflag:$0x2] =	stream.indirect.gather [spmem:s2], $0x40, s17, s10, $0xb8;
	[tilespmem:$0x19000] =	vst v63  }
0x1bd: {  	_ =	swait.ge [sflag:s13], $0x2000  }
0x1be: {  	[sflag:s13] =	ssyncset.done $0x0  }
0x1bf: {  	s18 =	simm.s32 $0xF00;
	[sflag:s13] =	ssyncadd.s32 $0xFFFFE000  }
0x1c0: {  	[spmem:s3] =	stream.indirect.scatter.add.f32 [tilespmem:s11], [sflag:$0x3], $0x40, s18, s10, $0xb8;
	[tilespmem:$0x19000] =	vst v63  }
0x1c1: {  	_ =	swait.ge [sflag:s7], $0x2000  }
0x1c2: {  	[sflag:s7] =	ssyncset.done $0x0  }
0x1c3: {  	[sflag:s7] =	ssyncadd.s32 $0xFFFFE000  }
0x1c4: {  	_ =	swait.ge [sflag:s15], $0x2000  }
0x1c5: {  	[sflag:s15] =	ssyncset.done $0x0  }
0x1c6: {  	s19 =	simm.s32 $0xF80;
	[sflag:s15] =	ssyncadd.s32 $0xFFFFE000  }
0x1c7: {  	[spmem:s3] =	stream.indirect.scatter.add.f32 [tilespmem:s12], [sflag:$0x3], $0x40, s19, s10, $0xb8;
	[tilespmem:$0x19000] =	vst v63  }
0x1c8: {  	_ =	swait.ge [sflag:s7], $0x2000  }
0x1c9: {  	[sflag:s7] =	ssyncset.done $0x0  }
0x1ca: {  	s19 =	rddreg [dreg:$0xc];
	[sflag:s7] =	ssyncadd.s32 $0xFFFFE000  }
0x1cb: {  	[tilespmem:s4], [sflag:$0x3] =	stream.linear.gather [hbm4b:s19+s4], $0x800, $0x38;
	[tilespmem:$0x19000] =	vst v63  }
0x1cc: {  	_ =	swait.ge [sflag:s7], $0x800  }
0x1cd: {  	[sflag:s7] =	ssyncset.done $0x0  }
0x1ce: {  	s19 =	rddreg [dreg:$0xd];
	[sflag:s7] =	ssyncadd.s32 $0xFFFFF800  }
0x1cf: {  	[tilespmem:s9], [sflag:$0x3] =	stream.linear.gather [hbm4b:s19+s4], $0x800, $0x38;
	[tilespmem:$0x19000] =	vst v63  }
0x1d0: {  	_ =	swait.ge [sflag:s7], $0x800  }
0x1d1: {  	[sflag:s7] =	ssyncset.done $0x0  }
0x1d2: {  	[sflag:s7] =	ssyncadd.s32 $0xFFFFF800  }
0x1d3: {  	[tilespmem:s11], [sflag:$0x1] =	stream.indirect.gather [spmem:s2], $0x40, s4, s10, $0xb8;
	[tilespmem:$0x19000] =	vst v63  }
0x1d4: {  	_ = 	snop  }
0x1d5: {  	[tilespmem:s12], [sflag:$0x2] =	stream.indirect.gather [spmem:s2], $0x40, s10, s10, $0xb8;
	[tilespmem:$0x19000] =	vst v63  }
0x1d6: {  	_ =	swait.ge [sflag:s13], $0x2000  }
0x1d7: {  	[sflag:s13] =	ssyncset.done $0x0  }
0x1d8: {  	[sflag:s13] =	ssyncadd.s32 $0xFFFFE000  }
0x1d9: {  	[spmem:s3] =	stream.indirect.scatter.add.f32 [tilespmem:s11], [sflag:$0x3], $0x40, s9, s10, $0xb8;
	[tilespmem:$0x19000] =	vst v63  }
0x1da: {  	_ =	swait.ge [sflag:s7], $0x2000  }
0x1db: {  	[sflag:s7] =	ssyncset.done $0x0  }
0x1dc: {  	s24 =	simm.s32 $0x100;
	[sflag:s7] =	ssyncadd.s32 $0xFFFFE000  }
0x1dd: {  	[tilespmem:s11], [sflag:$0x1] =	stream.indirect.gather [spmem:s2], $0x40, s24, s10, $0xb8;
	[tilespmem:$0x19000] =	vst v63  }
0x1de: {  	_ =	swait.ge [sflag:s15], $0x2000  }
0x1df: {  	[sflag:s15] =	ssyncset.done $0x0  }
0x1e0: {  	s24 =	simm.s32 $0x880;
	[sflag:s15] =	ssyncadd.s32 $0xFFFFE000  }
0x1e1: {  	[spmem:s3] =	stream.indirect.scatter.add.f32 [tilespmem:s12], [sflag:$0x3], $0x40, s24, s10, $0xb8;
	[tilespmem:$0x19000] =	vst v63  }
0x1e2: {  	_ =	swait.ge [sflag:s7], $0x2000  }
0x1e3: {  	[sflag:s7] =	ssyncset.done $0x0  }
0x1e4: {  	s24 =	simm.s32 $0x180;
	[sflag:s7] =	ssyncadd.s32 $0xFFFFE000  }
0x1e5: {  	[tilespmem:s12], [sflag:$0x2] =	stream.indirect.gather [spmem:s2], $0x40, s24, s10, $0xb8;
	[tilespmem:$0x19000] =	vst v63  }
0x1e6: {  	_ =	swait.ge [sflag:s13], $0x2000  }
0x1e7: {  	[sflag:s13] =	ssyncset.done $0x0  }
0x1e8: {  	s24 =	simm.s32 $0x900;
	[sflag:s13] =	ssyncadd.s32 $0xFFFFE000  }
0x1e9: {  	[spmem:s3] =	stream.indirect.scatter.add.f32 [tilespmem:s11], [sflag:$0x3], $0x40, s24, s10, $0xb8;
	[tilespmem:$0x19000] =	vst v63  }
0x1ea: {  	_ =	swait.ge [sflag:s7], $0x2000  }
0x1eb: {  	[sflag:s7] =	ssyncset.done $0x0  }
0x1ec: {  	s24 =	simm.s32 $0x200;
	[sflag:s7] =	ssyncadd.s32 $0xFFFFE000  }
0x1ed: {  	[tilespmem:s11], [sflag:$0x1] =	stream.indirect.gather [spmem:s2], $0x40, s24, s10, $0xb8;
	[tilespmem:$0x19000] =	vst v63  }
0x1ee: {  	_ =	swait.ge [sflag:s15], $0x2000  }
0x1ef: {  	[sflag:s15] =	ssyncset.done $0x0  }
0x1f0: {  	s24 =	simm.s32 $0x980;
	[sflag:s15] =	ssyncadd.s32 $0xFFFFE000  }
0x1f1: {  	[spmem:s3] =	stream.indirect.scatter.add.f32 [tilespmem:s12], [sflag:$0x3], $0x40, s24, s10, $0xb8;
	[tilespmem:$0x19000] =	vst v63  }
0x1f2: {  	_ =	swait.ge [sflag:s7], $0x2000  }
0x1f3: {  	[sflag:s7] =	ssyncset.done $0x0  }
0x1f4: {  	s20 =	simm.s32 $0x280;
	[sflag:s7] =	ssyncadd.s32 $0xFFFFE000  }
0x1f5: {  	[tilespmem:s12], [sflag:$0x2] =	stream.indirect.gather [spmem:s2], $0x40, s20, s10, $0xb8;
	[tilespmem:$0x19000] =	vst v63  }
0x1f6: {  	_ =	swait.ge [sflag:s13], $0x2000  }
0x1f7: {  	[sflag:s13] =	ssyncset.done $0x0  }
0x1f8: {  	s24 =	simm.s32 $0xA00;
	[sflag:s13] =	ssyncadd.s32 $0xFFFFE000  }
0x1f9: {  	[spmem:s3] =	stream.indirect.scatter.add.f32 [tilespmem:s11], [sflag:$0x3], $0x40, s24, s10, $0xb8;
	[tilespmem:$0x19000] =	vst v63  }
0x1fa: {  	_ =	swait.ge [sflag:s7], $0x2000  }
0x1fb: {  	[sflag:s7] =	ssyncset.done $0x0  }
0x1fc: {  	s21 =	simm.s32 $0x300;
	[sflag:s7] =	ssyncadd.s32 $0xFFFFE000  }
0x1fd: {  	[tilespmem:s11], [sflag:$0x1] =	stream.indirect.gather [spmem:s2], $0x40, s21, s10, $0xb8;
	[tilespmem:$0x19000] =	vst v63  }
0x1fe: {  	_ =	swait.ge [sflag:s15], $0x2000  }
0x1ff: {  	[sflag:s15] =	ssyncset.done $0x0  }
0x200: {  	s22 =	simm.s32 $0xA80;
	[sflag:s15] =	ssyncadd.s32 $0xFFFFE000  }
0x201: {  	[spmem:s3] =	stream.indirect.scatter.add.f32 [tilespmem:s12], [sflag:$0x3], $0x40, s22, s10, $0xb8;
	[tilespmem:$0x19000] =	vst v63  }
0x202: {  	_ =	swait.ge [sflag:s7], $0x2000  }
0x203: {  	[sflag:s7] =	ssyncset.done $0x0  }
0x204: {  	s23 =	simm.s32 $0x380;
	[sflag:s7] =	ssyncadd.s32 $0xFFFFE000  }
0x205: {  	[tilespmem:s12], [sflag:$0x2] =	stream.indirect.gather [spmem:s2], $0x40, s23, s10, $0xb8;
	[tilespmem:$0x19000] =	vst v63  }
0x206: {  	_ =	swait.ge [sflag:s13], $0x2000  }
0x207: {  	[sflag:s13] =	ssyncset.done $0x0  }
0x208: {  	s26 =	simm.s32 $0xB00;
	[sflag:s13] =	ssyncadd.s32 $0xFFFFE000  }
0x209: {  	[spmem:s3] =	stream.indirect.scatter.add.f32 [tilespmem:s11], [sflag:$0x3], $0x40, s26, s10, $0xb8;
	[tilespmem:$0x19000] =	vst v63  }
0x20a: {  	_ =	swait.ge [sflag:s7], $0x2000  }
0x20b: {  	[sflag:s7] =	ssyncset.done $0x0  }
0x20c: {  	s28 =	simm.s32 $0x400;
	[sflag:s7] =	ssyncadd.s32 $0xFFFFE000  }
0x20d: {  	[tilespmem:s11], [sflag:$0x1] =	stream.indirect.gather [spmem:s2], $0x40, s28, s10, $0xb8;
	[tilespmem:$0x19000] =	vst v63  }
0x20e: {  	_ =	swait.ge [sflag:s15], $0x2000  }
0x20f: {  	[sflag:s15] =	ssyncset.done $0x0  }
0x210: {  	s29 =	simm.s32 $0xB80;
	[sflag:s15] =	ssyncadd.s32 $0xFFFFE000  }
0x211: {  	[spmem:s3] =	stream.indirect.scatter.add.f32 [tilespmem:s12], [sflag:$0x3], $0x40, s29, s10, $0xb8;
	[tilespmem:$0x19000] =	vst v63  }
0x212: {  	_ =	swait.ge [sflag:s7], $0x2000  }
0x213: {  	[sflag:s7] =	ssyncset.done $0x0  }
0x214: {  	s30 =	simm.s32 $0x480;
	[sflag:s7] =	ssyncadd.s32 $0xFFFFE000  }
0x215: {  	[tilespmem:s12], [sflag:$0x2] =	stream.indirect.gather [spmem:s2], $0x40, s30, s10, $0xb8;
	[tilespmem:$0x19000] =	vst v63  }
0x216: {  	_ =	swait.ge [sflag:s13], $0x2000  }
0x217: {  	[sflag:s13] =	ssyncset.done $0x0  }
0x218: {  	s31 =	simm.s32 $0xC00;
	[sflag:s13] =	ssyncadd.s32 $0xFFFFE000  }
0x219: {  	[spmem:s3] =	stream.indirect.scatter.add.f32 [tilespmem:s11], [sflag:$0x3], $0x40, s31, s10, $0xb8;
	[tilespmem:$0x19000] =	vst v63  }
0x21a: {  	_ =	swait.ge [sflag:s7], $0x2000  }
0x21b: {  	[sflag:s7] =	ssyncset.done $0x0  }
0x21c: {  	s0 =	simm.s32 $0x500;
	[sflag:s7] =	ssyncadd.s32 $0xFFFFE000  }
0x21d: {  	[tilespmem:s11], [sflag:$0x1] =	stream.indirect.gather [spmem:s2], $0x40, s0, s10, $0xb8;
	[tilespmem:$0x19000] =	vst v63  }
0x21e: {  	_ =	swait.ge [sflag:s15], $0x2000  }
0x21f: {  	[sflag:s15] =	ssyncset.done $0x0  }
0x220: {  	s1 =	simm.s32 $0xC80;
	[sflag:s15] =	ssyncadd.s32 $0xFFFFE000  }
0x221: {  	[spmem:s3] =	stream.indirect.scatter.add.f32 [tilespmem:s12], [sflag:$0x3], $0x40, s1, s10, $0xb8;
	[tilespmem:$0x19000] =	vst v63  }
0x222: {  	_ =	swait.ge [sflag:s7], $0x2000  }
0x223: {  	[sflag:s7] =	ssyncset.done $0x0  }
0x224: {  	s19 =	simm.s32 $0x580;
	[sflag:s7] =	ssyncadd.s32 $0xFFFFE000  }
0x225: {  	[tilespmem:s12], [sflag:$0x2] =	stream.indirect.gather [spmem:s2], $0x40, s19, s10, $0xb8;
	[tilespmem:$0x19000] =	vst v63  }
0x226: {  	_ =	swait.ge [sflag:s13], $0x2000  }
0x227: {  	[sflag:s13] =	ssyncset.done $0x0  }
0x228: {  	s25 =	simm.s32 $0xD00;
	[sflag:s13] =	ssyncadd.s32 $0xFFFFE000  }
0x229: {  	[spmem:s3] =	stream.indirect.scatter.add.f32 [tilespmem:s11], [sflag:$0x3], $0x40, s25, s10, $0xb8;
	[tilespmem:$0x19000] =	vst v63  }
0x22a: {  	_ =	swait.ge [sflag:s7], $0x2000  }
0x22b: {  	[sflag:s7] =	ssyncset.done $0x0  }
0x22c: {  	s24 =	simm.s32 $0x600;
	[sflag:s7] =	ssyncadd.s32 $0xFFFFE000  }
0x22d: {  	[tilespmem:s11], [sflag:$0x1] =	stream.indirect.gather [spmem:s2], $0x40, s24, s10, $0xb8;
	[tilespmem:$0x19000] =	vst v63  }
0x22e: {  	_ =	swait.ge [sflag:s15], $0x2000  }
0x22f: {  	[sflag:s15] =	ssyncset.done $0x0  }
0x230: {  	s25 =	simm.s32 $0xD80;
	[sflag:s15] =	ssyncadd.s32 $0xFFFFE000  }
0x231: {  	[spmem:s3] =	stream.indirect.scatter.add.f32 [tilespmem:s12], [sflag:$0x3], $0x40, s25, s10, $0xb8;
	[tilespmem:$0x19000] =	vst v63  }
0x232: {  	_ =	swait.ge [sflag:s7], $0x2000  }
0x233: {  	[sflag:s7] =	ssyncset.done $0x0  }
0x234: {  	s5 =	simm.s32 $0x680;
	[sflag:s7] =	ssyncadd.s32 $0xFFFFE000  }
0x235: {  	[tilespmem:s12], [sflag:$0x2] =	stream.indirect.gather [spmem:s2], $0x40, s5, s10, $0xb8;
	[tilespmem:$0x19000] =	vst v63  }
0x236: {  	_ =	swait.ge [sflag:s13], $0x2000  }
0x237: {  	[sflag:s13] =	ssyncset.done $0x0  }
0x238: {  	s8 =	simm.s32 $0xE00;
	[sflag:s13] =	ssyncadd.s32 $0xFFFFE000  }
0x239: {  	[spmem:s3] =	stream.indirect.scatter.add.f32 [tilespmem:s11], [sflag:$0x3], $0x40, s8, s10, $0xb8;
	[tilespmem:$0x19000] =	vst v63  }
0x23a: {  	_ =	swait.ge [sflag:s7], $0x2000  }
0x23b: {  	[sflag:s7] =	ssyncset.done $0x0  }
0x23c: {  	s14 =	simm.s32 $0x700;
	[sflag:s7] =	ssyncadd.s32 $0xFFFFE000  }
0x23d: {  	[tilespmem:s11], [sflag:$0x1] =	stream.indirect.gather [spmem:s2], $0x40, s14, s10, $0xb8;
	[tilespmem:$0x19000] =	vst v63  }
0x23e: {  	_ =	swait.ge [sflag:s15], $0x2000  }
0x23f: {  	[sflag:s15] =	ssyncset.done $0x0  }
0x240: {  	s16 =	simm.s32 $0xE80;
	[sflag:s15] =	ssyncadd.s32 $0xFFFFE000  }
0x241: {  	[spmem:s3] =	stream.indirect.scatter.add.f32 [tilespmem:s12], [sflag:$0x3], $0x40, s16, s10, $0xb8;
	[tilespmem:$0x19000] =	vst v63  }
0x242: {  	_ =	swait.ge [sflag:s7], $0x2000  }
0x243: {  	[sflag:s7] =	ssyncset.done $0x0  }
0x244: {  	s17 =	simm.s32 $0x780;
	[sflag:s7] =	ssyncadd.s32 $0xFFFFE000  }
0x245: {  	[tilespmem:s12], [sflag:$0x2] =	stream.indirect.gather [spmem:s2], $0x40, s17, s10, $0xb8;
	[tilespmem:$0x19000] =	vst v63  }
0x246: {  	_ =	swait.ge [sflag:s13], $0x2000  }
0x247: {  	[sflag:s13] =	ssyncset.done $0x0  }
0x248: {  	s18 =	simm.s32 $0xF00;
	[sflag:s13] =	ssyncadd.s32 $0xFFFFE000  }
0x249: {  	[spmem:s3] =	stream.indirect.scatter.add.f32 [tilespmem:s11], [sflag:$0x3], $0x40, s18, s10, $0xb8;
	[tilespmem:$0x19000] =	vst v63  }
0x24a: {  	_ =	swait.ge [sflag:s7], $0x2000  }
0x24b: {  	[sflag:s7] =	ssyncset.done $0x0  }
0x24c: {  	[sflag:s7] =	ssyncadd.s32 $0xFFFFE000  }
0x24d: {  	_ =	swait.ge [sflag:s15], $0x2000  }
0x24e: {  	[sflag:s15] =	ssyncset.done $0x0  }
0x24f: {  	s6 =	simm.s32 $0xF80;
	[sflag:s15] =	ssyncadd.s32 $0xFFFFE000  }
0x250: {  	[spmem:s3] =	stream.indirect.scatter.add.f32 [tilespmem:s12], [sflag:$0x3], $0x40, s6, s10, $0xb8;
	[tilespmem:$0x19000] =	vst v63  }
0x251: {  	_ =	swait.ge [sflag:s7], $0x2000  }
0x252: {  	[sflag:s7] =	ssyncset.done $0x0  }
0x253: {  	s6 =	rddreg [dreg:$0xe];
	[sflag:s7] =	ssyncadd.s32 $0xFFFFE000  }
0x254: {  	[tilespmem:s4], [sflag:$0x3] =	stream.linear.gather [hbm4b:s6+s4], $0x800, $0x38;
	[tilespmem:$0x19000] =	vst v63  }
0x255: {  	_ =	swait.ge [sflag:s7], $0x800  }
0x256: {  	[sflag:s7] =	ssyncset.done $0x0  }
0x257: {  	s6 =	rddreg [dreg:$0xf];
	[sflag:s7] =	ssyncadd.s32 $0xFFFFF800  }
0x258: {  	[tilespmem:s9], [sflag:$0x3] =	stream.linear.gather [hbm4b:s6+s4], $0x800, $0x38;
	[tilespmem:$0x19000] =	vst v63  }
0x259: {  	_ =	swait.ge [sflag:s7], $0x800  }
0x25a: {  	[sflag:s7] =	ssyncset.done $0x0  }
0x25b: {  	[sflag:s7] =	ssyncadd.s32 $0xFFFFF800  }
0x25c: {  	[tilespmem:s11], [sflag:$0x1] =	stream.indirect.gather [spmem:s2], $0x40, s4, s10, $0xb8;
	[tilespmem:$0x19000] =	vst v63  }
0x25d: {  	_ = 	snop  }
0x25e: {  	[tilespmem:s12], [sflag:$0x2] =	stream.indirect.gather [spmem:s2], $0x40, s10, s10, $0xb8;
	[tilespmem:$0x19000] =	vst v63  }
0x25f: {  	_ =	swait.ge [sflag:s13], $0x2000  }
0x260: {  	[sflag:s13] =	ssyncset.done $0x0  }
0x261: {  	[sflag:s13] =	ssyncadd.s32 $0xFFFFE000  }
0x262: {  	[spmem:s3] =	stream.indirect.scatter.add.f32 [tilespmem:s11], [sflag:$0x3], $0x40, s9, s10, $0xb8;
	[tilespmem:$0x19000] =	vst v63  }
0x263: {  	_ =	swait.ge [sflag:s7], $0x2000  }
0x264: {  	[sflag:s7] =	ssyncset.done $0x0  }
0x265: {  	s24 =	simm.s32 $0x100;
	[sflag:s7] =	ssyncadd.s32 $0xFFFFE000  }
0x266: {  	[tilespmem:s11], [sflag:$0x1] =	stream.indirect.gather [spmem:s2], $0x40, s24, s10, $0xb8;
	[tilespmem:$0x19000] =	vst v63  }
0x267: {  	_ =	swait.ge [sflag:s15], $0x2000  }
0x268: {  	[sflag:s15] =	ssyncset.done $0x0  }
0x269: {  	s24 =	simm.s32 $0x880;
	[sflag:s15] =	ssyncadd.s32 $0xFFFFE000  }
0x26a: {  	[spmem:s3] =	stream.indirect.scatter.add.f32 [tilespmem:s12], [sflag:$0x3], $0x40, s24, s10, $0xb8;
	[tilespmem:$0x19000] =	vst v63  }
0x26b: {  	_ =	swait.ge [sflag:s7], $0x2000  }
0x26c: {  	[sflag:s7] =	ssyncset.done $0x0  }
0x26d: {  	s24 =	simm.s32 $0x180;
	[sflag:s7] =	ssyncadd.s32 $0xFFFFE000  }
0x26e: {  	[tilespmem:s12], [sflag:$0x2] =	stream.indirect.gather [spmem:s2], $0x40, s24, s10, $0xb8;
	[tilespmem:$0x19000] =	vst v63  }
0x26f: {  	_ =	swait.ge [sflag:s13], $0x2000  }
0x270: {  	[sflag:s13] =	ssyncset.done $0x0  }
0x271: {  	s24 =	simm.s32 $0x900;
	[sflag:s13] =	ssyncadd.s32 $0xFFFFE000  }
0x272: {  	[spmem:s3] =	stream.indirect.scatter.add.f32 [tilespmem:s11], [sflag:$0x3], $0x40, s24, s10, $0xb8;
	[tilespmem:$0x19000] =	vst v63  }
0x273: {  	_ =	swait.ge [sflag:s7], $0x2000  }
0x274: {  	[sflag:s7] =	ssyncset.done $0x0  }
0x275: {  	s24 =	simm.s32 $0x200;
	[sflag:s7] =	ssyncadd.s32 $0xFFFFE000  }
0x276: {  	[tilespmem:s11], [sflag:$0x1] =	stream.indirect.gather [spmem:s2], $0x40, s24, s10, $0xb8;
	[tilespmem:$0x19000] =	vst v63  }
0x277: {  	_ =	swait.ge [sflag:s15], $0x2000  }
0x278: {  	[sflag:s15] =	ssyncset.done $0x0  }
0x279: {  	s24 =	simm.s32 $0x980;
	[sflag:s15] =	ssyncadd.s32 $0xFFFFE000  }
0x27a: {  	[spmem:s3] =	stream.indirect.scatter.add.f32 [tilespmem:s12], [sflag:$0x3], $0x40, s24, s10, $0xb8;
	[tilespmem:$0x19000] =	vst v63  }
0x27b: {  	_ =	swait.ge [sflag:s7], $0x2000  }
0x27c: {  	[sflag:s7] =	ssyncset.done $0x0  }
0x27d: {  	s20 =	simm.s32 $0x280;
	[sflag:s7] =	ssyncadd.s32 $0xFFFFE000  }
0x27e: {  	[tilespmem:s12], [sflag:$0x2] =	stream.indirect.gather [spmem:s2], $0x40, s20, s10, $0xb8;
	[tilespmem:$0x19000] =	vst v63  }
0x27f: {  	_ =	swait.ge [sflag:s13], $0x2000  }
0x280: {  	[sflag:s13] =	ssyncset.done $0x0  }
0x281: {  	s24 =	simm.s32 $0xA00;
	[sflag:s13] =	ssyncadd.s32 $0xFFFFE000  }
0x282: {  	[spmem:s3] =	stream.indirect.scatter.add.f32 [tilespmem:s11], [sflag:$0x3], $0x40, s24, s10, $0xb8;
	[tilespmem:$0x19000] =	vst v63  }
0x283: {  	_ =	swait.ge [sflag:s7], $0x2000  }
0x284: {  	[sflag:s7] =	ssyncset.done $0x0  }
0x285: {  	s21 =	simm.s32 $0x300;
	[sflag:s7] =	ssyncadd.s32 $0xFFFFE000  }
0x286: {  	[tilespmem:s11], [sflag:$0x1] =	stream.indirect.gather [spmem:s2], $0x40, s21, s10, $0xb8;
	[tilespmem:$0x19000] =	vst v63  }
0x287: {  	_ =	swait.ge [sflag:s15], $0x2000  }
0x288: {  	[sflag:s15] =	ssyncset.done $0x0  }
0x289: {  	s22 =	simm.s32 $0xA80;
	[sflag:s15] =	ssyncadd.s32 $0xFFFFE000  }
0x28a: {  	[spmem:s3] =	stream.indirect.scatter.add.f32 [tilespmem:s12], [sflag:$0x3], $0x40, s22, s10, $0xb8;
	[tilespmem:$0x19000] =	vst v63  }
0x28b: {  	_ =	swait.ge [sflag:s7], $0x2000  }
0x28c: {  	[sflag:s7] =	ssyncset.done $0x0  }
0x28d: {  	s23 =	simm.s32 $0x380;
	[sflag:s7] =	ssyncadd.s32 $0xFFFFE000  }
0x28e: {  	[tilespmem:s12], [sflag:$0x2] =	stream.indirect.gather [spmem:s2], $0x40, s23, s10, $0xb8;
	[tilespmem:$0x19000] =	vst v63  }
0x28f: {  	_ =	swait.ge [sflag:s13], $0x2000  }
0x290: {  	[sflag:s13] =	ssyncset.done $0x0  }
0x291: {  	s26 =	simm.s32 $0xB00;
	[sflag:s13] =	ssyncadd.s32 $0xFFFFE000  }
0x292: {  	[spmem:s3] =	stream.indirect.scatter.add.f32 [tilespmem:s11], [sflag:$0x3], $0x40, s26, s10, $0xb8;
	[tilespmem:$0x19000] =	vst v63  }
0x293: {  	_ =	swait.ge [sflag:s7], $0x2000  }
0x294: {  	[sflag:s7] =	ssyncset.done $0x0  }
0x295: {  	s28 =	simm.s32 $0x400;
	[sflag:s7] =	ssyncadd.s32 $0xFFFFE000  }
0x296: {  	[tilespmem:s11], [sflag:$0x1] =	stream.indirect.gather [spmem:s2], $0x40, s28, s10, $0xb8;
	[tilespmem:$0x19000] =	vst v63  }
0x297: {  	_ =	swait.ge [sflag:s15], $0x2000  }
0x298: {  	[sflag:s15] =	ssyncset.done $0x0  }
0x299: {  	s29 =	simm.s32 $0xB80;
	[sflag:s15] =	ssyncadd.s32 $0xFFFFE000  }
0x29a: {  	[spmem:s3] =	stream.indirect.scatter.add.f32 [tilespmem:s12], [sflag:$0x3], $0x40, s29, s10, $0xb8;
	[tilespmem:$0x19000] =	vst v63  }
0x29b: {  	_ =	swait.ge [sflag:s7], $0x2000  }
0x29c: {  	[sflag:s7] =	ssyncset.done $0x0  }
0x29d: {  	s30 =	simm.s32 $0x480;
	[sflag:s7] =	ssyncadd.s32 $0xFFFFE000  }
0x29e: {  	[tilespmem:s12], [sflag:$0x2] =	stream.indirect.gather [spmem:s2], $0x40, s30, s10, $0xb8;
	[tilespmem:$0x19000] =	vst v63  }
0x29f: {  	_ =	swait.ge [sflag:s13], $0x2000  }
0x2a0: {  	[sflag:s13] =	ssyncset.done $0x0  }
0x2a1: {  	s31 =	simm.s32 $0xC00;
	[sflag:s13] =	ssyncadd.s32 $0xFFFFE000  }
0x2a2: {  	[spmem:s3] =	stream.indirect.scatter.add.f32 [tilespmem:s11], [sflag:$0x3], $0x40, s31, s10, $0xb8;
	[tilespmem:$0x19000] =	vst v63  }
0x2a3: {  	_ =	swait.ge [sflag:s7], $0x2000  }
0x2a4: {  	[sflag:s7] =	ssyncset.done $0x0  }
0x2a5: {  	s24 =	simm.s32 $0x500;
	[sflag:s7] =	ssyncadd.s32 $0xFFFFE000  }
0x2a6: {  	[tilespmem:s11], [sflag:$0x1] =	stream.indirect.gather [spmem:s2], $0x40, s24, s10, $0xb8;
	[tilespmem:$0x19000] =	vst v63  }
0x2a7: {  	_ =	swait.ge [sflag:s15], $0x2000  }
0x2a8: {  	[sflag:s15] =	ssyncset.done $0x0  }
0x2a9: {  	s1 =	simm.s32 $0xC80;
	[sflag:s15] =	ssyncadd.s32 $0xFFFFE000  }
0x2aa: {  	[spmem:s3] =	stream.indirect.scatter.add.f32 [tilespmem:s12], [sflag:$0x3], $0x40, s1, s10, $0xb8;
	[tilespmem:$0x19000] =	vst v63  }
0x2ab: {  	_ =	swait.ge [sflag:s7], $0x2000  }
0x2ac: {  	[sflag:s7] =	ssyncset.done $0x0  }
0x2ad: {  	s24 =	simm.s32 $0x580;
	[sflag:s7] =	ssyncadd.s32 $0xFFFFE000  }
0x2ae: {  	[tilespmem:s12], [sflag:$0x2] =	stream.indirect.gather [spmem:s2], $0x40, s24, s10, $0xb8;
	[tilespmem:$0x19000] =	vst v63  }
0x2af: {  	_ =	swait.ge [sflag:s13], $0x2000  }
0x2b0: {  	[sflag:s13] =	ssyncset.done $0x0  }
0x2b1: {  	s19 =	simm.s32 $0xD00;
	[sflag:s13] =	ssyncadd.s32 $0xFFFFE000  }
0x2b2: {  	[spmem:s3] =	stream.indirect.scatter.add.f32 [tilespmem:s11], [sflag:$0x3], $0x40, s19, s10, $0xb8;
	[tilespmem:$0x19000] =	vst v63  }
0x2b3: {  	_ =	swait.ge [sflag:s7], $0x2000  }
0x2b4: {  	[sflag:s7] =	ssyncset.done $0x0  }
0x2b5: {  	s24 =	simm.s32 $0x600;
	[sflag:s7] =	ssyncadd.s32 $0xFFFFE000  }
0x2b6: {  	[tilespmem:s11], [sflag:$0x1] =	stream.indirect.gather [spmem:s2], $0x40, s24, s10, $0xb8;
	[tilespmem:$0x19000] =	vst v63  }
0x2b7: {  	_ =	swait.ge [sflag:s15], $0x2000  }
0x2b8: {  	[sflag:s15] =	ssyncset.done $0x0  }
0x2b9: {  	s0 =	simm.s32 $0xD80;
	[sflag:s15] =	ssyncadd.s32 $0xFFFFE000  }
0x2ba: {  	[spmem:s3] =	stream.indirect.scatter.add.f32 [tilespmem:s12], [sflag:$0x3], $0x40, s0, s10, $0xb8;
	[tilespmem:$0x19000] =	vst v63  }
0x2bb: {  	_ =	swait.ge [sflag:s7], $0x2000  }
0x2bc: {  	[sflag:s7] =	ssyncset.done $0x0  }
0x2bd: {  	s25 =	simm.s32 $0x680;
	[sflag:s7] =	ssyncadd.s32 $0xFFFFE000  }
0x2be: {  	[tilespmem:s12], [sflag:$0x2] =	stream.indirect.gather [spmem:s2], $0x40, s25, s10, $0xb8;
	[tilespmem:$0x19000] =	vst v63  }
0x2bf: {  	_ =	swait.ge [sflag:s13], $0x2000  }
0x2c0: {  	[sflag:s13] =	ssyncset.done $0x0  }
0x2c1: {  	s8 =	simm.s32 $0xE00;
	[sflag:s13] =	ssyncadd.s32 $0xFFFFE000  }
0x2c2: {  	[spmem:s3] =	stream.indirect.scatter.add.f32 [tilespmem:s11], [sflag:$0x3], $0x40, s8, s10, $0xb8;
	[tilespmem:$0x19000] =	vst v63  }
0x2c3: {  	_ =	swait.ge [sflag:s7], $0x2000  }
0x2c4: {  	[sflag:s7] =	ssyncset.done $0x0  }
0x2c5: {  	s14 =	simm.s32 $0x700;
	[sflag:s7] =	ssyncadd.s32 $0xFFFFE000  }
0x2c6: {  	[tilespmem:s11], [sflag:$0x1] =	stream.indirect.gather [spmem:s2], $0x40, s14, s10, $0xb8;
	[tilespmem:$0x19000] =	vst v63  }
0x2c7: {  	_ =	swait.ge [sflag:s15], $0x2000  }
0x2c8: {  	[sflag:s15] =	ssyncset.done $0x0  }
0x2c9: {  	s16 =	simm.s32 $0xE80;
	[sflag:s15] =	ssyncadd.s32 $0xFFFFE000  }
0x2ca: {  	[spmem:s3] =	stream.indirect.scatter.add.f32 [tilespmem:s12], [sflag:$0x3], $0x40, s16, s10, $0xb8;
	[tilespmem:$0x19000] =	vst v63  }
0x2cb: {  	_ =	swait.ge [sflag:s7], $0x2000  }
0x2cc: {  	[sflag:s7] =	ssyncset.done $0x0  }
0x2cd: {  	s17 =	simm.s32 $0x780;
	[sflag:s7] =	ssyncadd.s32 $0xFFFFE000  }
0x2ce: {  	[tilespmem:s12], [sflag:$0x2] =	stream.indirect.gather [spmem:s2], $0x40, s17, s10, $0xb8;
	[tilespmem:$0x19000] =	vst v63  }
0x2cf: {  	_ =	swait.ge [sflag:s13], $0x2000  }
0x2d0: {  	[sflag:s13] =	ssyncset.done $0x0  }
0x2d1: {  	s18 =	simm.s32 $0xF00;
	[sflag:s13] =	ssyncadd.s32 $0xFFFFE000  }
0x2d2: {  	[spmem:s3] =	stream.indirect.scatter.add.f32 [tilespmem:s11], [sflag:$0x3], $0x40, s18, s10, $0xb8;
	[tilespmem:$0x19000] =	vst v63  }
0x2d3: {  	_ =	swait.ge [sflag:s7], $0x2000  }
0x2d4: {  	[sflag:s7] =	ssyncset.done $0x0  }
0x2d5: {  	[sflag:s7] =	ssyncadd.s32 $0xFFFFE000  }
0x2d6: {  	_ =	swait.ge [sflag:s15], $0x2000  }
0x2d7: {  	[sflag:s15] =	ssyncset.done $0x0  }
0x2d8: {  	s5 =	simm.s32 $0xF80;
	[sflag:s15] =	ssyncadd.s32 $0xFFFFE000  }
0x2d9: {  	[spmem:s3] =	stream.indirect.scatter.add.f32 [tilespmem:s12], [sflag:$0x3], $0x40, s5, s10, $0xb8;
	[tilespmem:$0x19000] =	vst v63  }
0x2da: {  	_ =	swait.ge [sflag:s7], $0x2000  }
0x2db: {  	[sflag:s7] =	ssyncset.done $0x0  }
0x2dc: {  	s18 =	rddreg [dreg:$0x10];
	[sflag:s7] =	ssyncadd.s32 $0xFFFFE000  }
0x2dd: {  	[tilespmem:s4], [sflag:$0x3] =	stream.linear.gather [hbm4b:s18+s4], $0x800, $0x38;
	[tilespmem:$0x19000] =	vst v63  }
0x2de: {  	_ =	swait.ge [sflag:s7], $0x800  }
0x2df: {  	[sflag:s7] =	ssyncset.done $0x0  }
0x2e0: {  	s18 =	rddreg [dreg:$0x11];
	[sflag:s7] =	ssyncadd.s32 $0xFFFFF800  }
0x2e1: {  	[tilespmem:s9], [sflag:$0x3] =	stream.linear.gather [hbm4b:s18+s4], $0x800, $0x38;
	[tilespmem:$0x19000] =	vst v63  }
0x2e2: {  	_ =	swait.ge [sflag:s7], $0x800  }
0x2e3: {  	[sflag:s7] =	ssyncset.done $0x0  }
0x2e4: {  	[sflag:s7] =	ssyncadd.s32 $0xFFFFF800  }
0x2e5: {  	[tilespmem:s11], [sflag:$0x1] =	stream.indirect.gather [spmem:s2], $0x40, s4, s10, $0xb8;
	[tilespmem:$0x19000] =	vst v63  }
0x2e6: {  	_ = 	snop  }
0x2e7: {  	[tilespmem:s12], [sflag:$0x2] =	stream.indirect.gather [spmem:s2], $0x40, s10, s10, $0xb8;
	[tilespmem:$0x19000] =	vst v63  }
0x2e8: {  	_ =	swait.ge [sflag:s13], $0x2000  }
0x2e9: {  	[sflag:s13] =	ssyncset.done $0x0  }
0x2ea: {  	[sflag:s13] =	ssyncadd.s32 $0xFFFFE000  }
0x2eb: {  	[spmem:s3] =	stream.indirect.scatter.add.f32 [tilespmem:s11], [sflag:$0x3], $0x40, s9, s10, $0xb8;
	[tilespmem:$0x19000] =	vst v63  }
0x2ec: {  	_ =	swait.ge [sflag:s7], $0x2000  }
0x2ed: {  	[sflag:s7] =	ssyncset.done $0x0  }
0x2ee: {  	s24 =	simm.s32 $0x100;
	[sflag:s7] =	ssyncadd.s32 $0xFFFFE000  }
0x2ef: {  	[tilespmem:s11], [sflag:$0x1] =	stream.indirect.gather [spmem:s2], $0x40, s24, s10, $0xb8;
	[tilespmem:$0x19000] =	vst v63  }
0x2f0: {  	_ =	swait.ge [sflag:s15], $0x2000  }
0x2f1: {  	[sflag:s15] =	ssyncset.done $0x0  }
0x2f2: {  	s24 =	simm.s32 $0x880;
	[sflag:s15] =	ssyncadd.s32 $0xFFFFE000  }
0x2f3: {  	[spmem:s3] =	stream.indirect.scatter.add.f32 [tilespmem:s12], [sflag:$0x3], $0x40, s24, s10, $0xb8;
	[tilespmem:$0x19000] =	vst v63  }
0x2f4: {  	_ =	swait.ge [sflag:s7], $0x2000  }
0x2f5: {  	[sflag:s7] =	ssyncset.done $0x0  }
0x2f6: {  	s24 =	simm.s32 $0x180;
	[sflag:s7] =	ssyncadd.s32 $0xFFFFE000  }
0x2f7: {  	[tilespmem:s12], [sflag:$0x2] =	stream.indirect.gather [spmem:s2], $0x40, s24, s10, $0xb8;
	[tilespmem:$0x19000] =	vst v63  }
0x2f8: {  	_ =	swait.ge [sflag:s13], $0x2000  }
0x2f9: {  	[sflag:s13] =	ssyncset.done $0x0  }
0x2fa: {  	s24 =	simm.s32 $0x900;
	[sflag:s13] =	ssyncadd.s32 $0xFFFFE000  }
0x2fb: {  	[spmem:s3] =	stream.indirect.scatter.add.f32 [tilespmem:s11], [sflag:$0x3], $0x40, s24, s10, $0xb8;
	[tilespmem:$0x19000] =	vst v63  }
0x2fc: {  	_ =	swait.ge [sflag:s7], $0x2000  }
0x2fd: {  	[sflag:s7] =	ssyncset.done $0x0  }
0x2fe: {  	s24 =	simm.s32 $0x200;
	[sflag:s7] =	ssyncadd.s32 $0xFFFFE000  }
0x2ff: {  	[tilespmem:s11], [sflag:$0x1] =	stream.indirect.gather [spmem:s2], $0x40, s24, s10, $0xb8;
	[tilespmem:$0x19000] =	vst v63  }
0x300: {  	_ =	swait.ge [sflag:s15], $0x2000  }
0x301: {  	[sflag:s15] =	ssyncset.done $0x0  }
0x302: {  	s24 =	simm.s32 $0x980;
	[sflag:s15] =	ssyncadd.s32 $0xFFFFE000  }
0x303: {  	[spmem:s3] =	stream.indirect.scatter.add.f32 [tilespmem:s12], [sflag:$0x3], $0x40, s24, s10, $0xb8;
	[tilespmem:$0x19000] =	vst v63  }
0x304: {  	_ =	swait.ge [sflag:s7], $0x2000  }
0x305: {  	[sflag:s7] =	ssyncset.done $0x0  }
0x306: {  	s20 =	simm.s32 $0x280;
	[sflag:s7] =	ssyncadd.s32 $0xFFFFE000  }
0x307: {  	[tilespmem:s12], [sflag:$0x2] =	stream.indirect.gather [spmem:s2], $0x40, s20, s10, $0xb8;
	[tilespmem:$0x19000] =	vst v63  }
0x308: {  	_ =	swait.ge [sflag:s13], $0x2000  }
0x309: {  	[sflag:s13] =	ssyncset.done $0x0  }
0x30a: {  	s24 =	simm.s32 $0xA00;
	[sflag:s13] =	ssyncadd.s32 $0xFFFFE000  }
0x30b: {  	[spmem:s3] =	stream.indirect.scatter.add.f32 [tilespmem:s11], [sflag:$0x3], $0x40, s24, s10, $0xb8;
	[tilespmem:$0x19000] =	vst v63  }
0x30c: {  	_ =	swait.ge [sflag:s7], $0x2000  }
0x30d: {  	[sflag:s7] =	ssyncset.done $0x0  }
0x30e: {  	s21 =	simm.s32 $0x300;
	[sflag:s7] =	ssyncadd.s32 $0xFFFFE000  }
0x30f: {  	[tilespmem:s11], [sflag:$0x1] =	stream.indirect.gather [spmem:s2], $0x40, s21, s10, $0xb8;
	[tilespmem:$0x19000] =	vst v63  }
0x310: {  	_ =	swait.ge [sflag:s15], $0x2000  }
0x311: {  	[sflag:s15] =	ssyncset.done $0x0  }
0x312: {  	s22 =	simm.s32 $0xA80;
	[sflag:s15] =	ssyncadd.s32 $0xFFFFE000  }
0x313: {  	[spmem:s3] =	stream.indirect.scatter.add.f32 [tilespmem:s12], [sflag:$0x3], $0x40, s22, s10, $0xb8;
	[tilespmem:$0x19000] =	vst v63  }
0x314: {  	_ =	swait.ge [sflag:s7], $0x2000  }
0x315: {  	[sflag:s7] =	ssyncset.done $0x0  }
0x316: {  	s23 =	simm.s32 $0x380;
	[sflag:s7] =	ssyncadd.s32 $0xFFFFE000  }
0x317: {  	[tilespmem:s12], [sflag:$0x2] =	stream.indirect.gather [spmem:s2], $0x40, s23, s10, $0xb8;
	[tilespmem:$0x19000] =	vst v63  }
0x318: {  	_ =	swait.ge [sflag:s13], $0x2000  }
0x319: {  	[sflag:s13] =	ssyncset.done $0x0  }
0x31a: {  	s26 =	simm.s32 $0xB00;
	[sflag:s13] =	ssyncadd.s32 $0xFFFFE000  }
0x31b: {  	[spmem:s3] =	stream.indirect.scatter.add.f32 [tilespmem:s11], [sflag:$0x3], $0x40, s26, s10, $0xb8;
	[tilespmem:$0x19000] =	vst v63  }
0x31c: {  	_ =	swait.ge [sflag:s7], $0x2000  }
0x31d: {  	[sflag:s7] =	ssyncset.done $0x0  }
0x31e: {  	s28 =	simm.s32 $0x400;
	[sflag:s7] =	ssyncadd.s32 $0xFFFFE000  }
0x31f: {  	[tilespmem:s11], [sflag:$0x1] =	stream.indirect.gather [spmem:s2], $0x40, s28, s10, $0xb8;
	[tilespmem:$0x19000] =	vst v63  }
0x320: {  	_ =	swait.ge [sflag:s15], $0x2000  }
0x321: {  	[sflag:s15] =	ssyncset.done $0x0  }
0x322: {  	s29 =	simm.s32 $0xB80;
	[sflag:s15] =	ssyncadd.s32 $0xFFFFE000  }
0x323: {  	[spmem:s3] =	stream.indirect.scatter.add.f32 [tilespmem:s12], [sflag:$0x3], $0x40, s29, s10, $0xb8;
	[tilespmem:$0x19000] =	vst v63  }
0x324: {  	_ =	swait.ge [sflag:s7], $0x2000  }
0x325: {  	[sflag:s7] =	ssyncset.done $0x0  }
0x326: {  	s30 =	simm.s32 $0x480;
	[sflag:s7] =	ssyncadd.s32 $0xFFFFE000  }
0x327: {  	[tilespmem:s12], [sflag:$0x2] =	stream.indirect.gather [spmem:s2], $0x40, s30, s10, $0xb8;
	[tilespmem:$0x19000] =	vst v63  }
0x328: {  	_ =	swait.ge [sflag:s13], $0x2000  }
0x329: {  	[sflag:s13] =	ssyncset.done $0x0  }
0x32a: {  	s31 =	simm.s32 $0xC00;
	[sflag:s13] =	ssyncadd.s32 $0xFFFFE000  }
0x32b: {  	[spmem:s3] =	stream.indirect.scatter.add.f32 [tilespmem:s11], [sflag:$0x3], $0x40, s31, s10, $0xb8;
	[tilespmem:$0x19000] =	vst v63  }
0x32c: {  	_ =	swait.ge [sflag:s7], $0x2000  }
0x32d: {  	[sflag:s7] =	ssyncset.done $0x0  }
0x32e: {  	s24 =	simm.s32 $0x500;
	[sflag:s7] =	ssyncadd.s32 $0xFFFFE000  }
0x32f: {  	[tilespmem:s11], [sflag:$0x1] =	stream.indirect.gather [spmem:s2], $0x40, s24, s10, $0xb8;
	[tilespmem:$0x19000] =	vst v63  }
0x330: {  	_ =	swait.ge [sflag:s15], $0x2000  }
0x331: {  	[sflag:s15] =	ssyncset.done $0x0  }
0x332: {  	s6 =	simm.s32 $0xC80;
	[sflag:s15] =	ssyncadd.s32 $0xFFFFE000  }
0x333: {  	[spmem:s3] =	stream.indirect.scatter.add.f32 [tilespmem:s12], [sflag:$0x3], $0x40, s6, s10, $0xb8;
	[tilespmem:$0x19000] =	vst v63  }
0x334: {  	_ =	swait.ge [sflag:s7], $0x2000  }
0x335: {  	[sflag:s7] =	ssyncset.done $0x0  }
0x336: {  	s24 =	simm.s32 $0x580;
	[sflag:s7] =	ssyncadd.s32 $0xFFFFE000  }
0x337: {  	[tilespmem:s12], [sflag:$0x2] =	stream.indirect.gather [spmem:s2], $0x40, s24, s10, $0xb8;
	[tilespmem:$0x19000] =	vst v63  }
0x338: {  	_ =	swait.ge [sflag:s13], $0x2000  }
0x339: {  	[sflag:s13] =	ssyncset.done $0x0  }
0x33a: {  	s24 =	simm.s32 $0xD00;
	[sflag:s13] =	ssyncadd.s32 $0xFFFFE000  }
0x33b: {  	[spmem:s3] =	stream.indirect.scatter.add.f32 [tilespmem:s11], [sflag:$0x3], $0x40, s24, s10, $0xb8;
	[tilespmem:$0x19000] =	vst v63  }
0x33c: {  	_ =	swait.ge [sflag:s7], $0x2000  }
0x33d: {  	[sflag:s7] =	ssyncset.done $0x0  }
0x33e: {  	s19 =	simm.s32 $0x600;
	[sflag:s7] =	ssyncadd.s32 $0xFFFFE000  }
0x33f: {  	[tilespmem:s11], [sflag:$0x1] =	stream.indirect.gather [spmem:s2], $0x40, s19, s10, $0xb8;
	[tilespmem:$0x19000] =	vst v63  }
0x340: {  	_ =	swait.ge [sflag:s15], $0x2000  }
0x341: {  	[sflag:s15] =	ssyncset.done $0x0  }
0x342: {  	s0 =	simm.s32 $0xD80;
	[sflag:s15] =	ssyncadd.s32 $0xFFFFE000  }
0x343: {  	[spmem:s3] =	stream.indirect.scatter.add.f32 [tilespmem:s12], [sflag:$0x3], $0x40, s0, s10, $0xb8;
	[tilespmem:$0x19000] =	vst v63  }
0x344: {  	_ =	swait.ge [sflag:s7], $0x2000  }
0x345: {  	[sflag:s7] =	ssyncset.done $0x0  }
0x346: {  	s1 =	simm.s32 $0x680;
	[sflag:s7] =	ssyncadd.s32 $0xFFFFE000  }
0x347: {  	[tilespmem:s12], [sflag:$0x2] =	stream.indirect.gather [spmem:s2], $0x40, s1, s10, $0xb8;
	[tilespmem:$0x19000] =	vst v63  }
0x348: {  	_ =	swait.ge [sflag:s13], $0x2000  }
0x349: {  	[sflag:s13] =	ssyncset.done $0x0  }
0x34a: {  	s25 =	simm.s32 $0xE00;
	[sflag:s13] =	ssyncadd.s32 $0xFFFFE000  }
0x34b: {  	[spmem:s3] =	stream.indirect.scatter.add.f32 [tilespmem:s11], [sflag:$0x3], $0x40, s25, s10, $0xb8;
	[tilespmem:$0x19000] =	vst v63  }
0x34c: {  	_ =	swait.ge [sflag:s7], $0x2000  }
0x34d: {  	[sflag:s7] =	ssyncset.done $0x0  }
0x34e: {  	s8 =	simm.s32 $0x700;
	[sflag:s7] =	ssyncadd.s32 $0xFFFFE000  }
0x34f: {  	[tilespmem:s11], [sflag:$0x1] =	stream.indirect.gather [spmem:s2], $0x40, s8, s10, $0xb8;
	[tilespmem:$0x19000] =	vst v63  }
0x350: {  	_ =	swait.ge [sflag:s15], $0x2000  }
0x351: {  	[sflag:s15] =	ssyncset.done $0x0  }
0x352: {  	s14 =	simm.s32 $0xE80;
	[sflag:s15] =	ssyncadd.s32 $0xFFFFE000  }
0x353: {  	[spmem:s3] =	stream.indirect.scatter.add.f32 [tilespmem:s12], [sflag:$0x3], $0x40, s14, s10, $0xb8;
	[tilespmem:$0x19000] =	vst v63  }
0x354: {  	_ =	swait.ge [sflag:s7], $0x2000  }
0x355: {  	[sflag:s7] =	ssyncset.done $0x0  }
0x356: {  	s16 =	simm.s32 $0x780;
	[sflag:s7] =	ssyncadd.s32 $0xFFFFE000  }
0x357: {  	[tilespmem:s12], [sflag:$0x2] =	stream.indirect.gather [spmem:s2], $0x40, s16, s10, $0xb8;
	[tilespmem:$0x19000] =	vst v63  }
0x358: {  	_ =	swait.ge [sflag:s13], $0x2000  }
0x359: {  	[sflag:s13] =	ssyncset.done $0x0  }
0x35a: {  	s17 =	simm.s32 $0xF00;
	[sflag:s13] =	ssyncadd.s32 $0xFFFFE000  }
0x35b: {  	[spmem:s3] =	stream.indirect.scatter.add.f32 [tilespmem:s11], [sflag:$0x3], $0x40, s17, s10, $0xb8;
	[tilespmem:$0x19000] =	vst v63  }
0x35c: {  	_ =	swait.ge [sflag:s7], $0x2000  }
0x35d: {  	[sflag:s7] =	ssyncset.done $0x0  }
0x35e: {  	[sflag:s7] =	ssyncadd.s32 $0xFFFFE000  }
0x35f: {  	_ =	swait.ge [sflag:s15], $0x2000  }
0x360: {  	[sflag:s15] =	ssyncset.done $0x0  }
0x361: {  	s5 =	simm.s32 $0xF80;
	[sflag:s15] =	ssyncadd.s32 $0xFFFFE000  }
0x362: {  	[spmem:s3] =	stream.indirect.scatter.add.f32 [tilespmem:s12], [sflag:$0x3], $0x40, s5, s10, $0xb8;
	[tilespmem:$0x19000] =	vst v63  }
0x363: {  	_ =	swait.ge [sflag:s7], $0x2000  }
0x364: {  	[sflag:s7] =	ssyncset.done $0x0  }
0x365: {  	s24 =	rddreg [dreg:$0x12];
	[sflag:s7] =	ssyncadd.s32 $0xFFFFE000  }
0x366: {  	[tilespmem:s4], [sflag:$0x3] =	stream.linear.gather [hbm4b:s24+s4], $0x800, $0x38;
	[tilespmem:$0x19000] =	vst v63  }
0x367: {  	_ =	swait.ge [sflag:s7], $0x800  }
0x368: {  	[sflag:s7] =	ssyncset.done $0x0  }
0x369: {  	s24 =	rddreg [dreg:$0x13];
	[sflag:s7] =	ssyncadd.s32 $0xFFFFF800  }
0x36a: {  	[tilespmem:s9], [sflag:$0x3] =	stream.linear.gather [hbm4b:s24+s4], $0x800, $0x38;
	[tilespmem:$0x19000] =	vst v63  }
0x36b: {  	_ =	swait.ge [sflag:s7], $0x800  }
0x36c: {  	[sflag:s7] =	ssyncset.done $0x0  }
0x36d: {  	[sflag:s7] =	ssyncadd.s32 $0xFFFFF800  }
0x36e: {  	[tilespmem:s11], [sflag:$0x1] =	stream.indirect.gather [spmem:s2], $0x40, s4, s10, $0xb8;
	[tilespmem:$0x19000] =	vst v63  }
0x36f: {  	_ = 	snop  }
0x370: {  	[tilespmem:s12], [sflag:$0x2] =	stream.indirect.gather [spmem:s2], $0x40, s10, s10, $0xb8;
	[tilespmem:$0x19000] =	vst v63  }
0x371: {  	_ =	swait.ge [sflag:s13], $0x2000  }
0x372: {  	[sflag:s13] =	ssyncset.done $0x0  }
0x373: {  	[sflag:s13] =	ssyncadd.s32 $0xFFFFE000  }
0x374: {  	[spmem:s3] =	stream.indirect.scatter.add.f32 [tilespmem:s11], [sflag:$0x3], $0x40, s9, s10, $0xb8;
	[tilespmem:$0x19000] =	vst v63  }
0x375: {  	_ =	swait.ge [sflag:s7], $0x2000  }
0x376: {  	[sflag:s7] =	ssyncset.done $0x0  }
0x377: {  	s24 =	simm.s32 $0x100;
	[sflag:s7] =	ssyncadd.s32 $0xFFFFE000  }
0x378: {  	[tilespmem:s11], [sflag:$0x1] =	stream.indirect.gather [spmem:s2], $0x40, s24, s10, $0xb8;
	[tilespmem:$0x19000] =	vst v63  }
0x379: {  	_ =	swait.ge [sflag:s15], $0x2000  }
0x37a: {  	[sflag:s15] =	ssyncset.done $0x0  }
0x37b: {  	s24 =	simm.s32 $0x880;
	[sflag:s15] =	ssyncadd.s32 $0xFFFFE000  }
0x37c: {  	[spmem:s3] =	stream.indirect.scatter.add.f32 [tilespmem:s12], [sflag:$0x3], $0x40, s24, s10, $0xb8;
	[tilespmem:$0x19000] =	vst v63  }
0x37d: {  	_ =	swait.ge [sflag:s7], $0x2000  }
0x37e: {  	[sflag:s7] =	ssyncset.done $0x0  }
0x37f: {  	s24 =	simm.s32 $0x180;
	[sflag:s7] =	ssyncadd.s32 $0xFFFFE000  }
0x380: {  	[tilespmem:s12], [sflag:$0x2] =	stream.indirect.gather [spmem:s2], $0x40, s24, s10, $0xb8;
	[tilespmem:$0x19000] =	vst v63  }
0x381: {  	_ =	swait.ge [sflag:s13], $0x2000  }
0x382: {  	[sflag:s13] =	ssyncset.done $0x0  }
0x383: {  	s24 =	simm.s32 $0x900;
	[sflag:s13] =	ssyncadd.s32 $0xFFFFE000  }
0x384: {  	[spmem:s3] =	stream.indirect.scatter.add.f32 [tilespmem:s11], [sflag:$0x3], $0x40, s24, s10, $0xb8;
	[tilespmem:$0x19000] =	vst v63  }
0x385: {  	_ =	swait.ge [sflag:s7], $0x2000  }
0x386: {  	[sflag:s7] =	ssyncset.done $0x0  }
0x387: {  	s24 =	simm.s32 $0x200;
	[sflag:s7] =	ssyncadd.s32 $0xFFFFE000  }
0x388: {  	[tilespmem:s11], [sflag:$0x1] =	stream.indirect.gather [spmem:s2], $0x40, s24, s10, $0xb8;
	[tilespmem:$0x19000] =	vst v63  }
0x389: {  	_ =	swait.ge [sflag:s15], $0x2000  }
0x38a: {  	[sflag:s15] =	ssyncset.done $0x0  }
0x38b: {  	s24 =	simm.s32 $0x980;
	[sflag:s15] =	ssyncadd.s32 $0xFFFFE000  }
0x38c: {  	[spmem:s3] =	stream.indirect.scatter.add.f32 [tilespmem:s12], [sflag:$0x3], $0x40, s24, s10, $0xb8;
	[tilespmem:$0x19000] =	vst v63  }
0x38d: {  	_ =	swait.ge [sflag:s7], $0x2000  }
0x38e: {  	[sflag:s7] =	ssyncset.done $0x0  }
0x38f: {  	s18 =	simm.s32 $0x280;
	[sflag:s7] =	ssyncadd.s32 $0xFFFFE000  }
0x390: {  	[tilespmem:s12], [sflag:$0x2] =	stream.indirect.gather [spmem:s2], $0x40, s18, s10, $0xb8;
	[tilespmem:$0x19000] =	vst v63  }
0x391: {  	_ =	swait.ge [sflag:s13], $0x2000  }
0x392: {  	[sflag:s13] =	ssyncset.done $0x0  }
0x393: {  	s24 =	simm.s32 $0xA00;
	[sflag:s13] =	ssyncadd.s32 $0xFFFFE000  }
0x394: {  	[spmem:s3] =	stream.indirect.scatter.add.f32 [tilespmem:s11], [sflag:$0x3], $0x40, s24, s10, $0xb8;
	[tilespmem:$0x19000] =	vst v63  }
0x395: {  	_ =	swait.ge [sflag:s7], $0x2000  }
0x396: {  	[sflag:s7] =	ssyncset.done $0x0  }
0x397: {  	s21 =	simm.s32 $0x300;
	[sflag:s7] =	ssyncadd.s32 $0xFFFFE000  }
0x398: {  	[tilespmem:s11], [sflag:$0x1] =	stream.indirect.gather [spmem:s2], $0x40, s21, s10, $0xb8;
	[tilespmem:$0x19000] =	vst v63  }
0x399: {  	_ =	swait.ge [sflag:s15], $0x2000  }
0x39a: {  	[sflag:s15] =	ssyncset.done $0x0  }
0x39b: {  	s22 =	simm.s32 $0xA80;
	[sflag:s15] =	ssyncadd.s32 $0xFFFFE000  }
0x39c: {  	[spmem:s3] =	stream.indirect.scatter.add.f32 [tilespmem:s12], [sflag:$0x3], $0x40, s22, s10, $0xb8;
	[tilespmem:$0x19000] =	vst v63  }
0x39d: {  	_ =	swait.ge [sflag:s7], $0x2000  }
0x39e: {  	[sflag:s7] =	ssyncset.done $0x0  }
0x39f: {  	s23 =	simm.s32 $0x380;
	[sflag:s7] =	ssyncadd.s32 $0xFFFFE000  }
0x3a0: {  	[tilespmem:s12], [sflag:$0x2] =	stream.indirect.gather [spmem:s2], $0x40, s23, s10, $0xb8;
	[tilespmem:$0x19000] =	vst v63  }
0x3a1: {  	_ =	swait.ge [sflag:s13], $0x2000  }
0x3a2: {  	[sflag:s13] =	ssyncset.done $0x0  }
0x3a3: {  	s26 =	simm.s32 $0xB00;
	[sflag:s13] =	ssyncadd.s32 $0xFFFFE000  }
0x3a4: {  	[spmem:s3] =	stream.indirect.scatter.add.f32 [tilespmem:s11], [sflag:$0x3], $0x40, s26, s10, $0xb8;
	[tilespmem:$0x19000] =	vst v63  }
0x3a5: {  	_ =	swait.ge [sflag:s7], $0x2000  }
0x3a6: {  	[sflag:s7] =	ssyncset.done $0x0  }
0x3a7: {  	s28 =	simm.s32 $0x400;
	[sflag:s7] =	ssyncadd.s32 $0xFFFFE000  }
0x3a8: {  	[tilespmem:s11], [sflag:$0x1] =	stream.indirect.gather [spmem:s2], $0x40, s28, s10, $0xb8;
	[tilespmem:$0x19000] =	vst v63  }
0x3a9: {  	_ =	swait.ge [sflag:s15], $0x2000  }
0x3aa: {  	[sflag:s15] =	ssyncset.done $0x0  }
0x3ab: {  	s29 =	simm.s32 $0xB80;
	[sflag:s15] =	ssyncadd.s32 $0xFFFFE000  }
0x3ac: {  	[spmem:s3] =	stream.indirect.scatter.add.f32 [tilespmem:s12], [sflag:$0x3], $0x40, s29, s10, $0xb8;
	[tilespmem:$0x19000] =	vst v63  }
0x3ad: {  	_ =	swait.ge [sflag:s7], $0x2000  }
0x3ae: {  	[sflag:s7] =	ssyncset.done $0x0  }
0x3af: {  	s30 =	simm.s32 $0x480;
	[sflag:s7] =	ssyncadd.s32 $0xFFFFE000  }
0x3b0: {  	[tilespmem:s12], [sflag:$0x2] =	stream.indirect.gather [spmem:s2], $0x40, s30, s10, $0xb8;
	[tilespmem:$0x19000] =	vst v63  }
0x3b1: {  	_ =	swait.ge [sflag:s13], $0x2000  }
0x3b2: {  	[sflag:s13] =	ssyncset.done $0x0  }
0x3b3: {  	s31 =	simm.s32 $0xC00;
	[sflag:s13] =	ssyncadd.s32 $0xFFFFE000  }
0x3b4: {  	[spmem:s3] =	stream.indirect.scatter.add.f32 [tilespmem:s11], [sflag:$0x3], $0x40, s31, s10, $0xb8;
	[tilespmem:$0x19000] =	vst v63  }
0x3b5: {  	_ =	swait.ge [sflag:s7], $0x2000  }
0x3b6: {  	[sflag:s7] =	ssyncset.done $0x0  }
0x3b7: {  	s24 =	simm.s32 $0x500;
	[sflag:s7] =	ssyncadd.s32 $0xFFFFE000  }
0x3b8: {  	[tilespmem:s11], [sflag:$0x1] =	stream.indirect.gather [spmem:s2], $0x40, s24, s10, $0xb8;
	[tilespmem:$0x19000] =	vst v63  }
0x3b9: {  	_ =	swait.ge [sflag:s15], $0x2000  }
0x3ba: {  	[sflag:s15] =	ssyncset.done $0x0  }
0x3bb: {  	s20 =	simm.s32 $0xC80;
	[sflag:s15] =	ssyncadd.s32 $0xFFFFE000  }
0x3bc: {  	[spmem:s3] =	stream.indirect.scatter.add.f32 [tilespmem:s12], [sflag:$0x3], $0x40, s20, s10, $0xb8;
	[tilespmem:$0x19000] =	vst v63  }
0x3bd: {  	_ =	swait.ge [sflag:s7], $0x2000  }
0x3be: {  	[sflag:s7] =	ssyncset.done $0x0  }
0x3bf: {  	s24 =	simm.s32 $0x580;
	[sflag:s7] =	ssyncadd.s32 $0xFFFFE000  }
0x3c0: {  	[tilespmem:s12], [sflag:$0x2] =	stream.indirect.gather [spmem:s2], $0x40, s24, s10, $0xb8;
	[tilespmem:$0x19000] =	vst v63  }
0x3c1: {  	_ =	swait.ge [sflag:s13], $0x2000  }
0x3c2: {  	[sflag:s13] =	ssyncset.done $0x0  }
0x3c3: {  	s6 =	simm.s32 $0xD00;
	[sflag:s13] =	ssyncadd.s32 $0xFFFFE000  }
0x3c4: {  	[spmem:s3] =	stream.indirect.scatter.add.f32 [tilespmem:s11], [sflag:$0x3], $0x40, s6, s10, $0xb8;
	[tilespmem:$0x19000] =	vst v63  }
0x3c5: {  	_ =	swait.ge [sflag:s7], $0x2000  }
0x3c6: {  	[sflag:s7] =	ssyncset.done $0x0  }
0x3c7: {  	s19 =	simm.s32 $0x600;
	[sflag:s7] =	ssyncadd.s32 $0xFFFFE000  }
0x3c8: {  	[tilespmem:s11], [sflag:$0x1] =	stream.indirect.gather [spmem:s2], $0x40, s19, s10, $0xb8;
	[tilespmem:$0x19000] =	vst v63  }
0x3c9: {  	_ =	swait.ge [sflag:s15], $0x2000  }
0x3ca: {  	[sflag:s15] =	ssyncset.done $0x0  }
0x3cb: {  	s0 =	simm.s32 $0xD80;
	[sflag:s15] =	ssyncadd.s32 $0xFFFFE000  }
0x3cc: {  	[spmem:s3] =	stream.indirect.scatter.add.f32 [tilespmem:s12], [sflag:$0x3], $0x40, s0, s10, $0xb8;
	[tilespmem:$0x19000] =	vst v63  }
0x3cd: {  	_ =	swait.ge [sflag:s7], $0x2000  }
0x3ce: {  	[sflag:s7] =	ssyncset.done $0x0  }
0x3cf: {  	s1 =	simm.s32 $0x680;
	[sflag:s7] =	ssyncadd.s32 $0xFFFFE000  }
0x3d0: {  	[tilespmem:s12], [sflag:$0x2] =	stream.indirect.gather [spmem:s2], $0x40, s1, s10, $0xb8;
	[tilespmem:$0x19000] =	vst v63  }
0x3d1: {  	_ =	swait.ge [sflag:s13], $0x2000  }
0x3d2: {  	[sflag:s13] =	ssyncset.done $0x0  }
0x3d3: {  	s25 =	simm.s32 $0xE00;
	[sflag:s13] =	ssyncadd.s32 $0xFFFFE000  }
0x3d4: {  	[spmem:s3] =	stream.indirect.scatter.add.f32 [tilespmem:s11], [sflag:$0x3], $0x40, s25, s10, $0xb8;
	[tilespmem:$0x19000] =	vst v63  }
0x3d5: {  	_ =	swait.ge [sflag:s7], $0x2000  }
0x3d6: {  	[sflag:s7] =	ssyncset.done $0x0  }
0x3d7: {  	s8 =	simm.s32 $0x700;
	[sflag:s7] =	ssyncadd.s32 $0xFFFFE000  }
0x3d8: {  	[tilespmem:s11], [sflag:$0x1] =	stream.indirect.gather [spmem:s2], $0x40, s8, s10, $0xb8;
	[tilespmem:$0x19000] =	vst v63  }
0x3d9: {  	_ =	swait.ge [sflag:s15], $0x2000  }
0x3da: {  	[sflag:s15] =	ssyncset.done $0x0  }
0x3db: {  	s14 =	simm.s32 $0xE80;
	[sflag:s15] =	ssyncadd.s32 $0xFFFFE000  }
0x3dc: {  	[spmem:s3] =	stream.indirect.scatter.add.f32 [tilespmem:s12], [sflag:$0x3], $0x40, s14, s10, $0xb8;
	[tilespmem:$0x19000] =	vst v63  }
0x3dd: {  	_ =	swait.ge [sflag:s7], $0x2000  }
0x3de: {  	[sflag:s7] =	ssyncset.done $0x0  }
0x3df: {  	s16 =	simm.s32 $0x780;
	[sflag:s7] =	ssyncadd.s32 $0xFFFFE000  }
0x3e0: {  	[tilespmem:s12], [sflag:$0x2] =	stream.indirect.gather [spmem:s2], $0x40, s16, s10, $0xb8;
	[tilespmem:$0x19000] =	vst v63  }
0x3e1: {  	_ =	swait.ge [sflag:s13], $0x2000  }
0x3e2: {  	[sflag:s13] =	ssyncset.done $0x0  }
0x3e3: {  	s17 =	simm.s32 $0xF00;
	[sflag:s13] =	ssyncadd.s32 $0xFFFFE000  }
0x3e4: {  	[spmem:s3] =	stream.indirect.scatter.add.f32 [tilespmem:s11], [sflag:$0x3], $0x40, s17, s10, $0xb8;
	[tilespmem:$0x19000] =	vst v63  }
0x3e5: {  	_ =	swait.ge [sflag:s7], $0x2000  }
0x3e6: {  	[sflag:s7] =	ssyncset.done $0x0  }
0x3e7: {  	[sflag:s7] =	ssyncadd.s32 $0xFFFFE000  }
0x3e8: {  	_ =	swait.ge [sflag:s15], $0x2000  }
0x3e9: {  	[sflag:s15] =	ssyncset.done $0x0  }
0x3ea: {  	s5 =	simm.s32 $0xF80;
	[sflag:s15] =	ssyncadd.s32 $0xFFFFE000  }
0x3eb: {  	[spmem:s3] =	stream.indirect.scatter.add.f32 [tilespmem:s12], [sflag:$0x3], $0x40, s5, s10, $0xb8;
	[tilespmem:$0x19000] =	vst v63  }
0x3ec: {  	_ =	swait.ge [sflag:s7], $0x2000  }
0x3ed: {  	[sflag:s7] =	ssyncset.done $0x0  }
0x3ee: {  	s17 =	rddreg [dreg:$0x14];
	[sflag:s7] =	ssyncadd.s32 $0xFFFFE000  }
0x3ef: {  	[tilespmem:s4], [sflag:$0x3] =	stream.linear.gather [hbm4b:s17+s4], $0x800, $0x38;
	[tilespmem:$0x19000] =	vst v63  }
0x3f0: {  	_ =	swait.ge [sflag:s7], $0x800  }
0x3f1: {  	[sflag:s7] =	ssyncset.done $0x0  }
0x3f2: {  	s17 =	rddreg [dreg:$0x15];
	[sflag:s7] =	ssyncadd.s32 $0xFFFFF800  }
0x3f3: {  	[tilespmem:s9], [sflag:$0x3] =	stream.linear.gather [hbm4b:s17+s4], $0x800, $0x38;
	[tilespmem:$0x19000] =	vst v63  }
0x3f4: {  	_ =	swait.ge [sflag:s7], $0x800  }
0x3f5: {  	[sflag:s7] =	ssyncset.done $0x0  }
0x3f6: {  	[sflag:s7] =	ssyncadd.s32 $0xFFFFF800  }
0x3f7: {  	[tilespmem:s11], [sflag:$0x1] =	stream.indirect.gather [spmem:s2], $0x40, s4, s10, $0xb8;
	[tilespmem:$0x19000] =	vst v63  }
0x3f8: {  	_ = 	snop  }
0x3f9: {  	[tilespmem:s12], [sflag:$0x2] =	stream.indirect.gather [spmem:s2], $0x40, s10, s10, $0xb8;
	[tilespmem:$0x19000] =	vst v63  }
0x3fa: {  	_ =	swait.ge [sflag:s13], $0x2000  }
0x3fb: {  	[sflag:s13] =	ssyncset.done $0x0  }
0x3fc: {  	[sflag:s13] =	ssyncadd.s32 $0xFFFFE000  }
0x3fd: {  	[spmem:s3] =	stream.indirect.scatter.add.f32 [tilespmem:s11], [sflag:$0x3], $0x40, s9, s10, $0xb8;
	[tilespmem:$0x19000] =	vst v63  }
0x3fe: {  	_ =	swait.ge [sflag:s7], $0x2000  }
0x3ff: {  	[sflag:s7] =	ssyncset.done $0x0  }
0x400: {  	s24 =	simm.s32 $0x100;
	[sflag:s7] =	ssyncadd.s32 $0xFFFFE000  }
0x401: {  	[tilespmem:s11], [sflag:$0x1] =	stream.indirect.gather [spmem:s2], $0x40, s24, s10, $0xb8;
	[tilespmem:$0x19000] =	vst v63  }
0x402: {  	_ =	swait.ge [sflag:s15], $0x2000  }
0x403: {  	[sflag:s15] =	ssyncset.done $0x0  }
0x404: {  	s24 =	simm.s32 $0x880;
	[sflag:s15] =	ssyncadd.s32 $0xFFFFE000  }
0x405: {  	[spmem:s3] =	stream.indirect.scatter.add.f32 [tilespmem:s12], [sflag:$0x3], $0x40, s24, s10, $0xb8;
	[tilespmem:$0x19000] =	vst v63  }
0x406: {  	_ =	swait.ge [sflag:s7], $0x2000  }
0x407: {  	[sflag:s7] =	ssyncset.done $0x0  }
0x408: {  	s24 =	simm.s32 $0x180;
	[sflag:s7] =	ssyncadd.s32 $0xFFFFE000  }
0x409: {  	[tilespmem:s12], [sflag:$0x2] =	stream.indirect.gather [spmem:s2], $0x40, s24, s10, $0xb8;
	[tilespmem:$0x19000] =	vst v63  }
0x40a: {  	_ =	swait.ge [sflag:s13], $0x2000  }
0x40b: {  	[sflag:s13] =	ssyncset.done $0x0  }
0x40c: {  	s24 =	simm.s32 $0x900;
	[sflag:s13] =	ssyncadd.s32 $0xFFFFE000  }
0x40d: {  	[spmem:s3] =	stream.indirect.scatter.add.f32 [tilespmem:s11], [sflag:$0x3], $0x40, s24, s10, $0xb8;
	[tilespmem:$0x19000] =	vst v63  }
0x40e: {  	_ =	swait.ge [sflag:s7], $0x2000  }
0x40f: {  	[sflag:s7] =	ssyncset.done $0x0  }
0x410: {  	s24 =	simm.s32 $0x200;
	[sflag:s7] =	ssyncadd.s32 $0xFFFFE000  }
0x411: {  	[tilespmem:s11], [sflag:$0x1] =	stream.indirect.gather [spmem:s2], $0x40, s24, s10, $0xb8;
	[tilespmem:$0x19000] =	vst v63  }
0x412: {  	_ =	swait.ge [sflag:s15], $0x2000  }
0x413: {  	[sflag:s15] =	ssyncset.done $0x0  }
0x414: {  	s24 =	simm.s32 $0x980;
	[sflag:s15] =	ssyncadd.s32 $0xFFFFE000  }
0x415: {  	[spmem:s3] =	stream.indirect.scatter.add.f32 [tilespmem:s12], [sflag:$0x3], $0x40, s24, s10, $0xb8;
	[tilespmem:$0x19000] =	vst v63  }
0x416: {  	_ =	swait.ge [sflag:s7], $0x2000  }
0x417: {  	[sflag:s7] =	ssyncset.done $0x0  }
0x418: {  	s18 =	simm.s32 $0x280;
	[sflag:s7] =	ssyncadd.s32 $0xFFFFE000  }
0x419: {  	[tilespmem:s12], [sflag:$0x2] =	stream.indirect.gather [spmem:s2], $0x40, s18, s10, $0xb8;
	[tilespmem:$0x19000] =	vst v63  }
0x41a: {  	_ =	swait.ge [sflag:s13], $0x2000  }
0x41b: {  	[sflag:s13] =	ssyncset.done $0x0  }
0x41c: {  	s24 =	simm.s32 $0xA00;
	[sflag:s13] =	ssyncadd.s32 $0xFFFFE000  }
0x41d: {  	[spmem:s3] =	stream.indirect.scatter.add.f32 [tilespmem:s11], [sflag:$0x3], $0x40, s24, s10, $0xb8;
	[tilespmem:$0x19000] =	vst v63  }
0x41e: {  	_ =	swait.ge [sflag:s7], $0x2000  }
0x41f: {  	[sflag:s7] =	ssyncset.done $0x0  }
0x420: {  	s21 =	simm.s32 $0x300;
	[sflag:s7] =	ssyncadd.s32 $0xFFFFE000  }
0x421: {  	[tilespmem:s11], [sflag:$0x1] =	stream.indirect.gather [spmem:s2], $0x40, s21, s10, $0xb8;
	[tilespmem:$0x19000] =	vst v63  }
0x422: {  	_ =	swait.ge [sflag:s15], $0x2000  }
0x423: {  	[sflag:s15] =	ssyncset.done $0x0  }
0x424: {  	s22 =	simm.s32 $0xA80;
	[sflag:s15] =	ssyncadd.s32 $0xFFFFE000  }
0x425: {  	[spmem:s3] =	stream.indirect.scatter.add.f32 [tilespmem:s12], [sflag:$0x3], $0x40, s22, s10, $0xb8;
	[tilespmem:$0x19000] =	vst v63  }
0x426: {  	_ =	swait.ge [sflag:s7], $0x2000  }
0x427: {  	[sflag:s7] =	ssyncset.done $0x0  }
0x428: {  	s23 =	simm.s32 $0x380;
	[sflag:s7] =	ssyncadd.s32 $0xFFFFE000  }
0x429: {  	[tilespmem:s12], [sflag:$0x2] =	stream.indirect.gather [spmem:s2], $0x40, s23, s10, $0xb8;
	[tilespmem:$0x19000] =	vst v63  }
0x42a: {  	_ =	swait.ge [sflag:s13], $0x2000  }
0x42b: {  	[sflag:s13] =	ssyncset.done $0x0  }
0x42c: {  	s26 =	simm.s32 $0xB00;
	[sflag:s13] =	ssyncadd.s32 $0xFFFFE000  }
0x42d: {  	[spmem:s3] =	stream.indirect.scatter.add.f32 [tilespmem:s11], [sflag:$0x3], $0x40, s26, s10, $0xb8;
	[tilespmem:$0x19000] =	vst v63  }
0x42e: {  	_ =	swait.ge [sflag:s7], $0x2000  }
0x42f: {  	[sflag:s7] =	ssyncset.done $0x0  }
0x430: {  	s28 =	simm.s32 $0x400;
	[sflag:s7] =	ssyncadd.s32 $0xFFFFE000  }
0x431: {  	[tilespmem:s11], [sflag:$0x1] =	stream.indirect.gather [spmem:s2], $0x40, s28, s10, $0xb8;
	[tilespmem:$0x19000] =	vst v63  }
0x432: {  	_ =	swait.ge [sflag:s15], $0x2000  }
0x433: {  	[sflag:s15] =	ssyncset.done $0x0  }
0x434: {  	s29 =	simm.s32 $0xB80;
	[sflag:s15] =	ssyncadd.s32 $0xFFFFE000  }
0x435: {  	[spmem:s3] =	stream.indirect.scatter.add.f32 [tilespmem:s12], [sflag:$0x3], $0x40, s29, s10, $0xb8;
	[tilespmem:$0x19000] =	vst v63  }
0x436: {  	_ =	swait.ge [sflag:s7], $0x2000  }
0x437: {  	[sflag:s7] =	ssyncset.done $0x0  }
0x438: {  	s30 =	simm.s32 $0x480;
	[sflag:s7] =	ssyncadd.s32 $0xFFFFE000  }
0x439: {  	[tilespmem:s12], [sflag:$0x2] =	stream.indirect.gather [spmem:s2], $0x40, s30, s10, $0xb8;
	[tilespmem:$0x19000] =	vst v63  }
0x43a: {  	_ =	swait.ge [sflag:s13], $0x2000  }
0x43b: {  	[sflag:s13] =	ssyncset.done $0x0  }
0x43c: {  	s31 =	simm.s32 $0xC00;
	[sflag:s13] =	ssyncadd.s32 $0xFFFFE000  }
0x43d: {  	[spmem:s3] =	stream.indirect.scatter.add.f32 [tilespmem:s11], [sflag:$0x3], $0x40, s31, s10, $0xb8;
	[tilespmem:$0x19000] =	vst v63  }
0x43e: {  	_ =	swait.ge [sflag:s7], $0x2000  }
0x43f: {  	[sflag:s7] =	ssyncset.done $0x0  }
0x440: {  	s24 =	simm.s32 $0x500;
	[sflag:s7] =	ssyncadd.s32 $0xFFFFE000  }
0x441: {  	[tilespmem:s11], [sflag:$0x1] =	stream.indirect.gather [spmem:s2], $0x40, s24, s10, $0xb8;
	[tilespmem:$0x19000] =	vst v63  }
0x442: {  	_ =	swait.ge [sflag:s15], $0x2000  }
0x443: {  	[sflag:s15] =	ssyncset.done $0x0  }
0x444: {  	s24 =	simm.s32 $0xC80;
	[sflag:s15] =	ssyncadd.s32 $0xFFFFE000  }
0x445: {  	[spmem:s3] =	stream.indirect.scatter.add.f32 [tilespmem:s12], [sflag:$0x3], $0x40, s24, s10, $0xb8;
	[tilespmem:$0x19000] =	vst v63  }
0x446: {  	_ =	swait.ge [sflag:s7], $0x2000  }
0x447: {  	[sflag:s7] =	ssyncset.done $0x0  }
0x448: {  	s24 =	simm.s32 $0x580;
	[sflag:s7] =	ssyncadd.s32 $0xFFFFE000  }
0x449: {  	[tilespmem:s12], [sflag:$0x2] =	stream.indirect.gather [spmem:s2], $0x40, s24, s10, $0xb8;
	[tilespmem:$0x19000] =	vst v63  }
0x44a: {  	_ =	swait.ge [sflag:s13], $0x2000  }
0x44b: {  	[sflag:s13] =	ssyncset.done $0x0  }
0x44c: {  	s6 =	simm.s32 $0xD00;
	[sflag:s13] =	ssyncadd.s32 $0xFFFFE000  }
0x44d: {  	[spmem:s3] =	stream.indirect.scatter.add.f32 [tilespmem:s11], [sflag:$0x3], $0x40, s6, s10, $0xb8;
	[tilespmem:$0x19000] =	vst v63  }
0x44e: {  	_ =	swait.ge [sflag:s7], $0x2000  }
0x44f: {  	[sflag:s7] =	ssyncset.done $0x0  }
0x450: {  	s19 =	simm.s32 $0x600;
	[sflag:s7] =	ssyncadd.s32 $0xFFFFE000  }
0x451: {  	[tilespmem:s11], [sflag:$0x1] =	stream.indirect.gather [spmem:s2], $0x40, s19, s10, $0xb8;
	[tilespmem:$0x19000] =	vst v63  }
0x452: {  	_ =	swait.ge [sflag:s15], $0x2000  }
0x453: {  	[sflag:s15] =	ssyncset.done $0x0  }
0x454: {  	s0 =	simm.s32 $0xD80;
	[sflag:s15] =	ssyncadd.s32 $0xFFFFE000  }
0x455: {  	[spmem:s3] =	stream.indirect.scatter.add.f32 [tilespmem:s12], [sflag:$0x3], $0x40, s0, s10, $0xb8;
	[tilespmem:$0x19000] =	vst v63  }
0x456: {  	_ =	swait.ge [sflag:s7], $0x2000  }
0x457: {  	[sflag:s7] =	ssyncset.done $0x0  }
0x458: {  	s1 =	simm.s32 $0x680;
	[sflag:s7] =	ssyncadd.s32 $0xFFFFE000  }
0x459: {  	[tilespmem:s12], [sflag:$0x2] =	stream.indirect.gather [spmem:s2], $0x40, s1, s10, $0xb8;
	[tilespmem:$0x19000] =	vst v63  }
0x45a: {  	_ =	swait.ge [sflag:s13], $0x2000  }
0x45b: {  	[sflag:s13] =	ssyncset.done $0x0  }
0x45c: {  	s20 =	simm.s32 $0xE00;
	[sflag:s13] =	ssyncadd.s32 $0xFFFFE000  }
0x45d: {  	[spmem:s3] =	stream.indirect.scatter.add.f32 [tilespmem:s11], [sflag:$0x3], $0x40, s20, s10, $0xb8;
	[tilespmem:$0x19000] =	vst v63  }
0x45e: {  	_ =	swait.ge [sflag:s7], $0x2000  }
0x45f: {  	[sflag:s7] =	ssyncset.done $0x0  }
0x460: {  	s8 =	simm.s32 $0x700;
	[sflag:s7] =	ssyncadd.s32 $0xFFFFE000  }
0x461: {  	[tilespmem:s11], [sflag:$0x1] =	stream.indirect.gather [spmem:s2], $0x40, s8, s10, $0xb8;
	[tilespmem:$0x19000] =	vst v63  }
0x462: {  	_ =	swait.ge [sflag:s15], $0x2000  }
0x463: {  	[sflag:s15] =	ssyncset.done $0x0  }
0x464: {  	s25 =	simm.s32 $0xE80;
	[sflag:s15] =	ssyncadd.s32 $0xFFFFE000  }
0x465: {  	[spmem:s3] =	stream.indirect.scatter.add.f32 [tilespmem:s12], [sflag:$0x3], $0x40, s25, s10, $0xb8;
	[tilespmem:$0x19000] =	vst v63  }
0x466: {  	_ =	swait.ge [sflag:s7], $0x2000  }
0x467: {  	[sflag:s7] =	ssyncset.done $0x0  }
0x468: {  	s14 =	simm.s32 $0x780;
	[sflag:s7] =	ssyncadd.s32 $0xFFFFE000  }
0x469: {  	[tilespmem:s12], [sflag:$0x2] =	stream.indirect.gather [spmem:s2], $0x40, s14, s10, $0xb8;
	[tilespmem:$0x19000] =	vst v63  }
0x46a: {  	_ =	swait.ge [sflag:s13], $0x2000  }
0x46b: {  	[sflag:s13] =	ssyncset.done $0x0  }
0x46c: {  	s16 =	simm.s32 $0xF00;
	[sflag:s13] =	ssyncadd.s32 $0xFFFFE000  }
0x46d: {  	[spmem:s3] =	stream.indirect.scatter.add.f32 [tilespmem:s11], [sflag:$0x3], $0x40, s16, s10, $0xb8;
	[tilespmem:$0x19000] =	vst v63  }
0x46e: {  	_ =	swait.ge [sflag:s7], $0x2000  }
0x46f: {  	[sflag:s7] =	ssyncset.done $0x0  }
0x470: {  	[sflag:s7] =	ssyncadd.s32 $0xFFFFE000  }
0x471: {  	_ =	swait.ge [sflag:s15], $0x2000  }
0x472: {  	[sflag:s15] =	ssyncset.done $0x0  }
0x473: {  	s5 =	simm.s32 $0xF80;
	[sflag:s15] =	ssyncadd.s32 $0xFFFFE000  }
0x474: {  	[spmem:s3] =	stream.indirect.scatter.add.f32 [tilespmem:s12], [sflag:$0x3], $0x40, s5, s10, $0xb8;
	[tilespmem:$0x19000] =	vst v63  }
0x475: {  	_ =	swait.ge [sflag:s7], $0x2000  }
0x476: {  	[sflag:s7] =	ssyncset.done $0x0  }
0x477: {  	s16 =	rddreg [dreg:$0x16];
	[sflag:s7] =	ssyncadd.s32 $0xFFFFE000  }
0x478: {  	[tilespmem:s4], [sflag:$0x3] =	stream.linear.gather [hbm4b:s16+s4], $0x800, $0x38;
	[tilespmem:$0x19000] =	vst v63  }
0x479: {  	_ =	swait.ge [sflag:s7], $0x800  }
0x47a: {  	[sflag:s7] =	ssyncset.done $0x0  }
0x47b: {  	s20 =	rddreg [dreg:$0x17];
	[sflag:s7] =	ssyncadd.s32 $0xFFFFF800  }
0x47c: {  	[tilespmem:s9], [sflag:$0x3] =	stream.linear.gather [hbm4b:s20+s4], $0x800, $0x38;
	[tilespmem:$0x19000] =	vst v63  }
0x47d: {  	_ =	swait.ge [sflag:s7], $0x800  }
0x47e: {  	[sflag:s7] =	ssyncset.done $0x0  }
0x47f: {  	[sflag:s7] =	ssyncadd.s32 $0xFFFFF800  }
0x480: {  	[tilespmem:s11], [sflag:$0x1] =	stream.indirect.gather [spmem:s2], $0x40, s4, s10, $0xb8;
	[tilespmem:$0x19000] =	vst v63  }
0x481: {  	_ = 	snop  }
0x482: {  	[tilespmem:s12], [sflag:$0x2] =	stream.indirect.gather [spmem:s2], $0x40, s10, s10, $0xb8;
	[tilespmem:$0x19000] =	vst v63  }
0x483: {  	_ =	swait.ge [sflag:s13], $0x2000  }
0x484: {  	[sflag:s13] =	ssyncset.done $0x0  }
0x485: {  	[sflag:s13] =	ssyncadd.s32 $0xFFFFE000  }
0x486: {  	[spmem:s3] =	stream.indirect.scatter.add.f32 [tilespmem:s11], [sflag:$0x3], $0x40, s9, s10, $0xb8;
	[tilespmem:$0x19000] =	vst v63  }
0x487: {  	_ =	swait.ge [sflag:s7], $0x2000  }
0x488: {  	[sflag:s7] =	ssyncset.done $0x0  }
0x489: {  	s24 =	simm.s32 $0x100;
	[sflag:s7] =	ssyncadd.s32 $0xFFFFE000  }
0x48a: {  	[tilespmem:s11], [sflag:$0x1] =	stream.indirect.gather [spmem:s2], $0x40, s24, s10, $0xb8;
	[tilespmem:$0x19000] =	vst v63  }
0x48b: {  	_ =	swait.ge [sflag:s15], $0x2000  }
0x48c: {  	[sflag:s15] =	ssyncset.done $0x0  }
0x48d: {  	s25 =	simm.s32 $0x880;
	[sflag:s15] =	ssyncadd.s32 $0xFFFFE000  }
0x48e: {  	[spmem:s3] =	stream.indirect.scatter.add.f32 [tilespmem:s12], [sflag:$0x3], $0x40, s25, s10, $0xb8;
	[tilespmem:$0x19000] =	vst v63  }
0x48f: {  	_ =	swait.ge [sflag:s7], $0x2000  }
0x490: {  	[sflag:s7] =	ssyncset.done $0x0  }
0x491: {  	s5 =	simm.s32 $0x180;
	[sflag:s7] =	ssyncadd.s32 $0xFFFFE000  }
0x492: {  	[tilespmem:s12], [sflag:$0x2] =	stream.indirect.gather [spmem:s2], $0x40, s5, s10, $0xb8;
	[tilespmem:$0x19000] =	vst v63  }
0x493: {  	_ =	swait.ge [sflag:s13], $0x2000  }
0x494: {  	[sflag:s13] =	ssyncset.done $0x0  }
0x495: {  	s16 =	simm.s32 $0x900;
	[sflag:s13] =	ssyncadd.s32 $0xFFFFE000  }
0x496: {  	[spmem:s3] =	stream.indirect.scatter.add.f32 [tilespmem:s11], [sflag:$0x3], $0x40, s16, s10, $0xb8;
	[tilespmem:$0x19000] =	vst v63  }
0x497: {  	_ =	swait.ge [sflag:s7], $0x2000  }
0x498: {  	[sflag:s7] =	ssyncset.done $0x0  }
0x499: {  	s20 =	simm.s32 $0x200;
	[sflag:s7] =	ssyncadd.s32 $0xFFFFE000  }
0x49a: {  	[tilespmem:s11], [sflag:$0x1] =	stream.indirect.gather [spmem:s2], $0x40, s20, s10, $0xb8;
	[tilespmem:$0x19000] =	vst v63  }
0x49b: {  	_ =	swait.ge [sflag:s15], $0x2000  }
0x49c: {  	[sflag:s15] =	ssyncset.done $0x0  }
0x49d: {  	s24 =	simm.s32 $0x980;
	[sflag:s15] =	ssyncadd.s32 $0xFFFFE000  }
0x49e: {  	[spmem:s3] =	stream.indirect.scatter.add.f32 [tilespmem:s12], [sflag:$0x3], $0x40, s24, s10, $0xb8;
	[tilespmem:$0x19000] =	vst v63  }
0x49f: {  	_ =	swait.ge [sflag:s7], $0x2000  }
0x4a0: {  	[sflag:s7] =	ssyncset.done $0x0  }
0x4a1: {  	s17 =	simm.s32 $0x280;
	[sflag:s7] =	ssyncadd.s32 $0xFFFFE000  }
0x4a2: {  	[tilespmem:s12], [sflag:$0x2] =	stream.indirect.gather [spmem:s2], $0x40, s17, s10, $0xb8;
	[tilespmem:$0x19000] =	vst v63  }
0x4a3: {  	_ =	swait.ge [sflag:s13], $0x2000  }
0x4a4: {  	[sflag:s13] =	ssyncset.done $0x0  }
0x4a5: {  	s25 =	simm.s32 $0xA00;
	[sflag:s13] =	ssyncadd.s32 $0xFFFFE000  }
0x4a6: {  	[spmem:s3] =	stream.indirect.scatter.add.f32 [tilespmem:s11], [sflag:$0x3], $0x40, s25, s10, $0xb8;
	[tilespmem:$0x19000] =	vst v63  }
0x4a7: {  	_ =	swait.ge [sflag:s7], $0x2000  }
0x4a8: {  	[sflag:s7] =	ssyncset.done $0x0  }
0x4a9: {  	s21 =	simm.s32 $0x300;
	[sflag:s7] =	ssyncadd.s32 $0xFFFFE000  }
0x4aa: {  	[tilespmem:s11], [sflag:$0x1] =	stream.indirect.gather [spmem:s2], $0x40, s21, s10, $0xb8;
	[tilespmem:$0x19000] =	vst v63  }
0x4ab: {  	_ =	swait.ge [sflag:s15], $0x2000  }
0x4ac: {  	[sflag:s15] =	ssyncset.done $0x0  }
0x4ad: {  	s22 =	simm.s32 $0xA80;
	[sflag:s15] =	ssyncadd.s32 $0xFFFFE000  }
0x4ae: {  	[spmem:s3] =	stream.indirect.scatter.add.f32 [tilespmem:s12], [sflag:$0x3], $0x40, s22, s10, $0xb8;
	[tilespmem:$0x19000] =	vst v63  }
0x4af: {  	_ =	swait.ge [sflag:s7], $0x2000  }
0x4b0: {  	[sflag:s7] =	ssyncset.done $0x0  }
0x4b1: {  	s23 =	simm.s32 $0x380;
	[sflag:s7] =	ssyncadd.s32 $0xFFFFE000  }
0x4b2: {  	[tilespmem:s12], [sflag:$0x2] =	stream.indirect.gather [spmem:s2], $0x40, s23, s10, $0xb8;
	[tilespmem:$0x19000] =	vst v63  }
0x4b3: {  	_ =	swait.ge [sflag:s13], $0x2000  }
0x4b4: {  	[sflag:s13] =	ssyncset.done $0x0  }
0x4b5: {  	s26 =	simm.s32 $0xB00;
	[sflag:s13] =	ssyncadd.s32 $0xFFFFE000  }
0x4b6: {  	[spmem:s3] =	stream.indirect.scatter.add.f32 [tilespmem:s11], [sflag:$0x3], $0x40, s26, s10, $0xb8;
	[tilespmem:$0x19000] =	vst v63  }
0x4b7: {  	_ =	swait.ge [sflag:s7], $0x2000  }
0x4b8: {  	[sflag:s7] =	ssyncset.done $0x0  }
0x4b9: {  	s28 =	simm.s32 $0x400;
	[sflag:s7] =	ssyncadd.s32 $0xFFFFE000  }
0x4ba: {  	[tilespmem:s11], [sflag:$0x1] =	stream.indirect.gather [spmem:s2], $0x40, s28, s10, $0xb8;
	[tilespmem:$0x19000] =	vst v63  }
0x4bb: {  	_ =	swait.ge [sflag:s15], $0x2000  }
0x4bc: {  	[sflag:s15] =	ssyncset.done $0x0  }
0x4bd: {  	s29 =	simm.s32 $0xB80;
	[sflag:s15] =	ssyncadd.s32 $0xFFFFE000  }
0x4be: {  	[spmem:s3] =	stream.indirect.scatter.add.f32 [tilespmem:s12], [sflag:$0x3], $0x40, s29, s10, $0xb8;
	[tilespmem:$0x19000] =	vst v63  }
0x4bf: {  	_ =	swait.ge [sflag:s7], $0x2000  }
0x4c0: {  	[sflag:s7] =	ssyncset.done $0x0  }
0x4c1: {  	s30 =	simm.s32 $0x480;
	[sflag:s7] =	ssyncadd.s32 $0xFFFFE000  }
0x4c2: {  	[tilespmem:s12], [sflag:$0x2] =	stream.indirect.gather [spmem:s2], $0x40, s30, s10, $0xb8;
	[tilespmem:$0x19000] =	vst v63  }
0x4c3: {  	_ =	swait.ge [sflag:s13], $0x2000  }
0x4c4: {  	[sflag:s13] =	ssyncset.done $0x0  }
0x4c5: {  	s31 =	simm.s32 $0xC00;
	[sflag:s13] =	ssyncadd.s32 $0xFFFFE000  }
0x4c6: {  	[spmem:s3] =	stream.indirect.scatter.add.f32 [tilespmem:s11], [sflag:$0x3], $0x40, s31, s10, $0xb8;
	[tilespmem:$0x19000] =	vst v63  }
0x4c7: {  	_ =	swait.ge [sflag:s7], $0x2000  }
0x4c8: {  	[sflag:s7] =	ssyncset.done $0x0  }
0x4c9: {  	s0 =	simm.s32 $0x500;
	[sflag:s7] =	ssyncadd.s32 $0xFFFFE000  }
0x4ca: {  	[tilespmem:s11], [sflag:$0x1] =	stream.indirect.gather [spmem:s2], $0x40, s0, s10, $0xb8;
	[tilespmem:$0x19000] =	vst v63  }
0x4cb: {  	_ =	swait.ge [sflag:s15], $0x2000  }
0x4cc: {  	[sflag:s15] =	ssyncset.done $0x0  }
0x4cd: {  	s16 =	simm.s32 $0xC80;
	[sflag:s15] =	ssyncadd.s32 $0xFFFFE000  }
0x4ce: {  	[spmem:s3] =	stream.indirect.scatter.add.f32 [tilespmem:s12], [sflag:$0x3], $0x40, s16, s10, $0xb8;
	[tilespmem:$0x19000] =	vst v63  }
0x4cf: {  	_ =	swait.ge [sflag:s7], $0x2000  }
0x4d0: {  	[sflag:s7] =	ssyncset.done $0x0  }
0x4d1: {  	s20 =	simm.s32 $0x580;
	[sflag:s7] =	ssyncadd.s32 $0xFFFFE000  }
0x4d2: {  	[tilespmem:s12], [sflag:$0x2] =	stream.indirect.gather [spmem:s2], $0x40, s20, s10, $0xb8;
	[tilespmem:$0x19000] =	vst v63  }
0x4d3: {  	_ =	swait.ge [sflag:s13], $0x2000  }
0x4d4: {  	[sflag:s13] =	ssyncset.done $0x0  }
0x4d5: {  	s6 =	simm.s32 $0xD00;
	[sflag:s13] =	ssyncadd.s32 $0xFFFFE000  }
0x4d6: {  	[spmem:s3] =	stream.indirect.scatter.add.f32 [tilespmem:s11], [sflag:$0x3], $0x40, s6, s10, $0xb8;
	[tilespmem:$0x19000] =	vst v63  }
0x4d7: {  	_ =	swait.ge [sflag:s7], $0x2000  }
0x4d8: {  	[sflag:s7] =	ssyncset.done $0x0  }
0x4d9: {  	s18 =	simm.s32 $0x600;
	[sflag:s7] =	ssyncadd.s32 $0xFFFFE000  }
0x4da: {  	[tilespmem:s11], [sflag:$0x1] =	stream.indirect.gather [spmem:s2], $0x40, s18, s10, $0xb8;
	[tilespmem:$0x19000] =	vst v63  }
0x4db: {  	_ =	swait.ge [sflag:s15], $0x2000  }
0x4dc: {  	[sflag:s15] =	ssyncset.done $0x0  }
0x4dd: {  	s24 =	simm.s32 $0xD80;
	[sflag:s15] =	ssyncadd.s32 $0xFFFFE000  }
0x4de: {  	[spmem:s3] =	stream.indirect.scatter.add.f32 [tilespmem:s12], [sflag:$0x3], $0x40, s24, s10, $0xb8;
	[tilespmem:$0x19000] =	vst v63  }
0x4df: {  	_ =	swait.ge [sflag:s7], $0x2000  }
0x4e0: {  	[sflag:s7] =	ssyncset.done $0x0  }
0x4e1: {  	s1 =	simm.s32 $0x680;
	[sflag:s7] =	ssyncadd.s32 $0xFFFFE000  }
0x4e2: {  	[tilespmem:s12], [sflag:$0x2] =	stream.indirect.gather [spmem:s2], $0x40, s1, s10, $0xb8;
	[tilespmem:$0x19000] =	vst v63  }
0x4e3: {  	_ =	swait.ge [sflag:s13], $0x2000  }
0x4e4: {  	[sflag:s13] =	ssyncset.done $0x0  }
0x4e5: {  	s25 =	simm.s32 $0xE00;
	[sflag:s13] =	ssyncadd.s32 $0xFFFFE000  }
0x4e6: {  	[spmem:s3] =	stream.indirect.scatter.add.f32 [tilespmem:s11], [sflag:$0x3], $0x40, s25, s10, $0xb8;
	[tilespmem:$0x19000] =	vst v63  }
0x4e7: {  	_ =	swait.ge [sflag:s7], $0x2000  }
0x4e8: {  	[sflag:s7] =	ssyncset.done $0x0  }
0x4e9: {  	s8 =	simm.s32 $0x700;
	[sflag:s7] =	ssyncadd.s32 $0xFFFFE000  }
0x4ea: {  	[tilespmem:s11], [sflag:$0x1] =	stream.indirect.gather [spmem:s2], $0x40, s8, s10, $0xb8;
	[tilespmem:$0x19000] =	vst v63  }
0x4eb: {  	_ =	swait.ge [sflag:s15], $0x2000  }
0x4ec: {  	[sflag:s15] =	ssyncset.done $0x0  }
0x4ed: {  	s24 =	simm.s32 $0xE80;
	[sflag:s15] =	ssyncadd.s32 $0xFFFFE000  }
0x4ee: {  	[spmem:s3] =	stream.indirect.scatter.add.f32 [tilespmem:s12], [sflag:$0x3], $0x40, s24, s10, $0xb8;
	[tilespmem:$0x19000] =	vst v63  }
0x4ef: {  	_ =	swait.ge [sflag:s7], $0x2000  }
0x4f0: {  	[sflag:s7] =	ssyncset.done $0x0  }
0x4f1: {  	s14 =	simm.s32 $0x780;
	[sflag:s7] =	ssyncadd.s32 $0xFFFFE000  }
0x4f2: {  	[tilespmem:s12], [sflag:$0x2] =	stream.indirect.gather [spmem:s2], $0x40, s14, s10, $0xb8;
	[tilespmem:$0x19000] =	vst v63  }
0x4f3: {  	_ =	swait.ge [sflag:s13], $0x2000  }
0x4f4: {  	[sflag:s13] =	ssyncset.done $0x0  }
0x4f5: {  	s24 =	simm.s32 $0xF00;
	[sflag:s13] =	ssyncadd.s32 $0xFFFFE000  }
0x4f6: {  	[spmem:s3] =	stream.indirect.scatter.add.f32 [tilespmem:s11], [sflag:$0x3], $0x40, s24, s10, $0xb8;
	[tilespmem:$0x19000] =	vst v63  }
0x4f7: {  	_ =	swait.ge [sflag:s7], $0x2000  }
0x4f8: {  	[sflag:s7] =	ssyncset.done $0x0  }
0x4f9: {  	[sflag:s7] =	ssyncadd.s32 $0xFFFFE000  }
0x4fa: {  	_ =	swait.ge [sflag:s15], $0x2000  }
0x4fb: {  	[sflag:s15] =	ssyncset.done $0x0  }
0x4fc: {  	s19 =	simm.s32 $0xF80;
	[sflag:s15] =	ssyncadd.s32 $0xFFFFE000  }
0x4fd: {  	[spmem:s3] =	stream.indirect.scatter.add.f32 [tilespmem:s12], [sflag:$0x3], $0x40, s19, s10, $0xb8;
	[tilespmem:$0x19000] =	vst v63  }
0x4fe: {  	_ =	swait.ge [sflag:s7], $0x2000  }
0x4ff: {  	[sflag:s7] =	ssyncset.done $0x0  }
0x500: {  	s19 =	rddreg [dreg:$0x18];
	[sflag:s7] =	ssyncadd.s32 $0xFFFFE000  }
0x501: {  	[tilespmem:s4], [sflag:$0x3] =	stream.linear.gather [hbm4b:s19+s4], $0x800, $0x38;
	[tilespmem:$0x19000] =	vst v63  }
0x502: {  	_ =	swait.ge [sflag:s7], $0x800  }
0x503: {  	[sflag:s7] =	ssyncset.done $0x0  }
0x504: {  	s19 =	rddreg [dreg:$0x19];
	[sflag:s7] =	ssyncadd.s32 $0xFFFFF800  }
0x505: {  	[tilespmem:s9], [sflag:$0x3] =	stream.linear.gather [hbm4b:s19+s4], $0x800, $0x38;
	[tilespmem:$0x19000] =	vst v63  }
0x506: {  	_ =	swait.ge [sflag:s7], $0x800  }
0x507: {  	[sflag:s7] =	ssyncset.done $0x0  }
0x508: {  	[sflag:s7] =	ssyncadd.s32 $0xFFFFF800  }
0x509: {  	[tilespmem:s11], [sflag:$0x1] =	stream.indirect.gather [spmem:s2], $0x40, s4, s10, $0xb8;
	[tilespmem:$0x19000] =	vst v63  }
0x50a: {  	_ = 	snop  }
0x50b: {  	[tilespmem:s12], [sflag:$0x2] =	stream.indirect.gather [spmem:s2], $0x40, s10, s10, $0xb8;
	[tilespmem:$0x19000] =	vst v63  }
0x50c: {  	_ =	swait.ge [sflag:s13], $0x2000  }
0x50d: {  	[sflag:s13] =	ssyncset.done $0x0  }
0x50e: {  	[sflag:s13] =	ssyncadd.s32 $0xFFFFE000  }
0x50f: {  	[spmem:s3] =	stream.indirect.scatter.add.f32 [tilespmem:s11], [sflag:$0x3], $0x40, s9, s10, $0xb8;
	[tilespmem:$0x19000] =	vst v63  }
0x510: {  	_ =	swait.ge [sflag:s7], $0x2000  }
0x511: {  	[sflag:s7] =	ssyncset.done $0x0  }
0x512: {  	s24 =	simm.s32 $0x100;
	[sflag:s7] =	ssyncadd.s32 $0xFFFFE000  }
0x513: {  	[tilespmem:s11], [sflag:$0x1] =	stream.indirect.gather [spmem:s2], $0x40, s24, s10, $0xb8;
	[tilespmem:$0x19000] =	vst v63  }
0x514: {  	_ =	swait.ge [sflag:s15], $0x2000  }
0x515: {  	[sflag:s15] =	ssyncset.done $0x0  }
0x516: {  	s24 =	simm.s32 $0x880;
	[sflag:s15] =	ssyncadd.s32 $0xFFFFE000  }
0x517: {  	[spmem:s3] =	stream.indirect.scatter.add.f32 [tilespmem:s12], [sflag:$0x3], $0x40, s24, s10, $0xb8;
	[tilespmem:$0x19000] =	vst v63  }
0x518: {  	_ =	swait.ge [sflag:s7], $0x2000  }
0x519: {  	[sflag:s7] =	ssyncset.done $0x0  }
0x51a: {  	s24 =	simm.s32 $0x180;
	[sflag:s7] =	ssyncadd.s32 $0xFFFFE000  }
0x51b: {  	[tilespmem:s12], [sflag:$0x2] =	stream.indirect.gather [spmem:s2], $0x40, s24, s10, $0xb8;
	[tilespmem:$0x19000] =	vst v63  }
0x51c: {  	_ =	swait.ge [sflag:s13], $0x2000  }
0x51d: {  	[sflag:s13] =	ssyncset.done $0x0  }
0x51e: {  	s24 =	simm.s32 $0x900;
	[sflag:s13] =	ssyncadd.s32 $0xFFFFE000  }
0x51f: {  	[spmem:s3] =	stream.indirect.scatter.add.f32 [tilespmem:s11], [sflag:$0x3], $0x40, s24, s10, $0xb8;
	[tilespmem:$0x19000] =	vst v63  }
0x520: {  	_ =	swait.ge [sflag:s7], $0x2000  }
0x521: {  	[sflag:s7] =	ssyncset.done $0x0  }
0x522: {  	s24 =	simm.s32 $0x200;
	[sflag:s7] =	ssyncadd.s32 $0xFFFFE000  }
0x523: {  	[tilespmem:s11], [sflag:$0x1] =	stream.indirect.gather [spmem:s2], $0x40, s24, s10, $0xb8;
	[tilespmem:$0x19000] =	vst v63  }
0x524: {  	_ =	swait.ge [sflag:s15], $0x2000  }
0x525: {  	[sflag:s15] =	ssyncset.done $0x0  }
0x526: {  	s24 =	simm.s32 $0x980;
	[sflag:s15] =	ssyncadd.s32 $0xFFFFE000  }
0x527: {  	[spmem:s3] =	stream.indirect.scatter.add.f32 [tilespmem:s12], [sflag:$0x3], $0x40, s24, s10, $0xb8;
	[tilespmem:$0x19000] =	vst v63  }
0x528: {  	_ =	swait.ge [sflag:s7], $0x2000  }
0x529: {  	[sflag:s7] =	ssyncset.done $0x0  }
0x52a: {  	s5 =	simm.s32 $0x280;
	[sflag:s7] =	ssyncadd.s32 $0xFFFFE000  }
0x52b: {  	[tilespmem:s12], [sflag:$0x2] =	stream.indirect.gather [spmem:s2], $0x40, s5, s10, $0xb8;
	[tilespmem:$0x19000] =	vst v63  }
0x52c: {  	_ =	swait.ge [sflag:s13], $0x2000  }
0x52d: {  	[sflag:s13] =	ssyncset.done $0x0  }
0x52e: {  	s19 =	simm.s32 $0xA00;
	[sflag:s13] =	ssyncadd.s32 $0xFFFFE000  }
0x52f: {  	[spmem:s3] =	stream.indirect.scatter.add.f32 [tilespmem:s11], [sflag:$0x3], $0x40, s19, s10, $0xb8;
	[tilespmem:$0x19000] =	vst v63  }
0x530: {  	_ =	swait.ge [sflag:s7], $0x2000  }
0x531: {  	[sflag:s7] =	ssyncset.done $0x0  }
0x532: {  	s17 =	simm.s32 $0x300;
	[sflag:s7] =	ssyncadd.s32 $0xFFFFE000  }
0x533: {  	[tilespmem:s11], [sflag:$0x1] =	stream.indirect.gather [spmem:s2], $0x40, s17, s10, $0xb8;
	[tilespmem:$0x19000] =	vst v63  }
0x534: {  	_ =	swait.ge [sflag:s15], $0x2000  }
0x535: {  	[sflag:s15] =	ssyncset.done $0x0  }
0x536: {  	s21 =	simm.s32 $0xA80;
	[sflag:s15] =	ssyncadd.s32 $0xFFFFE000  }
0x537: {  	[spmem:s3] =	stream.indirect.scatter.add.f32 [tilespmem:s12], [sflag:$0x3], $0x40, s21, s10, $0xb8;
	[tilespmem:$0x19000] =	vst v63  }
0x538: {  	_ =	swait.ge [sflag:s7], $0x2000  }
0x539: {  	[sflag:s7] =	ssyncset.done $0x0  }
0x53a: {  	s22 =	simm.s32 $0x380;
	[sflag:s7] =	ssyncadd.s32 $0xFFFFE000  }
0x53b: {  	[tilespmem:s12], [sflag:$0x2] =	stream.indirect.gather [spmem:s2], $0x40, s22, s10, $0xb8;
	[tilespmem:$0x19000] =	vst v63  }
0x53c: {  	_ =	swait.ge [sflag:s13], $0x2000  }
0x53d: {  	[sflag:s13] =	ssyncset.done $0x0  }
0x53e: {  	s23 =	simm.s32 $0xB00;
	[sflag:s13] =	ssyncadd.s32 $0xFFFFE000  }
0x53f: {  	[spmem:s3] =	stream.indirect.scatter.add.f32 [tilespmem:s11], [sflag:$0x3], $0x40, s23, s10, $0xb8;
	[tilespmem:$0x19000] =	vst v63  }
0x540: {  	_ =	swait.ge [sflag:s7], $0x2000  }
0x541: {  	[sflag:s7] =	ssyncset.done $0x0  }
0x542: {  	s26 =	simm.s32 $0x400;
	[sflag:s7] =	ssyncadd.s32 $0xFFFFE000  }
0x543: {  	[tilespmem:s11], [sflag:$0x1] =	stream.indirect.gather [spmem:s2], $0x40, s26, s10, $0xb8;
	[tilespmem:$0x19000] =	vst v63  }
0x544: {  	_ =	swait.ge [sflag:s15], $0x2000  }
0x545: {  	[sflag:s15] =	ssyncset.done $0x0  }
0x546: {  	s28 =	simm.s32 $0xB80;
	[sflag:s15] =	ssyncadd.s32 $0xFFFFE000  }
0x547: {  	[spmem:s3] =	stream.indirect.scatter.add.f32 [tilespmem:s12], [sflag:$0x3], $0x40, s28, s10, $0xb8;
	[tilespmem:$0x19000] =	vst v63  }
0x548: {  	_ =	swait.ge [sflag:s7], $0x2000  }
0x549: {  	[sflag:s7] =	ssyncset.done $0x0  }
0x54a: {  	s29 =	simm.s32 $0x480;
	[sflag:s7] =	ssyncadd.s32 $0xFFFFE000  }
0x54b: {  	[tilespmem:s12], [sflag:$0x2] =	stream.indirect.gather [spmem:s2], $0x40, s29, s10, $0xb8;
	[tilespmem:$0x19000] =	vst v63  }
0x54c: {  	_ =	swait.ge [sflag:s13], $0x2000  }
0x54d: {  	[sflag:s13] =	ssyncset.done $0x0  }
0x54e: {  	s30 =	simm.s32 $0xC00;
	[sflag:s13] =	ssyncadd.s32 $0xFFFFE000  }
0x54f: {  	[spmem:s3] =	stream.indirect.scatter.add.f32 [tilespmem:s11], [sflag:$0x3], $0x40, s30, s10, $0xb8;
	[tilespmem:$0x19000] =	vst v63  }
0x550: {  	_ =	swait.ge [sflag:s7], $0x2000  }
0x551: {  	[sflag:s7] =	ssyncset.done $0x0  }
0x552: {  	s31 =	simm.s32 $0x500;
	[sflag:s7] =	ssyncadd.s32 $0xFFFFE000  }
0x553: {  	[tilespmem:s11], [sflag:$0x1] =	stream.indirect.gather [spmem:s2], $0x40, s31, s10, $0xb8;
	[tilespmem:$0x19000] =	vst v63  }
0x554: {  	_ =	swait.ge [sflag:s15], $0x2000  }
0x555: {  	[sflag:s15] =	ssyncset.done $0x0  }
0x556: {  	s0 =	simm.s32 $0xC80;
	[sflag:s15] =	ssyncadd.s32 $0xFFFFE000  }
0x557: {  	[spmem:s3] =	stream.indirect.scatter.add.f32 [tilespmem:s12], [sflag:$0x3], $0x40, s0, s10, $0xb8;
	[tilespmem:$0x19000] =	vst v63  }
0x558: {  	_ =	swait.ge [sflag:s7], $0x2000  }
0x559: {  	[sflag:s7] =	ssyncset.done $0x0  }
0x55a: {  	s22 =	simm.s32 $0x580;
	[sflag:s7] =	ssyncadd.s32 $0xFFFFE000  }
0x55b: {  	[tilespmem:s12], [sflag:$0x2] =	stream.indirect.gather [spmem:s2], $0x40, s22, s10, $0xb8;
	[tilespmem:$0x19000] =	vst v63  }
0x55c: {  	_ =	swait.ge [sflag:s13], $0x2000  }
0x55d: {  	[sflag:s13] =	ssyncset.done $0x0  }
0x55e: {  	s16 =	simm.s32 $0xD00;
	[sflag:s13] =	ssyncadd.s32 $0xFFFFE000  }
0x55f: {  	[spmem:s3] =	stream.indirect.scatter.add.f32 [tilespmem:s11], [sflag:$0x3], $0x40, s16, s10, $0xb8;
	[tilespmem:$0x19000] =	vst v63  }
0x560: {  	_ =	swait.ge [sflag:s7], $0x2000  }
0x561: {  	[sflag:s7] =	ssyncset.done $0x0  }
0x562: {  	s6 =	simm.s32 $0x600;
	[sflag:s7] =	ssyncadd.s32 $0xFFFFE000  }
0x563: {  	[tilespmem:s11], [sflag:$0x1] =	stream.indirect.gather [spmem:s2], $0x40, s6, s10, $0xb8;
	[tilespmem:$0x19000] =	vst v63  }
0x564: {  	_ =	swait.ge [sflag:s15], $0x2000  }
0x565: {  	[sflag:s15] =	ssyncset.done $0x0  }
0x566: {  	s20 =	simm.s32 $0xD80;
	[sflag:s15] =	ssyncadd.s32 $0xFFFFE000  }
0x567: {  	[spmem:s3] =	stream.indirect.scatter.add.f32 [tilespmem:s12], [sflag:$0x3], $0x40, s20, s10, $0xb8;
	[tilespmem:$0x19000] =	vst v63  }
0x568: {  	_ =	swait.ge [sflag:s7], $0x2000  }
0x569: {  	[sflag:s7] =	ssyncset.done $0x0  }
0x56a: {  	s18 =	simm.s32 $0x680;
	[sflag:s7] =	ssyncadd.s32 $0xFFFFE000  }
0x56b: {  	[tilespmem:s12], [sflag:$0x2] =	stream.indirect.gather [spmem:s2], $0x40, s18, s10, $0xb8;
	[tilespmem:$0x19000] =	vst v63  }
0x56c: {  	s23 =	rddreg [dreg:$0x1e];
	_ =	swait.ge [sflag:s13], $0x2000  }
0x56d: {  	[sflag:s13] =	ssyncset.done $0x0  }
0x56e: {  	s25 =	simm.s32 $0xE00;
	[sflag:s13] =	ssyncadd.s32 $0xFFFFE000  }
0x56f: {  	[spmem:s3] =	stream.indirect.scatter.add.f32 [tilespmem:s11], [sflag:$0x3], $0x40, s25, s10, $0xb8;
	[tilespmem:$0x19000] =	vst v63  }
0x570: {  	_ =	swait.ge [sflag:s7], $0x2000  }
0x571: {  	[sflag:s7] =	ssyncset.done $0x0  }
0x572: {  	s1 =	simm.s32 $0x700;
	[sflag:s7] =	ssyncadd.s32 $0xFFFFE000  }
0x573: {  	[tilespmem:s11], [sflag:$0x1] =	stream.indirect.gather [spmem:s2], $0x40, s1, s10, $0xb8;
	[tilespmem:$0x19000] =	vst v63  }
0x574: {  	_ =	swait.ge [sflag:s15], $0x2000  }
0x575: {  	[sflag:s15] =	ssyncset.done $0x0  }
0x576: {  	s26 =	simm.s32 $0xE80;
	[sflag:s15] =	ssyncadd.s32 $0xFFFFE000  }
0x577: {  	[spmem:s3] =	stream.indirect.scatter.add.f32 [tilespmem:s12], [sflag:$0x3], $0x40, s26, s10, $0xb8;
	[tilespmem:$0x19000] =	vst v63  }
0x578: {  	_ =	swait.ge [sflag:s7], $0x2000  }
0x579: {  	[sflag:s7] =	ssyncset.done $0x0  }
0x57a: {  	s8 =	simm.s32 $0x780;
	[sflag:s7] =	ssyncadd.s32 $0xFFFFE000  }
0x57b: {  	[tilespmem:s12], [sflag:$0x2] =	stream.indirect.gather [spmem:s2], $0x40, s8, s10, $0xb8;
	[tilespmem:$0x19000] =	vst v63  }
0x57c: {  	_ =	swait.ge [sflag:s13], $0x2000  }
0x57d: {  	[sflag:s13] =	ssyncset.done $0x0  }
0x57e: {  	s28 =	simm.s32 $0xF00;
	[sflag:s13] =	ssyncadd.s32 $0xFFFFE000  }
0x57f: {  	[spmem:s3] =	stream.indirect.scatter.add.f32 [tilespmem:s11], [sflag:$0x3], $0x40, s28, s10, $0xb8;
	[tilespmem:$0x19000] =	vst v63  }
0x580: {  	_ =	swait.ge [sflag:s7], $0x2000  }
0x581: {  	[sflag:s7] =	ssyncset.done $0x0  }
0x582: {  	[sflag:s7] =	ssyncadd.s32 $0xFFFFE000  }
0x583: {  	_ =	swait.ge [sflag:s15], $0x2000  }
0x584: {  	[sflag:s15] =	ssyncset.done $0x0  }
0x585: {  	s14 =	simm.s32 $0xF80;
	[sflag:s15] =	ssyncadd.s32 $0xFFFFE000  }
0x586: {  	[spmem:s3] =	stream.indirect.scatter.add.f32 [tilespmem:s12], [sflag:$0x3], $0x40, s14, s10, $0xb8;
	[tilespmem:$0x19000] =	vst v63  }
0x587: {  	_ =	swait.ge [sflag:s7], $0x2000  }
0x588: {  	[sflag:s7] =	ssyncset.done $0x0  }
0x589: {  	[sflag:s7] =	ssyncadd.s32 $0xFFFFE000  }
0x58a: {  	[bflag:$0x0] =	sbarrier.arrive $0xFFFF  }
0x58b: {  	s29 =	rddreg [dreg:$0x1a]  }
0x58c: {  	p0 =	sne.s32 s23, $0x1;
	s30 =	rddreg [dreg:$0x1d]  }
.Ltmp0:
0x58d: {  	s31 =	rddreg [dreg:$0x1c];
	(pc) =	sbr.rel @p0 .LBB2_1-.Ltmp0, $4  }
0x58e: {  	[hbm:s29], [sflag:s31] =	dma.local [spmem:s30], $0x1400  }
0x58f: {  	_ =	swait.ge [sflag:s7], $0x1400  }
0x590: {  	[sflag:s7] =	ssyncset.done $0x0  }
0x591: {  	s5 =	sadd.s32 $0xFFFFFFFF, s23;
	[sflag:s7] =	ssyncadd.s32 $0xFFFFEC00  }
0x592: {  	_ =	sfence.sel $0x180000  }
0x593: {  	[bflag:$0x0] =	sbarrier.arrive $0xFFFF  }
0x594: {  	_ =	strace $0x9000004A  }
0x595: {  	s0 =	stileid.u32;
	[bflag:$0x2] =	sbarrier.arrive $0xFFFF  }
0x596: {  	p0 =	sne.s32 s0, $0x0;
	s0 =	rddreg [dreg:$0x3]  }
0x597: {  	s0 =	sadd.s32 @!p0 $0x100000, s0  }
0x598: {  	[sflag:s0] =	ssyncadd.tile.s32 @!p0 $0x1;
	_ =	shalt  }
.Lfunc_end2:
_tile_overlayer_lowered:
.L_overlay_start_2:
0x599: {  	(tag) =	ssettag $0x2  }
0x59a: {  	s0 =	rddreg [dreg:$0x0];
	s2 =	stileid.u32  }
0x59b: {  	s1 =	rddreg [dreg:$0x1];
	p0 =	sne.s32 s2, $0x0  }
0x59c: {  	s3 =	rddreg [dreg:$0x2];
	[bflag:$0x3] =	sbarrier.arrive $0xFFFF;
	s2 =	simm.s32 @!p0 $0x1C03  }
0x59d: {  	[timem:s3], [sflag:s2] =	dma.local @!p0 [hbm:s0], s1  }
0x59e: {  	s0 =	simm.s32 @!p0 $0x3  }
0x59f: {  	_ =	swait.ge @!p0 [sflag:s0], s1  }
0x5a0: {  	s1 =	ssub.s32 @!p0 $0x0, s1;
	[sflag:s0] =	ssyncset.done @!p0 $0x0  }
0x5a1: {  	[sflag:s0] =	ssyncadd.s32 @!p0 s1  }
0x5a2: {  	[bflag:$0x3] =	sbarrier.arrive $0xFFFF  }
0x5a3: {  	_ =	shalt  }

// kernel: kernel.13.cloned.1.call-start
scs
__scs_entry_jumppad:
0x0: {  	(pc) =	sbr.rel $0x88, $3  }
0x1: {  	(tag) =	ssettag $0x0;
	lr =	simm.s32 $0x1  }
0x2: {  	[smem:$0x3F9B] =	sst lr;
	_ =	strace $0xD0000000  }
0x3: {  	_ = 	snop  }
0x4: {  	_ = 	snop  }
0x5: {  	_ = 	snop  }
0x6: {  	_ = 	snop  }
0x7: {  	_ = 	snop  }
__scs_overlays_trampoline_lowered:
0x8: {  	[smem:$0x3FAA] =	sst s0  }
0x9: {  	[smem:$0x3FAB] =	sst s1  }
0xa: {  	[smem:$0x3FAC] =	sst s2  }
0xb: {  	[smem:$0x3FAD] =	sst s3  }
0xc: {  	[smem:$0x3FAE] =	sst s4  }
0xd: {  	[smem:$0x3FAF] =	sst s5  }
0xe: {  	[smem:$0x3FB0] =	sst s6  }
0xf: {  	[smem:$0x3FB1] =	sst s7  }
0x10: {  	[smem:$0x3FB2] =	sst s8  }
0x11: {  	[smem:$0x3FB3] =	sst s9;
	s0 =	simm.s32 @!p0 $0x0  }
0x12: {  	s1 =	sld [smem:$0x3F99];
	s0 =	simm.s32 @p0 $0x1  }
0x13: {  	[smem:$0x3FB4] =	sst s0;
	s0 =	simm.s32 @!p1 $0x0  }
0x14: {  	s2 =	sld [smem:$0x3F98];
	s0 =	simm.s32 @p1 $0x1  }
0x15: {  	[smem:$0x3FB5] =	sst s0;
	s0 =	simm.s32 @!p2 $0x0  }
0x16: {  	s3 =	sld [smem:$0x3FDB];
	s0 =	simm.s32 @p2 $0x1  }
0x17: {  	s4 =	simm.s32 $0x1BF5;
	[smem:$0x3FB7] =	sst s0  }
0x18: {  	s0 =	sld [smem:$0x3F9A];
	_ =	swait.ge [sflag:s4], $0x0  }
0x19: {  	s7 =	sld [smem:$0x3F9B]  }
0x1a: {  	s8 =	sadd.s32 $0xFFFFE003, lr  }
0x1b: {  	s9 =	sadd.s32 $0xFFFFFEF7, lr;
	s5 =	simm.s32 $0xFFFFFFFF;
	p2 =	slt.u32 s8, $0xFFFFF086  }
0x1c: {  	p1 =	slt.u32 s9, $0xF7A;
	s5 =	simm.s32 @!p2 $0x0  }
0x1d: {  	s5 =	simm.s32 @p1 $0x1;
	p0 =	seq.s32 s7, s2  }
0x1e: {  	s7 =	smul.u32 @!p0 $0xF7A, s2;
	p2 =	seq.s32 @!p0 s5, $0x0  }
0x1f: {  	s9 =	smul.u32 $0xF7A, s1;
	s8 =	simm.s32 @!p0 $0x1BF5;
	p2 =	por !p2, p0  }
0x20: {  	[sflag:s8] =	ssyncset.s32 @!p0 $0xFFFFF086;
	s6 =	sadd.s32 @!p0 s3, s7;
	s7 =	simm.s32 @!p0 $0x108  }
0x21: {  	s3 =	sadd.s32 s3, s9;
	s6 =	sadd.s32 @!p0 $0x88, s6;
	s7 =	simm.s32 @p2 $0x1082  }
0x22: {  	[simem:s7], [sflag:s8] =	dma.local @!p0 [hbm:s6], $0xF7A  }
0x23: {  	s9 =	sor.u32 $0xD0000000, s2;
	s6 =	simm.s32 $0x108;
	_ =	swait.ge @!p0 [sflag:s8], $0x0  }
0x24: {  	s3 =	sadd.s32 $0x88, s3;
	s6 =	simm.s32 @!p1 $0x1082;
	[sflag:s4] =	ssyncset.s32 $0xFFFFF086  }
0x25: {  	[simem:s6], [sflag:s4] =	dma.local [hbm:s3], $0xF7A  }
0x26: {  	[smem:$0x3F9B] =	sst s1;
	(tag) =	ssettag s2;
	_ =	strace s9  }
0x27: {  	s1 =	sld [smem:$0x3FAB]  }
0x28: {  	s2 =	sld [smem:$0x3FAC]  }
0x29: {  	s4 =	sld [smem:$0x3FAE]  }
0x2a: {  	p0 =	seq.s32 s5, $0x0;
	s5 =	sld [smem:$0x3FAF]  }
0x2b: {  	s6 =	sld [smem:$0x3FB0]  }
0x2c: {  	s7 =	sld [smem:$0x3FB1]  }
0x2d: {  	s3 =	simm.s32 $0x108;
	s8 =	sld [smem:$0x3FB2]  }
0x2e: {  	s3 =	simm.s32 @!p0 $0x1082;
	s9 =	sld [smem:$0x3FB3]  }
0x2f: {  	lr =	sadd.s32 s0, s3;
	s0 =	sld [smem:$0x3FAA]  }
0x30: {  	s3 =	sld [smem:$0x3FAD]  }
0x31: {  	[smem:$0x3FB6] =	sst s10  }
0x32: {  	s10 =	sld [smem:$0x3FB4];
	_ =	sdelay $0x3  }
0x33: {  	p0 =	seq.s32 s10, $0x1;
	s10 =	sld [smem:$0x3FB6];
	_ =	sdelay $0x3  }
0x34: {  	[smem:$0x3FB6] =	sst s10  }
0x35: {  	s10 =	sld [smem:$0x3FB5];
	_ =	sdelay $0x3  }
0x36: {  	p1 =	seq.s32 s10, $0x1;
	s10 =	sld [smem:$0x3FB6];
	_ =	sdelay $0x3  }
0x37: {  	[smem:$0x3FB6] =	sst s10  }
0x38: {  	s10 =	sld [smem:$0x3FB7]  }
0x39: {  	_ = 	snop;
	(pc) =	sbr.ind lr, $3  }
0x3a: {  	_ = 	snop  }
0x3b: {  	_ = 	snop  }
0x3c: {  	p2 =	seq.s32 s10, $0x1;
	s10 =	sld [smem:$0x3FB6]  }
0x3d: {  	_ =	shalt  }
0x3e: {  	_ =	shalt  }
0x3f: {  	_ =	shalt  }
0x40: {  	_ =	shalt  }
0x41: {  	_ =	shalt  }
0x42: {  	_ =	shalt  }
0x43: {  	_ =	shalt  }
0x44: {  	_ =	shalt  }
0x45: {  	_ =	shalt  }
0x46: {  	_ =	shalt  }
0x47: {  	_ =	shalt  }
0x48: {  	_ =	shalt  }
0x49: {  	_ =	shalt  }
0x4a: {  	_ =	shalt  }
0x4b: {  	_ =	shalt  }
0x4c: {  	_ =	shalt  }
0x4d: {  	_ =	shalt  }
0x4e: {  	_ =	shalt  }
0x4f: {  	_ =	shalt  }
0x50: {  	_ =	shalt  }
0x51: {  	_ =	shalt  }
0x52: {  	_ =	shalt  }
0x53: {  	_ =	shalt  }
0x54: {  	_ =	shalt  }
0x55: {  	_ =	shalt  }
0x56: {  	_ =	shalt  }
0x57: {  	_ =	shalt  }
0x58: {  	_ =	shalt  }
0x59: {  	_ =	shalt  }
0x5a: {  	_ =	shalt  }
0x5b: {  	_ =	shalt  }
0x5c: {  	_ =	shalt  }
0x5d: {  	_ =	shalt  }
0x5e: {  	_ =	shalt  }
0x5f: {  	_ =	shalt  }
0x60: {  	_ =	shalt  }
0x61: {  	_ =	shalt  }
0x62: {  	_ =	shalt  }
0x63: {  	_ =	shalt  }
0x64: {  	_ =	shalt  }
0x65: {  	_ =	shalt  }
0x66: {  	_ =	shalt  }
0x67: {  	_ =	shalt  }
0x68: {  	_ =	shalt  }
0x69: {  	_ =	shalt  }
0x6a: {  	_ =	shalt  }
0x6b: {  	_ =	shalt  }
0x6c: {  	_ =	shalt  }
0x6d: {  	_ =	shalt  }
0x6e: {  	_ =	shalt  }
0x6f: {  	_ =	shalt  }
0x70: {  	_ =	shalt  }
0x71: {  	_ =	shalt  }
0x72: {  	_ =	shalt  }
0x73: {  	_ =	shalt  }
0x74: {  	_ =	shalt  }
0x75: {  	_ =	shalt  }
0x76: {  	_ =	shalt  }
0x77: {  	_ =	shalt  }
0x78: {  	_ =	shalt  }
0x79: {  	_ =	shalt  }
0x7a: {  	_ =	shalt  }
0x7b: {  	_ =	shalt  }
0x7c: {  	_ =	shalt  }
0x7d: {  	_ =	shalt  }
0x7e: {  	_ =	shalt  }
0x7f: {  	_ =	shalt  }
0x80: {  	_ =	shalt  }
0x81: {  	_ =	shalt  }
0x82: {  	_ =	shalt  }
0x83: {  	_ =	shalt  }
0x84: {  	_ =	shalt  }
0x85: {  	_ =	shalt  }
0x86: {  	_ =	shalt  }
0x87: {  	_ =	shalt  }
.Lfunc_end0:
.L_simem_size_0:
called_computation.2_lowered:
.L_overlay_start_0:
0x88: {  	s2 =	sld [smem:$0x3FD9]  }
0x89: {  	s3 =	sld [smem:$0x3FFE];
	_ =	sdelay $0x1  }
0x8a: {  	s1 =	srdreg.scid  }
0x8b: {  	s0 =	sand.u32 $0x1, s1  }
0x8c: {  	s17 =	sshll.u32 s0, $0xA;
	s2 =	sadd.s32 s3, s2  }
0x8d: {  	s2 =	sadd.s32 s2, s17  }
0x8e: {  	[smem:$0x3FC2] =	sst s2  }
0x8f: {  	_ = 	snop  }
0x90: {  	s2 =	sld [smem:$0x3FD0];
	(tm) =	ssettm $0x1  }
0x91: {  	s18 =	sld [smem:$0x3FFB];
	_ =	sdelay $0x3  }
0x92: {  	_ =	strace s18  }
0x93: {  	s3 =	sld [smem:$0x3FFC];
	_ =	sdelay $0x3  }
0x94: {  	_ =	strace s3  }
0x95: {  	s3 =	sld [smem:$0x3FFD];
	_ =	sdelay $0x3  }
0x96: {  	_ =	strace s3  }
0x97: {  	_ =	strace $0x8FFFFFFF  }
0x98: {  	s19 =	sld [smem:$0x3FDB];
	_ =	sdelay $0x1  }
0x99: {  	s4 =	simm.s32 $_scs_section_size  }
0x9a: {  	s5 =	simm.s32 $_size__tile_overlayer_lowered;
	s6 =	simm.s32 $_tile_overlayer_lowered  }
0x9b: {  	s22 =	simm.s32 $0x1BFF;
	s21 =	sshll.u32 s6, $0x1;
	s3 =	sadd.s32 s4, s19  }
0x9c: {  	s7 =	simm.s32 $0x0;
	s20 =	sshll.u32 s5, $0x1;
	s5 =	sadd.s32 s21, s3  }
0x9d: {  	[timem:s7], [sflag:s22] =	dma.local [hbm:s5], s20  }
0x9e: {  	_ =	swait.ge [sflag:s22], s20  }
0x9f: {  	s4 =	ssub.s32 $0x0, s20;
	[sflag:s22] =	ssyncset.done $0x0  }
0xa0: {  	[sflag:s22] =	ssyncadd.s32 s4;
	_ =	sdelay $0x1  }
0xa1: {  	s23 =	simm.s32 $0x1B8B  }
0xa2: {  	_ =	swait.ge [sflag:s23], $0x1  }
0xa3: {  	[sflag:s23] =	ssyncset.done $0x0  }
0xa4: {  	s25 =	simm.s32 $0x1B8E;
	s24 =	sld [smem:$0x3FFE];
	[sflag:s23] =	ssyncadd.s32 $0xFFFFFFFF  }
0xa5: {  	s26 =	simm.s32 $execute0_lowered;
	[smem:$0x3FD2] =	sst s25  }
0xa6: {  	s5 =	sshll.u32 s26, $0x1;
	_ =	strace $0x8000004C;
	[dreg:$0x1] =	wrdreg $0xFFFFFFFF  }
0xa7: {  	s28 =	simm.s32 $_size_execute0_lowered;
	s3 =	sadd.s32 s3, s5;
	[dreg:$0x0] =	wrdreg $0x0  }
0xa8: {  	s5 =	sshll.u32 s28, $0x1;
	[dreg:$0x2] =	wrdreg s3  }
0xa9: {  	[dreg:$0x3] =	wrdreg s5  }
0xaa: {  	[dreg:$0x4] =	wrdreg $0xC0  }
0xab: {  	_ =	task [dreg:s7], $0x5FFFF  }
0xac: {  	[dreg:$0x1] =	wrdreg $0xFFFFFFFF  }
0xad: {  	[dreg:$0x0] =	wrdreg $0x60  }
0xae: {  	[dreg:$0x2] =	wrdreg s24  }
0xaf: {  	[dreg:$0x3] =	wrdreg s2  }
0xb0: {  	[dreg:$0x4] =	wrdreg $0x5B800  }
0xb1: {  	[dreg:$0x5] =	wrdreg $0x5E000  }
0xb2: {  	[dreg:$0x6] =	wrdreg $0x9  }
0xb3: {  	_ =	task.clear_ibuf [dreg:s7], $0x7FFFF;
	_ =	strace $0x9000004C  }
0xb4: {  	s29 =	simm.s32 $0x9;
	_ =	strace $0x8000004E  }
0xb5: {  	_ =	swait.ge [sflag:s29], $0x1  }
0xb6: {  	[sflag:s29] =	ssyncadd.s32 $0xFFFFFFFF  }
0xb7: {  	_ =	strace $0x9000004E  }
0xb8: {  	_ =	sfence  }
0xb9: {  	s30 =	sld [smem:$0x0];
	_ =	sdelay $0x2  }
0xba: {  	s31 =	sshll.u32 s1, $0xD;
	s1 =	sshrl.u32 s1, $0x2  }
0xbb: {  	s3 =	sand.u32 $0x4000, s31;
	s1 =	sadd.s32 s1, s30  }
0xbc: {  	s0 =	sor.u32 s3, s0;
	s1 =	sshll.u32 s1, $0x11  }
0xbd: {  	s0 =	sor.u32 s1, s0  }
0xbe: {  	s0 =	sadd.s32 $0x8F2B, s0  }
0xbf: {  	[sflag:s0] =	ssyncadd.remote.s32 $0x1  }
0xc0: {  	_ =	sfence.sel $0xFFFF  }
0xc1: {  	[dreg:$0x0] =	wrdreg $0xFFFFFFFF;
	(pc) =	sbr.abs _section_cstart, $3  }
0xc2: {  	[dreg:$0x1] =	wrdreg $0xFFFFFFFF  }
0xc3: {  	_ =	task.clear_ibuf [dreg:s7], $0x2FFFF;
	_ =	strace $0x9FFFFFFF  }
0xc4: {  	(tm) =	ssettm $0x7FFFFFFF  }
0xc5: {  	_ =	shalt  }
tec
execute0_lowered:
.L_overlay_start_1:
0x0: {  	(tag) =	ssettag $0x1  }
0x1: {  	s0 =	rddreg [dreg:$0x0]  }
0x2: {  	s1 =	rddreg [dreg:$0x1]  }
0x3: {  	s2 =	rddreg [dreg:$0x2]  }
0x4: {  	s3 =	rddreg [dreg:$0x3];
	s8 =	stileid.u32  }
0x5: {  	s4 =	simm.s32 $0x0;
	s6 =	srdreg.scid;
	s18 =	simm.s32 $0x3  }
0x6: {  	s21 =	simm.s32 $0x5600;
	s28 =	simm.s32 $0x2;
	s29 =	simm.s32 $0x2780  }
0x7: {  	s30 =	simm.s32 $0x4F00;
	s31 =	simm.s32 $0x4F80;
	s5 =	smul.u32 $0x280, s8  }
0x8: {  	[smem:$0x7FF] =	sst s4;
	s12 =	sadd.s32 $0xAE00, s0;
	s17 =	sand.u32 $0x1, s6  }
0x9: {  	s13 =	sadd.s32 $0x200, s0;
	s22 =	sadd.s32 $0xA200, s0;
	s10 =	smul.u32 $0x2800, s8  }
0xa: {  	s11 =	smul.u32 $0x500, s8;
	s26 =	sshll.u32 s8, $0x6;
	_ =	strace $0x8000004D  }
0xb: {  	[dreg:$0x5] =	wrdreg s22;
	s7 =	ssub.s32 $0x2, s17;
	s19 =	sor.u32 $0x1C03, s26  }
0xc: {  	s22 =	simm.s32 $0x2800;
	p0 =	sne.s32 s17, $0x0;
	s26 =	simm.s32 $0x1  }
0xd: {  	s17 =	simm.s32 $0x0;
	s15 =	sshrl.u32 s5, $0x3;
	s23 =	sshrl.u32 s7, $0x1  }
0xe: {  	s9 =	sadd.s32 s5, s3;
	s25 =	sshrl.u32 s10, $0x3;
	s10 =	sadd.s32 s12, s11  }
0xf: {  	s11 =	sadd.s32 s13, s11;
	s14 =	sadd.s32 s15, s0;
	s0 =	sadd.s32 $0xAA00, s0  }
0x10: {  	s15 =	sadd.s32 s1, s15;
	[dreg:$0x6] =	wrdreg s0;
	s0 =	ssub.s32 s7, s23  }
0x11: {  	s7 =	sadd.s32 s5, s2;
	s24 =	sadd.s32 $0x14E00, s14;
	s5 =	sadd.s32 $0x5000, s25  }
0x12: {  	s14 =	sadd.s32 $0xA400, s14;
	s23 =	simm.s32 $0x80;
	s25 =	simm.s32 $0x5080  }
0x13: {  	[dreg:$0x7] =	wrdreg s24;
	s12 =	sadd.s32 s12, s5;
	s13 =	sadd.s32 s13, s5  }
0x14: {  	s16 =	smax.u32 s0, $0x1;
	s20 =	sshrl.u32 s7, $0x3;
	s24 =	simm.s32 $0x5000  }
.LBB2_1:
0x15: {  	s0 =	rddreg [dreg:$0x6];
	s1 =	simm.s32 $0x5B00  }
0x16: {  	[tilespmem:s1], [sflag:$0x3] =	stream.linear.gather [hbm4b:s0+s4], $0x80, $0x38;
	[tilespmem:$0x6080] =	vst v63  }
0x17: {  	_ =	swait.ge [sflag:s18], $0x80  }
0x18: {  	[sflag:s18] =	ssyncset.done $0x0  }
0x19: {  	s6 =	rddreg [dreg:$0x5];
	[sflag:s18] =	ssyncadd.s32 $0xFFFFFF80  }
0x1a: {  	[spmem:s20], [sflag:s19] =	dma.local [hbm:s6], $0x50  }
0x1b: {  	_ =	swait.ge [sflag:s18], $0x50  }
0x1c: {  	[sflag:s18] =	ssyncset.done $0x0  }
0x1d: {  	s8 =	rddreg [dreg:$0x7];
	[sflag:s18] =	ssyncadd.s32 $0xFFFFFFB0  }
0x1e: {  	[tilespmem:s21], [sflag:$0x3] =	stream.linear.gather [hbm4b:s8+s4], $0x280, $0x38;
	[tilespmem:$0x6080] =	vst v63  }
0x1f: {  	_ =	swait.ge [sflag:s18], $0x280  }
0x20: {  	[sflag:s18] =	ssyncset.done $0x0  }
0x21: {  	[sflag:s18] =	ssyncadd.s32 $0xFFFFFD80  }
0x22: {  	[spmem:s9] =	stream.linear.scatter [tilespmem:s21], [sflag:$0x3], $0x280, $0x38;
	[tilespmem:$0x6080] =	vst v63  }
0x23: {  	_ =	swait.ge [sflag:s18], $0x280  }
0x24: {  	[sflag:s18] =	ssyncset.done $0x0  }
0x25: {  	[sflag:s18] =	ssyncadd.s32 $0xFFFFFD80  }
0x26: {  	[bflag:$0x0] =	sbarrier.arrive $0xFFFF  }
0x27: {  	[tilespmem:s4], [sflag:$0x3] =	stream.linear.gather [hbm4b:s10+s4], $0x2800, $0x38;
	[tilespmem:$0x6080] =	vst v63  }
0x28: {  	_ =	swait.ge [sflag:s18], $0x2800  }
0x29: {  	[sflag:s18] =	ssyncset.done $0x0  }
0x2a: {  	[sflag:s18] =	ssyncadd.s32 $0xFFFFD800  }
0x2b: {  	[tilespmem:s22], [sflag:$0x3] =	stream.linear.gather [hbm4b:s11+s4], $0x2800, $0x38;
	[tilespmem:$0x6080] =	vst v63  }
0x2c: {  	_ =	swait.ge [sflag:s18], $0x2800  }
0x2d: {  	[sflag:s18] =	ssyncset.done $0x0  }
0x2e: {  	[sflag:s18] =	ssyncadd.s32 $0xFFFFD800  }
0x2f: {  	[tilespmem:s24], [sflag:$0x1] =	stream.indirect.gather [spmem:s3], $0x1, s4, s23, $0xb8;
	[tilespmem:$0x6080] =	vst v63  }
0x30: {  	s1 =	simm.s32 $0x80  }
0x31: {  	[tilespmem:s25], [sflag:$0x2] =	stream.indirect.gather [spmem:s3], $0x1, s1, s23, $0xb8;
	[tilespmem:$0x6080] =	vst v63  }
0x32: {  	_ =	swait.ge [sflag:s26], $0x80  }
0x33: {  	[sflag:s26] =	ssyncset.done $0x0  }
0x34: {  	s5 =	simm.s32 $0x2800;
	[sflag:s26] =	ssyncadd.s32 $0xFFFFFF80  }
0x35: {  	[spmem:s2] =	stream.indirect.scatter.add.f32 [tilespmem:s24], [sflag:$0x3], $0x1, s5, s23, $0xb8;
	[tilespmem:$0x6080] =	vst v63  }
0x36: {  	_ =	swait.ge [sflag:s18], $0x80  }
0x37: {  	[sflag:s18] =	ssyncset.done $0x0  }
0x38: {  	s6 =	simm.s32 $0x100;
	[sflag:s18] =	ssyncadd.s32 $0xFFFFFF80  }
0x39: {  	[tilespmem:s24], [sflag:$0x1] =	stream.indirect.gather [spmem:s3], $0x1, s6, s23, $0xb8;
	[tilespmem:$0x6080] =	vst v63  }
0x3a: {  	_ =	swait.ge [sflag:s28], $0x80  }
0x3b: {  	[sflag:s28] =	ssyncset.done $0x0  }
0x3c: {  	s8 =	simm.s32 $0x2880;
	[sflag:s28] =	ssyncadd.s32 $0xFFFFFF80  }
0x3d: {  	[spmem:s2] =	stream.indirect.scatter.add.f32 [tilespmem:s25], [sflag:$0x3], $0x1, s8, s23, $0xb8;
	[tilespmem:$0x6080] =	vst v63  }
0x3e: {  	_ =	swait.ge [sflag:s18], $0x80  }
0x3f: {  	s0 =	simm.s32 $0x100;
	s1 =	simm.s32 $0x800;
	[sflag:s18] =	ssyncset.done $0x0  }
.LBB2_2:
0x40: {  	s5 =	sadd.s32 $0x80, s0  }
0x41: {  	[sflag:s18] =	ssyncadd.s32 $0xFFFFFF80;
	s6 =	smov.u32 s1;
	s8 =	sadd.s32 $0x400, s1  }
0x42: {  	[tilespmem:s25], [sflag:$0x2] =	stream.indirect.gather [spmem:s3], $0x1, s5, s23, $0xb8;
	[tilespmem:$0x6080] =	vst v63  }
0x43: {  	p1 =	sne.s32 s1, $0x9800;
	_ =	swait.ge [sflag:s26], $0x80  }
0x44: {  	[sflag:s26] =	ssyncset.done $0x0  }
0x45: {  	s1 =	sadd.s32 $0x2800, s0;
	[sflag:s26] =	ssyncadd.s32 $0xFFFFFF80  }
0x46: {  	[spmem:s2] =	stream.indirect.scatter.add.f32 [tilespmem:s24], [sflag:$0x3], $0x1, s1, s23, $0xb8;
	[tilespmem:$0x6080] =	vst v63  }
0x47: {  	_ =	swait.ge [sflag:s18], $0x80  }
0x48: {  	[sflag:s18] =	ssyncset.done $0x0  }
0x49: {  	s1 =	sadd.s32 $0x100, s0;
	[sflag:s18] =	ssyncadd.s32 $0xFFFFFF80  }
0x4a: {  	[tilespmem:s24], [sflag:$0x1] =	stream.indirect.gather [spmem:s3], $0x1, s1, s23, $0xb8;
	[tilespmem:$0x6080] =	vst v63  }
0x4b: {  	_ =	swait.ge [sflag:s28], $0x80  }
.Ltmp0:
0x4c: {  	[sflag:s28] =	ssyncset.done $0x0;
	(pc) =	sbr.rel @p1 .LBB2_2-.Ltmp0, $4  }
0x4d: {  	s0 =	sadd.s32 $0x2880, s0;
	[sflag:s28] =	ssyncadd.s32 $0xFFFFFF80  }
0x4e: {  	[spmem:s2] =	stream.indirect.scatter.add.f32 [tilespmem:s25], [sflag:$0x3], $0x1, s0, s23, $0xb8;
	[tilespmem:$0x6080] =	vst v63  }
0x4f: {  	_ =	swait.ge [sflag:s18], $0x80  }
0x50: {  	s1 =	smov.u32 s8;
	s0 =	sshra.s32 s6, $0x2;
	[sflag:s18] =	ssyncset.done $0x0  }
0x51: {  	s1 =	sadd.s32 $0x80, s0;
	[sflag:s18] =	ssyncadd.s32 $0xFFFFFF80  }
0x52: {  	[tilespmem:s25], [sflag:$0x2] =	stream.indirect.gather [spmem:s3], $0x1, s1, s23, $0xb8;
	[tilespmem:$0x6080] =	vst v63  }
0x53: {  	_ =	swait.ge [sflag:s26], $0x80  }
0x54: {  	[sflag:s26] =	ssyncset.done $0x0  }
0x55: {  	s8 =	sadd.s32 $0x2800, s0;
	[sflag:s26] =	ssyncadd.s32 $0xFFFFFF80  }
0x56: {  	[spmem:s2] =	stream.indirect.scatter.add.f32 [tilespmem:s24], [sflag:$0x3], $0x1, s8, s23, $0xb8;
	[tilespmem:$0x6080] =	vst v63  }
0x57: {  	_ =	swait.ge [sflag:s18], $0x80  }
0x58: {  	[sflag:s18] =	ssyncset.done $0x0  }
0x59: {  	s5 =	sadd.s32 $0x100, s0;
	[sflag:s18] =	ssyncadd.s32 $0xFFFFFF80  }
0x5a: {  	[tilespmem:s24], [sflag:$0x1] =	stream.indirect.gather [spmem:s3], $0x1, s5, s23, $0xb8;
	[tilespmem:$0x6080] =	vst v63  }
0x5b: {  	_ =	swait.ge [sflag:s28], $0x80  }
0x5c: {  	[sflag:s28] =	ssyncset.done $0x0  }
0x5d: {  	s6 =	sadd.s32 $0x2880, s0;
	[sflag:s28] =	ssyncadd.s32 $0xFFFFFF80  }
0x5e: {  	[spmem:s2] =	stream.indirect.scatter.add.f32 [tilespmem:s25], [sflag:$0x3], $0x1, s6, s23, $0xb8;
	[tilespmem:$0x6080] =	vst v63  }
0x5f: {  	_ =	swait.ge [sflag:s18], $0x80  }
0x60: {  	[sflag:s18] =	ssyncset.done $0x0  }
0x61: {  	[sflag:s18] =	ssyncadd.s32 $0xFFFFFF80  }
0x62: {  	[tilespmem:s25], [sflag:$0x2] =	stream.indirect.gather [spmem:s3], $0x1, s29, s23, $0xb8;
	[tilespmem:$0x6080] =	vst v63  }
0x63: {  	_ =	swait.ge [sflag:s26], $0x80  }
0x64: {  	[sflag:s26] =	ssyncset.done $0x0  }
0x65: {  	[sflag:s26] =	ssyncadd.s32 $0xFFFFFF80  }
0x66: {  	[spmem:s2] =	stream.indirect.scatter.add.f32 [tilespmem:s24], [sflag:$0x3], $0x1, s30, s23, $0xb8;
	[tilespmem:$0x6080] =	vst v63  }
0x67: {  	_ =	swait.ge [sflag:s18], $0x80  }
0x68: {  	[sflag:s18] =	ssyncset.done $0x0  }
0x69: {  	[sflag:s18] =	ssyncadd.s32 $0xFFFFFF80  }
0x6a: {  	_ =	swait.ge [sflag:s28], $0x80  }
0x6b: {  	[sflag:s28] =	ssyncset.done $0x0  }
0x6c: {  	[sflag:s28] =	ssyncadd.s32 $0xFFFFFF80  }
0x6d: {  	[spmem:s2] =	stream.indirect.scatter.add.f32 [tilespmem:s25], [sflag:$0x3], $0x1, s31, s23, $0xb8;
	[tilespmem:$0x6080] =	vst v63  }
0x6e: {  	_ =	swait.ge [sflag:s18], $0x80  }
0x6f: {  	[sflag:s18] =	ssyncset.done $0x0  }
0x70: {  	s8 =	simm.s32 $0x0;
	[sflag:s18] =	ssyncadd.s32 $0xFFFFFF80  }
0x71: {  	[tilespmem:s8], [sflag:$0x3] =	stream.linear.gather [hbm4b:s12+s8], $0x2800, $0x38;
	[tilespmem:$0x6080] =	vst v63  }
0x72: {  	_ =	swait.ge [sflag:s18], $0x2800  }
0x73: {  	[sflag:s18] =	ssyncset.done $0x0  }
0x74: {  	[sflag:s18] =	ssyncadd.s32 $0xFFFFD800  }
0x75: {  	[tilespmem:s22], [sflag:$0x3] =	stream.linear.gather [hbm4b:s13+s8], $0x2800, $0x38;
	[tilespmem:$0x6080] =	vst v63  }
0x76: {  	_ =	swait.ge [sflag:s18], $0x2800  }
0x77: {  	[sflag:s18] =	ssyncset.done $0x0  }
0x78: {  	[sflag:s18] =	ssyncadd.s32 $0xFFFFD800  }
0x79: {  	[tilespmem:s24], [sflag:$0x1] =	stream.indirect.gather [spmem:s3], $0x1, s8, s23, $0xb8;
	[tilespmem:$0x6080] =	vst v63  }
0x7a: {  	s1 =	simm.s32 $0x80  }
0x7b: {  	[tilespmem:s25], [sflag:$0x2] =	stream.indirect.gather [spmem:s3], $0x1, s1, s23, $0xb8;
	[tilespmem:$0x6080] =	vst v63  }
0x7c: {  	_ =	swait.ge [sflag:s26], $0x80  }
0x7d: {  	[sflag:s26] =	ssyncset.done $0x0  }
0x7e: {  	s5 =	simm.s32 $0x2800;
	[sflag:s26] =	ssyncadd.s32 $0xFFFFFF80  }
0x7f: {  	[spmem:s2] =	stream.indirect.scatter.add.f32 [tilespmem:s24], [sflag:$0x3], $0x1, s5, s23, $0xb8;
	[tilespmem:$0x6080] =	vst v63  }
0x80: {  	_ =	swait.ge [sflag:s18], $0x80  }
0x81: {  	[sflag:s18] =	ssyncset.done $0x0  }
0x82: {  	s6 =	simm.s32 $0x100;
	[sflag:s18] =	ssyncadd.s32 $0xFFFFFF80  }
0x83: {  	[tilespmem:s24], [sflag:$0x1] =	stream.indirect.gather [spmem:s3], $0x1, s6, s23, $0xb8;
	[tilespmem:$0x6080] =	vst v63  }
0x84: {  	_ =	swait.ge [sflag:s28], $0x80  }
0x85: {  	[sflag:s28] =	ssyncset.done $0x0  }
0x86: {  	s8 =	simm.s32 $0x2880;
	[sflag:s28] =	ssyncadd.s32 $0xFFFFFF80  }
0x87: {  	[spmem:s2] =	stream.indirect.scatter.add.f32 [tilespmem:s25], [sflag:$0x3], $0x1, s8, s23, $0xb8;
	[tilespmem:$0x6080] =	vst v63  }
0x88: {  	_ =	swait.ge [sflag:s18], $0x80  }
0x89: {  	s0 =	simm.s32 $0x100;
	s1 =	simm.s32 $0x800;
	[sflag:s18] =	ssyncset.done $0x0  }
.LBB2_4:
0x8a: {  	s5 =	sadd.s32 $0x80, s0  }
0x8b: {  	[sflag:s18] =	ssyncadd.s32 $0xFFFFFF80;
	s6 =	smov.u32 s1;
	s8 =	sadd.s32 $0x400, s1  }
0x8c: {  	[tilespmem:s25], [sflag:$0x2] =	stream.indirect.gather [spmem:s3], $0x1, s5, s23, $0xb8;
	[tilespmem:$0x6080] =	vst v63  }
0x8d: {  	p1 =	sne.s32 s1, $0x9800;
	_ =	swait.ge [sflag:s26], $0x80  }
0x8e: {  	[sflag:s26] =	ssyncset.done $0x0  }
0x8f: {  	s1 =	sadd.s32 $0x2800, s0;
	[sflag:s26] =	ssyncadd.s32 $0xFFFFFF80  }
0x90: {  	[spmem:s2] =	stream.indirect.scatter.add.f32 [tilespmem:s24], [sflag:$0x3], $0x1, s1, s23, $0xb8;
	[tilespmem:$0x6080] =	vst v63  }
0x91: {  	_ =	swait.ge [sflag:s18], $0x80  }
0x92: {  	[sflag:s18] =	ssyncset.done $0x0  }
0x93: {  	s1 =	sadd.s32 $0x100, s0;
	[sflag:s18] =	ssyncadd.s32 $0xFFFFFF80  }
0x94: {  	[tilespmem:s24], [sflag:$0x1] =	stream.indirect.gather [spmem:s3], $0x1, s1, s23, $0xb8;
	[tilespmem:$0x6080] =	vst v63  }
0x95: {  	_ =	swait.ge [sflag:s28], $0x80  }
.Ltmp1:
0x96: {  	[sflag:s28] =	ssyncset.done $0x0;
	(pc) =	sbr.rel @p1 .LBB2_4-.Ltmp1, $4  }
0x97: {  	s0 =	sadd.s32 $0x2880, s0;
	[sflag:s28] =	ssyncadd.s32 $0xFFFFFF80  }
0x98: {  	[spmem:s2] =	stream.indirect.scatter.add.f32 [tilespmem:s25], [sflag:$0x3], $0x1, s0, s23, $0xb8;
	[tilespmem:$0x6080] =	vst v63  }
0x99: {  	_ =	swait.ge [sflag:s18], $0x80  }
0x9a: {  	s1 =	smov.u32 s8;
	s0 =	sshra.s32 s6, $0x2;
	[sflag:s18] =	ssyncset.done $0x0  }
0x9b: {  	s1 =	sadd.s32 $0x80, s0;
	[sflag:s18] =	ssyncadd.s32 $0xFFFFFF80  }
0x9c: {  	[tilespmem:s25], [sflag:$0x2] =	stream.indirect.gather [spmem:s3], $0x1, s1, s23, $0xb8;
	[tilespmem:$0x6080] =	vst v63  }
0x9d: {  	_ =	swait.ge [sflag:s26], $0x80  }
0x9e: {  	[sflag:s26] =	ssyncset.done $0x0  }
0x9f: {  	s6 =	sadd.s32 $0x2800, s0;
	[sflag:s26] =	ssyncadd.s32 $0xFFFFFF80  }
0xa0: {  	[spmem:s2] =	stream.indirect.scatter.add.f32 [tilespmem:s24], [sflag:$0x3], $0x1, s6, s23, $0xb8;
	[tilespmem:$0x6080] =	vst v63  }
0xa1: {  	_ =	swait.ge [sflag:s18], $0x80  }
0xa2: {  	[sflag:s18] =	ssyncset.done $0x0  }
0xa3: {  	s8 =	sadd.s32 $0x100, s0;
	[sflag:s18] =	ssyncadd.s32 $0xFFFFFF80  }
0xa4: {  	[tilespmem:s24], [sflag:$0x1] =	stream.indirect.gather [spmem:s3], $0x1, s8, s23, $0xb8;
	[tilespmem:$0x6080] =	vst v63  }
0xa5: {  	_ =	swait.ge [sflag:s28], $0x80  }
0xa6: {  	[sflag:s28] =	ssyncset.done $0x0  }
0xa7: {  	s1 =	sadd.s32 $0x2880, s0;
	[sflag:s28] =	ssyncadd.s32 $0xFFFFFF80  }
0xa8: {  	[spmem:s2] =	stream.indirect.scatter.add.f32 [tilespmem:s25], [sflag:$0x3], $0x1, s1, s23, $0xb8;
	[tilespmem:$0x6080] =	vst v63  }
0xa9: {  	_ =	swait.ge [sflag:s18], $0x80  }
0xaa: {  	[sflag:s18] =	ssyncset.done $0x0  }
0xab: {  	[sflag:s18] =	ssyncadd.s32 $0xFFFFFF80  }
0xac: {  	[tilespmem:s25], [sflag:$0x2] =	stream.indirect.gather [spmem:s3], $0x1, s29, s23, $0xb8;
	[tilespmem:$0x6080] =	vst v63  }
0xad: {  	_ =	swait.ge [sflag:s26], $0x80  }
0xae: {  	[sflag:s26] =	ssyncset.done $0x0  }
0xaf: {  	[sflag:s26] =	ssyncadd.s32 $0xFFFFFF80  }
0xb0: {  	[spmem:s2] =	stream.indirect.scatter.add.f32 [tilespmem:s24], [sflag:$0x3], $0x1, s30, s23, $0xb8;
	[tilespmem:$0x6080] =	vst v63  }
0xb1: {  	_ =	swait.ge [sflag:s18], $0x80  }
0xb2: {  	[sflag:s18] =	ssyncset.done $0x0  }
0xb3: {  	[sflag:s18] =	ssyncadd.s32 $0xFFFFFF80  }
0xb4: {  	_ =	swait.ge [sflag:s28], $0x80  }
0xb5: {  	[sflag:s28] =	ssyncset.done $0x0  }
0xb6: {  	[sflag:s28] =	ssyncadd.s32 $0xFFFFFF80  }
0xb7: {  	[spmem:s2] =	stream.indirect.scatter.add.f32 [tilespmem:s25], [sflag:$0x3], $0x1, s31, s23, $0xb8;
	[tilespmem:$0x6080] =	vst v63  }
0xb8: {  	_ =	swait.ge [sflag:s18], $0x80  }
0xb9: {  	[sflag:s18] =	ssyncset.done $0x0  }
0xba: {  	[sflag:s18] =	ssyncadd.s32 $0xFFFFFF80  }
0xbb: {  	s5 =	simm.s32 $0x5100;
	[bflag:$0x0] =	sbarrier.arrive $0xFFFF  }
0xbc: {  	[tilespmem:s5], [sflag:$0x3] =	stream.linear.gather [spmem:s7], $0x280, $0x38;
	[tilespmem:$0x6080] =	vst v63  }
0xbd: {  	_ =	swait.ge [sflag:s18], $0x280  }
0xbe: {  	[sflag:s18] =	ssyncset.done $0x0  }
0xbf: {  	s6 =	simm.s32 $0x0;
	s8 =	simm.s32 $0x5380;
	[sflag:s18] =	ssyncadd.s32 $0xFFFFFD80  }
0xc0: {  	[tilespmem:s8], [sflag:$0x3] =	stream.linear.gather [hbm4b:s14+s6], $0x280, $0x38;
	[tilespmem:$0x6080] =	vst v63  }
0xc1: {  	_ =	swait.ge [sflag:s18], $0x280  }
0xc2: {  	[sflag:s18] =	ssyncset.done $0x0  }
0xc3: {  	s0 =	simm.s32 $0x0;
	[sflag:s18] =	ssyncadd.s32 $0xFFFFFD80  }
0xc4: {  	v1 =	vld [tilespmem:s0+$0x5100]  }
0xc5: {  	v2 =	vld [tilespmem:s0+$0x5600];
	_ =	sdelay $0x1  }
0xc6: {  	v3 =	vld [tilespmem:s0+$0x5380];
	_ =	sdelay $0x2  }
0xc7: {  	s1 =	simm.s32 $0x10;
	v0 =	vld [tilespmem:$0x5B00];
	v2 =	vadd.f32 v2, v1  }
0xc8: {  	v1 =	vld [tilespmem:s1+$0x5100]  }
0xc9: {  	v4 =	vmul.f32 v2, v3;
	v3 =	vld [tilespmem:s1+$0x5600];
	_ =	sdelay $0x1  }
0xca: {  	v2 =	vld [tilespmem:s1+$0x5380]  }
0xcb: {  	s5 =	simm.s32 $0x80;
	v4 =	vadd.f32 v4, v0  }
.LBB2_6:
0xcc: {  	s6 =	sshra.s32 s5, $0x2;
	p1 =	sne.s32 s5, $0x9C0  }
.Ltmp2:
0xcd: {  	s5 =	sadd.s32 $0x40, s5;
	v5 =	vadd.f32 v3, v1;
	v1 =	vld [tilespmem:s6+$0x5100];
	[tilespmem:s0+$0x5880] =	vst v4;
	(pc) =	sbr.rel @p1 .LBB2_6-.Ltmp2, $4  }
0xce: {  	s0 =	smov.u32 s1;
	s1 =	smov.u32 s6;
	v3 =	vld [tilespmem:s6+$0x5600]  }
0xcf: {  	v4 =	vmul.f32 v5, v2  }
0xd0: {  	v2 =	vld [tilespmem:s1+$0x5380]  }
0xd1: {  	v4 =	vadd.f32 v4, v0  }
0xd2: {  	_ = 	snop  }
0xd3: {  	v1 =	vadd.f32 v3, v1;
	_ =	sdelay $0x1  }
0xd4: {  	v1 =	vmul.f32 v1, v2;
	_ =	sdelay $0x1  }
0xd5: {  	v0 =	vadd.f32 v1, v0  }
0xd6: {  	s17 =	sadd.s32 $0x1, s17;
	[tilespmem:s0+$0x5880] =	vst v4  }
0xd7: {  	s0 =	simm.s32 @!p0 $0x0;
	p1 =	sne.s32 s17, s16;
	[tilespmem:s1+$0x5880] =	vst v0;
	s1 =	simm.s32 @!p0 $0x5880  }
0xd8: {  	[hbm4b:s15+s0] =	stream.linear.scatter @!p0 [tilespmem:s1], [sflag:$0x3], $0x280, $0x38;
	[tilespmem:$0x6080] =	vst v63  }
.Ltmp3:
0xd9: {  	_ = 	snop;
	(pc) =	sbr.rel @p1 .LBB2_1-.Ltmp3, $4  }
0xda: {  	s0 =	simm.s32 @!p0 $0x3  }
0xdb: {  	_ =	swait.ge @!p0 [sflag:s0], $0x280  }
0xdc: {  	[sflag:s0] =	ssyncset.done @!p0 $0x0  }
0xdd: {  	[sflag:s0] =	ssyncadd.s32 @!p0 $0xFFFFFD80  }
0xde: {  	_ =	sfence.sel $0x180000  }
0xdf: {  	[bflag:$0x0] =	sbarrier.arrive $0xFFFF  }
0xe0: {  	_ =	strace $0x9000004D  }
0xe1: {  	s0 =	stileid.u32;
	[bflag:$0x2] =	sbarrier.arrive $0xFFFF  }
0xe2: {  	p0 =	sne.s32 s0, $0x0;
	s0 =	rddreg [dreg:$0x4]  }
0xe3: {  	s0 =	sadd.s32 @!p0 $0x100000, s0  }
0xe4: {  	[sflag:s0] =	ssyncadd.tile.s32 @!p0 $0x1;
	_ =	shalt  }
.Lfunc_end2:
_tile_overlayer_lowered:
.L_overlay_start_2:
0xe5: {  	(tag) =	ssettag $0x2  }
0xe6: {  	s0 =	rddreg [dreg:$0x0];
	s2 =	stileid.u32  }
0xe7: {  	s1 =	rddreg [dreg:$0x1];
	p0 =	sne.s32 s2, $0x0  }
0xe8: {  	s3 =	rddreg [dreg:$0x2];
	[bflag:$0x3] =	sbarrier.arrive $0xFFFF;
	s2 =	simm.s32 @!p0 $0x1C03  }
0xe9: {  	[timem:s3], [sflag:s2] =	dma.local @!p0 [hbm:s0], s1  }
0xea: {  	s0 =	simm.s32 @!p0 $0x3  }
0xeb: {  	_ =	swait.ge @!p0 [sflag:s0], s1  }
0xec: {  	s1 =	ssub.s32 @!p0 $0x0, s1;
	[sflag:s0] =	ssyncset.done @!p0 $0x0  }
0xed: {  	[sflag:s0] =	ssyncadd.s32 @!p0 s1  }
0xee: {  	[bflag:$0x3] =	sbarrier.arrive $0xFFFF  }
0xef: {  	_ =	shalt  }

// kernel: kernel.7.cloned.1.call-start
scs
__scs_entry_jumppad:
0x0: {  	(pc) =	sbr.rel $0x88, $3  }
0x1: {  	(tag) =	ssettag $0x0;
	lr =	simm.s32 $0x1  }
0x2: {  	[smem:$0x3F9B] =	sst lr;
	_ =	strace $0xD0000000  }
0x3: {  	_ = 	snop  }
0x4: {  	_ = 	snop  }
0x5: {  	_ = 	snop  }
0x6: {  	_ = 	snop  }
0x7: {  	_ = 	snop  }
__scs_overlays_trampoline_lowered:
0x8: {  	[smem:$0x3FAA] =	sst s0  }
0x9: {  	[smem:$0x3FAB] =	sst s1  }
0xa: {  	[smem:$0x3FAC] =	sst s2  }
0xb: {  	[smem:$0x3FAD] =	sst s3  }
0xc: {  	[smem:$0x3FAE] =	sst s4  }
0xd: {  	[smem:$0x3FAF] =	sst s5  }
0xe: {  	[smem:$0x3FB0] =	sst s6  }
0xf: {  	[smem:$0x3FB1] =	sst s7  }
0x10: {  	[smem:$0x3FB2] =	sst s8  }
0x11: {  	[smem:$0x3FB3] =	sst s9;
	s0 =	simm.s32 @!p0 $0x0  }
0x12: {  	s1 =	sld [smem:$0x3F99];
	s0 =	simm.s32 @p0 $0x1  }
0x13: {  	[smem:$0x3FB4] =	sst s0;
	s0 =	simm.s32 @!p1 $0x0  }
0x14: {  	s2 =	sld [smem:$0x3F98];
	s0 =	simm.s32 @p1 $0x1  }
0x15: {  	[smem:$0x3FB5] =	sst s0;
	s0 =	simm.s32 @!p2 $0x0  }
0x16: {  	s3 =	sld [smem:$0x3FDB];
	s0 =	simm.s32 @p2 $0x1  }
0x17: {  	s4 =	simm.s32 $0x1BF5;
	[smem:$0x3FB7] =	sst s0  }
0x18: {  	s0 =	sld [smem:$0x3F9A];
	_ =	swait.ge [sflag:s4], $0x0  }
0x19: {  	s7 =	sld [smem:$0x3F9B]  }
0x1a: {  	s8 =	sadd.s32 $0xFFFFE003, lr  }
0x1b: {  	s9 =	sadd.s32 $0xFFFFFEF7, lr;
	s5 =	simm.s32 $0xFFFFFFFF;
	p2 =	slt.u32 s8, $0xFFFFF086  }
0x1c: {  	p1 =	slt.u32 s9, $0xF7A;
	s5 =	simm.s32 @!p2 $0x0  }
0x1d: {  	s5 =	simm.s32 @p1 $0x1;
	p0 =	seq.s32 s7, s2  }
0x1e: {  	s7 =	smul.u32 @!p0 $0xF7A, s2;
	p2 =	seq.s32 @!p0 s5, $0x0  }
0x1f: {  	s9 =	smul.u32 $0xF7A, s1;
	s8 =	simm.s32 @!p0 $0x1BF5;
	p2 =	por !p2, p0  }
0x20: {  	[sflag:s8] =	ssyncset.s32 @!p0 $0xFFFFF086;
	s6 =	sadd.s32 @!p0 s3, s7;
	s7 =	simm.s32 @!p0 $0x108  }
0x21: {  	s3 =	sadd.s32 s3, s9;
	s6 =	sadd.s32 @!p0 $0x88, s6;
	s7 =	simm.s32 @p2 $0x1082  }
0x22: {  	[simem:s7], [sflag:s8] =	dma.local @!p0 [hbm:s6], $0xF7A  }
0x23: {  	s9 =	sor.u32 $0xD0000000, s2;
	s6 =	simm.s32 $0x108;
	_ =	swait.ge @!p0 [sflag:s8], $0x0  }
0x24: {  	s3 =	sadd.s32 $0x88, s3;
	s6 =	simm.s32 @!p1 $0x1082;
	[sflag:s4] =	ssyncset.s32 $0xFFFFF086  }
0x25: {  	[simem:s6], [sflag:s4] =	dma.local [hbm:s3], $0xF7A  }
0x26: {  	[smem:$0x3F9B] =	sst s1;
	(tag) =	ssettag s2;
	_ =	strace s9  }
0x27: {  	s1 =	sld [smem:$0x3FAB]  }
0x28: {  	s2 =	sld [smem:$0x3FAC]  }
0x29: {  	s4 =	sld [smem:$0x3FAE]  }
0x2a: {  	p0 =	seq.s32 s5, $0x0;
	s5 =	sld [smem:$0x3FAF]  }
0x2b: {  	s6 =	sld [smem:$0x3FB0]  }
0x2c: {  	s7 =	sld [smem:$0x3FB1]  }
0x2d: {  	s3 =	simm.s32 $0x108;
	s8 =	sld [smem:$0x3FB2]  }
0x2e: {  	s3 =	simm.s32 @!p0 $0x1082;
	s9 =	sld [smem:$0x3FB3]  }
0x2f: {  	lr =	sadd.s32 s0, s3;
	s0 =	sld [smem:$0x3FAA]  }
0x30: {  	s3 =	sld [smem:$0x3FAD]  }
0x31: {  	[smem:$0x3FB6] =	sst s10  }
0x32: {  	s10 =	sld [smem:$0x3FB4];
	_ =	sdelay $0x3  }
0x33: {  	p0 =	seq.s32 s10, $0x1;
	s10 =	sld [smem:$0x3FB6];
	_ =	sdelay $0x3  }
0x34: {  	[smem:$0x3FB6] =	sst s10  }
0x35: {  	s10 =	sld [smem:$0x3FB5];
	_ =	sdelay $0x3  }
0x36: {  	p1 =	seq.s32 s10, $0x1;
	s10 =	sld [smem:$0x3FB6];
	_ =	sdelay $0x3  }
0x37: {  	[smem:$0x3FB6] =	sst s10  }
0x38: {  	s10 =	sld [smem:$0x3FB7]  }
0x39: {  	_ = 	snop;
	(pc) =	sbr.ind lr, $3  }
0x3a: {  	_ = 	snop  }
0x3b: {  	_ = 	snop  }
0x3c: {  	p2 =	seq.s32 s10, $0x1;
	s10 =	sld [smem:$0x3FB6]  }
0x3d: {  	_ =	shalt  }
0x3e: {  	_ =	shalt  }
0x3f: {  	_ =	shalt  }
0x40: {  	_ =	shalt  }
0x41: {  	_ =	shalt  }
0x42: {  	_ =	shalt  }
0x43: {  	_ =	shalt  }
0x44: {  	_ =	shalt  }
0x45: {  	_ =	shalt  }
0x46: {  	_ =	shalt  }
0x47: {  	_ =	shalt  }
0x48: {  	_ =	shalt  }
0x49: {  	_ =	shalt  }
0x4a: {  	_ =	shalt  }
0x4b: {  	_ =	shalt  }
0x4c: {  	_ =	shalt  }
0x4d: {  	_ =	shalt  }
0x4e: {  	_ =	shalt  }
0x4f: {  	_ =	shalt  }
0x50: {  	_ =	shalt  }
0x51: {  	_ =	shalt  }
0x52: {  	_ =	shalt  }
0x53: {  	_ =	shalt  }
0x54: {  	_ =	shalt  }
0x55: {  	_ =	shalt  }
0x56: {  	_ =	shalt  }
0x57: {  	_ =	shalt  }
0x58: {  	_ =	shalt  }
0x59: {  	_ =	shalt  }
0x5a: {  	_ =	shalt  }
0x5b: {  	_ =	shalt  }
0x5c: {  	_ =	shalt  }
0x5d: {  	_ =	shalt  }
0x5e: {  	_ =	shalt  }
0x5f: {  	_ =	shalt  }
0x60: {  	_ =	shalt  }
0x61: {  	_ =	shalt  }
0x62: {  	_ =	shalt  }
0x63: {  	_ =	shalt  }
0x64: {  	_ =	shalt  }
0x65: {  	_ =	shalt  }
0x66: {  	_ =	shalt  }
0x67: {  	_ =	shalt  }
0x68: {  	_ =	shalt  }
0x69: {  	_ =	shalt  }
0x6a: {  	_ =	shalt  }
0x6b: {  	_ =	shalt  }
0x6c: {  	_ =	shalt  }
0x6d: {  	_ =	shalt  }
0x6e: {  	_ =	shalt  }
0x6f: {  	_ =	shalt  }
0x70: {  	_ =	shalt  }
0x71: {  	_ =	shalt  }
0x72: {  	_ =	shalt  }
0x73: {  	_ =	shalt  }
0x74: {  	_ =	shalt  }
0x75: {  	_ =	shalt  }
0x76: {  	_ =	shalt  }
0x77: {  	_ =	shalt  }
0x78: {  	_ =	shalt  }
0x79: {  	_ =	shalt  }
0x7a: {  	_ =	shalt  }
0x7b: {  	_ =	shalt  }
0x7c: {  	_ =	shalt  }
0x7d: {  	_ =	shalt  }
0x7e: {  	_ =	shalt  }
0x7f: {  	_ =	shalt  }
0x80: {  	_ =	shalt  }
0x81: {  	_ =	shalt  }
0x82: {  	_ =	shalt  }
0x83: {  	_ =	shalt  }
0x84: {  	_ =	shalt  }
0x85: {  	_ =	shalt  }
0x86: {  	_ =	shalt  }
0x87: {  	_ =	shalt  }
.Lfunc_end0:
.L_simem_size_0:
called_computation_lowered:
.L_overlay_start_0:
0x88: {  	s2 =	sld [smem:$0x3FD9]  }
0x89: {  	s3 =	sld [smem:$0x3FFE];
	_ =	sdelay $0x1  }
0x8a: {  	s1 =	srdreg.scid  }
0x8b: {  	s0 =	sand.u32 $0x1, s1  }
0x8c: {  	s17 =	sshll.u32 s0, $0xA;
	s2 =	sadd.s32 s3, s2  }
0x8d: {  	s2 =	sadd.s32 s2, s17  }
0x8e: {  	[smem:$0x3FC2] =	sst s2  }
0x8f: {  	_ = 	snop  }
0x90: {  	s2 =	sld [smem:$0x3FD0];
	(tm) =	ssettm $0x1  }
0x91: {  	s18 =	sld [smem:$0x3FFB];
	_ =	sdelay $0x3  }
0x92: {  	_ =	strace s18  }
0x93: {  	s3 =	sld [smem:$0x3FFC];
	_ =	sdelay $0x3  }
0x94: {  	_ =	strace s3  }
0x95: {  	s3 =	sld [smem:$0x3FFD];
	_ =	sdelay $0x3  }
0x96: {  	_ =	strace s3  }
0x97: {  	_ =	strace $0x8FFFFFFF  }
0x98: {  	s19 =	sld [smem:$0x3FDB];
	_ =	sdelay $0x1  }
0x99: {  	s4 =	simm.s32 $_scs_section_size  }
0x9a: {  	s5 =	simm.s32 $_size__tile_overlayer_lowered;
	s6 =	simm.s32 $_tile_overlayer_lowered  }
0x9b: {  	s22 =	simm.s32 $0x1BFF;
	s21 =	sshll.u32 s6, $0x1;
	s3 =	sadd.s32 s4, s19  }
0x9c: {  	s7 =	simm.s32 $0x0;
	s20 =	sshll.u32 s5, $0x1;
	s5 =	sadd.s32 s21, s3  }
0x9d: {  	[timem:s7], [sflag:s22] =	dma.local [hbm:s5], s20  }
0x9e: {  	_ =	swait.ge [sflag:s22], s20  }
0x9f: {  	s4 =	ssub.s32 $0x0, s20;
	[sflag:s22] =	ssyncset.done $0x0  }
0xa0: {  	[sflag:s22] =	ssyncadd.s32 s4;
	_ =	sdelay $0x1  }
0xa1: {  	s23 =	simm.s32 $0x1B8B  }
0xa2: {  	_ =	swait.ge [sflag:s23], $0x1  }
0xa3: {  	[sflag:s23] =	ssyncset.done $0x0  }
0xa4: {  	s25 =	simm.s32 $0x1B8E;
	s24 =	sld [smem:$0x3FFE];
	[sflag:s23] =	ssyncadd.s32 $0xFFFFFFFF  }
0xa5: {  	s26 =	simm.s32 $execute0_lowered;
	[smem:$0x3FD2] =	sst s25  }
0xa6: {  	s5 =	sshll.u32 s26, $0x1;
	_ =	strace $0x80000046;
	[dreg:$0x1] =	wrdreg $0xFFFFFFFF  }
0xa7: {  	s28 =	simm.s32 $_size_execute0_lowered;
	s3 =	sadd.s32 s3, s5;
	[dreg:$0x0] =	wrdreg $0x0  }
0xa8: {  	s5 =	sshll.u32 s28, $0x1;
	[dreg:$0x2] =	wrdreg s3  }
0xa9: {  	[dreg:$0x3] =	wrdreg s5  }
0xaa: {  	[dreg:$0x4] =	wrdreg $0xC0  }
0xab: {  	_ =	task [dreg:s7], $0x5FFFF  }
0xac: {  	[dreg:$0x1] =	wrdreg $0xFFFFFFFF  }
0xad: {  	[dreg:$0x0] =	wrdreg $0x60  }
0xae: {  	[dreg:$0x2] =	wrdreg s24  }
0xaf: {  	[dreg:$0x3] =	wrdreg s2  }
0xb0: {  	[dreg:$0x4] =	wrdreg $0x28800  }
0xb1: {  	[dreg:$0x5] =	wrdreg $0x9  }
0xb2: {  	_ =	task.clear_ibuf [dreg:s7], $0x6FFFF;
	_ =	strace $0x90000046  }
0xb3: {  	s29 =	simm.s32 $0x9;
	_ =	strace $0x80000048  }
0xb4: {  	_ =	swait.ge [sflag:s29], $0x1  }
0xb5: {  	[sflag:s29] =	ssyncadd.s32 $0xFFFFFFFF  }
0xb6: {  	_ =	strace $0x90000048  }
0xb7: {  	_ =	sfence  }
0xb8: {  	s30 =	sld [smem:$0x0];
	_ =	sdelay $0x2  }
0xb9: {  	s31 =	sshll.u32 s1, $0xD;
	s1 =	sshrl.u32 s1, $0x2  }
0xba: {  	s3 =	sand.u32 $0x4000, s31;
	s1 =	sadd.s32 s1, s30  }
0xbb: {  	s0 =	sor.u32 s3, s0;
	s1 =	sshll.u32 s1, $0x11  }
0xbc: {  	s0 =	sor.u32 s1, s0  }
0xbd: {  	s0 =	sadd.s32 $0x8F2B, s0  }
0xbe: {  	[sflag:s0] =	ssyncadd.remote.s32 $0x1  }
0xbf: {  	_ =	sfence.sel $0xFFFF  }
0xc0: {  	[dreg:$0x0] =	wrdreg $0xFFFFFFFF;
	(pc) =	sbr.abs _section_cstart, $3  }
0xc1: {  	[dreg:$0x1] =	wrdreg $0xFFFFFFFF  }
0xc2: {  	_ =	task.clear_ibuf [dreg:s7], $0x2FFFF;
	_ =	strace $0x9FFFFFFF  }
0xc3: {  	(tm) =	ssettm $0x7FFFFFFF  }
tec
execute0_lowered:
.L_overlay_start_1:
0x0: {  	(tag) =	ssettag $0x1  }
0x1: {  	s6 =	rddreg [dreg:$0x0]  }
0x2: {  	s2 =	rddreg [dreg:$0x1]  }
0x3: {  	s0 =	srdreg.scid;
	s3 =	rddreg [dreg:$0x2];
	s4 =	simm.s32 $0x0  }
0x4: {  	s13 =	simm.s32 $0x80;
	s14 =	simm.s32 $0x20;
	s15 =	simm.s32 $0x10  }
0x5: {  	s16 =	simm.s32 $0x0;
	s5 =	sand.u32 $0x1, s0;
	s0 =	stileid.u32  }
0x6: {  	[smem:$0x7FF] =	sst s4;
	s1 =	sshll.u32 s5, $0x4;
	s8 =	smul.u32 $0x500, s0  }
0x7: {  	s9 =	sshll.u32 s5, $0x7;
	s29 =	ssub.s32 $0x2, s5;
	s10 =	smul.u32 $0xA00, s0  }
0x8: {  	s5 =	sadd.s32 $0xA200, s6;
	s11 =	sshll.u32 s0, $0x6;
	s1 =	sor.u32 s0, s1  }
0x9: {  	s30 =	sshrl.u32 s29, $0x1;
	s11 =	sor.u32 $0x1C01, s11;
	s7 =	smul.u32 $0x500, s1  }
0xa: {  	s1 =	rddreg [dreg:$0x3];
	_ =	strace $0x80000047;
	s8 =	sor.u32 s9, s8  }
0xb: {  	s9 =	ssub.s32 s29, s30;
	s31 =	sshrl.u32 s10, $0x2;
	s10 =	simm.s32 $0x2800  }
0xc: {  	s8 =	sshrl.u32 s8, $0x3;
	s12 =	sadd.s32 s31, s3;
	s7 =	sadd.s32 s7, s6  }
0xd: {  	s8 =	sadd.s32 s8, s6;
	s12 =	sshrl.u32 s12, $0x3;
	s6 =	sadd.s32 $0x200, s7  }
0xe: {  	s7 =	sadd.s32 $0xA400, s8;
	s8 =	smax.u32 s9, $0x1;
	s9 =	simm.s32 $0x1  }
.LBB2_1:
0xf: {  	[tilespmem:s4], [sflag:$0x1] =	stream.linear.gather [hbm4b:s6+s4], $0x2800, $0x38;
	[tilespmem:$0x2B00] =	vst v63  }
0x10: {  	_ =	swait.ge [sflag:s9], $0x2800  }
0x11: {  	[sflag:s9] =	ssyncset.done $0x0  }
0x12: {  	[sflag:s9] =	ssyncadd.s32 $0xFFFFD800  }
0x13: {  	[tilespmem:s10], [sflag:$0x1] =	stream.linear.gather [hbm4b:s2+s4], $0x80, $0x38;
	[tilespmem:$0x2B00] =	vst v63  }
0x14: {  	_ =	swait.ge [sflag:s9], $0x80  }
0x15: {  	[sflag:s9] =	ssyncset.done $0x0  }
0x16: {  	[sflag:s9] =	ssyncadd.s32 $0xFFFFFF80  }
0x17: {  	[spmem:s12], [sflag:s11] =	dma.local [hbm:s5], $0x50  }
0x18: {  	_ =	swait.ge [sflag:s9], $0x50  }
0x19: {  	[sflag:s9] =	ssyncset.done $0x0  }
0x1a: {  	[sflag:s9] =	ssyncadd.s32 $0xFFFFFFB0  }
0x1b: {  	s17 =	simm.s32 $0x0;
	[bflag:$0x0] =	sbarrier.arrive $0xFFFF  }
0x1c: {  	[spmem:s3] =	stream.indirect.scatter.add.f32 [tilespmem:s10], [sflag:$0x1], $0x1, s17, s13, $0xb8;
	[tilespmem:$0x2B00] =	vst v63  }
0x1d: {  	_ =	swait.ge [sflag:s9], $0x80  }
0x1e: {  	s17 =	simm.s32 $0x200;
	[sflag:s9] =	ssyncset.done $0x0  }
.LBB2_2:
0x1f: {  	s18 =	sshra.s32 s17, $0x2;
	[sflag:s9] =	ssyncadd.s32 $0xFFFFFF80;
	p0 =	sne.s32 s17, $0x9E00  }
0x20: {  	[spmem:s3] =	stream.indirect.scatter.add.f32 [tilespmem:s10], [sflag:$0x1], $0x1, s18, s13, $0xb8;
	[tilespmem:$0x2B00] =	vst v63  }
.Ltmp0:
0x21: {  	_ = 	snop;
	(pc) =	sbr.rel @p0 .LBB2_2-.Ltmp0, $4  }
0x22: {  	_ = 	snop  }
0x23: {  	s17 =	sadd.s32 $0x200, s17  }
0x24: {  	_ =	swait.ge [sflag:s9], $0x80  }
0x25: {  	[sflag:s9] =	ssyncset.done $0x0  }
0x26: {  	s16 =	sadd.s32 $0x1, s16  }
0x27: {  	[sflag:s9] =	ssyncadd.s32 $0xFFFFFF80;
	p0 =	sne.s32 s16, s8  }
.Ltmp1:
0x28: {  	[bflag:$0x0] =	sbarrier.arrive $0xFFFF;
	(pc) =	sbr.rel @p0 .LBB2_1-.Ltmp1, $4  }
0x29: {  	[hbm:s7@s14], [sflag:s11] =	dma.strided [spmem:s12@s15], $0x50, s9, $0x10   }
0x2a: {  	_ =	swait.ge [sflag:s9], $0x50  }
0x2b: {  	[sflag:s9] =	ssyncset.done $0x0  }
0x2c: {  	[sflag:s9] =	ssyncadd.s32 $0xFFFFFFB0  }
0x2d: {  	_ =	sfence.sel $0x180000  }
0x2e: {  	[bflag:$0x0] =	sbarrier.arrive $0xFFFF  }
0x2f: {  	p0 =	sne.s32 s0, $0x0;
	_ =	strace $0x90000047  }
0x30: {  	s0 =	sadd.s32 @!p0 $0x100000, s1;
	[bflag:$0x2] =	sbarrier.arrive $0xFFFF  }
0x31: {  	[sflag:s0] =	ssyncadd.tile.s32 @!p0 $0x1;
	_ =	shalt  }
.Lfunc_end2:
_tile_overlayer_lowered:
.L_overlay_start_2:
0x32: {  	(tag) =	ssettag $0x2  }
0x33: {  	s0 =	rddreg [dreg:$0x0];
	s2 =	stileid.u32  }
0x34: {  	s1 =	rddreg [dreg:$0x1];
	p0 =	sne.s32 s2, $0x0  }
0x35: {  	s3 =	rddreg [dreg:$0x2];
	[bflag:$0x3] =	sbarrier.arrive $0xFFFF;
	s2 =	simm.s32 @!p0 $0x1C01  }
0x36: {  	[timem:s3], [sflag:s2] =	dma.local @!p0 [hbm:s0], s1  }
0x37: {  	s0 =	simm.s32 @!p0 $0x1  }
0x38: {  	_ =	swait.ge @!p0 [sflag:s0], s1  }
0x39: {  	s1 =	ssub.s32 @!p0 $0x0, s1;
	[sflag:s0] =	ssyncset.done @!p0 $0x0  }
0x3a: {  	[sflag:s0] =	ssyncadd.s32 @!p0 s1  }
0x3b: {  	[bflag:$0x3] =	sbarrier.arrive $0xFFFF  }
0x3c: {  	_ =	shalt  }

</sc_bundles>
